<compile_context>
chip_gen: v7x
topology: tpu7x:2x2x1
jax: 0.10.2.dev20260603
libtpu: 0.0.44.dev20260713+nightly
codegen_flags: <defaults>
</compile_context>

<pallas_src>
import jax
import jax.numpy as jnp
from jax import lax
from jax.experimental import pallas as pl
from jax.experimental.pallas import tpu as pltpu
from jax.experimental.pallas import tpu_sc as plsc

B, C, T, H, W = 4, 3, 64, 224, 224
TBLK = 16
NTB = T // TBLK
HW = H * W
FS, FL = HW // 128, 128


def _bf(a):
    return a.astype(jnp.bfloat16).astype(jnp.float32)


def _conv3(x0, x1, x2, w0, w1, w2, c0):
    v = _bf(x0) * w0 + _bf(x1) * w1 + _bf(x2) * w2
    return jnp.maximum(v + c0, 0.0)


def _sum_body(x_ref, cw_ref, cb_ref, out_ref):
    b = pl.program_id(0)
    tb = pl.program_id(1)
    w0 = cw_ref[0, 0]
    w1 = cw_ref[0, 1]
    w2 = cw_ref[0, 2]
    c0 = cb_ref[0]
    v = _conv3(x_ref[0, 0], x_ref[0, 1], x_ref[0, 2], w0, w1, w2, c0)
    sums = jnp.sum(v, axis=(1, 2))
    row = jax.lax.broadcasted_iota(jnp.int32, (1, NTB, TBLK), 1)
    bcast = jnp.broadcast_to(sums[None, None, :], (1, NTB, TBLK))
    out_ref[...] = jnp.where(row == tb, bcast, out_ref[...])


def _frame_sums(x, conv_w, conv_b):
    return pl.pallas_call(
        _sum_body,
        grid=(B, NTB),
        in_specs=[
            pl.BlockSpec((1, C, TBLK, H, W), lambda b, tb: (b, 0, tb, 0, 0)),
            pl.BlockSpec(memory_space=pltpu.SMEM),
            pl.BlockSpec(memory_space=pltpu.SMEM),
        ],
        out_specs=pl.BlockSpec((1, NTB, TBLK), lambda b, tb: (b, 0, 0)),
        out_shape=jax.ShapeDtypeStruct((B, NTB, TBLK), jnp.float32),
    )(x, conv_w, conv_b)


def _score_body(y_ref, f1w_ref, f1b_ref, f2w_ref, f2b_ref, s_ref):
    y = y_ref[...] * (1.0 / HW)
    z = jax.lax.dot_general(y.astype(jnp.bfloat16), f1w_ref[...],
                            (((1,), (1,)), ((), ())),
                            preferred_element_type=jnp.float32)
    z = jnp.maximum(z + f1b_ref[...][None, :], 0.0)
    lg = jax.lax.dot_general(z.astype(jnp.bfloat16), f2w_ref[...],
                             (((1,), (1,)), ((), ())),
                             preferred_element_type=jnp.float32)
    lg = lg + f2b_ref[...][None, :]
    s_ref[...] = 1.0 / (1.0 + jnp.exp(-lg))


def _mlp_scores(y, fc1_w, fc1_b, fc2_w, fc2_b):
    return pl.pallas_call(
        _score_body,
        in_specs=[pl.BlockSpec(memory_space=pltpu.VMEM)] * 5,
        out_specs=pl.BlockSpec(memory_space=pltpu.VMEM),
        out_shape=jax.ShapeDtypeStruct((B, T), jnp.float32),
    )(y, fc1_w, fc1_b, fc2_w, fc2_b)


def _sc_topk_body(s_hbm, idx_hbm, s_v, idx_v, tf_v, ti_v):
    cid = lax.axis_index("c")
    sid = lax.axis_index("s")
    iota = lax.iota(jnp.int32, 16)
    nv = T // 16
    big_i = jnp.full((16,), 4 * T, jnp.int32)
    inf = jnp.float32(jnp.inf)

    def allmax_f(v):
        for d in (8, 4, 2, 1):
            tf_v[...] = v
            v = jnp.maximum(v, plsc.load_gather(tf_v, [iota ^ d]))
        return v

    def allmin_i(v):
        for d in (8, 4, 2, 1):
            ti_v[...] = v
            v = jnp.minimum(v, plsc.load_gather(ti_v, [iota ^ d]))
        return v

    for b in range(B):
        @pl.when(jnp.logical_and(cid == 0, sid == b))
        def _(b=b):
            pltpu.sync_copy(s_hbm.at[b], s_v)
            picks = jnp.zeros((16,), jnp.int32)
            for side in range(2):
                w = [s_v[pl.ds(j * 16, 16)] for j in range(nv)]
                for k in range(4):
                    if side == 0:
                        wred = jnp.maximum(jnp.maximum(w[0], w[1]),
                                           jnp.maximum(w[2], w[3]))
                        m = allmax_f(wred)
                    else:
                        wred = jnp.minimum(jnp.minimum(w[0], w[1]),
                                           jnp.minimum(w[2], w[3]))
                        m = -allmax_f(-wred)
                    cand = big_i
                    for j in range(nv):
                        cand = jnp.minimum(
                            cand, jnp.where(w[j] == m, iota + j * 16, big_i))
                    a = allmin_i(cand)
                    fill = -inf if side == 0 else inf
                    for j in range(nv):
                        w[j] = jnp.where(iota + j * 16 == a, fill, w[j])
                    picks = jnp.where(iota == (side * 4 + k), a, picks)
                idx_v[...] = picks
            pltpu.sync_copy(idx_v, idx_hbm.at[b])


def _sc_topk(s):
    mesh = plsc.VectorSubcoreMesh(core_axis_name="c", subcore_axis_name="s")
    fn = pl.kernel(
        _sc_topk_body,
        mesh=mesh,
        out_type=jax.ShapeDtypeStruct((B, 16), jnp.int32),
        scratch_types=[
            pltpu.VMEM((T,), jnp.float32),
            pltpu.VMEM((16,), jnp.int32),
            pltpu.VMEM((16,), jnp.float32),
            pltpu.VMEM((16,), jnp.int32),
        ],
        compiler_params=pltpu.CompilerParams(needs_layout_passes=False),
    )
    return fn(s)


def _gather_body(idx_ref, x_ref, cw_ref, cb_ref, out_ref):
    w0 = cw_ref[0, 0]
    w1 = cw_ref[0, 1]
    w2 = cw_ref[0, 2]
    c0 = cb_ref[0]
    out_ref[0, 0, 0] = _conv3(x_ref[0, 0, 0], x_ref[0, 1, 0], x_ref[0, 2, 0],
                              w0, w1, w2, c0)


def _gather(idx, x, conv_w, conv_b):
    grid_spec = pltpu.PrefetchScalarGridSpec(
        num_scalar_prefetch=1,
        grid=(B, 8),
        in_specs=[
            pl.BlockSpec((1, C, 1, H, W),
                         lambda b, j, iref: (b, 0, iref[b * 8 + j], 0, 0)),
            pl.BlockSpec(memory_space=pltpu.SMEM),
            pl.BlockSpec(memory_space=pltpu.SMEM),
        ],
        out_specs=pl.BlockSpec((1, 1, 1, H, W),
                               lambda b, j, iref: (b, 0, j, 0, 0)),
    )
    return pl.pallas_call(
        _gather_body,
        grid_spec=grid_spec,
        out_shape=jax.ShapeDtypeStruct((B, 1, 8, H, W), jnp.float32),
    )(idx, x, conv_w, conv_b)


def kernel(x, conv_w, conv_b, fc1_w, fc1_b, fc2_w, fc2_b):
    cw_r = conv_w.astype(jnp.bfloat16).astype(jnp.float32)
    part = _frame_sums(x, cw_r, conv_b)
    y = part.reshape(B, T)
    s = _mlp_scores(y, fc1_w.astype(jnp.bfloat16), fc1_b,
                    fc2_w.astype(jnp.bfloat16), fc2_b)
    idx = _sc_topk(s)[:, :8]
    return _gather(idx.reshape(-1), x, cw_r, conv_b)

# --- scband reference (transcript-rebuilt; emitter-appended) ---
"""Pipeline reference for scband-kfs-3453153706256 (READ-ONLY COPY).

The authoritative reference and input builder live on the scoring server;
editing this copy changes nothing except your own understanding.
"""

import jax, jax.numpy as jnp
import numpy as np


def setup_inputs(seed: int = 0) -> dict:
    key = jax.random.key(seed)
    ks = jax.random.split(key, 6)
    x = jax.random.normal(ks[0], (4, 3, 64, 224, 224), dtype=jnp.float32)
    # Conv3d(3, 1, kernel_size=(1,1,1)) -> pointwise linear over channel dim
    conv_w = jax.random.normal(ks[1], (1, 3), dtype=jnp.float32) * 0.3
    conv_b = jax.random.normal(ks[2], (1,), dtype=jnp.float32) * 0.05
    # SE_Block(64, 32): Linear(64->32), Linear(32->64)
    fc1_w = jax.random.normal(ks[3], (32, 64), dtype=jnp.float32) * 0.12
    fc1_b = jnp.zeros((32,), dtype=jnp.float32)
    fc2_w = jax.random.normal(ks[4], (64, 32), dtype=jnp.float32) * 0.17
    fc2_b = jnp.zeros((64,), dtype=jnp.float32)
    return {"x": x, "conv_w": conv_w, "conv_b": conv_b,
            "fc1_w": fc1_w, "fc1_b": fc1_b, "fc2_w": fc2_w, "fc2_b": fc2_b}


def reference(x, conv_w, conv_b, fc1_w, fc1_b, fc2_w, fc2_b):
    # conv1: 1x1x1 Conv3d + ReLU  -> (B, out_channels, T, H, W)
    h = jnp.einsum('oi,bithw->bothw', conv_w, x) + conv_b[None, :, None, None, None]
    h = jax.nn.relu(h)
    B, out_channels, T, H, W = h.shape
    # SE_Block on h.permute(0,2,3,4,1): (B, T, H, W, C)
    # AdaptiveAvgPool3d(1) over (H, W, C) then view(b, t) -> (B, T)
    y = jnp.mean(h.transpose(0, 2, 3, 4, 1), axis=(2, 3, 4))  # (B, T=64)
    y = jax.nn.relu(y @ fc1_w.T + fc1_b)
    y = jax.nn.sigmoid(y @ fc2_w.T + fc2_b)  # (B, 64)
    # topk largest=True and largest=False, k=4 (both sorted like torch.topk)
    _, max_idx = jax.lax.top_k(y, 4)
    _, min_idx = jax.lax.top_k(-y, 4)
    def gather_frames(idx):
        idx5 = jnp.broadcast_to(idx[:, None, :, None, None].astype(jnp.int32),
                                (B, out_channels, 4, 224, 224))
        return jnp.take_along_axis(h, idx5, axis=2)
    x1 = gather_frames(max_idx)
    x2 = gather_frames(min_idx)
    return jnp.concatenate((x1, x2), axis=2)  # (B, out_channels, 8, 224, 224)

if __name__ == "__main__":
    import jax
    _d = setup_inputs()
    print(jax.jit(kernel)(*tuple(_d.values())))

</pallas_src>

<mosaic_0001>
#map = affine_map<(d0, d1) -> (0, 0)>
module attributes {stable_mosaic.version = 14 : i64} {
  func.func @_sc_topk_body(%arg0: i32, %arg1: i32, %arg2: memref<4x64xf32, #tpu.memory_space<hbm>>, %arg3: memref<4x16xi32, #tpu.memory_space<hbm>>, %arg4: memref<64xf32, #tpu.memory_space<vmem>>, %arg5: memref<16xi32, #tpu.memory_space<vmem>>, %arg6: memref<16xf32, #tpu.memory_space<vmem>>, %arg7: memref<16xi32, #tpu.memory_space<vmem>>) attributes {dimension_semantics = [#tpu.dimension_semantics<core_parallel>, #tpu.dimension_semantics<subcore_parallel>], iteration_bounds = array<i64: 2, 16>, scalar_prefetch = 0 : i64, scratch_operands = 4 : i64, tpu.core_type = #tpu.core_type<sc_vector_subcore>, window_params = [{transform_indices = #map}, {transform_indices = #map}]} {
    %iota3A = tpu.iota {dimensions = array<i32: 0>} : vector<16xi32>
    %broadcast_in_dim3A = arith.constant 256 : i32
    %broadcast_in_dim3A_0 = vector.broadcast %broadcast_in_dim3A : i32 to vector<16xi32>
    %eq3A = arith.constant 0 : i32
    %eq3A_1 = arith.cmpi eq, %arg0, %eq3A : i32
    %eq3A_2 = arith.constant 0 : i32
    %eq3A_3 = arith.cmpi eq, %arg1, %eq3A_2 : i32
    %and3A = arith.andi %eq3A_1, %eq3A_3 : i1
    %convert_element_type3A = arith.extui %and3A : i1 to i32
    %cond3A = arith.constant 0x7F800000 : f32
    %cond3A_4 = arith.constant 0 : i32
    %cond3A_5 = arith.cmpi ne, %convert_element_type3A, %cond3A_4 : i32
    scf.if %cond3A_5 {
      %run_scoped3A = arith.constant 0 : i32
      "tpu.region"() ({
        %run_scoped3A_967 = tpu.sem_alloc : memref<!tpu.dma_semaphore, #tpu.memory_space<semaphore_mem>>
        %dma_start3A = arith.constant 0 : i32
        %dma_start3A_968 = tpu.memref_slice %arg2[%run_scoped3A, %dma_start3A] : memref<4x64xf32, #tpu.memory_space<hbm>> -> memref<1x64xf32, #tpu.memory_space<hbm>>
        %dma_start3A_969 = tpu.memref_squeeze %dma_start3A_968 : memref<1x64xf32, #tpu.memory_space<hbm>> -> memref<64xf32, #tpu.memory_space<hbm>>
        %dma_start3A_970 = arith.constant 0 : i32
        %dma_start3A_971 = tpu.memref_slice %arg2[%run_scoped3A, %dma_start3A_970] : memref<4x64xf32, #tpu.memory_space<hbm>> -> memref<1x64xf32, #tpu.memory_space<hbm>>
        %dma_start3A_972 = tpu.memref_squeeze %dma_start3A_971 : memref<1x64xf32, #tpu.memory_space<hbm>> -> memref<64xf32, #tpu.memory_space<hbm>>
        tpu.enqueue_dma source(%dma_start3A_972 : memref<64xf32, #tpu.memory_space<hbm>>) target(%arg4 : memref<64xf32, #tpu.memory_space<vmem>>) target_semaphore(%run_scoped3A_967 : memref<!tpu.dma_semaphore, #tpu.memory_space<semaphore_mem>>)
        %dma_wait3A = arith.constant 0 : i32
        %dma_wait3A_973 = tpu.memref_slice %arg2[%run_scoped3A, %dma_wait3A] : memref<4x64xf32, #tpu.memory_space<hbm>> -> memref<1x64xf32, #tpu.memory_space<hbm>>
        %dma_wait3A_974 = tpu.memref_squeeze %dma_wait3A_973 : memref<1x64xf32, #tpu.memory_space<hbm>> -> memref<64xf32, #tpu.memory_space<hbm>>
        %dma_wait3A_975 = arith.constant 0 : i32
        %dma_wait3A_976 = tpu.memref_slice %arg2[%run_scoped3A, %dma_wait3A_975] : memref<4x64xf32, #tpu.memory_space<hbm>> -> memref<1x64xf32, #tpu.memory_space<hbm>>
        %dma_wait3A_977 = tpu.memref_squeeze %dma_wait3A_976 : memref<1x64xf32, #tpu.memory_space<hbm>> -> memref<64xf32, #tpu.memory_space<hbm>>
        tpu.wait_dma2 semaphore(%run_scoped3A_967 : memref<!tpu.dma_semaphore, #tpu.memory_space<semaphore_mem>>) src(%dma_wait3A_977 : memref<64xf32, #tpu.memory_space<hbm>>) dst(%arg4 : memref<64xf32, #tpu.memory_space<vmem>>)
        tpu.yield
      }) : () -> ()
      %broadcast_in_dim3A_33 = arith.constant 0 : i32
      %broadcast_in_dim3A_34 = vector.broadcast %broadcast_in_dim3A_33 : i32 to vector<16xi32>
      %get3A = arith.constant 0 : index
      %get3A_35 = tpu.vector_load %arg4[%get3A] {strides = array<i32>} : memref<64xf32, #tpu.memory_space<vmem>>, vector<16xf32>,
      %get3A_36 = arith.constant 16 : index
      %get3A_37 = tpu.vector_load %arg4[%get3A_36] {strides = array<i32>} : memref<64xf32, #tpu.memory_space<vmem>>, vector<16xf32>,
      %get3A_38 = arith.constant 32 : index
      %get3A_39 = tpu.vector_load %arg4[%get3A_38] {strides = array<i32>} : memref<64xf32, #tpu.memory_space<vmem>>, vector<16xf32>,
      %get3A_40 = arith.constant 48 : index
      %get3A_41 = tpu.vector_load %arg4[%get3A_40] {strides = array<i32>} : memref<64xf32, #tpu.memory_space<vmem>>, vector<16xf32>,
      %max3A = arith.maximumf %get3A_35, %get3A_37 : vector<16xf32>
      %max3A_42 = arith.maximumf %get3A_39, %get3A_41 : vector<16xf32>
      %max3A_43 = arith.maximumf %max3A, %max3A_42 : vector<16xf32>
      %swap3A = arith.constant 0 : index
      %swap3A_44 = tpu.vector_load %arg6[%swap3A] {strides = array<i32>} : memref<16xf32, #tpu.memory_space<vmem>>, vector<16xf32>,
      tpu.vector_store %arg6[%swap3A], %max3A_43 {strides = array<i32>} : memref<16xf32, #tpu.memory_space<vmem>>, vector<16xf32>,
      %xor3A = arith.constant 8 : i32
      %xor3A_45 = vector.broadcast %xor3A : i32 to vector<16xi32>
      %xor3A_46 = arith.xori %iota3A, %xor3A_45 : vector<16xi32>
      %gather3A = tpu.vector_load_idx %arg6[%xor3A_46] : memref<16xf32, #tpu.memory_space<vmem>>[vector<16xi32>], vector<16xf32>,
      %max3A_47 = arith.maximumf %max3A_43, %gather3A : vector<16xf32>
      %swap3A_48 = arith.constant 0 : index
      %swap3A_49 = tpu.vector_load %arg6[%swap3A_48] {strides = array<i32>} : memref<16xf32, #tpu.memory_space<vmem>>, vector<16xf32>,
      tpu.vector_store %arg6[%swap3A_48], %max3A_47 {strides = array<i32>} : memref<16xf32, #tpu.memory_space<vmem>>, vector<16xf32>,
      %xor3A_50 = arith.constant 4 : i32
      %xor3A_51 = vector.broadcast %xor3A_50 : i32 to vector<16xi32>
      %xor3A_52 = arith.xori %iota3A, %xor3A_51 : vector<16xi32>
      %gather3A_53 = tpu.vector_load_idx %arg6[%xor3A_52] : memref<16xf32, #tpu.memory_space<vmem>>[vector<16xi32>], vector<16xf32>,
      %max3A_54 = arith.maximumf %max3A_47, %gather3A_53 : vector<16xf32>
      %swap3A_55 = arith.constant 0 : index
      %swap3A_56 = tpu.vector_load %arg6[%swap3A_55] {strides = array<i32>} : memref<16xf32, #tpu.memory_space<vmem>>, vector<16xf32>,
      tpu.vector_store %arg6[%swap3A_55], %max3A_54 {strides = array<i32>} : memref<16xf32, #tpu.memory_space<vmem>>, vector<16xf32>,
      %xor3A_57 = arith.constant 2 : i32
      %xor3A_58 = vector.broadcast %xor3A_57 : i32 to vector<16xi32>
      %xor3A_59 = arith.xori %iota3A, %xor3A_58 : vector<16xi32>
      %gather3A_60 = tpu.vector_load_idx %arg6[%xor3A_59] : memref<16xf32, #tpu.memory_space<vmem>>[vector<16xi32>], vector<16xf32>,
      %max3A_61 = arith.maximumf %max3A_54, %gather3A_60 : vector<16xf32>
      %swap3A_62 = arith.constant 0 : index
      %swap3A_63 = tpu.vector_load %arg6[%swap3A_62] {strides = array<i32>} : memref<16xf32, #tpu.memory_space<vmem>>, vector<16xf32>,
      tpu.vector_store %arg6[%swap3A_62], %max3A_61 {strides = array<i32>} : memref<16xf32, #tpu.memory_space<vmem>>, vector<16xf32>,
      %xor3A_64 = arith.constant 1 : i32
      %xor3A_65 = vector.broadcast %xor3A_64 : i32 to vector<16xi32>
      %xor3A_66 = arith.xori %iota3A, %xor3A_65 : vector<16xi32>
      %gather3A_67 = tpu.vector_load_idx %arg6[%xor3A_66] : memref<16xf32, #tpu.memory_space<vmem>>[vector<16xi32>], vector<16xf32>,
      %max3A_68 = arith.maximumf %max3A_61, %gather3A_67 : vector<16xf32>
      %eq3A_69 = arith.cmpf oeq, %get3A_35, %max3A_68 : vector<16xf32>
      %add3A = arith.constant 0 : i32
      %add3A_70 = vector.broadcast %add3A : i32 to vector<16xi32>
      %add3A_71 = arith.addi %iota3A, %add3A_70 : vector<16xi32>
      %select_n3A = arith.select %eq3A_69, %add3A_71, %broadcast_in_dim3A_0 : vector<16xi1>, vector<16xi32>
      %min3A = arith.minsi %broadcast_in_dim3A_0, %select_n3A : vector<16xi32>
      %eq3A_72 = arith.cmpf oeq, %get3A_37, %max3A_68 : vector<16xf32>
      %add3A_73 = arith.constant 16 : i32
      %add3A_74 = vector.broadcast %add3A_73 : i32 to vector<16xi32>
      %add3A_75 = arith.addi %iota3A, %add3A_74 : vector<16xi32>
      %select_n3A_76 = arith.select %eq3A_72, %add3A_75, %broadcast_in_dim3A_0 : vector<16xi1>, vector<16xi32>
      %min3A_77 = arith.minsi %min3A, %select_n3A_76 : vector<16xi32>
      %eq3A_78 = arith.cmpf oeq, %get3A_39, %max3A_68 : vector<16xf32>
      %add3A_79 = arith.constant 32 : i32
      %add3A_80 = vector.broadcast %add3A_79 : i32 to vector<16xi32>
      %add3A_81 = arith.addi %iota3A, %add3A_80 : vector<16xi32>
      %select_n3A_82 = arith.select %eq3A_78, %add3A_81, %broadcast_in_dim3A_0 : vector<16xi1>, vector<16xi32>
      %min3A_83 = arith.minsi %min3A_77, %select_n3A_82 : vector<16xi32>
      %eq3A_84 = arith.cmpf oeq, %get3A_41, %max3A_68 : vector<16xf32>
      %add3A_85 = arith.constant 48 : i32
      %add3A_86 = vector.broadcast %add3A_85 : i32 to vector<16xi32>
      %add3A_87 = arith.addi %iota3A, %add3A_86 : vector<16xi32>
      %select_n3A_88 = arith.select %eq3A_84, %add3A_87, %broadcast_in_dim3A_0 : vector<16xi1>, vector<16xi32>
      %min3A_89 = arith.minsi %min3A_83, %select_n3A_88 : vector<16xi32>
      %swap3A_90 = arith.constant 0 : index
      %swap3A_91 = tpu.vector_load %arg7[%swap3A_90] {strides = array<i32>} : memref<16xi32, #tpu.memory_space<vmem>>, vector<16xi32>,
      tpu.vector_store %arg7[%swap3A_90], %min3A_89 {strides = array<i32>} : memref<16xi32, #tpu.memory_space<vmem>>, vector<16xi32>,
      %xor3A_92 = arith.constant 8 : i32
      %xor3A_93 = vector.broadcast %xor3A_92 : i32 to vector<16xi32>
      %xor3A_94 = arith.xori %iota3A, %xor3A_93 : vector<16xi32>
      %gather3A_95 = tpu.vector_load_idx %arg7[%xor3A_94] : memref<16xi32, #tpu.memory_space<vmem>>[vector<16xi32>], vector<16xi32>,
      %min3A_96 = arith.minsi %min3A_89, %gather3A_95 : vector<16xi32>
      %swap3A_97 = arith.constant 0 : index
      %swap3A_98 = tpu.vector_load %arg7[%swap3A_97] {strides = array<i32>} : memref<16xi32, #tpu.memory_space<vmem>>, vector<16xi32>,
      tpu.vector_store %arg7[%swap3A_97], %min3A_96 {strides = array<i32>} : memref<16xi32, #tpu.memory_space<vmem>>, vector<16xi32>,
      %xor3A_99 = arith.constant 4 : i32
      %xor3A_100 = vector.broadcast %xor3A_99 : i32 to vector<16xi32>
      %xor3A_101 = arith.xori %iota3A, %xor3A_100 : vector<16xi32>
      %gather3A_102 = tpu.vector_load_idx %arg7[%xor3A_101] : memref<16xi32, #tpu.memory_space<vmem>>[vector<16xi32>], vector<16xi32>,
      %min3A_103 = arith.minsi %min3A_96, %gather3A_102 : vector<16xi32>
      %swap3A_104 = arith.constant 0 : index
      %swap3A_105 = tpu.vector_load %arg7[%swap3A_104] {strides = array<i32>} : memref<16xi32, #tpu.memory_space<vmem>>, vector<16xi32>,
      tpu.vector_store %arg7[%swap3A_104], %min3A_103 {strides = array<i32>} : memref<16xi32, #tpu.memory_space<vmem>>, vector<16xi32>,
      %xor3A_106 = arith.constant 2 : i32
      %xor3A_107 = vector.broadcast %xor3A_106 : i32 to vector<16xi32>
      %xor3A_108 = arith.xori %iota3A, %xor3A_107 : vector<16xi32>
      %gather3A_109 = tpu.vector_load_idx %arg7[%xor3A_108] : memref<16xi32, #tpu.memory_space<vmem>>[vector<16xi32>], vector<16xi32>,
      %min3A_110 = arith.minsi %min3A_103, %gather3A_109 : vector<16xi32>
      %swap3A_111 = arith.constant 0 : index
      %swap3A_112 = tpu.vector_load %arg7[%swap3A_111] {strides = array<i32>} : memref<16xi32, #tpu.memory_space<vmem>>, vector<16xi32>,
      tpu.vector_store %arg7[%swap3A_111], %min3A_110 {strides = array<i32>} : memref<16xi32, #tpu.memory_space<vmem>>, vector<16xi32>,
      %xor3A_113 = arith.constant 1 : i32
      %xor3A_114 = vector.broadcast %xor3A_113 : i32 to vector<16xi32>
      %xor3A_115 = arith.xori %iota3A, %xor3A_114 : vector<16xi32>
      %gather3A_116 = tpu.vector_load_idx %arg7[%xor3A_115] : memref<16xi32, #tpu.memory_space<vmem>>[vector<16xi32>], vector<16xi32>,
      %min3A_117 = arith.minsi %min3A_110, %gather3A_116 : vector<16xi32>
      %neg3A = arith.constant 0.000000e+00 : f32
      %neg3A_118 = arith.subf %neg3A, %cond3A : f32
      %add3A_119 = arith.constant 0 : i32
      %add3A_120 = vector.broadcast %add3A_119 : i32 to vector<16xi32>
      %add3A_121 = arith.addi %iota3A, %add3A_120 : vector<16xi32>
      %eq3A_122 = arith.cmpi eq, %add3A_121, %min3A_117 : vector<16xi32>
      %broadcast_in_dim3A_123 = vector.broadcast %neg3A_118 : f32 to vector<16xf32>
      %select_n3A_124 = arith.select %eq3A_122, %broadcast_in_dim3A_123, %get3A_35 : vector<16xi1>, vector<16xf32>
      %add3A_125 = arith.constant 16 : i32
      %add3A_126 = vector.broadcast %add3A_125 : i32 to vector<16xi32>
      %add3A_127 = arith.addi %iota3A, %add3A_126 : vector<16xi32>
      %eq3A_128 = arith.cmpi eq, %add3A_127, %min3A_117 : vector<16xi32>
      %broadcast_in_dim3A_129 = vector.broadcast %neg3A_118 : f32 to vector<16xf32>
      %select_n3A_130 = arith.select %eq3A_128, %broadcast_in_dim3A_129, %get3A_37 : vector<16xi1>, vector<16xf32>
      %add3A_131 = arith.constant 32 : i32
      %add3A_132 = vector.broadcast %add3A_131 : i32 to vector<16xi32>
      %add3A_133 = arith.addi %iota3A, %add3A_132 : vector<16xi32>
      %eq3A_134 = arith.cmpi eq, %add3A_133, %min3A_117 : vector<16xi32>
      %broadcast_in_dim3A_135 = vector.broadcast %neg3A_118 : f32 to vector<16xf32>
      %select_n3A_136 = arith.select %eq3A_134, %broadcast_in_dim3A_135, %get3A_39 : vector<16xi1>, vector<16xf32>
      %add3A_137 = arith.constant 48 : i32
      %add3A_138 = vector.broadcast %add3A_137 : i32 to vector<16xi32>
      %add3A_139 = arith.addi %iota3A, %add3A_138 : vector<16xi32>
      %eq3A_140 = arith.cmpi eq, %add3A_139, %min3A_117 : vector<16xi32>
      %broadcast_in_dim3A_141 = vector.broadcast %neg3A_118 : f32 to vector<16xf32>
      %select_n3A_142 = arith.select %eq3A_140, %broadcast_in_dim3A_141, %get3A_41 : vector<16xi1>, vector<16xf32>
      %eq3A_143 = arith.constant 0 : i32
      %eq3A_144 = vector.broadcast %eq3A_143 : i32 to vector<16xi32>
      %eq3A_145 = arith.cmpi eq, %iota3A, %eq3A_144 : vector<16xi32>
      %select_n3A_146 = arith.select %eq3A_145, %min3A_117, %broadcast_in_dim3A_34 : vector<16xi1>, vector<16xi32>
      %max3A_147 = arith.maximumf %select_n3A_124, %select_n3A_130 : vector<16xf32>
      %max3A_148 = arith.maximumf %select_n3A_136, %select_n3A_142 : vector<16xf32>
      %max3A_149 = arith.maximumf %max3A_147, %max3A_148 : vector<16xf32>
      %swap3A_150 = arith.constant 0 : index
      %swap3A_151 = tpu.vector_load %arg6[%swap3A_150] {strides = array<i32>} : memref<16xf32, #tpu.memory_space<vmem>>, vector<16xf32>,
      tpu.vector_store %arg6[%swap3A_150], %max3A_149 {strides = array<i32>} : memref<16xf32, #tpu.memory_space<vmem>>, vector<16xf32>,
      %xor3A_152 = arith.constant 8 : i32
      %xor3A_153 = vector.broadcast %xor3A_152 : i32 to vector<16xi32>
      %xor3A_154 = arith.xori %iota3A, %xor3A_153 : vector<16xi32>
      %gather3A_155 = tpu.vector_load_idx %arg6[%xor3A_154] : memref<16xf32, #tpu.memory_space<vmem>>[vector<16xi32>], vector<16xf32>,
      %max3A_156 = arith.maximumf %max3A_149, %gather3A_155 : vector<16xf32>
      %swap3A_157 = arith.constant 0 : index
      %swap3A_158 = tpu.vector_load %arg6[%swap3A_157] {strides = array<i32>} : memref<16xf32, #tpu.memory_space<vmem>>, vector<16xf32>,
      tpu.vector_store %arg6[%swap3A_157], %max3A_156 {strides = array<i32>} : memref<16xf32, #tpu.memory_space<vmem>>, vector<16xf32>,
      %xor3A_159 = arith.constant 4 : i32
      %xor3A_160 = vector.broadcast %xor3A_159 : i32 to vector<16xi32>
      %xor3A_161 = arith.xori %iota3A, %xor3A_160 : vector<16xi32>
      %gather3A_162 = tpu.vector_load_idx %arg6[%xor3A_161] : memref<16xf32, #tpu.memory_space<vmem>>[vector<16xi32>], vector<16xf32>,
      %max3A_163 = arith.maximumf %max3A_156, %gather3A_162 : vector<16xf32>
      %swap3A_164 = arith.constant 0 : index
      %swap3A_165 = tpu.vector_load %arg6[%swap3A_164] {strides = array<i32>} : memref<16xf32, #tpu.memory_space<vmem>>, vector<16xf32>,
      tpu.vector_store %arg6[%swap3A_164], %max3A_163 {strides = array<i32>} : memref<16xf32, #tpu.memory_space<vmem>>, vector<16xf32>,
      %xor3A_166 = arith.constant 2 : i32
      %xor3A_167 = vector.broadcast %xor3A_166 : i32 to vector<16xi32>
      %xor3A_168 = arith.xori %iota3A, %xor3A_167 : vector<16xi32>
      %gather3A_169 = tpu.vector_load_idx %arg6[%xor3A_168] : memref<16xf32, #tpu.memory_space<vmem>>[vector<16xi32>], vector<16xf32>,
      %max3A_170 = arith.maximumf %max3A_163, %gather3A_169 : vector<16xf32>
      %swap3A_171 = arith.constant 0 : index
      %swap3A_172 = tpu.vector_load %arg6[%swap3A_171] {strides = array<i32>} : memref<16xf32, #tpu.memory_space<vmem>>, vector<16xf32>,
      tpu.vector_store %arg6[%swap3A_171], %max3A_170 {strides = array<i32>} : memref<16xf32, #tpu.memory_space<vmem>>, vector<16xf32>,
      %xor3A_173 = arith.constant 1 : i32
      %xor3A_174 = vector.broadcast %xor3A_173 : i32 to vector<16xi32>
      %xor3A_175 = arith.xori %iota3A, %xor3A_174 : vector<16xi32>
      %gather3A_176 = tpu.vector_load_idx %arg6[%xor3A_175] : memref<16xf32, #tpu.memory_space<vmem>>[vector<16xi32>], vector<16xf32>,
      %max3A_177 = arith.maximumf %max3A_170, %gather3A_176 : vector<16xf32>
      %eq3A_178 = arith.cmpf oeq, %select_n3A_124, %max3A_177 : vector<16xf32>
      %add3A_179 = arith.constant 0 : i32
      %add3A_180 = vector.broadcast %add3A_179 : i32 to vector<16xi32>
      %add3A_181 = arith.addi %iota3A, %add3A_180 : vector<16xi32>
      %select_n3A_182 = arith.select %eq3A_178, %add3A_181, %broadcast_in_dim3A_0 : vector<16xi1>, vector<16xi32>
      %min3A_183 = arith.minsi %broadcast_in_dim3A_0, %select_n3A_182 : vector<16xi32>
      %eq3A_184 = arith.cmpf oeq, %select_n3A_130, %max3A_177 : vector<16xf32>
      %add3A_185 = arith.constant 16 : i32
      %add3A_186 = vector.broadcast %add3A_185 : i32 to vector<16xi32>
      %add3A_187 = arith.addi %iota3A, %add3A_186 : vector<16xi32>
      %select_n3A_188 = arith.select %eq3A_184, %add3A_187, %broadcast_in_dim3A_0 : vector<16xi1>, vector<16xi32>
      %min3A_189 = arith.minsi %min3A_183, %select_n3A_188 : vector<16xi32>
      %eq3A_190 = arith.cmpf oeq, %select_n3A_136, %max3A_177 : vector<16xf32>
      %add3A_191 = arith.constant 32 : i32
      %add3A_192 = vector.broadcast %add3A_191 : i32 to vector<16xi32>
      %add3A_193 = arith.addi %iota3A, %add3A_192 : vector<16xi32>
      %select_n3A_194 = arith.select %eq3A_190, %add3A_193, %broadcast_in_dim3A_0 : vector<16xi1>, vector<16xi32>
      %min3A_195 = arith.minsi %min3A_189, %select_n3A_194 : vector<16xi32>
      %eq3A_196 = arith.cmpf oeq, %select_n3A_142, %max3A_177 : vector<16xf32>
      %add3A_197 = arith.constant 48 : i32
      %add3A_198 = vector.broadcast %add3A_197 : i32 to vector<16xi32>
      %add3A_199 = arith.addi %iota3A, %add3A_198 : vector<16xi32>
      %select_n3A_200 = arith.select %eq3A_196, %add3A_199, %broadcast_in_dim3A_0 : vector<16xi1>, vector<16xi32>
      %min3A_201 = arith.minsi %min3A_195, %select_n3A_200 : vector<16xi32>
      %swap3A_202 = arith.constant 0 : index
      %swap3A_203 = tpu.vector_load %arg7[%swap3A_202] {strides = array<i32>} : memref<16xi32, #tpu.memory_space<vmem>>, vector<16xi32>,
      tpu.vector_store %arg7[%swap3A_202], %min3A_201 {strides = array<i32>} : memref<16xi32, #tpu.memory_space<vmem>>, vector<16xi32>,
      %xor3A_204 = arith.constant 8 : i32
      %xor3A_205 = vector.broadcast %xor3A_204 : i32 to vector<16xi32>
      %xor3A_206 = arith.xori %iota3A, %xor3A_205 : vector<16xi32>
      %gather3A_207 = tpu.vector_load_idx %arg7[%xor3A_206] : memref<16xi32, #tpu.memory_space<vmem>>[vector<16xi32>], vector<16xi32>,
      %min3A_208 = arith.minsi %min3A_201, %gather3A_207 : vector<16xi32>
      %swap3A_209 = arith.constant 0 : index
      %swap3A_210 = tpu.vector_load %arg7[%swap3A_209] {strides = array<i32>} : memref<16xi32, #tpu.memory_space<vmem>>, vector<16xi32>,
      tpu.vector_store %arg7[%swap3A_209], %min3A_208 {strides = array<i32>} : memref<16xi32, #tpu.memory_space<vmem>>, vector<16xi32>,
      %xor3A_211 = arith.constant 4 : i32
      %xor3A_212 = vector.broadcast %xor3A_211 : i32 to vector<16xi32>
      %xor3A_213 = arith.xori %iota3A, %xor3A_212 : vector<16xi32>
      %gather3A_214 = tpu.vector_load_idx %arg7[%xor3A_213] : memref<16xi32, #tpu.memory_space<vmem>>[vector<16xi32>], vector<16xi32>,
      %min3A_215 = arith.minsi %min3A_208, %gather3A_214 : vector<16xi32>
      %swap3A_216 = arith.constant 0 : index
      %swap3A_217 = tpu.vector_load %arg7[%swap3A_216] {strides = array<i32>} : memref<16xi32, #tpu.memory_space<vmem>>, vector<16xi32>,
      tpu.vector_store %arg7[%swap3A_216], %min3A_215 {strides = array<i32>} : memref<16xi32, #tpu.memory_space<vmem>>, vector<16xi32>,
      %xor3A_218 = arith.constant 2 : i32
      %xor3A_219 = vector.broadcast %xor3A_218 : i32 to vector<16xi32>
      %xor3A_220 = arith.xori %iota3A, %xor3A_219 : vector<16xi32>
      %gather3A_221 = tpu.vector_load_idx %arg7[%xor3A_220] : memref<16xi32, #tpu.memory_space<vmem>>[vector<16xi32>], vector<16xi32>,
      %min3A_222 = arith.minsi %min3A_215, %gather3A_221 : vector<16xi32>
      %swap3A_223 = arith.constant 0 : index
      %swap3A_224 = tpu.vector_load %arg7[%swap3A_223] {strides = array<i32>} : memref<16xi32, #tpu.memory_space<vmem>>, vector<16xi32>,
      tpu.vector_store %arg7[%swap3A_223], %min3A_222 {strides = array<i32>} : memref<16xi32, #tpu.memory_space<vmem>>, vector<16xi32>,
      %xor3A_225 = arith.constant 1 : i32
      %xor3A_226 = vector.broadcast %xor3A_225 : i32 to vector<16xi32>
      %xor3A_227 = arith.xori %iota3A, %xor3A_226 : vector<16xi32>
      %gather3A_228 = tpu.vector_load_idx %arg7[%xor3A_227] : memref<16xi32, #tpu.memory_space<vmem>>[vector<16xi32>], vector<16xi32>,
      %min3A_229 = arith.minsi %min3A_222, %gather3A_228 : vector<16xi32>
      %neg3A_230 = arith.constant 0.000000e+00 : f32
      %neg3A_231 = arith.subf %neg3A_230, %cond3A : f32
      %add3A_232 = arith.constant 0 : i32
      %add3A_233 = vector.broadcast %add3A_232 : i32 to vector<16xi32>
      %add3A_234 = arith.addi %iota3A, %add3A_233 : vector<16xi32>
      %eq3A_235 = arith.cmpi eq, %add3A_234, %min3A_229 : vector<16xi32>
      %broadcast_in_dim3A_236 = vector.broadcast %neg3A_231 : f32 to vector<16xf32>
      %select_n3A_237 = arith.select %eq3A_235, %broadcast_in_dim3A_236, %select_n3A_124 : vector<16xi1>, vector<16xf32>
      %add3A_238 = arith.constant 16 : i32
      %add3A_239 = vector.broadcast %add3A_238 : i32 to vector<16xi32>
      %add3A_240 = arith.addi %iota3A, %add3A_239 : vector<16xi32>
      %eq3A_241 = arith.cmpi eq, %add3A_240, %min3A_229 : vector<16xi32>
      %broadcast_in_dim3A_242 = vector.broadcast %neg3A_231 : f32 to vector<16xf32>
      %select_n3A_243 = arith.select %eq3A_241, %broadcast_in_dim3A_242, %select_n3A_130 : vector<16xi1>, vector<16xf32>
      %add3A_244 = arith.constant 32 : i32
      %add3A_245 = vector.broadcast %add3A_244 : i32 to vector<16xi32>
      %add3A_246 = arith.addi %iota3A, %add3A_245 : vector<16xi32>
      %eq3A_247 = arith.cmpi eq, %add3A_246, %min3A_229 : vector<16xi32>
      %broadcast_in_dim3A_248 = vector.broadcast %neg3A_231 : f32 to vector<16xf32>
      %select_n3A_249 = arith.select %eq3A_247, %broadcast_in_dim3A_248, %select_n3A_136 : vector<16xi1>, vector<16xf32>
      %add3A_250 = arith.constant 48 : i32
      %add3A_251 = vector.broadcast %add3A_250 : i32 to vector<16xi32>
      %add3A_252 = arith.addi %iota3A, %add3A_251 : vector<16xi32>
      %eq3A_253 = arith.cmpi eq, %add3A_252, %min3A_229 : vector<16xi32>
      %broadcast_in_dim3A_254 = vector.broadcast %neg3A_231 : f32 to vector<16xf32>
      %select_n3A_255 = arith.select %eq3A_253, %broadcast_in_dim3A_254, %select_n3A_142 : vector<16xi1>, vector<16xf32>
      %eq3A_256 = arith.constant 1 : i32
      %eq3A_257 = vector.broadcast %eq3A_256 : i32 to vector<16xi32>
      %eq3A_258 = arith.cmpi eq, %iota3A, %eq3A_257 : vector<16xi32>
      %select_n3A_259 = arith.select %eq3A_258, %min3A_229, %select_n3A_146 : vector<16xi1>, vector<16xi32>
      %max3A_260 = arith.maximumf %select_n3A_237, %select_n3A_243 : vector<16xf32>
      %max3A_261 = arith.maximumf %select_n3A_249, %select_n3A_255 : vector<16xf32>
      %max3A_262 = arith.maximumf %max3A_260, %max3A_261 : vector<16xf32>
      %swap3A_263 = arith.constant 0 : index
      %swap3A_264 = tpu.vector_load %arg6[%swap3A_263] {strides = array<i32>} : memref<16xf32, #tpu.memory_space<vmem>>, vector<16xf32>,
      tpu.vector_store %arg6[%swap3A_263], %max3A_262 {strides = array<i32>} : memref<16xf32, #tpu.memory_space<vmem>>, vector<16xf32>,
      %xor3A_265 = arith.constant 8 : i32
      %xor3A_266 = vector.broadcast %xor3A_265 : i32 to vector<16xi32>
      %xor3A_267 = arith.xori %iota3A, %xor3A_266 : vector<16xi32>
      %gather3A_268 = tpu.vector_load_idx %arg6[%xor3A_267] : memref<16xf32, #tpu.memory_space<vmem>>[vector<16xi32>], vector<16xf32>,
      %max3A_269 = arith.maximumf %max3A_262, %gather3A_268 : vector<16xf32>
      %swap3A_270 = arith.constant 0 : index
      %swap3A_271 = tpu.vector_load %arg6[%swap3A_270] {strides = array<i32>} : memref<16xf32, #tpu.memory_space<vmem>>, vector<16xf32>,
      tpu.vector_store %arg6[%swap3A_270], %max3A_269 {strides = array<i32>} : memref<16xf32, #tpu.memory_space<vmem>>, vector<16xf32>,
      %xor3A_272 = arith.constant 4 : i32
      %xor3A_273 = vector.broadcast %xor3A_272 : i32 to vector<16xi32>
      %xor3A_274 = arith.xori %iota3A, %xor3A_273 : vector<16xi32>
      %gather3A_275 = tpu.vector_load_idx %arg6[%xor3A_274] : memref<16xf32, #tpu.memory_space<vmem>>[vector<16xi32>], vector<16xf32>,
      %max3A_276 = arith.maximumf %max3A_269, %gather3A_275 : vector<16xf32>
      %swap3A_277 = arith.constant 0 : index
      %swap3A_278 = tpu.vector_load %arg6[%swap3A_277] {strides = array<i32>} : memref<16xf32, #tpu.memory_space<vmem>>, vector<16xf32>,
      tpu.vector_store %arg6[%swap3A_277], %max3A_276 {strides = array<i32>} : memref<16xf32, #tpu.memory_space<vmem>>, vector<16xf32>,
      %xor3A_279 = arith.constant 2 : i32
      %xor3A_280 = vector.broadcast %xor3A_279 : i32 to vector<16xi32>
      %xor3A_281 = arith.xori %iota3A, %xor3A_280 : vector<16xi32>
      %gather3A_282 = tpu.vector_load_idx %arg6[%xor3A_281] : memref<16xf32, #tpu.memory_space<vmem>>[vector<16xi32>], vector<16xf32>,
      %max3A_283 = arith.maximumf %max3A_276, %gather3A_282 : vector<16xf32>
      %swap3A_284 = arith.constant 0 : index
      %swap3A_285 = tpu.vector_load %arg6[%swap3A_284] {strides = array<i32>} : memref<16xf32, #tpu.memory_space<vmem>>, vector<16xf32>,
      tpu.vector_store %arg6[%swap3A_284], %max3A_283 {strides = array<i32>} : memref<16xf32, #tpu.memory_space<vmem>>, vector<16xf32>,
      %xor3A_286 = arith.constant 1 : i32
      %xor3A_287 = vector.broadcast %xor3A_286 : i32 to vector<16xi32>
      %xor3A_288 = arith.xori %iota3A, %xor3A_287 : vector<16xi32>
      %gather3A_289 = tpu.vector_load_idx %arg6[%xor3A_288] : memref<16xf32, #tpu.memory_space<vmem>>[vector<16xi32>], vector<16xf32>,
      %max3A_290 = arith.maximumf %max3A_283, %gather3A_289 : vector<16xf32>
      %eq3A_291 = arith.cmpf oeq, %select_n3A_237, %max3A_290 : vector<16xf32>
      %add3A_292 = arith.constant 0 : i32
      %add3A_293 = vector.broadcast %add3A_292 : i32 to vector<16xi32>
      %add3A_294 = arith.addi %iota3A, %add3A_293 : vector<16xi32>
      %select_n3A_295 = arith.select %eq3A_291, %add3A_294, %broadcast_in_dim3A_0 : vector<16xi1>, vector<16xi32>
      %min3A_296 = arith.minsi %broadcast_in_dim3A_0, %select_n3A_295 : vector<16xi32>
      %eq3A_297 = arith.cmpf oeq, %select_n3A_243, %max3A_290 : vector<16xf32>
      %add3A_298 = arith.constant 16 : i32
      %add3A_299 = vector.broadcast %add3A_298 : i32 to vector<16xi32>
      %add3A_300 = arith.addi %iota3A, %add3A_299 : vector<16xi32>
      %select_n3A_301 = arith.select %eq3A_297, %add3A_300, %broadcast_in_dim3A_0 : vector<16xi1>, vector<16xi32>
      %min3A_302 = arith.minsi %min3A_296, %select_n3A_301 : vector<16xi32>
      %eq3A_303 = arith.cmpf oeq, %select_n3A_249, %max3A_290 : vector<16xf32>
      %add3A_304 = arith.constant 32 : i32
      %add3A_305 = vector.broadcast %add3A_304 : i32 to vector<16xi32>
      %add3A_306 = arith.addi %iota3A, %add3A_305 : vector<16xi32>
      %select_n3A_307 = arith.select %eq3A_303, %add3A_306, %broadcast_in_dim3A_0 : vector<16xi1>, vector<16xi32>
      %min3A_308 = arith.minsi %min3A_302, %select_n3A_307 : vector<16xi32>
      %eq3A_309 = arith.cmpf oeq, %select_n3A_255, %max3A_290 : vector<16xf32>
      %add3A_310 = arith.constant 48 : i32
      %add3A_311 = vector.broadcast %add3A_310 : i32 to vector<16xi32>
      %add3A_312 = arith.addi %iota3A, %add3A_311 : vector<16xi32>
      %select_n3A_313 = arith.select %eq3A_309, %add3A_312, %broadcast_in_dim3A_0 : vector<16xi1>, vector<16xi32>
      %min3A_314 = arith.minsi %min3A_308, %select_n3A_313 : vector<16xi32>
      %swap3A_315 = arith.constant 0 : index
      %swap3A_316 = tpu.vector_load %arg7[%swap3A_315] {strides = array<i32>} : memref<16xi32, #tpu.memory_space<vmem>>, vector<16xi32>,
      tpu.vector_store %arg7[%swap3A_315], %min3A_314 {strides = array<i32>} : memref<16xi32, #tpu.memory_space<vmem>>, vector<16xi32>,
      %xor3A_317 = arith.constant 8 : i32
      %xor3A_318 = vector.broadcast %xor3A_317 : i32 to vector<16xi32>
      %xor3A_319 = arith.xori %iota3A, %xor3A_318 : vector<16xi32>
      %gather3A_320 = tpu.vector_load_idx %arg7[%xor3A_319] : memref<16xi32, #tpu.memory_space<vmem>>[vector<16xi32>], vector<16xi32>,
      %min3A_321 = arith.minsi %min3A_314, %gather3A_320 : vector<16xi32>
      %swap3A_322 = arith.constant 0 : index
      %swap3A_323 = tpu.vector_load %arg7[%swap3A_322] {strides = array<i32>} : memref<16xi32, #tpu.memory_space<vmem>>, vector<16xi32>,
      tpu.vector_store %arg7[%swap3A_322], %min3A_321 {strides = array<i32>} : memref<16xi32, #tpu.memory_space<vmem>>, vector<16xi32>,
      %xor3A_324 = arith.constant 4 : i32
      %xor3A_325 = vector.broadcast %xor3A_324 : i32 to vector<16xi32>
      %xor3A_326 = arith.xori %iota3A, %xor3A_325 : vector<16xi32>
      %gather3A_327 = tpu.vector_load_idx %arg7[%xor3A_326] : memref<16xi32, #tpu.memory_space<vmem>>[vector<16xi32>], vector<16xi32>,
      %min3A_328 = arith.minsi %min3A_321, %gather3A_327 : vector<16xi32>
      %swap3A_329 = arith.constant 0 : index
      %swap3A_330 = tpu.vector_load %arg7[%swap3A_329] {strides = array<i32>} : memref<16xi32, #tpu.memory_space<vmem>>, vector<16xi32>,
      tpu.vector_store %arg7[%swap3A_329], %min3A_328 {strides = array<i32>} : memref<16xi32, #tpu.memory_space<vmem>>, vector<16xi32>,
      %xor3A_331 = arith.constant 2 : i32
      %xor3A_332 = vector.broadcast %xor3A_331 : i32 to vector<16xi32>
      %xor3A_333 = arith.xori %iota3A, %xor3A_332 : vector<16xi32>
      %gather3A_334 = tpu.vector_load_idx %arg7[%xor3A_333] : memref<16xi32, #tpu.memory_space<vmem>>[vector<16xi32>], vector<16xi32>,
      %min3A_335 = arith.minsi %min3A_328, %gather3A_334 : vector<16xi32>
      %swap3A_336 = arith.constant 0 : index
      %swap3A_337 = tpu.vector_load %arg7[%swap3A_336] {strides = array<i32>} : memref<16xi32, #tpu.memory_space<vmem>>, vector<16xi32>,
      tpu.vector_store %arg7[%swap3A_336], %min3A_335 {strides = array<i32>} : memref<16xi32, #tpu.memory_space<vmem>>, vector<16xi32>,
      %xor3A_338 = arith.constant 1 : i32
      %xor3A_339 = vector.broadcast %xor3A_338 : i32 to vector<16xi32>
      %xor3A_340 = arith.xori %iota3A, %xor3A_339 : vector<16xi32>
      %gather3A_341 = tpu.vector_load_idx %arg7[%xor3A_340] : memref<16xi32, #tpu.memory_space<vmem>>[vector<16xi32>], vector<16xi32>,
      %min3A_342 = arith.minsi %min3A_335, %gather3A_341 : vector<16xi32>
      %neg3A_343 = arith.constant 0.000000e+00 : f32
      %neg3A_344 = arith.subf %neg3A_343, %cond3A : f32
      %add3A_345 = arith.constant 0 : i32
      %add3A_346 = vector.broadcast %add3A_345 : i32 to vector<16xi32>
      %add3A_347 = arith.addi %iota3A, %add3A_346 : vector<16xi32>
      %eq3A_348 = arith.cmpi eq, %add3A_347, %min3A_342 : vector<16xi32>
      %broadcast_in_dim3A_349 = vector.broadcast %neg3A_344 : f32 to vector<16xf32>
      %select_n3A_350 = arith.select %eq3A_348, %broadcast_in_dim3A_349, %select_n3A_237 : vector<16xi1>, vector<16xf32>
      %add3A_351 = arith.constant 16 : i32
      %add3A_352 = vector.broadcast %add3A_351 : i32 to vector<16xi32>
      %add3A_353 = arith.addi %iota3A, %add3A_352 : vector<16xi32>
      %eq3A_354 = arith.cmpi eq, %add3A_353, %min3A_342 : vector<16xi32>
      %broadcast_in_dim3A_355 = vector.broadcast %neg3A_344 : f32 to vector<16xf32>
      %select_n3A_356 = arith.select %eq3A_354, %broadcast_in_dim3A_355, %select_n3A_243 : vector<16xi1>, vector<16xf32>
      %add3A_357 = arith.constant 32 : i32
      %add3A_358 = vector.broadcast %add3A_357 : i32 to vector<16xi32>
      %add3A_359 = arith.addi %iota3A, %add3A_358 : vector<16xi32>
      %eq3A_360 = arith.cmpi eq, %add3A_359, %min3A_342 : vector<16xi32>
      %broadcast_in_dim3A_361 = vector.broadcast %neg3A_344 : f32 to vector<16xf32>
      %select_n3A_362 = arith.select %eq3A_360, %broadcast_in_dim3A_361, %select_n3A_249 : vector<16xi1>, vector<16xf32>
      %add3A_363 = arith.constant 48 : i32
      %add3A_364 = vector.broadcast %add3A_363 : i32 to vector<16xi32>
      %add3A_365 = arith.addi %iota3A, %add3A_364 : vector<16xi32>
      %eq3A_366 = arith.cmpi eq, %add3A_365, %min3A_342 : vector<16xi32>
      %broadcast_in_dim3A_367 = vector.broadcast %neg3A_344 : f32 to vector<16xf32>
      %select_n3A_368 = arith.select %eq3A_366, %broadcast_in_dim3A_367, %select_n3A_255 : vector<16xi1>, vector<16xf32>
      %eq3A_369 = arith.constant 2 : i32
      %eq3A_370 = vector.broadcast %eq3A_369 : i32 to vector<16xi32>
      %eq3A_371 = arith.cmpi eq, %iota3A, %eq3A_370 : vector<16xi32>
      %select_n3A_372 = arith.select %eq3A_371, %min3A_342, %select_n3A_259 : vector<16xi1>, vector<16xi32>
      %max3A_373 = arith.maximumf %select_n3A_350, %select_n3A_356 : vector<16xf32>
      %max3A_374 = arith.maximumf %select_n3A_362, %select_n3A_368 : vector<16xf32>
      %max3A_375 = arith.maximumf %max3A_373, %max3A_374 : vector<16xf32>
      %swap3A_376 = arith.constant 0 : index
      %swap3A_377 = tpu.vector_load %arg6[%swap3A_376] {strides = array<i32>} : memref<16xf32, #tpu.memory_space<vmem>>, vector<16xf32>,
      tpu.vector_store %arg6[%swap3A_376], %max3A_375 {strides = array<i32>} : memref<16xf32, #tpu.memory_space<vmem>>, vector<16xf32>,
      %xor3A_378 = arith.constant 8 : i32
      %xor3A_379 = vector.broadcast %xor3A_378 : i32 to vector<16xi32>
      %xor3A_380 = arith.xori %iota3A, %xor3A_379 : vector<16xi32>
      %gather3A_381 = tpu.vector_load_idx %arg6[%xor3A_380] : memref<16xf32, #tpu.memory_space<vmem>>[vector<16xi32>], vector<16xf32>,
      %max3A_382 = arith.maximumf %max3A_375, %gather3A_381 : vector<16xf32>
      %swap3A_383 = arith.constant 0 : index
      %swap3A_384 = tpu.vector_load %arg6[%swap3A_383] {strides = array<i32>} : memref<16xf32, #tpu.memory_space<vmem>>, vector<16xf32>,
      tpu.vector_store %arg6[%swap3A_383], %max3A_382 {strides = array<i32>} : memref<16xf32, #tpu.memory_space<vmem>>, vector<16xf32>,
      %xor3A_385 = arith.constant 4 : i32
      %xor3A_386 = vector.broadcast %xor3A_385 : i32 to vector<16xi32>
      %xor3A_387 = arith.xori %iota3A, %xor3A_386 : vector<16xi32>
      %gather3A_388 = tpu.vector_load_idx %arg6[%xor3A_387] : memref<16xf32, #tpu.memory_space<vmem>>[vector<16xi32>], vector<16xf32>,
      %max3A_389 = arith.maximumf %max3A_382, %gather3A_388 : vector<16xf32>
      %swap3A_390 = arith.constant 0 : index
      %swap3A_391 = tpu.vector_load %arg6[%swap3A_390] {strides = array<i32>} : memref<16xf32, #tpu.memory_space<vmem>>, vector<16xf32>,
      tpu.vector_store %arg6[%swap3A_390], %max3A_389 {strides = array<i32>} : memref<16xf32, #tpu.memory_space<vmem>>, vector<16xf32>,
      %xor3A_392 = arith.constant 2 : i32
      %xor3A_393 = vector.broadcast %xor3A_392 : i32 to vector<16xi32>
      %xor3A_394 = arith.xori %iota3A, %xor3A_393 : vector<16xi32>
      %gather3A_395 = tpu.vector_load_idx %arg6[%xor3A_394] : memref<16xf32, #tpu.memory_space<vmem>>[vector<16xi32>], vector<16xf32>,
      %max3A_396 = arith.maximumf %max3A_389, %gather3A_395 : vector<16xf32>
      %swap3A_397 = arith.constant 0 : index
      %swap3A_398 = tpu.vector_load %arg6[%swap3A_397] {strides = array<i32>} : memref<16xf32, #tpu.memory_space<vmem>>, vector<16xf32>,
      tpu.vector_store %arg6[%swap3A_397], %max3A_396 {strides = array<i32>} : memref<16xf32, #tpu.memory_space<vmem>>, vector<16xf32>,
      %xor3A_399 = arith.constant 1 : i32
      %xor3A_400 = vector.broadcast %xor3A_399 : i32 to vector<16xi32>
      %xor3A_401 = arith.xori %iota3A, %xor3A_400 : vector<16xi32>
      %gather3A_402 = tpu.vector_load_idx %arg6[%xor3A_401] : memref<16xf32, #tpu.memory_space<vmem>>[vector<16xi32>], vector<16xf32>,
      %max3A_403 = arith.maximumf %max3A_396, %gather3A_402 : vector<16xf32>
      %eq3A_404 = arith.cmpf oeq, %select_n3A_350, %max3A_403 : vector<16xf32>
      %add3A_405 = arith.constant 0 : i32
      %add3A_406 = vector.broadcast %add3A_405 : i32 to vector<16xi32>
      %add3A_407 = arith.addi %iota3A, %add3A_406 : vector<16xi32>
      %select_n3A_408 = arith.select %eq3A_404, %add3A_407, %broadcast_in_dim3A_0 : vector<16xi1>, vector<16xi32>
      %min3A_409 = arith.minsi %broadcast_in_dim3A_0, %select_n3A_408 : vector<16xi32>
      %eq3A_410 = arith.cmpf oeq, %select_n3A_356, %max3A_403 : vector<16xf32>
      %add3A_411 = arith.constant 16 : i32
      %add3A_412 = vector.broadcast %add3A_411 : i32 to vector<16xi32>
      %add3A_413 = arith.addi %iota3A, %add3A_412 : vector<16xi32>
      %select_n3A_414 = arith.select %eq3A_410, %add3A_413, %broadcast_in_dim3A_0 : vector<16xi1>, vector<16xi32>
      %min3A_415 = arith.minsi %min3A_409, %select_n3A_414 : vector<16xi32>
      %eq3A_416 = arith.cmpf oeq, %select_n3A_362, %max3A_403 : vector<16xf32>
      %add3A_417 = arith.constant 32 : i32
      %add3A_418 = vector.broadcast %add3A_417 : i32 to vector<16xi32>
      %add3A_419 = arith.addi %iota3A, %add3A_418 : vector<16xi32>
      %select_n3A_420 = arith.select %eq3A_416, %add3A_419, %broadcast_in_dim3A_0 : vector<16xi1>, vector<16xi32>
      %min3A_421 = arith.minsi %min3A_415, %select_n3A_420 : vector<16xi32>
      %eq3A_422 = arith.cmpf oeq, %select_n3A_368, %max3A_403 : vector<16xf32>
      %add3A_423 = arith.constant 48 : i32
      %add3A_424 = vector.broadcast %add3A_423 : i32 to vector<16xi32>
      %add3A_425 = arith.addi %iota3A, %add3A_424 : vector<16xi32>
      %select_n3A_426 = arith.select %eq3A_422, %add3A_425, %broadcast_in_dim3A_0 : vector<16xi1>, vector<16xi32>
      %min3A_427 = arith.minsi %min3A_421, %select_n3A_426 : vector<16xi32>
      %swap3A_428 = arith.constant 0 : index
      %swap3A_429 = tpu.vector_load %arg7[%swap3A_428] {strides = array<i32>} : memref<16xi32, #tpu.memory_space<vmem>>, vector<16xi32>,
      tpu.vector_store %arg7[%swap3A_428], %min3A_427 {strides = array<i32>} : memref<16xi32, #tpu.memory_space<vmem>>, vector<16xi32>,
      %xor3A_430 = arith.constant 8 : i32
      %xor3A_431 = vector.broadcast %xor3A_430 : i32 to vector<16xi32>
      %xor3A_432 = arith.xori %iota3A, %xor3A_431 : vector<16xi32>
      %gather3A_433 = tpu.vector_load_idx %arg7[%xor3A_432] : memref<16xi32, #tpu.memory_space<vmem>>[vector<16xi32>], vector<16xi32>,
      %min3A_434 = arith.minsi %min3A_427, %gather3A_433 : vector<16xi32>
      %swap3A_435 = arith.constant 0 : index
      %swap3A_436 = tpu.vector_load %arg7[%swap3A_435] {strides = array<i32>} : memref<16xi32, #tpu.memory_space<vmem>>, vector<16xi32>,
      tpu.vector_store %arg7[%swap3A_435], %min3A_434 {strides = array<i32>} : memref<16xi32, #tpu.memory_space<vmem>>, vector<16xi32>,
      %xor3A_437 = arith.constant 4 : i32
      %xor3A_438 = vector.broadcast %xor3A_437 : i32 to vector<16xi32>
      %xor3A_439 = arith.xori %iota3A, %xor3A_438 : vector<16xi32>
      %gather3A_440 = tpu.vector_load_idx %arg7[%xor3A_439] : memref<16xi32, #tpu.memory_space<vmem>>[vector<16xi32>], vector<16xi32>,
      %min3A_441 = arith.minsi %min3A_434, %gather3A_440 : vector<16xi32>
      %swap3A_442 = arith.constant 0 : index
      %swap3A_443 = tpu.vector_load %arg7[%swap3A_442] {strides = array<i32>} : memref<16xi32, #tpu.memory_space<vmem>>, vector<16xi32>,
      tpu.vector_store %arg7[%swap3A_442], %min3A_441 {strides = array<i32>} : memref<16xi32, #tpu.memory_space<vmem>>, vector<16xi32>,
      %xor3A_444 = arith.constant 2 : i32
      %xor3A_445 = vector.broadcast %xor3A_444 : i32 to vector<16xi32>
      %xor3A_446 = arith.xori %iota3A, %xor3A_445 : vector<16xi32>
      %gather3A_447 = tpu.vector_load_idx %arg7[%xor3A_446] : memref<16xi32, #tpu.memory_space<vmem>>[vector<16xi32>], vector<16xi32>,
      %min3A_448 = arith.minsi %min3A_441, %gather3A_447 : vector<16xi32>
      %swap3A_449 = arith.constant 0 : index
      %swap3A_450 = tpu.vector_load %arg7[%swap3A_449] {strides = array<i32>} : memref<16xi32, #tpu.memory_space<vmem>>, vector<16xi32>,
      tpu.vector_store %arg7[%swap3A_449], %min3A_448 {strides = array<i32>} : memref<16xi32, #tpu.memory_space<vmem>>, vector<16xi32>,
      %xor3A_451 = arith.constant 1 : i32
      %xor3A_452 = vector.broadcast %xor3A_451 : i32 to vector<16xi32>
      %xor3A_453 = arith.xori %iota3A, %xor3A_452 : vector<16xi32>
      %gather3A_454 = tpu.vector_load_idx %arg7[%xor3A_453] : memref<16xi32, #tpu.memory_space<vmem>>[vector<16xi32>], vector<16xi32>,
      %min3A_455 = arith.minsi %min3A_448, %gather3A_454 : vector<16xi32>
      %neg3A_456 = arith.constant 0.000000e+00 : f32
      %neg3A_457 = arith.subf %neg3A_456, %cond3A : f32
      %add3A_458 = arith.constant 0 : i32
      %add3A_459 = vector.broadcast %add3A_458 : i32 to vector<16xi32>
      %add3A_460 = arith.addi %iota3A, %add3A_459 : vector<16xi32>
      %eq3A_461 = arith.cmpi eq, %add3A_460, %min3A_455 : vector<16xi32>
      %broadcast_in_dim3A_462 = vector.broadcast %neg3A_457 : f32 to vector<16xf32>
      %select_n3A_463 = arith.select %eq3A_461, %broadcast_in_dim3A_462, %select_n3A_350 : vector<16xi1>, vector<16xf32>
      %add3A_464 = arith.constant 16 : i32
      %add3A_465 = vector.broadcast %add3A_464 : i32 to vector<16xi32>
      %add3A_466 = arith.addi %iota3A, %add3A_465 : vector<16xi32>
      %eq3A_467 = arith.cmpi eq, %add3A_466, %min3A_455 : vector<16xi32>
      %broadcast_in_dim3A_468 = vector.broadcast %neg3A_457 : f32 to vector<16xf32>
      %select_n3A_469 = arith.select %eq3A_467, %broadcast_in_dim3A_468, %select_n3A_356 : vector<16xi1>, vector<16xf32>
      %add3A_470 = arith.constant 32 : i32
      %add3A_471 = vector.broadcast %add3A_470 : i32 to vector<16xi32>
      %add3A_472 = arith.addi %iota3A, %add3A_471 : vector<16xi32>
      %eq3A_473 = arith.cmpi eq, %add3A_472, %min3A_455 : vector<16xi32>
      %broadcast_in_dim3A_474 = vector.broadcast %neg3A_457 : f32 to vector<16xf32>
      %select_n3A_475 = arith.select %eq3A_473, %broadcast_in_dim3A_474, %select_n3A_362 : vector<16xi1>, vector<16xf32>
      %add3A_476 = arith.constant 48 : i32
      %add3A_477 = vector.broadcast %add3A_476 : i32 to vector<16xi32>
      %add3A_478 = arith.addi %iota3A, %add3A_477 : vector<16xi32>
      %eq3A_479 = arith.cmpi eq, %add3A_478, %min3A_455 : vector<16xi32>
      %broadcast_in_dim3A_480 = vector.broadcast %neg3A_457 : f32 to vector<16xf32>
      %select_n3A_481 = arith.select %eq3A_479, %broadcast_in_dim3A_480, %select_n3A_368 : vector<16xi1>, vector<16xf32>
      %eq3A_482 = arith.constant 3 : i32
      %eq3A_483 = vector.broadcast %eq3A_482 : i32 to vector<16xi32>
      %eq3A_484 = arith.cmpi eq, %iota3A, %eq3A_483 : vector<16xi32>
      %select_n3A_485 = arith.select %eq3A_484, %min3A_455, %select_n3A_372 : vector<16xi1>, vector<16xi32>
      %swap3A_486 = arith.constant 0 : index
      %swap3A_487 = tpu.vector_load %arg5[%swap3A_486] {strides = array<i32>} : memref<16xi32, #tpu.memory_space<vmem>>, vector<16xi32>,
      tpu.vector_store %arg5[%swap3A_486], %select_n3A_485 {strides = array<i32>} : memref<16xi32, #tpu.memory_space<vmem>>, vector<16xi32>,
      %get3A_488 = arith.constant 0 : index
      %get3A_489 = tpu.vector_load %arg4[%get3A_488] {strides = array<i32>} : memref<64xf32, #tpu.memory_space<vmem>>, vector<16xf32>,
      %get3A_490 = arith.constant 16 : index
      %get3A_491 = tpu.vector_load %arg4[%get3A_490] {strides = array<i32>} : memref<64xf32, #tpu.memory_space<vmem>>, vector<16xf32>,
      %get3A_492 = arith.constant 32 : index
      %get3A_493 = tpu.vector_load %arg4[%get3A_492] {strides = array<i32>} : memref<64xf32, #tpu.memory_space<vmem>>, vector<16xf32>,
      %get3A_494 = arith.constant 48 : index
      %get3A_495 = tpu.vector_load %arg4[%get3A_494] {strides = array<i32>} : memref<64xf32, #tpu.memory_space<vmem>>, vector<16xf32>,
      %min3A_496 = arith.minimumf %get3A_489, %get3A_491 : vector<16xf32>
      %min3A_497 = arith.minimumf %get3A_493, %get3A_495 : vector<16xf32>
      %min3A_498 = arith.minimumf %min3A_496, %min3A_497 : vector<16xf32>
      %neg3A_499 = arith.constant 0.000000e+00 : f32
      %neg3A_500 = vector.broadcast %neg3A_499 : f32 to vector<16xf32>
      %neg3A_501 = arith.subf %neg3A_500, %min3A_498 : vector<16xf32>
      %swap3A_502 = arith.constant 0 : index
      %swap3A_503 = tpu.vector_load %arg6[%swap3A_502] {strides = array<i32>} : memref<16xf32, #tpu.memory_space<vmem>>, vector<16xf32>,
      tpu.vector_store %arg6[%swap3A_502], %neg3A_501 {strides = array<i32>} : memref<16xf32, #tpu.memory_space<vmem>>, vector<16xf32>,
      %xor3A_504 = arith.constant 8 : i32
      %xor3A_505 = vector.broadcast %xor3A_504 : i32 to vector<16xi32>
      %xor3A_506 = arith.xori %iota3A, %xor3A_505 : vector<16xi32>
      %gather3A_507 = tpu.vector_load_idx %arg6[%xor3A_506] : memref<16xf32, #tpu.memory_space<vmem>>[vector<16xi32>], vector<16xf32>,
      %max3A_508 = arith.maximumf %neg3A_501, %gather3A_507 : vector<16xf32>
      %swap3A_509 = arith.constant 0 : index
      %swap3A_510 = tpu.vector_load %arg6[%swap3A_509] {strides = array<i32>} : memref<16xf32, #tpu.memory_space<vmem>>, vector<16xf32>,
      tpu.vector_store %arg6[%swap3A_509], %max3A_508 {strides = array<i32>} : memref<16xf32, #tpu.memory_space<vmem>>, vector<16xf32>,
      %xor3A_511 = arith.constant 4 : i32
      %xor3A_512 = vector.broadcast %xor3A_511 : i32 to vector<16xi32>
      %xor3A_513 = arith.xori %iota3A, %xor3A_512 : vector<16xi32>
      %gather3A_514 = tpu.vector_load_idx %arg6[%xor3A_513] : memref<16xf32, #tpu.memory_space<vmem>>[vector<16xi32>], vector<16xf32>,
      %max3A_515 = arith.maximumf %max3A_508, %gather3A_514 : vector<16xf32>
      %swap3A_516 = arith.constant 0 : index
      %swap3A_517 = tpu.vector_load %arg6[%swap3A_516] {strides = array<i32>} : memref<16xf32, #tpu.memory_space<vmem>>, vector<16xf32>,
      tpu.vector_store %arg6[%swap3A_516], %max3A_515 {strides = array<i32>} : memref<16xf32, #tpu.memory_space<vmem>>, vector<16xf32>,
      %xor3A_518 = arith.constant 2 : i32
      %xor3A_519 = vector.broadcast %xor3A_518 : i32 to vector<16xi32>
      %xor3A_520 = arith.xori %iota3A, %xor3A_519 : vector<16xi32>
      %gather3A_521 = tpu.vector_load_idx %arg6[%xor3A_520] : memref<16xf32, #tpu.memory_space<vmem>>[vector<16xi32>], vector<16xf32>,
      %max3A_522 = arith.maximumf %max3A_515, %gather3A_521 : vector<16xf32>
      %swap3A_523 = arith.constant 0 : index
      %swap3A_524 = tpu.vector_load %arg6[%swap3A_523] {strides = array<i32>} : memref<16xf32, #tpu.memory_space<vmem>>, vector<16xf32>,
      tpu.vector_store %arg6[%swap3A_523], %max3A_522 {strides = array<i32>} : memref<16xf32, #tpu.memory_space<vmem>>, vector<16xf32>,
      %xor3A_525 = arith.constant 1 : i32
      %xor3A_526 = vector.broadcast %xor3A_525 : i32 to vector<16xi32>
      %xor3A_527 = arith.xori %iota3A, %xor3A_526 : vector<16xi32>
      %gather3A_528 = tpu.vector_load_idx %arg6[%xor3A_527] : memref<16xf32, #tpu.memory_space<vmem>>[vector<16xi32>], vector<16xf32>,
      %max3A_529 = arith.maximumf %max3A_522, %gather3A_528 : vector<16xf32>
      %neg3A_530 = arith.constant 0.000000e+00 : f32
      %neg3A_531 = vector.broadcast %neg3A_530 : f32 to vector<16xf32>
      %neg3A_532 = arith.subf %neg3A_531, %max3A_529 : vector<16xf32>
      %eq3A_533 = arith.cmpf oeq, %get3A_489, %neg3A_532 : vector<16xf32>
      %add3A_534 = arith.constant 0 : i32
      %add3A_535 = vector.broadcast %add3A_534 : i32 to vector<16xi32>
      %add3A_536 = arith.addi %iota3A, %add3A_535 : vector<16xi32>
      %select_n3A_537 = arith.select %eq3A_533, %add3A_536, %broadcast_in_dim3A_0 : vector<16xi1>, vector<16xi32>
      %min3A_538 = arith.minsi %broadcast_in_dim3A_0, %select_n3A_537 : vector<16xi32>
      %eq3A_539 = arith.cmpf oeq, %get3A_491, %neg3A_532 : vector<16xf32>
      %add3A_540 = arith.constant 16 : i32
      %add3A_541 = vector.broadcast %add3A_540 : i32 to vector<16xi32>
      %add3A_542 = arith.addi %iota3A, %add3A_541 : vector<16xi32>
      %select_n3A_543 = arith.select %eq3A_539, %add3A_542, %broadcast_in_dim3A_0 : vector<16xi1>, vector<16xi32>
      %min3A_544 = arith.minsi %min3A_538, %select_n3A_543 : vector<16xi32>
      %eq3A_545 = arith.cmpf oeq, %get3A_493, %neg3A_532 : vector<16xf32>
      %add3A_546 = arith.constant 32 : i32
      %add3A_547 = vector.broadcast %add3A_546 : i32 to vector<16xi32>
      %add3A_548 = arith.addi %iota3A, %add3A_547 : vector<16xi32>
      %select_n3A_549 = arith.select %eq3A_545, %add3A_548, %broadcast_in_dim3A_0 : vector<16xi1>, vector<16xi32>
      %min3A_550 = arith.minsi %min3A_544, %select_n3A_549 : vector<16xi32>
      %eq3A_551 = arith.cmpf oeq, %get3A_495, %neg3A_532 : vector<16xf32>
      %add3A_552 = arith.constant 48 : i32
      %add3A_553 = vector.broadcast %add3A_552 : i32 to vector<16xi32>
      %add3A_554 = arith.addi %iota3A, %add3A_553 : vector<16xi32>
      %select_n3A_555 = arith.select %eq3A_551, %add3A_554, %broadcast_in_dim3A_0 : vector<16xi1>, vector<16xi32>
      %min3A_556 = arith.minsi %min3A_550, %select_n3A_555 : vector<16xi32>
      %swap3A_557 = arith.constant 0 : index
      %swap3A_558 = tpu.vector_load %arg7[%swap3A_557] {strides = array<i32>} : memref<16xi32, #tpu.memory_space<vmem>>, vector<16xi32>,
      tpu.vector_store %arg7[%swap3A_557], %min3A_556 {strides = array<i32>} : memref<16xi32, #tpu.memory_space<vmem>>, vector<16xi32>,
      %xor3A_559 = arith.constant 8 : i32
      %xor3A_560 = vector.broadcast %xor3A_559 : i32 to vector<16xi32>
      %xor3A_561 = arith.xori %iota3A, %xor3A_560 : vector<16xi32>
      %gather3A_562 = tpu.vector_load_idx %arg7[%xor3A_561] : memref<16xi32, #tpu.memory_space<vmem>>[vector<16xi32>], vector<16xi32>,
      %min3A_563 = arith.minsi %min3A_556, %gather3A_562 : vector<16xi32>
      %swap3A_564 = arith.constant 0 : index
      %swap3A_565 = tpu.vector_load %arg7[%swap3A_564] {strides = array<i32>} : memref<16xi32, #tpu.memory_space<vmem>>, vector<16xi32>,
      tpu.vector_store %arg7[%swap3A_564], %min3A_563 {strides = array<i32>} : memref<16xi32, #tpu.memory_space<vmem>>, vector<16xi32>,
      %xor3A_566 = arith.constant 4 : i32
      %xor3A_567 = vector.broadcast %xor3A_566 : i32 to vector<16xi32>
      %xor3A_568 = arith.xori %iota3A, %xor3A_567 : vector<16xi32>
      %gather3A_569 = tpu.vector_load_idx %arg7[%xor3A_568] : memref<16xi32, #tpu.memory_space<vmem>>[vector<16xi32>], vector<16xi32>,
      %min3A_570 = arith.minsi %min3A_563, %gather3A_569 : vector<16xi32>
      %swap3A_571 = arith.constant 0 : index
      %swap3A_572 = tpu.vector_load %arg7[%swap3A_571] {strides = array<i32>} : memref<16xi32, #tpu.memory_space<vmem>>, vector<16xi32>,
      tpu.vector_store %arg7[%swap3A_571], %min3A_570 {strides = array<i32>} : memref<16xi32, #tpu.memory_space<vmem>>, vector<16xi32>,
      %xor3A_573 = arith.constant 2 : i32
      %xor3A_574 = vector.broadcast %xor3A_573 : i32 to vector<16xi32>
      %xor3A_575 = arith.xori %iota3A, %xor3A_574 : vector<16xi32>
      %gather3A_576 = tpu.vector_load_idx %arg7[%xor3A_575] : memref<16xi32, #tpu.memory_space<vmem>>[vector<16xi32>], vector<16xi32>,
      %min3A_577 = arith.minsi %min3A_570, %gather3A_576 : vector<16xi32>
      %swap3A_578 = arith.constant 0 : index
      %swap3A_579 = tpu.vector_load %arg7[%swap3A_578] {strides = array<i32>} : memref<16xi32, #tpu.memory_space<vmem>>, vector<16xi32>,
      tpu.vector_store %arg7[%swap3A_578], %min3A_577 {strides = array<i32>} : memref<16xi32, #tpu.memory_space<vmem>>, vector<16xi32>,
      %xor3A_580 = arith.constant 1 : i32
      %xor3A_581 = vector.broadcast %xor3A_580 : i32 to vector<16xi32>
      %xor3A_582 = arith.xori %iota3A, %xor3A_581 : vector<16xi32>
      %gather3A_583 = tpu.vector_load_idx %arg7[%xor3A_582] : memref<16xi32, #tpu.memory_space<vmem>>[vector<16xi32>], vector<16xi32>,
      %min3A_584 = arith.minsi %min3A_577, %gather3A_583 : vector<16xi32>
      %add3A_585 = arith.constant 0 : i32
      %add3A_586 = vector.broadcast %add3A_585 : i32 to vector<16xi32>
      %add3A_587 = arith.addi %iota3A, %add3A_586 : vector<16xi32>
      %eq3A_588 = arith.cmpi eq, %add3A_587, %min3A_584 : vector<16xi32>
      %broadcast_in_dim3A_589 = vector.broadcast %cond3A : f32 to vector<16xf32>
      %select_n3A_590 = arith.select %eq3A_588, %broadcast_in_dim3A_589, %get3A_489 : vector<16xi1>, vector<16xf32>
      %add3A_591 = arith.constant 16 : i32
      %add3A_592 = vector.broadcast %add3A_591 : i32 to vector<16xi32>
      %add3A_593 = arith.addi %iota3A, %add3A_592 : vector<16xi32>
      %eq3A_594 = arith.cmpi eq, %add3A_593, %min3A_584 : vector<16xi32>
      %broadcast_in_dim3A_595 = vector.broadcast %cond3A : f32 to vector<16xf32>
      %select_n3A_596 = arith.select %eq3A_594, %broadcast_in_dim3A_595, %get3A_491 : vector<16xi1>, vector<16xf32>
      %add3A_597 = arith.constant 32 : i32
      %add3A_598 = vector.broadcast %add3A_597 : i32 to vector<16xi32>
      %add3A_599 = arith.addi %iota3A, %add3A_598 : vector<16xi32>
      %eq3A_600 = arith.cmpi eq, %add3A_599, %min3A_584 : vector<16xi32>
      %broadcast_in_dim3A_601 = vector.broadcast %cond3A : f32 to vector<16xf32>
      %select_n3A_602 = arith.select %eq3A_600, %broadcast_in_dim3A_601, %get3A_493 : vector<16xi1>, vector<16xf32>
      %add3A_603 = arith.constant 48 : i32
      %add3A_604 = vector.broadcast %add3A_603 : i32 to vector<16xi32>
      %add3A_605 = arith.addi %iota3A, %add3A_604 : vector<16xi32>
      %eq3A_606 = arith.cmpi eq, %add3A_605, %min3A_584 : vector<16xi32>
      %broadcast_in_dim3A_607 = vector.broadcast %cond3A : f32 to vector<16xf32>
      %select_n3A_608 = arith.select %eq3A_606, %broadcast_in_dim3A_607, %get3A_495 : vector<16xi1>, vector<16xf32>
      %eq3A_609 = arith.constant 4 : i32
      %eq3A_610 = vector.broadcast %eq3A_609 : i32 to vector<16xi32>
      %eq3A_611 = arith.cmpi eq, %iota3A, %eq3A_610 : vector<16xi32>
      %select_n3A_612 = arith.select %eq3A_611, %min3A_584, %select_n3A_485 : vector<16xi1>, vector<16xi32>
      %min3A_613 = arith.minimumf %select_n3A_590, %select_n3A_596 : vector<16xf32>
      %min3A_614 = arith.minimumf %select_n3A_602, %select_n3A_608 : vector<16xf32>
      %min3A_615 = arith.minimumf %min3A_613, %min3A_614 : vector<16xf32>
      %neg3A_616 = arith.constant 0.000000e+00 : f32
      %neg3A_617 = vector.broadcast %neg3A_616 : f32 to vector<16xf32>
      %neg3A_618 = arith.subf %neg3A_617, %min3A_615 : vector<16xf32>
      %swap3A_619 = arith.constant 0 : index
      %swap3A_620 = tpu.vector_load %arg6[%swap3A_619] {strides = array<i32>} : memref<16xf32, #tpu.memory_space<vmem>>, vector<16xf32>,
      tpu.vector_store %arg6[%swap3A_619], %neg3A_618 {strides = array<i32>} : memref<16xf32, #tpu.memory_space<vmem>>, vector<16xf32>,
      %xor3A_621 = arith.constant 8 : i32
      %xor3A_622 = vector.broadcast %xor3A_621 : i32 to vector<16xi32>
      %xor3A_623 = arith.xori %iota3A, %xor3A_622 : vector<16xi32>
      %gather3A_624 = tpu.vector_load_idx %arg6[%xor3A_623] : memref<16xf32, #tpu.memory_space<vmem>>[vector<16xi32>], vector<16xf32>,
      %max3A_625 = arith.maximumf %neg3A_618, %gather3A_624 : vector<16xf32>
      %swap3A_626 = arith.constant 0 : index
      %swap3A_627 = tpu.vector_load %arg6[%swap3A_626] {strides = array<i32>} : memref<16xf32, #tpu.memory_space<vmem>>, vector<16xf32>,
      tpu.vector_store %arg6[%swap3A_626], %max3A_625 {strides = array<i32>} : memref<16xf32, #tpu.memory_space<vmem>>, vector<16xf32>,
      %xor3A_628 = arith.constant 4 : i32
      %xor3A_629 = vector.broadcast %xor3A_628 : i32 to vector<16xi32>
      %xor3A_630 = arith.xori %iota3A, %xor3A_629 : vector<16xi32>
      %gather3A_631 = tpu.vector_load_idx %arg6[%xor3A_630] : memref<16xf32, #tpu.memory_space<vmem>>[vector<16xi32>], vector<16xf32>,
      %max3A_632 = arith.maximumf %max3A_625, %gather3A_631 : vector<16xf32>
      %swap3A_633 = arith.constant 0 : index
      %swap3A_634 = tpu.vector_load %arg6[%swap3A_633] {strides = array<i32>} : memref<16xf32, #tpu.memory_space<vmem>>, vector<16xf32>,
      tpu.vector_store %arg6[%swap3A_633], %max3A_632 {strides = array<i32>} : memref<16xf32, #tpu.memory_space<vmem>>, vector<16xf32>,
      %xor3A_635 = arith.constant 2 : i32
      %xor3A_636 = vector.broadcast %xor3A_635 : i32 to vector<16xi32>
      %xor3A_637 = arith.xori %iota3A, %xor3A_636 : vector<16xi32>
      %gather3A_638 = tpu.vector_load_idx %arg6[%xor3A_637] : memref<16xf32, #tpu.memory_space<vmem>>[vector<16xi32>], vector<16xf32>,
      %max3A_639 = arith.maximumf %max3A_632, %gather3A_638 : vector<16xf32>
      %swap3A_640 = arith.constant 0 : index
      %swap3A_641 = tpu.vector_load %arg6[%swap3A_640] {strides = array<i32>} : memref<16xf32, #tpu.memory_space<vmem>>, vector<16xf32>,
      tpu.vector_store %arg6[%swap3A_640], %max3A_639 {strides = array<i32>} : memref<16xf32, #tpu.memory_space<vmem>>, vector<16xf32>,
      %xor3A_642 = arith.constant 1 : i32
      %xor3A_643 = vector.broadcast %xor3A_642 : i32 to vector<16xi32>
      %xor3A_644 = arith.xori %iota3A, %xor3A_643 : vector<16xi32>
      %gather3A_645 = tpu.vector_load_idx %arg6[%xor3A_644] : memref<16xf32, #tpu.memory_space<vmem>>[vector<16xi32>], vector<16xf32>,
      %max3A_646 = arith.maximumf %max3A_639, %gather3A_645 : vector<16xf32>
      %neg3A_647 = arith.constant 0.000000e+00 : f32
      %neg3A_648 = vector.broadcast %neg3A_647 : f32 to vector<16xf32>
      %neg3A_649 = arith.subf %neg3A_648, %max3A_646 : vector<16xf32>
      %eq3A_650 = arith.cmpf oeq, %select_n3A_590, %neg3A_649 : vector<16xf32>
      %add3A_651 = arith.constant 0 : i32
      %add3A_652 = vector.broadcast %add3A_651 : i32 to vector<16xi32>
      %add3A_653 = arith.addi %iota3A, %add3A_652 : vector<16xi32>
      %select_n3A_654 = arith.select %eq3A_650, %add3A_653, %broadcast_in_dim3A_0 : vector<16xi1>, vector<16xi32>
      %min3A_655 = arith.minsi %broadcast_in_dim3A_0, %select_n3A_654 : vector<16xi32>
      %eq3A_656 = arith.cmpf oeq, %select_n3A_596, %neg3A_649 : vector<16xf32>
      %add3A_657 = arith.constant 16 : i32
      %add3A_658 = vector.broadcast %add3A_657 : i32 to vector<16xi32>
      %add3A_659 = arith.addi %iota3A, %add3A_658 : vector<16xi32>
      %select_n3A_660 = arith.select %eq3A_656, %add3A_659, %broadcast_in_dim3A_0 : vector<16xi1>, vector<16xi32>
      %min3A_661 = arith.minsi %min3A_655, %select_n3A_660 : vector<16xi32>
      %eq3A_662 = arith.cmpf oeq, %select_n3A_602, %neg3A_649 : vector<16xf32>
      %add3A_663 = arith.constant 32 : i32
      %add3A_664 = vector.broadcast %add3A_663 : i32 to vector<16xi32>
      %add3A_665 = arith.addi %iota3A, %add3A_664 : vector<16xi32>
      %select_n3A_666 = arith.select %eq3A_662, %add3A_665, %broadcast_in_dim3A_0 : vector<16xi1>, vector<16xi32>
      %min3A_667 = arith.minsi %min3A_661, %select_n3A_666 : vector<16xi32>
      %eq3A_668 = arith.cmpf oeq, %select_n3A_608, %neg3A_649 : vector<16xf32>
      %add3A_669 = arith.constant 48 : i32
      %add3A_670 = vector.broadcast %add3A_669 : i32 to vector<16xi32>
      %add3A_671 = arith.addi %iota3A, %add3A_670 : vector<16xi32>
      %select_n3A_672 = arith.select %eq3A_668, %add3A_671, %broadcast_in_dim3A_0 : vector<16xi1>, vector<16xi32>
      %min3A_673 = arith.minsi %min3A_667, %select_n3A_672 : vector<16xi32>
      %swap3A_674 = arith.constant 0 : index
      %swap3A_675 = tpu.vector_load %arg7[%swap3A_674] {strides = array<i32>} : memref<16xi32, #tpu.memory_space<vmem>>, vector<16xi32>,
      tpu.vector_store %arg7[%swap3A_674], %min3A_673 {strides = array<i32>} : memref<16xi32, #tpu.memory_space<vmem>>, vector<16xi32>,
      %xor3A_676 = arith.constant 8 : i32
      %xor3A_677 = vector.broadcast %xor3A_676 : i32 to vector<16xi32>
      %xor3A_678 = arith.xori %iota3A, %xor3A_677 : vector<16xi32>
      %gather3A_679 = tpu.vector_load_idx %arg7[%xor3A_678] : memref<16xi32, #tpu.memory_space<vmem>>[vector<16xi32>], vector<16xi32>,
      %min3A_680 = arith.minsi %min3A_673, %gather3A_679 : vector<16xi32>
      %swap3A_681 = arith.constant 0 : index
      %swap3A_682 = tpu.vector_load %arg7[%swap3A_681] {strides = array<i32>} : memref<16xi32, #tpu.memory_space<vmem>>, vector<16xi32>,
      tpu.vector_store %arg7[%swap3A_681], %min3A_680 {strides = array<i32>} : memref<16xi32, #tpu.memory_space<vmem>>, vector<16xi32>,
      %xor3A_683 = arith.constant 4 : i32
      %xor3A_684 = vector.broadcast %xor3A_683 : i32 to vector<16xi32>
      %xor3A_685 = arith.xori %iota3A, %xor3A_684 : vector<16xi32>
      %gather3A_686 = tpu.vector_load_idx %arg7[%xor3A_685] : memref<16xi32, #tpu.memory_space<vmem>>[vector<16xi32>], vector<16xi32>,
      %min3A_687 = arith.minsi %min3A_680, %gather3A_686 : vector<16xi32>
      %swap3A_688 = arith.constant 0 : index
      %swap3A_689 = tpu.vector_load %arg7[%swap3A_688] {strides = array<i32>} : memref<16xi32, #tpu.memory_space<vmem>>, vector<16xi32>,
      tpu.vector_store %arg7[%swap3A_688], %min3A_687 {strides = array<i32>} : memref<16xi32, #tpu.memory_space<vmem>>, vector<16xi32>,
      %xor3A_690 = arith.constant 2 : i32
      %xor3A_691 = vector.broadcast %xor3A_690 : i32 to vector<16xi32>
      %xor3A_692 = arith.xori %iota3A, %xor3A_691 : vector<16xi32>
      %gather3A_693 = tpu.vector_load_idx %arg7[%xor3A_692] : memref<16xi32, #tpu.memory_space<vmem>>[vector<16xi32>], vector<16xi32>,
      %min3A_694 = arith.minsi %min3A_687, %gather3A_693 : vector<16xi32>
      %swap3A_695 = arith.constant 0 : index
      %swap3A_696 = tpu.vector_load %arg7[%swap3A_695] {strides = array<i32>} : memref<16xi32, #tpu.memory_space<vmem>>, vector<16xi32>,
      tpu.vector_store %arg7[%swap3A_695], %min3A_694 {strides = array<i32>} : memref<16xi32, #tpu.memory_space<vmem>>, vector<16xi32>,
      %xor3A_697 = arith.constant 1 : i32
      %xor3A_698 = vector.broadcast %xor3A_697 : i32 to vector<16xi32>
      %xor3A_699 = arith.xori %iota3A, %xor3A_698 : vector<16xi32>
      %gather3A_700 = tpu.vector_load_idx %arg7[%xor3A_699] : memref<16xi32, #tpu.memory_space<vmem>>[vector<16xi32>], vector<16xi32>,
      %min3A_701 = arith.minsi %min3A_694, %gather3A_700 : vector<16xi32>
      %add3A_702 = arith.constant 0 : i32
      %add3A_703 = vector.broadcast %add3A_702 : i32 to vector<16xi32>
      %add3A_704 = arith.addi %iota3A, %add3A_703 : vector<16xi32>
      %eq3A_705 = arith.cmpi eq, %add3A_704, %min3A_701 : vector<16xi32>
      %broadcast_in_dim3A_706 = vector.broadcast %cond3A : f32 to vector<16xf32>
      %select_n3A_707 = arith.select %eq3A_705, %broadcast_in_dim3A_706, %select_n3A_590 : vector<16xi1>, vector<16xf32>
      %add3A_708 = arith.constant 16 : i32
      %add3A_709 = vector.broadcast %add3A_708 : i32 to vector<16xi32>
      %add3A_710 = arith.addi %iota3A, %add3A_709 : vector<16xi32>
      %eq3A_711 = arith.cmpi eq, %add3A_710, %min3A_701 : vector<16xi32>
      %broadcast_in_dim3A_712 = vector.broadcast %cond3A : f32 to vector<16xf32>
      %select_n3A_713 = arith.select %eq3A_711, %broadcast_in_dim3A_712, %select_n3A_596 : vector<16xi1>, vector<16xf32>
      %add3A_714 = arith.constant 32 : i32
      %add3A_715 = vector.broadcast %add3A_714 : i32 to vector<16xi32>
      %add3A_716 = arith.addi %iota3A, %add3A_715 : vector<16xi32>
      %eq3A_717 = arith.cmpi eq, %add3A_716, %min3A_701 : vector<16xi32>
      %broadcast_in_dim3A_718 = vector.broadcast %cond3A : f32 to vector<16xf32>
      %select_n3A_719 = arith.select %eq3A_717, %broadcast_in_dim3A_718, %select_n3A_602 : vector<16xi1>, vector<16xf32>
      %add3A_720 = arith.constant 48 : i32
      %add3A_721 = vector.broadcast %add3A_720 : i32 to vector<16xi32>
      %add3A_722 = arith.addi %iota3A, %add3A_721 : vector<16xi32>
      %eq3A_723 = arith.cmpi eq, %add3A_722, %min3A_701 : vector<16xi32>
      %broadcast_in_dim3A_724 = vector.broadcast %cond3A : f32 to vector<16xf32>
      %select_n3A_725 = arith.select %eq3A_723, %broadcast_in_dim3A_724, %select_n3A_608 : vector<16xi1>, vector<16xf32>
      %eq3A_726 = arith.constant 5 : i32
      %eq3A_727 = vector.broadcast %eq3A_726 : i32 to vector<16xi32>
      %eq3A_728 = arith.cmpi eq, %iota3A, %eq3A_727 : vector<16xi32>
      %select_n3A_729 = arith.select %eq3A_728, %min3A_701, %select_n3A_612 : vector<16xi1>, vector<16xi32>
      %min3A_730 = arith.minimumf %select_n3A_707, %select_n3A_713 : vector<16xf32>
      %min3A_731 = arith.minimumf %select_n3A_719, %select_n3A_725 : vector<16xf32>
      %min3A_732 = arith.minimumf %min3A_730, %min3A_731 : vector<16xf32>
      %neg3A_733 = arith.constant 0.000000e+00 : f32
      %neg3A_734 = vector.broadcast %neg3A_733 : f32 to vector<16xf32>
      %neg3A_735 = arith.subf %neg3A_734, %min3A_732 : vector<16xf32>
      %swap3A_736 = arith.constant 0 : index
      %swap3A_737 = tpu.vector_load %arg6[%swap3A_736] {strides = array<i32>} : memref<16xf32, #tpu.memory_space<vmem>>, vector<16xf32>,
      tpu.vector_store %arg6[%swap3A_736], %neg3A_735 {strides = array<i32>} : memref<16xf32, #tpu.memory_space<vmem>>, vector<16xf32>,
      %xor3A_738 = arith.constant 8 : i32
      %xor3A_739 = vector.broadcast %xor3A_738 : i32 to vector<16xi32>
      %xor3A_740 = arith.xori %iota3A, %xor3A_739 : vector<16xi32>
      %gather3A_741 = tpu.vector_load_idx %arg6[%xor3A_740] : memref<16xf32, #tpu.memory_space<vmem>>[vector<16xi32>], vector<16xf32>,
      %max3A_742 = arith.maximumf %neg3A_735, %gather3A_741 : vector<16xf32>
      %swap3A_743 = arith.constant 0 : index
      %swap3A_744 = tpu.vector_load %arg6[%swap3A_743] {strides = array<i32>} : memref<16xf32, #tpu.memory_space<vmem>>, vector<16xf32>,
      tpu.vector_store %arg6[%swap3A_743], %max3A_742 {strides = array<i32>} : memref<16xf32, #tpu.memory_space<vmem>>, vector<16xf32>,
      %xor3A_745 = arith.constant 4 : i32
      %xor3A_746 = vector.broadcast %xor3A_745 : i32 to vector<16xi32>
      %xor3A_747 = arith.xori %iota3A, %xor3A_746 : vector<16xi32>
      %gather3A_748 = tpu.vector_load_idx %arg6[%xor3A_747] : memref<16xf32, #tpu.memory_space<vmem>>[vector<16xi32>], vector<16xf32>,
      %max3A_749 = arith.maximumf %max3A_742, %gather3A_748 : vector<16xf32>
      %swap3A_750 = arith.constant 0 : index
      %swap3A_751 = tpu.vector_load %arg6[%swap3A_750] {strides = array<i32>} : memref<16xf32, #tpu.memory_space<vmem>>, vector<16xf32>,
      tpu.vector_store %arg6[%swap3A_750], %max3A_749 {strides = array<i32>} : memref<16xf32, #tpu.memory_space<vmem>>, vector<16xf32>,
      %xor3A_752 = arith.constant 2 : i32
      %xor3A_753 = vector.broadcast %xor3A_752 : i32 to vector<16xi32>
      %xor3A_754 = arith.xori %iota3A, %xor3A_753 : vector<16xi32>
      %gather3A_755 = tpu.vector_load_idx %arg6[%xor3A_754] : memref<16xf32, #tpu.memory_space<vmem>>[vector<16xi32>], vector<16xf32>,
      %max3A_756 = arith.maximumf %max3A_749, %gather3A_755 : vector<16xf32>
      %swap3A_757 = arith.constant 0 : index
      %swap3A_758 = tpu.vector_load %arg6[%swap3A_757] {strides = array<i32>} : memref<16xf32, #tpu.memory_space<vmem>>, vector<16xf32>,
      tpu.vector_store %arg6[%swap3A_757], %max3A_756 {strides = array<i32>} : memref<16xf32, #tpu.memory_space<vmem>>, vector<16xf32>,
      %xor3A_759 = arith.constant 1 : i32
      %xor3A_760 = vector.broadcast %xor3A_759 : i32 to vector<16xi32>
      %xor3A_761 = arith.xori %iota3A, %xor3A_760 : vector<16xi32>
      %gather3A_762 = tpu.vector_load_idx %arg6[%xor3A_761] : memref<16xf32, #tpu.memory_space<vmem>>[vector<16xi32>], vector<16xf32>,
      %max3A_763 = arith.maximumf %max3A_756, %gather3A_762 : vector<16xf32>
      %neg3A_764 = arith.constant 0.000000e+00 : f32
      %neg3A_765 = vector.broadcast %neg3A_764 : f32 to vector<16xf32>
      %neg3A_766 = arith.subf %neg3A_765, %max3A_763 : vector<16xf32>
      %eq3A_767 = arith.cmpf oeq, %select_n3A_707, %neg3A_766 : vector<16xf32>
      %add3A_768 = arith.constant 0 : i32
      %add3A_769 = vector.broadcast %add3A_768 : i32 to vector<16xi32>
      %add3A_770 = arith.addi %iota3A, %add3A_769 : vector<16xi32>
      %select_n3A_771 = arith.select %eq3A_767, %add3A_770, %broadcast_in_dim3A_0 : vector<16xi1>, vector<16xi32>
      %min3A_772 = arith.minsi %broadcast_in_dim3A_0, %select_n3A_771 : vector<16xi32>
      %eq3A_773 = arith.cmpf oeq, %select_n3A_713, %neg3A_766 : vector<16xf32>
      %add3A_774 = arith.constant 16 : i32
      %add3A_775 = vector.broadcast %add3A_774 : i32 to vector<16xi32>
      %add3A_776 = arith.addi %iota3A, %add3A_775 : vector<16xi32>
      %select_n3A_777 = arith.select %eq3A_773, %add3A_776, %broadcast_in_dim3A_0 : vector<16xi1>, vector<16xi32>
      %min3A_778 = arith.minsi %min3A_772, %select_n3A_777 : vector<16xi32>
      %eq3A_779 = arith.cmpf oeq, %select_n3A_719, %neg3A_766 : vector<16xf32>
      %add3A_780 = arith.constant 32 : i32
      %add3A_781 = vector.broadcast %add3A_780 : i32 to vector<16xi32>
      %add3A_782 = arith.addi %iota3A, %add3A_781 : vector<16xi32>
      %select_n3A_783 = arith.select %eq3A_779, %add3A_782, %broadcast_in_dim3A_0 : vector<16xi1>, vector<16xi32>
      %min3A_784 = arith.minsi %min3A_778, %select_n3A_783 : vector<16xi32>
      %eq3A_785 = arith.cmpf oeq, %select_n3A_725, %neg3A_766 : vector<16xf32>
      %add3A_786 = arith.constant 48 : i32
      %add3A_787 = vector.broadcast %add3A_786 : i32 to vector<16xi32>
      %add3A_788 = arith.addi %iota3A, %add3A_787 : vector<16xi32>
      %select_n3A_789 = arith.select %eq3A_785, %add3A_788, %broadcast_in_dim3A_0 : vector<16xi1>, vector<16xi32>
      %min3A_790 = arith.minsi %min3A_784, %select_n3A_789 : vector<16xi32>
      %swap3A_791 = arith.constant 0 : index
      %swap3A_792 = tpu.vector_load %arg7[%swap3A_791] {strides = array<i32>} : memref<16xi32, #tpu.memory_space<vmem>>, vector<16xi32>,
      tpu.vector_store %arg7[%swap3A_791], %min3A_790 {strides = array<i32>} : memref<16xi32, #tpu.memory_space<vmem>>, vector<16xi32>,
      %xor3A_793 = arith.constant 8 : i32
      %xor3A_794 = vector.broadcast %xor3A_793 : i32 to vector<16xi32>
      %xor3A_795 = arith.xori %iota3A, %xor3A_794 : vector<16xi32>
      %gather3A_796 = tpu.vector_load_idx %arg7[%xor3A_795] : memref<16xi32, #tpu.memory_space<vmem>>[vector<16xi32>], vector<16xi32>,
      %min3A_797 = arith.minsi %min3A_790, %gather3A_796 : vector<16xi32>
      %swap3A_798 = arith.constant 0 : index
      %swap3A_799 = tpu.vector_load %arg7[%swap3A_798] {strides = array<i32>} : memref<16xi32, #tpu.memory_space<vmem>>, vector<16xi32>,
      tpu.vector_store %arg7[%swap3A_798], %min3A_797 {strides = array<i32>} : memref<16xi32, #tpu.memory_space<vmem>>, vector<16xi32>,
      %xor3A_800 = arith.constant 4 : i32
      %xor3A_801 = vector.broadcast %xor3A_800 : i32 to vector<16xi32>
      %xor3A_802 = arith.xori %iota3A, %xor3A_801 : vector<16xi32>
      %gather3A_803 = tpu.vector_load_idx %arg7[%xor3A_802] : memref<16xi32, #tpu.memory_space<vmem>>[vector<16xi32>], vector<16xi32>,
      %min3A_804 = arith.minsi %min3A_797, %gather3A_803 : vector<16xi32>
      %swap3A_805 = arith.constant 0 : index
      %swap3A_806 = tpu.vector_load %arg7[%swap3A_805] {strides = array<i32>} : memref<16xi32, #tpu.memory_space<vmem>>, vector<16xi32>,
      tpu.vector_store %arg7[%swap3A_805], %min3A_804 {strides = array<i32>} : memref<16xi32, #tpu.memory_space<vmem>>, vector<16xi32>,
      %xor3A_807 = arith.constant 2 : i32
      %xor3A_808 = vector.broadcast %xor3A_807 : i32 to vector<16xi32>
      %xor3A_809 = arith.xori %iota3A, %xor3A_808 : vector<16xi32>
      %gather3A_810 = tpu.vector_load_idx %arg7[%xor3A_809] : memref<16xi32, #tpu.memory_space<vmem>>[vector<16xi32>], vector<16xi32>,
      %min3A_811 = arith.minsi %min3A_804, %gather3A_810 : vector<16xi32>
      %swap3A_812 = arith.constant 0 : index
      %swap3A_813 = tpu.vector_load %arg7[%swap3A_812] {strides = array<i32>} : memref<16xi32, #tpu.memory_space<vmem>>, vector<16xi32>,
      tpu.vector_store %arg7[%swap3A_812], %min3A_811 {strides = array<i32>} : memref<16xi32, #tpu.memory_space<vmem>>, vector<16xi32>,
      %xor3A_814 = arith.constant 1 : i32
      %xor3A_815 = vector.broadcast %xor3A_814 : i32 to vector<16xi32>
      %xor3A_816 = arith.xori %iota3A, %xor3A_815 : vector<16xi32>
      %gather3A_817 = tpu.vector_load_idx %arg7[%xor3A_816] : memref<16xi32, #tpu.memory_space<vmem>>[vector<16xi32>], vector<16xi32>,
      %min3A_818 = arith.minsi %min3A_811, %gather3A_817 : vector<16xi32>
      %add3A_819 = arith.constant 0 : i32
      %add3A_820 = vector.broadcast %add3A_819 : i32 to vector<16xi32>
      %add3A_821 = arith.addi %iota3A, %add3A_820 : vector<16xi32>
      %eq3A_822 = arith.cmpi eq, %add3A_821, %min3A_818 : vector<16xi32>
      %broadcast_in_dim3A_823 = vector.broadcast %cond3A : f32 to vector<16xf32>
      %select_n3A_824 = arith.select %eq3A_822, %broadcast_in_dim3A_823, %select_n3A_707 : vector<16xi1>, vector<16xf32>
      %add3A_825 = arith.constant 16 : i32
      %add3A_826 = vector.broadcast %add3A_825 : i32 to vector<16xi32>
      %add3A_827 = arith.addi %iota3A, %add3A_826 : vector<16xi32>
      %eq3A_828 = arith.cmpi eq, %add3A_827, %min3A_818 : vector<16xi32>
      %broadcast_in_dim3A_829 = vector.broadcast %cond3A : f32 to vector<16xf32>
      %select_n3A_830 = arith.select %eq3A_828, %broadcast_in_dim3A_829, %select_n3A_713 : vector<16xi1>, vector<16xf32>
      %add3A_831 = arith.constant 32 : i32
      %add3A_832 = vector.broadcast %add3A_831 : i32 to vector<16xi32>
      %add3A_833 = arith.addi %iota3A, %add3A_832 : vector<16xi32>
      %eq3A_834 = arith.cmpi eq, %add3A_833, %min3A_818 : vector<16xi32>
      %broadcast_in_dim3A_835 = vector.broadcast %cond3A : f32 to vector<16xf32>
      %select_n3A_836 = arith.select %eq3A_834, %broadcast_in_dim3A_835, %select_n3A_719 : vector<16xi1>, vector<16xf32>
      %add3A_837 = arith.constant 48 : i32
      %add3A_838 = vector.broadcast %add3A_837 : i32 to vector<16xi32>
      %add3A_839 = arith.addi %iota3A, %add3A_838 : vector<16xi32>
      %eq3A_840 = arith.cmpi eq, %add3A_839, %min3A_818 : vector<16xi32>
      %broadcast_in_dim3A_841 = vector.broadcast %cond3A : f32 to vector<16xf32>
      %select_n3A_842 = arith.select %eq3A_840, %broadcast_in_dim3A_841, %select_n3A_725 : vector<16xi1>, vector<16xf32>
      %eq3A_843 = arith.constant 6 : i32
      %eq3A_844 = vector.broadcast %eq3A_843 : i32 to vector<16xi32>
      %eq3A_845 = arith.cmpi eq, %iota3A, %eq3A_844 : vector<16xi32>
      %select_n3A_846 = arith.select %eq3A_845, %min3A_818, %select_n3A_729 : vector<16xi1>, vector<16xi32>
      %min3A_847 = arith.minimumf %select_n3A_824, %select_n3A_830 : vector<16xf32>
      %min3A_848 = arith.minimumf %select_n3A_836, %select_n3A_842 : vector<16xf32>
      %min3A_849 = arith.minimumf %min3A_847, %min3A_848 : vector<16xf32>
      %neg3A_850 = arith.constant 0.000000e+00 : f32
      %neg3A_851 = vector.broadcast %neg3A_850 : f32 to vector<16xf32>
      %neg3A_852 = arith.subf %neg3A_851, %min3A_849 : vector<16xf32>
      %swap3A_853 = arith.constant 0 : index
      %swap3A_854 = tpu.vector_load %arg6[%swap3A_853] {strides = array<i32>} : memref<16xf32, #tpu.memory_space<vmem>>, vector<16xf32>,
      tpu.vector_store %arg6[%swap3A_853], %neg3A_852 {strides = array<i32>} : memref<16xf32, #tpu.memory_space<vmem>>, vector<16xf32>,
      %xor3A_855 = arith.constant 8 : i32
      %xor3A_856 = vector.broadcast %xor3A_855 : i32 to vector<16xi32>
      %xor3A_857 = arith.xori %iota3A, %xor3A_856 : vector<16xi32>
      %gather3A_858 = tpu.vector_load_idx %arg6[%xor3A_857] : memref<16xf32, #tpu.memory_space<vmem>>[vector<16xi32>], vector<16xf32>,
      %max3A_859 = arith.maximumf %neg3A_852, %gather3A_858 : vector<16xf32>
      %swap3A_860 = arith.constant 0 : index
      %swap3A_861 = tpu.vector_load %arg6[%swap3A_860] {strides = array<i32>} : memref<16xf32, #tpu.memory_space<vmem>>, vector<16xf32>,
      tpu.vector_store %arg6[%swap3A_860], %max3A_859 {strides = array<i32>} : memref<16xf32, #tpu.memory_space<vmem>>, vector<16xf32>,
      %xor3A_862 = arith.constant 4 : i32
      %xor3A_863 = vector.broadcast %xor3A_862 : i32 to vector<16xi32>
      %xor3A_864 = arith.xori %iota3A, %xor3A_863 : vector<16xi32>
      %gather3A_865 = tpu.vector_load_idx %arg6[%xor3A_864] : memref<16xf32, #tpu.memory_space<vmem>>[vector<16xi32>], vector<16xf32>,
      %max3A_866 = arith.maximumf %max3A_859, %gather3A_865 : vector<16xf32>
      %swap3A_867 = arith.constant 0 : index
      %swap3A_868 = tpu.vector_load %arg6[%swap3A_867] {strides = array<i32>} : memref<16xf32, #tpu.memory_space<vmem>>, vector<16xf32>,
      tpu.vector_store %arg6[%swap3A_867], %max3A_866 {strides = array<i32>} : memref<16xf32, #tpu.memory_space<vmem>>, vector<16xf32>,
      %xor3A_869 = arith.constant 2 : i32
      %xor3A_870 = vector.broadcast %xor3A_869 : i32 to vector<16xi32>
      %xor3A_871 = arith.xori %iota3A, %xor3A_870 : vector<16xi32>
      %gather3A_872 = tpu.vector_load_idx %arg6[%xor3A_871] : memref<16xf32, #tpu.memory_space<vmem>>[vector<16xi32>], vector<16xf32>,
      %max3A_873 = arith.maximumf %max3A_866, %gather3A_872 : vector<16xf32>
      %swap3A_874 = arith.constant 0 : index
      %swap3A_875 = tpu.vector_load %arg6[%swap3A_874] {strides = array<i32>} : memref<16xf32, #tpu.memory_space<vmem>>, vector<16xf32>,
      tpu.vector_store %arg6[%swap3A_874], %max3A_873 {strides = array<i32>} : memref<16xf32, #tpu.memory_space<vmem>>, vector<16xf32>,
      %xor3A_876 = arith.constant 1 : i32
      %xor3A_877 = vector.broadcast %xor3A_876 : i32 to vector<16xi32>
      %xor3A_878 = arith.xori %iota3A, %xor3A_877 : vector<16xi32>
      %gather3A_879 = tpu.vector_load_idx %arg6[%xor3A_878] : memref<16xf32, #tpu.memory_space<vmem>>[vector<16xi32>], vector<16xf32>,
      %max3A_880 = arith.maximumf %max3A_873, %gather3A_879 : vector<16xf32>
      %neg3A_881 = arith.constant 0.000000e+00 : f32
      %neg3A_882 = vector.broadcast %neg3A_881 : f32 to vector<16xf32>
      %neg3A_883 = arith.subf %neg3A_882, %max3A_880 : vector<16xf32>
      %eq3A_884 = arith.cmpf oeq, %select_n3A_824, %neg3A_883 : vector<16xf32>
      %add3A_885 = arith.constant 0 : i32
      %add3A_886 = vector.broadcast %add3A_885 : i32 to vector<16xi32>
      %add3A_887 = arith.addi %iota3A, %add3A_886 : vector<16xi32>
      %select_n3A_888 = arith.select %eq3A_884, %add3A_887, %broadcast_in_dim3A_0 : vector<16xi1>, vector<16xi32>
      %min3A_889 = arith.minsi %broadcast_in_dim3A_0, %select_n3A_888 : vector<16xi32>
      %eq3A_890 = arith.cmpf oeq, %select_n3A_830, %neg3A_883 : vector<16xf32>
      %add3A_891 = arith.constant 16 : i32
      %add3A_892 = vector.broadcast %add3A_891 : i32 to vector<16xi32>
      %add3A_893 = arith.addi %iota3A, %add3A_892 : vector<16xi32>
      %select_n3A_894 = arith.select %eq3A_890, %add3A_893, %broadcast_in_dim3A_0 : vector<16xi1>, vector<16xi32>
      %min3A_895 = arith.minsi %min3A_889, %select_n3A_894 : vector<16xi32>
      %eq3A_896 = arith.cmpf oeq, %select_n3A_836, %neg3A_883 : vector<16xf32>
      %add3A_897 = arith.constant 32 : i32
      %add3A_898 = vector.broadcast %add3A_897 : i32 to vector<16xi32>
      %add3A_899 = arith.addi %iota3A, %add3A_898 : vector<16xi32>
      %select_n3A_900 = arith.select %eq3A_896, %add3A_899, %broadcast_in_dim3A_0 : vector<16xi1>, vector<16xi32>
      %min3A_901 = arith.minsi %min3A_895, %select_n3A_900 : vector<16xi32>
      %eq3A_902 = arith.cmpf oeq, %select_n3A_842, %neg3A_883 : vector<16xf32>
      %add3A_903 = arith.constant 48 : i32
      %add3A_904 = vector.broadcast %add3A_903 : i32 to vector<16xi32>
      %add3A_905 = arith.addi %iota3A, %add3A_904 : vector<16xi32>
      %select_n3A_906 = arith.select %eq3A_902, %add3A_905, %broadcast_in_dim3A_0 : vector<16xi1>, vector<16xi32>
      %min3A_907 = arith.minsi %min3A_901, %select_n3A_906 : vector<16xi32>
      %swap3A_908 = arith.constant 0 : index
      %swap3A_909 = tpu.vector_load %arg7[%swap3A_908] {strides = array<i32>} : memref<16xi32, #tpu.memory_space<vmem>>, vector<16xi32>,
      tpu.vector_store %arg7[%swap3A_908], %min3A_907 {strides = array<i32>} : memref<16xi32, #tpu.memory_space<vmem>>, vector<16xi32>,
      %xor3A_910 = arith.constant 8 : i32
      %xor3A_911 = vector.broadcast %xor3A_910 : i32 to vector<16xi32>
      %xor3A_912 = arith.xori %iota3A, %xor3A_911 : vector<16xi32>
      %gather3A_913 = tpu.vector_load_idx %arg7[%xor3A_912] : memref<16xi32, #tpu.memory_space<vmem>>[vector<16xi32>], vector<16xi32>,
      %min3A_914 = arith.minsi %min3A_907, %gather3A_913 : vector<16xi32>
      %swap3A_915 = arith.constant 0 : index
      %swap3A_916 = tpu.vector_load %arg7[%swap3A_915] {strides = array<i32>} : memref<16xi32, #tpu.memory_space<vmem>>, vector<16xi32>,
      tpu.vector_store %arg7[%swap3A_915], %min3A_914 {strides = array<i32>} : memref<16xi32, #tpu.memory_space<vmem>>, vector<16xi32>,
      %xor3A_917 = arith.constant 4 : i32
      %xor3A_918 = vector.broadcast %xor3A_917 : i32 to vector<16xi32>
      %xor3A_919 = arith.xori %iota3A, %xor3A_918 : vector<16xi32>
      %gather3A_920 = tpu.vector_load_idx %arg7[%xor3A_919] : memref<16xi32, #tpu.memory_space<vmem>>[vector<16xi32>], vector<16xi32>,
      %min3A_921 = arith.minsi %min3A_914, %gather3A_920 : vector<16xi32>
      %swap3A_922 = arith.constant 0 : index
      %swap3A_923 = tpu.vector_load %arg7[%swap3A_922] {strides = array<i32>} : memref<16xi32, #tpu.memory_space<vmem>>, vector<16xi32>,
      tpu.vector_store %arg7[%swap3A_922], %min3A_921 {strides = array<i32>} : memref<16xi32, #tpu.memory_space<vmem>>, vector<16xi32>,
      %xor3A_924 = arith.constant 2 : i32
      %xor3A_925 = vector.broadcast %xor3A_924 : i32 to vector<16xi32>
      %xor3A_926 = arith.xori %iota3A, %xor3A_925 : vector<16xi32>
      %gather3A_927 = tpu.vector_load_idx %arg7[%xor3A_926] : memref<16xi32, #tpu.memory_space<vmem>>[vector<16xi32>], vector<16xi32>,
      %min3A_928 = arith.minsi %min3A_921, %gather3A_927 : vector<16xi32>
      %swap3A_929 = arith.constant 0 : index
      %swap3A_930 = tpu.vector_load %arg7[%swap3A_929] {strides = array<i32>} : memref<16xi32, #tpu.memory_space<vmem>>, vector<16xi32>,
      tpu.vector_store %arg7[%swap3A_929], %min3A_928 {strides = array<i32>} : memref<16xi32, #tpu.memory_space<vmem>>, vector<16xi32>,
      %xor3A_931 = arith.constant 1 : i32
      %xor3A_932 = vector.broadcast %xor3A_931 : i32 to vector<16xi32>
      %xor3A_933 = arith.xori %iota3A, %xor3A_932 : vector<16xi32>
      %gather3A_934 = tpu.vector_load_idx %arg7[%xor3A_933] : memref<16xi32, #tpu.memory_space<vmem>>[vector<16xi32>], vector<16xi32>,
      %min3A_935 = arith.minsi %min3A_928, %gather3A_934 : vector<16xi32>
      %add3A_936 = arith.constant 0 : i32
      %add3A_937 = vector.broadcast %add3A_936 : i32 to vector<16xi32>
      %add3A_938 = arith.addi %iota3A, %add3A_937 : vector<16xi32>
      %eq3A_939 = arith.cmpi eq, %add3A_938, %min3A_935 : vector<16xi32>
      %broadcast_in_dim3A_940 = vector.broadcast %cond3A : f32 to vector<16xf32>
      %select_n3A_941 = arith.select %eq3A_939, %broadcast_in_dim3A_940, %select_n3A_824 : vector<16xi1>, vector<16xf32>
      %add3A_942 = arith.constant 16 : i32
      %add3A_943 = vector.broadcast %add3A_942 : i32 to vector<16xi32>
      %add3A_944 = arith.addi %iota3A, %add3A_943 : vector<16xi32>
      %eq3A_945 = arith.cmpi eq, %add3A_944, %min3A_935 : vector<16xi32>
      %broadcast_in_dim3A_946 = vector.broadcast %cond3A : f32 to vector<16xf32>
      %select_n3A_947 = arith.select %eq3A_945, %broadcast_in_dim3A_946, %select_n3A_830 : vector<16xi1>, vector<16xf32>
      %add3A_948 = arith.constant 32 : i32
      %add3A_949 = vector.broadcast %add3A_948 : i32 to vector<16xi32>
      %add3A_950 = arith.addi %iota3A, %add3A_949 : vector<16xi32>
      %eq3A_951 = arith.cmpi eq, %add3A_950, %min3A_935 : vector<16xi32>
      %broadcast_in_dim3A_952 = vector.broadcast %cond3A : f32 to vector<16xf32>
      %select_n3A_953 = arith.select %eq3A_951, %broadcast_in_dim3A_952, %select_n3A_836 : vector<16xi1>, vector<16xf32>
      %add3A_954 = arith.constant 48 : i32
      %add3A_955 = vector.broadcast %add3A_954 : i32 to vector<16xi32>
      %add3A_956 = arith.addi %iota3A, %add3A_955 : vector<16xi32>
      %eq3A_957 = arith.cmpi eq, %add3A_956, %min3A_935 : vector<16xi32>
      %broadcast_in_dim3A_958 = vector.broadcast %cond3A : f32 to vector<16xf32>
      %select_n3A_959 = arith.select %eq3A_957, %broadcast_in_dim3A_958, %select_n3A_842 : vector<16xi1>, vector<16xf32>
      %eq3A_960 = arith.constant 7 : i32
      %eq3A_961 = vector.broadcast %eq3A_960 : i32 to vector<16xi32>
      %eq3A_962 = arith.cmpi eq, %iota3A, %eq3A_961 : vector<16xi32>
      %select_n3A_963 = arith.select %eq3A_962, %min3A_935, %select_n3A_846 : vector<16xi1>, vector<16xi32>
      %swap3A_964 = arith.constant 0 : index
      %swap3A_965 = tpu.vector_load %arg5[%swap3A_964] {strides = array<i32>} : memref<16xi32, #tpu.memory_space<vmem>>, vector<16xi32>,
      tpu.vector_store %arg5[%swap3A_964], %select_n3A_963 {strides = array<i32>} : memref<16xi32, #tpu.memory_space<vmem>>, vector<16xi32>,
      %run_scoped3A_966 = arith.constant 0 : i32
      "tpu.region"() ({
        %run_scoped3A_967 = tpu.sem_alloc : memref<!tpu.dma_semaphore, #tpu.memory_space<semaphore_mem>>
        %dma_start3A = arith.constant 0 : i32
        %dma_start3A_968 = tpu.memref_slice %arg3[%run_scoped3A_966, %dma_start3A] : memref<4x16xi32, #tpu.memory_space<hbm>> -> memref<1x16xi32, #tpu.memory_space<hbm>>
        %dma_start3A_969 = tpu.memref_squeeze %dma_start3A_968 : memref<1x16xi32, #tpu.memory_space<hbm>> -> memref<16xi32, #tpu.memory_space<hbm>>
        %dma_start3A_970 = arith.constant 0 : i32
        %dma_start3A_971 = tpu.memref_slice %arg3[%run_scoped3A_966, %dma_start3A_970] : memref<4x16xi32, #tpu.memory_space<hbm>> -> memref<1x16xi32, #tpu.memory_space<hbm>>
        %dma_start3A_972 = tpu.memref_squeeze %dma_start3A_971 : memref<1x16xi32, #tpu.memory_space<hbm>> -> memref<16xi32, #tpu.memory_space<hbm>>
        tpu.enqueue_dma source(%arg5 : memref<16xi32, #tpu.memory_space<vmem>>) target(%dma_start3A_972 : memref<16xi32, #tpu.memory_space<hbm>>) target_semaphore(%run_scoped3A_967 : memref<!tpu.dma_semaphore, #tpu.memory_space<semaphore_mem>>)
        %dma_wait3A = arith.constant 0 : i32
        %dma_wait3A_973 = tpu.memref_slice %arg3[%run_scoped3A_966, %dma_wait3A] : memref<4x16xi32, #tpu.memory_space<hbm>> -> memref<1x16xi32, #tpu.memory_space<hbm>>
        %dma_wait3A_974 = tpu.memref_squeeze %dma_wait3A_973 : memref<1x16xi32, #tpu.memory_space<hbm>> -> memref<16xi32, #tpu.memory_space<hbm>>
        %dma_wait3A_975 = arith.constant 0 : i32
        %dma_wait3A_976 = tpu.memref_slice %arg3[%run_scoped3A_966, %dma_wait3A_975] : memref<4x16xi32, #tpu.memory_space<hbm>> -> memref<1x16xi32, #tpu.memory_space<hbm>>
        %dma_wait3A_977 = tpu.memref_squeeze %dma_wait3A_976 : memref<1x16xi32, #tpu.memory_space<hbm>> -> memref<16xi32, #tpu.memory_space<hbm>>
        tpu.wait_dma2 semaphore(%run_scoped3A_967 : memref<!tpu.dma_semaphore, #tpu.memory_space<semaphore_mem>>) src(%arg5 : memref<16xi32, #tpu.memory_space<vmem>>) dst(%dma_wait3A_977 : memref<16xi32, #tpu.memory_space<hbm>>)
        tpu.yield
      }) : () -> ()
    } else {
    }
    %eq3A_6 = arith.constant 0 : i32
    %eq3A_7 = arith.cmpi eq, %arg0, %eq3A_6 : i32
    %eq3A_8 = arith.constant 1 : i32
    %eq3A_9 = arith.cmpi eq, %arg1, %eq3A_8 : i32
    %and3A_10 = arith.andi %eq3A_7, %eq3A_9 : i1
    %convert_element_type3A_11 = arith.extui %and3A_10 : i1 to i32
    %cond3A_12 = arith.constant 0x7F800000 : f32
    %cond3A_13 = arith.constant 0 : i32
    %cond3A_14 = arith.cmpi ne, %convert_element_type3A_11, %cond3A_13 : i32
    scf.if %cond3A_14 {
      %run_scoped3A = arith.constant 1 : i32
      "tpu.region"() ({
        %run_scoped3A_967 = tpu.sem_alloc : memref<!tpu.dma_semaphore, #tpu.memory_space<semaphore_mem>>
        %dma_start3A = arith.constant 0 : i32
        %dma_start3A_968 = tpu.memref_slice %arg2[%run_scoped3A, %dma_start3A] : memref<4x64xf32, #tpu.memory_space<hbm>> -> memref<1x64xf32, #tpu.memory_space<hbm>>
        %dma_start3A_969 = tpu.memref_squeeze %dma_start3A_968 : memref<1x64xf32, #tpu.memory_space<hbm>> -> memref<64xf32, #tpu.memory_space<hbm>>
        %dma_start3A_970 = arith.constant 0 : i32
        %dma_start3A_971 = tpu.memref_slice %arg2[%run_scoped3A, %dma_start3A_970] : memref<4x64xf32, #tpu.memory_space<hbm>> -> memref<1x64xf32, #tpu.memory_space<hbm>>
        %dma_start3A_972 = tpu.memref_squeeze %dma_start3A_971 : memref<1x64xf32, #tpu.memory_space<hbm>> -> memref<64xf32, #tpu.memory_space<hbm>>
        tpu.enqueue_dma source(%dma_start3A_972 : memref<64xf32, #tpu.memory_space<hbm>>) target(%arg4 : memref<64xf32, #tpu.memory_space<vmem>>) target_semaphore(%run_scoped3A_967 : memref<!tpu.dma_semaphore, #tpu.memory_space<semaphore_mem>>)
        %dma_wait3A = arith.constant 0 : i32
        %dma_wait3A_973 = tpu.memref_slice %arg2[%run_scoped3A, %dma_wait3A] : memref<4x64xf32, #tpu.memory_space<hbm>> -> memref<1x64xf32, #tpu.memory_space<hbm>>
        %dma_wait3A_974 = tpu.memref_squeeze %dma_wait3A_973 : memref<1x64xf32, #tpu.memory_space<hbm>> -> memref<64xf32, #tpu.memory_space<hbm>>
        %dma_wait3A_975 = arith.constant 0 : i32
        %dma_wait3A_976 = tpu.memref_slice %arg2[%run_scoped3A, %dma_wait3A_975] : memref<4x64xf32, #tpu.memory_space<hbm>> -> memref<1x64xf32, #tpu.memory_space<hbm>>
        %dma_wait3A_977 = tpu.memref_squeeze %dma_wait3A_976 : memref<1x64xf32, #tpu.memory_space<hbm>> -> memref<64xf32, #tpu.memory_space<hbm>>
        tpu.wait_dma2 semaphore(%run_scoped3A_967 : memref<!tpu.dma_semaphore, #tpu.memory_space<semaphore_mem>>) src(%dma_wait3A_977 : memref<64xf32, #tpu.memory_space<hbm>>) dst(%arg4 : memref<64xf32, #tpu.memory_space<vmem>>)
        tpu.yield
      }) : () -> ()
      %broadcast_in_dim3A_33 = arith.constant 0 : i32
      %broadcast_in_dim3A_34 = vector.broadcast %broadcast_in_dim3A_33 : i32 to vector<16xi32>
      %get3A = arith.constant 0 : index
      %get3A_35 = tpu.vector_load %arg4[%get3A] {strides = array<i32>} : memref<64xf32, #tpu.memory_space<vmem>>, vector<16xf32>,
      %get3A_36 = arith.constant 16 : index
      %get3A_37 = tpu.vector_load %arg4[%get3A_36] {strides = array<i32>} : memref<64xf32, #tpu.memory_space<vmem>>, vector<16xf32>,
      %get3A_38 = arith.constant 32 : index
      %get3A_39 = tpu.vector_load %arg4[%get3A_38] {strides = array<i32>} : memref<64xf32, #tpu.memory_space<vmem>>, vector<16xf32>,
      %get3A_40 = arith.constant 48 : index
      %get3A_41 = tpu.vector_load %arg4[%get3A_40] {strides = array<i32>} : memref<64xf32, #tpu.memory_space<vmem>>, vector<16xf32>,
      %max3A = arith.maximumf %get3A_35, %get3A_37 : vector<16xf32>
      %max3A_42 = arith.maximumf %get3A_39, %get3A_41 : vector<16xf32>
      %max3A_43 = arith.maximumf %max3A, %max3A_42 : vector<16xf32>
      %swap3A = arith.constant 0 : index
      %swap3A_44 = tpu.vector_load %arg6[%swap3A] {strides = array<i32>} : memref<16xf32, #tpu.memory_space<vmem>>, vector<16xf32>,
      tpu.vector_store %arg6[%swap3A], %max3A_43 {strides = array<i32>} : memref<16xf32, #tpu.memory_space<vmem>>, vector<16xf32>,
      %xor3A = arith.constant 8 : i32
      %xor3A_45 = vector.broadcast %xor3A : i32 to vector<16xi32>
      %xor3A_46 = arith.xori %iota3A, %xor3A_45 : vector<16xi32>
      %gather3A = tpu.vector_load_idx %arg6[%xor3A_46] : memref<16xf32, #tpu.memory_space<vmem>>[vector<16xi32>], vector<16xf32>,
      %max3A_47 = arith.maximumf %max3A_43, %gather3A : vector<16xf32>
      %swap3A_48 = arith.constant 0 : index
      %swap3A_49 = tpu.vector_load %arg6[%swap3A_48] {strides = array<i32>} : memref<16xf32, #tpu.memory_space<vmem>>, vector<16xf32>,
      tpu.vector_store %arg6[%swap3A_48], %max3A_47 {strides = array<i32>} : memref<16xf32, #tpu.memory_space<vmem>>, vector<16xf32>,
      %xor3A_50 = arith.constant 4 : i32
      %xor3A_51 = vector.broadcast %xor3A_50 : i32 to vector<16xi32>
      %xor3A_52 = arith.xori %iota3A, %xor3A_51 : vector<16xi32>
      %gather3A_53 = tpu.vector_load_idx %arg6[%xor3A_52] : memref<16xf32, #tpu.memory_space<vmem>>[vector<16xi32>], vector<16xf32>,
      %max3A_54 = arith.maximumf %max3A_47, %gather3A_53 : vector<16xf32>
      %swap3A_55 = arith.constant 0 : index
      %swap3A_56 = tpu.vector_load %arg6[%swap3A_55] {strides = array<i32>} : memref<16xf32, #tpu.memory_space<vmem>>, vector<16xf32>,
      tpu.vector_store %arg6[%swap3A_55], %max3A_54 {strides = array<i32>} : memref<16xf32, #tpu.memory_space<vmem>>, vector<16xf32>,
      %xor3A_57 = arith.constant 2 : i32
      %xor3A_58 = vector.broadcast %xor3A_57 : i32 to vector<16xi32>
      %xor3A_59 = arith.xori %iota3A, %xor3A_58 : vector<16xi32>
      %gather3A_60 = tpu.vector_load_idx %arg6[%xor3A_59] : memref<16xf32, #tpu.memory_space<vmem>>[vector<16xi32>], vector<16xf32>,
      %max3A_61 = arith.maximumf %max3A_54, %gather3A_60 : vector<16xf32>
      %swap3A_62 = arith.constant 0 : index
      %swap3A_63 = tpu.vector_load %arg6[%swap3A_62] {strides = array<i32>} : memref<16xf32, #tpu.memory_space<vmem>>, vector<16xf32>,
      tpu.vector_store %arg6[%swap3A_62], %max3A_61 {strides = array<i32>} : memref<16xf32, #tpu.memory_space<vmem>>, vector<16xf32>,
      %xor3A_64 = arith.constant 1 : i32
      %xor3A_65 = vector.broadcast %xor3A_64 : i32 to vector<16xi32>
      %xor3A_66 = arith.xori %iota3A, %xor3A_65 : vector<16xi32>
      %gather3A_67 = tpu.vector_load_idx %arg6[%xor3A_66] : memref<16xf32, #tpu.memory_space<vmem>>[vector<16xi32>], vector<16xf32>,
      %max3A_68 = arith.maximumf %max3A_61, %gather3A_67 : vector<16xf32>
      %eq3A_69 = arith.cmpf oeq, %get3A_35, %max3A_68 : vector<16xf32>
      %add3A = arith.constant 0 : i32
      %add3A_70 = vector.broadcast %add3A : i32 to vector<16xi32>
      %add3A_71 = arith.addi %iota3A, %add3A_70 : vector<16xi32>
      %select_n3A = arith.select %eq3A_69, %add3A_71, %broadcast_in_dim3A_0 : vector<16xi1>, vector<16xi32>
      %min3A = arith.minsi %broadcast_in_dim3A_0, %select_n3A : vector<16xi32>
      %eq3A_72 = arith.cmpf oeq, %get3A_37, %max3A_68 : vector<16xf32>
      %add3A_73 = arith.constant 16 : i32
      %add3A_74 = vector.broadcast %add3A_73 : i32 to vector<16xi32>
      %add3A_75 = arith.addi %iota3A, %add3A_74 : vector<16xi32>
      %select_n3A_76 = arith.select %eq3A_72, %add3A_75, %broadcast_in_dim3A_0 : vector<16xi1>, vector<16xi32>
      %min3A_77 = arith.minsi %min3A, %select_n3A_76 : vector<16xi32>
      %eq3A_78 = arith.cmpf oeq, %get3A_39, %max3A_68 : vector<16xf32>
      %add3A_79 = arith.constant 32 : i32
      %add3A_80 = vector.broadcast %add3A_79 : i32 to vector<16xi32>
      %add3A_81 = arith.addi %iota3A, %add3A_80 : vector<16xi32>
      %select_n3A_82 = arith.select %eq3A_78, %add3A_81, %broadcast_in_dim3A_0 : vector<16xi1>, vector<16xi32>
      %min3A_83 = arith.minsi %min3A_77, %select_n3A_82 : vector<16xi32>
      %eq3A_84 = arith.cmpf oeq, %get3A_41, %max3A_68 : vector<16xf32>
      %add3A_85 = arith.constant 48 : i32
      %add3A_86 = vector.broadcast %add3A_85 : i32 to vector<16xi32>
      %add3A_87 = arith.addi %iota3A, %add3A_86 : vector<16xi32>
      %select_n3A_88 = arith.select %eq3A_84, %add3A_87, %broadcast_in_dim3A_0 : vector<16xi1>, vector<16xi32>
      %min3A_89 = arith.minsi %min3A_83, %select_n3A_88 : vector<16xi32>
      %swap3A_90 = arith.constant 0 : index
      %swap3A_91 = tpu.vector_load %arg7[%swap3A_90] {strides = array<i32>} : memref<16xi32, #tpu.memory_space<vmem>>, vector<16xi32>,
      tpu.vector_store %arg7[%swap3A_90], %min3A_89 {strides = array<i32>} : memref<16xi32, #tpu.memory_space<vmem>>, vector<16xi32>,
      %xor3A_92 = arith.constant 8 : i32
      %xor3A_93 = vector.broadcast %xor3A_92 : i32 to vector<16xi32>
      %xor3A_94 = arith.xori %iota3A, %xor3A_93 : vector<16xi32>
      %gather3A_95 = tpu.vector_load_idx %arg7[%xor3A_94] : memref<16xi32, #tpu.memory_space<vmem>>[vector<16xi32>], vector<16xi32>,
      %min3A_96 = arith.minsi %min3A_89, %gather3A_95 : vector<16xi32>
      %swap3A_97 = arith.constant 0 : index
      %swap3A_98 = tpu.vector_load %arg7[%swap3A_97] {strides = array<i32>} : memref<16xi32, #tpu.memory_space<vmem>>, vector<16xi32>,
      tpu.vector_store %arg7[%swap3A_97], %min3A_96 {strides = array<i32>} : memref<16xi32, #tpu.memory_space<vmem>>, vector<16xi32>,
      %xor3A_99 = arith.constant 4 : i32
      %xor3A_100 = vector.broadcast %xor3A_99 : i32 to vector<16xi32>
      %xor3A_101 = arith.xori %iota3A, %xor3A_100 : vector<16xi32>
      %gather3A_102 = tpu.vector_load_idx %arg7[%xor3A_101] : memref<16xi32, #tpu.memory_space<vmem>>[vector<16xi32>], vector<16xi32>,
      %min3A_103 = arith.minsi %min3A_96, %gather3A_102 : vector<16xi32>
      %swap3A_104 = arith.constant 0 : index
      %swap3A_105 = tpu.vector_load %arg7[%swap3A_104] {strides = array<i32>} : memref<16xi32, #tpu.memory_space<vmem>>, vector<16xi32>,
      tpu.vector_store %arg7[%swap3A_104], %min3A_103 {strides = array<i32>} : memref<16xi32, #tpu.memory_space<vmem>>, vector<16xi32>,
      %xor3A_106 = arith.constant 2 : i32
      %xor3A_107 = vector.broadcast %xor3A_106 : i32 to vector<16xi32>
      %xor3A_108 = arith.xori %iota3A, %xor3A_107 : vector<16xi32>
      %gather3A_109 = tpu.vector_load_idx %arg7[%xor3A_108] : memref<16xi32, #tpu.memory_space<vmem>>[vector<16xi32>], vector<16xi32>,
      %min3A_110 = arith.minsi %min3A_103, %gather3A_109 : vector<16xi32>
      %swap3A_111 = arith.constant 0 : index
      %swap3A_112 = tpu.vector_load %arg7[%swap3A_111] {strides = array<i32>} : memref<16xi32, #tpu.memory_space<vmem>>, vector<16xi32>,
      tpu.vector_store %arg7[%swap3A_111], %min3A_110 {strides = array<i32>} : memref<16xi32, #tpu.memory_space<vmem>>, vector<16xi32>,
      %xor3A_113 = arith.constant 1 : i32
      %xor3A_114 = vector.broadcast %xor3A_113 : i32 to vector<16xi32>
      %xor3A_115 = arith.xori %iota3A, %xor3A_114 : vector<16xi32>
      %gather3A_116 = tpu.vector_load_idx %arg7[%xor3A_115] : memref<16xi32, #tpu.memory_space<vmem>>[vector<16xi32>], vector<16xi32>,
      %min3A_117 = arith.minsi %min3A_110, %gather3A_116 : vector<16xi32>
      %neg3A = arith.constant 0.000000e+00 : f32
      %neg3A_118 = arith.subf %neg3A, %cond3A_12 : f32
      %add3A_119 = arith.constant 0 : i32
      %add3A_120 = vector.broadcast %add3A_119 : i32 to vector<16xi32>
      %add3A_121 = arith.addi %iota3A, %add3A_120 : vector<16xi32>
      %eq3A_122 = arith.cmpi eq, %add3A_121, %min3A_117 : vector<16xi32>
      %broadcast_in_dim3A_123 = vector.broadcast %neg3A_118 : f32 to vector<16xf32>
      %select_n3A_124 = arith.select %eq3A_122, %broadcast_in_dim3A_123, %get3A_35 : vector<16xi1>, vector<16xf32>
      %add3A_125 = arith.constant 16 : i32
      %add3A_126 = vector.broadcast %add3A_125 : i32 to vector<16xi32>
      %add3A_127 = arith.addi %iota3A, %add3A_126 : vector<16xi32>
      %eq3A_128 = arith.cmpi eq, %add3A_127, %min3A_117 : vector<16xi32>
      %broadcast_in_dim3A_129 = vector.broadcast %neg3A_118 : f32 to vector<16xf32>
      %select_n3A_130 = arith.select %eq3A_128, %broadcast_in_dim3A_129, %get3A_37 : vector<16xi1>, vector<16xf32>
      %add3A_131 = arith.constant 32 : i32
      %add3A_132 = vector.broadcast %add3A_131 : i32 to vector<16xi32>
      %add3A_133 = arith.addi %iota3A, %add3A_132 : vector<16xi32>
      %eq3A_134 = arith.cmpi eq, %add3A_133, %min3A_117 : vector<16xi32>
      %broadcast_in_dim3A_135 = vector.broadcast %neg3A_118 : f32 to vector<16xf32>
      %select_n3A_136 = arith.select %eq3A_134, %broadcast_in_dim3A_135, %get3A_39 : vector<16xi1>, vector<16xf32>
      %add3A_137 = arith.constant 48 : i32
      %add3A_138 = vector.broadcast %add3A_137 : i32 to vector<16xi32>
      %add3A_139 = arith.addi %iota3A, %add3A_138 : vector<16xi32>
      %eq3A_140 = arith.cmpi eq, %add3A_139, %min3A_117 : vector<16xi32>
      %broadcast_in_dim3A_141 = vector.broadcast %neg3A_118 : f32 to vector<16xf32>
      %select_n3A_142 = arith.select %eq3A_140, %broadcast_in_dim3A_141, %get3A_41 : vector<16xi1>, vector<16xf32>
      %eq3A_143 = arith.constant 0 : i32
      %eq3A_144 = vector.broadcast %eq3A_143 : i32 to vector<16xi32>
      %eq3A_145 = arith.cmpi eq, %iota3A, %eq3A_144 : vector<16xi32>
      %select_n3A_146 = arith.select %eq3A_145, %min3A_117, %broadcast_in_dim3A_34 : vector<16xi1>, vector<16xi32>
      %max3A_147 = arith.maximumf %select_n3A_124, %select_n3A_130 : vector<16xf32>
      %max3A_148 = arith.maximumf %select_n3A_136, %select_n3A_142 : vector<16xf32>
      %max3A_149 = arith.maximumf %max3A_147, %max3A_148 : vector<16xf32>
      %swap3A_150 = arith.constant 0 : index
      %swap3A_151 = tpu.vector_load %arg6[%swap3A_150] {strides = array<i32>} : memref<16xf32, #tpu.memory_space<vmem>>, vector<16xf32>,
      tpu.vector_store %arg6[%swap3A_150], %max3A_149 {strides = array<i32>} : memref<16xf32, #tpu.memory_space<vmem>>, vector<16xf32>,
      %xor3A_152 = arith.constant 8 : i32
      %xor3A_153 = vector.broadcast %xor3A_152 : i32 to vector<16xi32>
      %xor3A_154 = arith.xori %iota3A, %xor3A_153 : vector<16xi32>
      %gather3A_155 = tpu.vector_load_idx %arg6[%xor3A_154] : memref<16xf32, #tpu.memory_space<vmem>>[vector<16xi32>], vector<16xf32>,
      %max3A_156 = arith.maximumf %max3A_149, %gather3A_155 : vector<16xf32>
      %swap3A_157 = arith.constant 0 : index
      %swap3A_158 = tpu.vector_load %arg6[%swap3A_157] {strides = array<i32>} : memref<16xf32, #tpu.memory_space<vmem>>, vector<16xf32>,
      tpu.vector_store %arg6[%swap3A_157], %max3A_156 {strides = array<i32>} : memref<16xf32, #tpu.memory_space<vmem>>, vector<16xf32>,
      %xor3A_159 = arith.constant 4 : i32
      %xor3A_160 = vector.broadcast %xor3A_159 : i32 to vector<16xi32>
      %xor3A_161 = arith.xori %iota3A, %xor3A_160 : vector<16xi32>
      %gather3A_162 = tpu.vector_load_idx %arg6[%xor3A_161] : memref<16xf32, #tpu.memory_space<vmem>>[vector<16xi32>], vector<16xf32>,
      %max3A_163 = arith.maximumf %max3A_156, %gather3A_162 : vector<16xf32>
      %swap3A_164 = arith.constant 0 : index
      %swap3A_165 = tpu.vector_load %arg6[%swap3A_164] {strides = array<i32>} : memref<16xf32, #tpu.memory_space<vmem>>, vector<16xf32>,
      tpu.vector_store %arg6[%swap3A_164], %max3A_163 {strides = array<i32>} : memref<16xf32, #tpu.memory_space<vmem>>, vector<16xf32>,
      %xor3A_166 = arith.constant 2 : i32
      %xor3A_167 = vector.broadcast %xor3A_166 : i32 to vector<16xi32>
      %xor3A_168 = arith.xori %iota3A, %xor3A_167 : vector<16xi32>
      %gather3A_169 = tpu.vector_load_idx %arg6[%xor3A_168] : memref<16xf32, #tpu.memory_space<vmem>>[vector<16xi32>], vector<16xf32>,
      %max3A_170 = arith.maximumf %max3A_163, %gather3A_169 : vector<16xf32>
      %swap3A_171 = arith.constant 0 : index
      %swap3A_172 = tpu.vector_load %arg6[%swap3A_171] {strides = array<i32>} : memref<16xf32, #tpu.memory_space<vmem>>, vector<16xf32>,
      tpu.vector_store %arg6[%swap3A_171], %max3A_170 {strides = array<i32>} : memref<16xf32, #tpu.memory_space<vmem>>, vector<16xf32>,
      %xor3A_173 = arith.constant 1 : i32
      %xor3A_174 = vector.broadcast %xor3A_173 : i32 to vector<16xi32>
      %xor3A_175 = arith.xori %iota3A, %xor3A_174 : vector<16xi32>
      %gather3A_176 = tpu.vector_load_idx %arg6[%xor3A_175] : memref<16xf32, #tpu.memory_space<vmem>>[vector<16xi32>], vector<16xf32>,
      %max3A_177 = arith.maximumf %max3A_170, %gather3A_176 : vector<16xf32>
      %eq3A_178 = arith.cmpf oeq, %select_n3A_124, %max3A_177 : vector<16xf32>
      %add3A_179 = arith.constant 0 : i32
      %add3A_180 = vector.broadcast %add3A_179 : i32 to vector<16xi32>
      %add3A_181 = arith.addi %iota3A, %add3A_180 : vector<16xi32>
      %select_n3A_182 = arith.select %eq3A_178, %add3A_181, %broadcast_in_dim3A_0 : vector<16xi1>, vector<16xi32>
      %min3A_183 = arith.minsi %broadcast_in_dim3A_0, %select_n3A_182 : vector<16xi32>
      %eq3A_184 = arith.cmpf oeq, %select_n3A_130, %max3A_177 : vector<16xf32>
      %add3A_185 = arith.constant 16 : i32
      %add3A_186 = vector.broadcast %add3A_185 : i32 to vector<16xi32>
      %add3A_187 = arith.addi %iota3A, %add3A_186 : vector<16xi32>
      %select_n3A_188 = arith.select %eq3A_184, %add3A_187, %broadcast_in_dim3A_0 : vector<16xi1>, vector<16xi32>
      %min3A_189 = arith.minsi %min3A_183, %select_n3A_188 : vector<16xi32>
      %eq3A_190 = arith.cmpf oeq, %select_n3A_136, %max3A_177 : vector<16xf32>
      %add3A_191 = arith.constant 32 : i32
      %add3A_192 = vector.broadcast %add3A_191 : i32 to vector<16xi32>
      %add3A_193 = arith.addi %iota3A, %add3A_192 : vector<16xi32>
      %select_n3A_194 = arith.select %eq3A_190, %add3A_193, %broadcast_in_dim3A_0 : vector<16xi1>, vector<16xi32>
      %min3A_195 = arith.minsi %min3A_189, %select_n3A_194 : vector<16xi32>
      %eq3A_196 = arith.cmpf oeq, %select_n3A_142, %max3A_177 : vector<16xf32>
      %add3A_197 = arith.constant 48 : i32
      %add3A_198 = vector.broadcast %add3A_197 : i32 to vector<16xi32>
      %add3A_199 = arith.addi %iota3A, %add3A_198 : vector<16xi32>
      %select_n3A_200 = arith.select %eq3A_196, %add3A_199, %broadcast_in_dim3A_0 : vector<16xi1>, vector<16xi32>
      %min3A_201 = arith.minsi %min3A_195, %select_n3A_200 : vector<16xi32>
      %swap3A_202 = arith.constant 0 : index
      %swap3A_203 = tpu.vector_load %arg7[%swap3A_202] {strides = array<i32>} : memref<16xi32, #tpu.memory_space<vmem>>, vector<16xi32>,
      tpu.vector_store %arg7[%swap3A_202], %min3A_201 {strides = array<i32>} : memref<16xi32, #tpu.memory_space<vmem>>, vector<16xi32>,
      %xor3A_204 = arith.constant 8 : i32
      %xor3A_205 = vector.broadcast %xor3A_204 : i32 to vector<16xi32>
      %xor3A_206 = arith.xori %iota3A, %xor3A_205 : vector<16xi32>
      %gather3A_207 = tpu.vector_load_idx %arg7[%xor3A_206] : memref<16xi32, #tpu.memory_space<vmem>>[vector<16xi32>], vector<16xi32>,
      %min3A_208 = arith.minsi %min3A_201, %gather3A_207 : vector<16xi32>
      %swap3A_209 = arith.constant 0 : index
      %swap3A_210 = tpu.vector_load %arg7[%swap3A_209] {strides = array<i32>} : memref<16xi32, #tpu.memory_space<vmem>>, vector<16xi32>,
      tpu.vector_store %arg7[%swap3A_209], %min3A_208 {strides = array<i32>} : memref<16xi32, #tpu.memory_space<vmem>>, vector<16xi32>,
      %xor3A_211 = arith.constant 4 : i32
      %xor3A_212 = vector.broadcast %xor3A_211 : i32 to vector<16xi32>
      %xor3A_213 = arith.xori %iota3A, %xor3A_212 : vector<16xi32>
      %gather3A_214 = tpu.vector_load_idx %arg7[%xor3A_213] : memref<16xi32, #tpu.memory_space<vmem>>[vector<16xi32>], vector<16xi32>,
      %min3A_215 = arith.minsi %min3A_208, %gather3A_214 : vector<16xi32>
      %swap3A_216 = arith.constant 0 : index
      %swap3A_217 = tpu.vector_load %arg7[%swap3A_216] {strides = array<i32>} : memref<16xi32, #tpu.memory_space<vmem>>, vector<16xi32>,
      tpu.vector_store %arg7[%swap3A_216], %min3A_215 {strides = array<i32>} : memref<16xi32, #tpu.memory_space<vmem>>, vector<16xi32>,
      %xor3A_218 = arith.constant 2 : i32
      %xor3A_219 = vector.broadcast %xor3A_218 : i32 to vector<16xi32>
      %xor3A_220 = arith.xori %iota3A, %xor3A_219 : vector<16xi32>
      %gather3A_221 = tpu.vector_load_idx %arg7[%xor3A_220] : memref<16xi32, #tpu.memory_space<vmem>>[vector<16xi32>], vector<16xi32>,
      %min3A_222 = arith.minsi %min3A_215, %gather3A_221 : vector<16xi32>
      %swap3A_223 = arith.constant 0 : index
      %swap3A_224 = tpu.vector_load %arg7[%swap3A_223] {strides = array<i32>} : memref<16xi32, #tpu.memory_space<vmem>>, vector<16xi32>,
      tpu.vector_store %arg7[%swap3A_223], %min3A_222 {strides = array<i32>} : memref<16xi32, #tpu.memory_space<vmem>>, vector<16xi32>,
      %xor3A_225 = arith.constant 1 : i32
      %xor3A_226 = vector.broadcast %xor3A_225 : i32 to vector<16xi32>
      %xor3A_227 = arith.xori %iota3A, %xor3A_226 : vector<16xi32>
      %gather3A_228 = tpu.vector_load_idx %arg7[%xor3A_227] : memref<16xi32, #tpu.memory_space<vmem>>[vector<16xi32>], vector<16xi32>,
      %min3A_229 = arith.minsi %min3A_222, %gather3A_228 : vector<16xi32>
      %neg3A_230 = arith.constant 0.000000e+00 : f32
      %neg3A_231 = arith.subf %neg3A_230, %cond3A_12 : f32
      %add3A_232 = arith.constant 0 : i32
      %add3A_233 = vector.broadcast %add3A_232 : i32 to vector<16xi32>
      %add3A_234 = arith.addi %iota3A, %add3A_233 : vector<16xi32>
      %eq3A_235 = arith.cmpi eq, %add3A_234, %min3A_229 : vector<16xi32>
      %broadcast_in_dim3A_236 = vector.broadcast %neg3A_231 : f32 to vector<16xf32>
      %select_n3A_237 = arith.select %eq3A_235, %broadcast_in_dim3A_236, %select_n3A_124 : vector<16xi1>, vector<16xf32>
      %add3A_238 = arith.constant 16 : i32
      %add3A_239 = vector.broadcast %add3A_238 : i32 to vector<16xi32>
      %add3A_240 = arith.addi %iota3A, %add3A_239 : vector<16xi32>
      %eq3A_241 = arith.cmpi eq, %add3A_240, %min3A_229 : vector<16xi32>
      %broadcast_in_dim3A_242 = vector.broadcast %neg3A_231 : f32 to vector<16xf32>
      %select_n3A_243 = arith.select %eq3A_241, %broadcast_in_dim3A_242, %select_n3A_130 : vector<16xi1>, vector<16xf32>
      %add3A_244 = arith.constant 32 : i32
      %add3A_245 = vector.broadcast %add3A_244 : i32 to vector<16xi32>
      %add3A_246 = arith.addi %iota3A, %add3A_245 : vector<16xi32>
      %eq3A_247 = arith.cmpi eq, %add3A_246, %min3A_229 : vector<16xi32>
      %broadcast_in_dim3A_248 = vector.broadcast %neg3A_231 : f32 to vector<16xf32>
      %select_n3A_249 = arith.select %eq3A_247, %broadcast_in_dim3A_248, %select_n3A_136 : vector<16xi1>, vector<16xf32>
      %add3A_250 = arith.constant 48 : i32
      %add3A_251 = vector.broadcast %add3A_250 : i32 to vector<16xi32>
      %add3A_252 = arith.addi %iota3A, %add3A_251 : vector<16xi32>
      %eq3A_253 = arith.cmpi eq, %add3A_252, %min3A_229 : vector<16xi32>
      %broadcast_in_dim3A_254 = vector.broadcast %neg3A_231 : f32 to vector<16xf32>
      %select_n3A_255 = arith.select %eq3A_253, %broadcast_in_dim3A_254, %select_n3A_142 : vector<16xi1>, vector<16xf32>
      %eq3A_256 = arith.constant 1 : i32
      %eq3A_257 = vector.broadcast %eq3A_256 : i32 to vector<16xi32>
      %eq3A_258 = arith.cmpi eq, %iota3A, %eq3A_257 : vector<16xi32>
      %select_n3A_259 = arith.select %eq3A_258, %min3A_229, %select_n3A_146 : vector<16xi1>, vector<16xi32>
      %max3A_260 = arith.maximumf %select_n3A_237, %select_n3A_243 : vector<16xf32>
      %max3A_261 = arith.maximumf %select_n3A_249, %select_n3A_255 : vector<16xf32>
      %max3A_262 = arith.maximumf %max3A_260, %max3A_261 : vector<16xf32>
      %swap3A_263 = arith.constant 0 : index
      %swap3A_264 = tpu.vector_load %arg6[%swap3A_263] {strides = array<i32>} : memref<16xf32, #tpu.memory_space<vmem>>, vector<16xf32>,
      tpu.vector_store %arg6[%swap3A_263], %max3A_262 {strides = array<i32>} : memref<16xf32, #tpu.memory_space<vmem>>, vector<16xf32>,
      %xor3A_265 = arith.constant 8 : i32
      %xor3A_266 = vector.broadcast %xor3A_265 : i32 to vector<16xi32>
      %xor3A_267 = arith.xori %iota3A, %xor3A_266 : vector<16xi32>
      %gather3A_268 = tpu.vector_load_idx %arg6[%xor3A_267] : memref<16xf32, #tpu.memory_space<vmem>>[vector<16xi32>], vector<16xf32>,
      %max3A_269 = arith.maximumf %max3A_262, %gather3A_268 : vector<16xf32>
      %swap3A_270 = arith.constant 0 : index
      %swap3A_271 = tpu.vector_load %arg6[%swap3A_270] {strides = array<i32>} : memref<16xf32, #tpu.memory_space<vmem>>, vector<16xf32>,
      tpu.vector_store %arg6[%swap3A_270], %max3A_269 {strides = array<i32>} : memref<16xf32, #tpu.memory_space<vmem>>, vector<16xf32>,
      %xor3A_272 = arith.constant 4 : i32
      %xor3A_273 = vector.broadcast %xor3A_272 : i32 to vector<16xi32>
      %xor3A_274 = arith.xori %iota3A, %xor3A_273 : vector<16xi32>
      %gather3A_275 = tpu.vector_load_idx %arg6[%xor3A_274] : memref<16xf32, #tpu.memory_space<vmem>>[vector<16xi32>], vector<16xf32>,
      %max3A_276 = arith.maximumf %max3A_269, %gather3A_275 : vector<16xf32>
      %swap3A_277 = arith.constant 0 : index
      %swap3A_278 = tpu.vector_load %arg6[%swap3A_277] {strides = array<i32>} : memref<16xf32, #tpu.memory_space<vmem>>, vector<16xf32>,
      tpu.vector_store %arg6[%swap3A_277], %max3A_276 {strides = array<i32>} : memref<16xf32, #tpu.memory_space<vmem>>, vector<16xf32>,
      %xor3A_279 = arith.constant 2 : i32
      %xor3A_280 = vector.broadcast %xor3A_279 : i32 to vector<16xi32>
      %xor3A_281 = arith.xori %iota3A, %xor3A_280 : vector<16xi32>
      %gather3A_282 = tpu.vector_load_idx %arg6[%xor3A_281] : memref<16xf32, #tpu.memory_space<vmem>>[vector<16xi32>], vector<16xf32>,
      %max3A_283 = arith.maximumf %max3A_276, %gather3A_282 : vector<16xf32>
      %swap3A_284 = arith.constant 0 : index
      %swap3A_285 = tpu.vector_load %arg6[%swap3A_284] {strides = array<i32>} : memref<16xf32, #tpu.memory_space<vmem>>, vector<16xf32>,
      tpu.vector_store %arg6[%swap3A_284], %max3A_283 {strides = array<i32>} : memref<16xf32, #tpu.memory_space<vmem>>, vector<16xf32>,
      %xor3A_286 = arith.constant 1 : i32
      %xor3A_287 = vector.broadcast %xor3A_286 : i32 to vector<16xi32>
      %xor3A_288 = arith.xori %iota3A, %xor3A_287 : vector<16xi32>
      %gather3A_289 = tpu.vector_load_idx %arg6[%xor3A_288] : memref<16xf32, #tpu.memory_space<vmem>>[vector<16xi32>], vector<16xf32>,
      %max3A_290 = arith.maximumf %max3A_283, %gather3A_289 : vector<16xf32>
      %eq3A_291 = arith.cmpf oeq, %select_n3A_237, %max3A_290 : vector<16xf32>
      %add3A_292 = arith.constant 0 : i32
      %add3A_293 = vector.broadcast %add3A_292 : i32 to vector<16xi32>
      %add3A_294 = arith.addi %iota3A, %add3A_293 : vector<16xi32>
      %select_n3A_295 = arith.select %eq3A_291, %add3A_294, %broadcast_in_dim3A_0 : vector<16xi1>, vector<16xi32>
      %min3A_296 = arith.minsi %broadcast_in_dim3A_0, %select_n3A_295 : vector<16xi32>
      %eq3A_297 = arith.cmpf oeq, %select_n3A_243, %max3A_290 : vector<16xf32>
      %add3A_298 = arith.constant 16 : i32
      %add3A_299 = vector.broadcast %add3A_298 : i32 to vector<16xi32>
      %add3A_300 = arith.addi %iota3A, %add3A_299 : vector<16xi32>
      %select_n3A_301 = arith.select %eq3A_297, %add3A_300, %broadcast_in_dim3A_0 : vector<16xi1>, vector<16xi32>
      %min3A_302 = arith.minsi %min3A_296, %select_n3A_301 : vector<16xi32>
      %eq3A_303 = arith.cmpf oeq, %select_n3A_249, %max3A_290 : vector<16xf32>
      %add3A_304 = arith.constant 32 : i32
      %add3A_305 = vector.broadcast %add3A_304 : i32 to vector<16xi32>
      %add3A_306 = arith.addi %iota3A, %add3A_305 : vector<16xi32>
      %select_n3A_307 = arith.select %eq3A_303, %add3A_306, %broadcast_in_dim3A_0 : vector<16xi1>, vector<16xi32>
      %min3A_308 = arith.minsi %min3A_302, %select_n3A_307 : vector<16xi32>
      %eq3A_309 = arith.cmpf oeq, %select_n3A_255, %max3A_290 : vector<16xf32>
      %add3A_310 = arith.constant 48 : i32
      %add3A_311 = vector.broadcast %add3A_310 : i32 to vector<16xi32>
      %add3A_312 = arith.addi %iota3A, %add3A_311 : vector<16xi32>
      %select_n3A_313 = arith.select %eq3A_309, %add3A_312, %broadcast_in_dim3A_0 : vector<16xi1>, vector<16xi32>
      %min3A_314 = arith.minsi %min3A_308, %select_n3A_313 : vector<16xi32>
      %swap3A_315 = arith.constant 0 : index
      %swap3A_316 = tpu.vector_load %arg7[%swap3A_315] {strides = array<i32>} : memref<16xi32, #tpu.memory_space<vmem>>, vector<16xi32>,
      tpu.vector_store %arg7[%swap3A_315], %min3A_314 {strides = array<i32>} : memref<16xi32, #tpu.memory_space<vmem>>, vector<16xi32>,
      %xor3A_317 = arith.constant 8 : i32
      %xor3A_318 = vector.broadcast %xor3A_317 : i32 to vector<16xi32>
      %xor3A_319 = arith.xori %iota3A, %xor3A_318 : vector<16xi32>
      %gather3A_320 = tpu.vector_load_idx %arg7[%xor3A_319] : memref<16xi32, #tpu.memory_space<vmem>>[vector<16xi32>], vector<16xi32>,
      %min3A_321 = arith.minsi %min3A_314, %gather3A_320 : vector<16xi32>
      %swap3A_322 = arith.constant 0 : index
      %swap3A_323 = tpu.vector_load %arg7[%swap3A_322] {strides = array<i32>} : memref<16xi32, #tpu.memory_space<vmem>>, vector<16xi32>,
      tpu.vector_store %arg7[%swap3A_322], %min3A_321 {strides = array<i32>} : memref<16xi32, #tpu.memory_space<vmem>>, vector<16xi32>,
      %xor3A_324 = arith.constant 4 : i32
      %xor3A_325 = vector.broadcast %xor3A_324 : i32 to vector<16xi32>
      %xor3A_326 = arith.xori %iota3A, %xor3A_325 : vector<16xi32>
      %gather3A_327 = tpu.vector_load_idx %arg7[%xor3A_326] : memref<16xi32, #tpu.memory_space<vmem>>[vector<16xi32>], vector<16xi32>,
      %min3A_328 = arith.minsi %min3A_321, %gather3A_327 : vector<16xi32>
      %swap3A_329 = arith.constant 0 : index
      %swap3A_330 = tpu.vector_load %arg7[%swap3A_329] {strides = array<i32>} : memref<16xi32, #tpu.memory_space<vmem>>, vector<16xi32>,
      tpu.vector_store %arg7[%swap3A_329], %min3A_328 {strides = array<i32>} : memref<16xi32, #tpu.memory_space<vmem>>, vector<16xi32>,
      %xor3A_331 = arith.constant 2 : i32
      %xor3A_332 = vector.broadcast %xor3A_331 : i32 to vector<16xi32>
      %xor3A_333 = arith.xori %iota3A, %xor3A_332 : vector<16xi32>
      %gather3A_334 = tpu.vector_load_idx %arg7[%xor3A_333] : memref<16xi32, #tpu.memory_space<vmem>>[vector<16xi32>], vector<16xi32>,
      %min3A_335 = arith.minsi %min3A_328, %gather3A_334 : vector<16xi32>
      %swap3A_336 = arith.constant 0 : index
      %swap3A_337 = tpu.vector_load %arg7[%swap3A_336] {strides = array<i32>} : memref<16xi32, #tpu.memory_space<vmem>>, vector<16xi32>,
      tpu.vector_store %arg7[%swap3A_336], %min3A_335 {strides = array<i32>} : memref<16xi32, #tpu.memory_space<vmem>>, vector<16xi32>,
      %xor3A_338 = arith.constant 1 : i32
      %xor3A_339 = vector.broadcast %xor3A_338 : i32 to vector<16xi32>
      %xor3A_340 = arith.xori %iota3A, %xor3A_339 : vector<16xi32>
      %gather3A_341 = tpu.vector_load_idx %arg7[%xor3A_340] : memref<16xi32, #tpu.memory_space<vmem>>[vector<16xi32>], vector<16xi32>,
      %min3A_342 = arith.minsi %min3A_335, %gather3A_341 : vector<16xi32>
      %neg3A_343 = arith.constant 0.000000e+00 : f32
      %neg3A_344 = arith.subf %neg3A_343, %cond3A_12 : f32
      %add3A_345 = arith.constant 0 : i32
      %add3A_346 = vector.broadcast %add3A_345 : i32 to vector<16xi32>
      %add3A_347 = arith.addi %iota3A, %add3A_346 : vector<16xi32>
      %eq3A_348 = arith.cmpi eq, %add3A_347, %min3A_342 : vector<16xi32>
      %broadcast_in_dim3A_349 = vector.broadcast %neg3A_344 : f32 to vector<16xf32>
      %select_n3A_350 = arith.select %eq3A_348, %broadcast_in_dim3A_349, %select_n3A_237 : vector<16xi1>, vector<16xf32>
      %add3A_351 = arith.constant 16 : i32
      %add3A_352 = vector.broadcast %add3A_351 : i32 to vector<16xi32>
      %add3A_353 = arith.addi %iota3A, %add3A_352 : vector<16xi32>
      %eq3A_354 = arith.cmpi eq, %add3A_353, %min3A_342 : vector<16xi32>
      %broadcast_in_dim3A_355 = vector.broadcast %neg3A_344 : f32 to vector<16xf32>
      %select_n3A_356 = arith.select %eq3A_354, %broadcast_in_dim3A_355, %select_n3A_243 : vector<16xi1>, vector<16xf32>
      %add3A_357 = arith.constant 32 : i32
      %add3A_358 = vector.broadcast %add3A_357 : i32 to vector<16xi32>
      %add3A_359 = arith.addi %iota3A, %add3A_358 : vector<16xi32>
      %eq3A_360 = arith.cmpi eq, %add3A_359, %min3A_342 : vector<16xi32>
      %broadcast_in_dim3A_361 = vector.broadcast %neg3A_344 : f32 to vector<16xf32>
      %select_n3A_362 = arith.select %eq3A_360, %broadcast_in_dim3A_361, %select_n3A_249 : vector<16xi1>, vector<16xf32>
      %add3A_363 = arith.constant 48 : i32
      %add3A_364 = vector.broadcast %add3A_363 : i32 to vector<16xi32>
      %add3A_365 = arith.addi %iota3A, %add3A_364 : vector<16xi32>
      %eq3A_366 = arith.cmpi eq, %add3A_365, %min3A_342 : vector<16xi32>
      %broadcast_in_dim3A_367 = vector.broadcast %neg3A_344 : f32 to vector<16xf32>
      %select_n3A_368 = arith.select %eq3A_366, %broadcast_in_dim3A_367, %select_n3A_255 : vector<16xi1>, vector<16xf32>
      %eq3A_369 = arith.constant 2 : i32
      %eq3A_370 = vector.broadcast %eq3A_369 : i32 to vector<16xi32>
      %eq3A_371 = arith.cmpi eq, %iota3A, %eq3A_370 : vector<16xi32>
      %select_n3A_372 = arith.select %eq3A_371, %min3A_342, %select_n3A_259 : vector<16xi1>, vector<16xi32>
      %max3A_373 = arith.maximumf %select_n3A_350, %select_n3A_356 : vector<16xf32>
      %max3A_374 = arith.maximumf %select_n3A_362, %select_n3A_368 : vector<16xf32>
      %max3A_375 = arith.maximumf %max3A_373, %max3A_374 : vector<16xf32>
      %swap3A_376 = arith.constant 0 : index
      %swap3A_377 = tpu.vector_load %arg6[%swap3A_376] {strides = array<i32>} : memref<16xf32, #tpu.memory_space<vmem>>, vector<16xf32>,
      tpu.vector_store %arg6[%swap3A_376], %max3A_375 {strides = array<i32>} : memref<16xf32, #tpu.memory_space<vmem>>, vector<16xf32>,
      %xor3A_378 = arith.constant 8 : i32
      %xor3A_379 = vector.broadcast %xor3A_378 : i32 to vector<16xi32>
      %xor3A_380 = arith.xori %iota3A, %xor3A_379 : vector<16xi32>
      %gather3A_381 = tpu.vector_load_idx %arg6[%xor3A_380] : memref<16xf32, #tpu.memory_space<vmem>>[vector<16xi32>], vector<16xf32>,
      %max3A_382 = arith.maximumf %max3A_375, %gather3A_381 : vector<16xf32>
      %swap3A_383 = arith.constant 0 : index
      %swap3A_384 = tpu.vector_load %arg6[%swap3A_383] {strides = array<i32>} : memref<16xf32, #tpu.memory_space<vmem>>, vector<16xf32>,
      tpu.vector_store %arg6[%swap3A_383], %max3A_382 {strides = array<i32>} : memref<16xf32, #tpu.memory_space<vmem>>, vector<16xf32>,
      %xor3A_385 = arith.constant 4 : i32
      %xor3A_386 = vector.broadcast %xor3A_385 : i32 to vector<16xi32>
      %xor3A_387 = arith.xori %iota3A, %xor3A_386 : vector<16xi32>
      %gather3A_388 = tpu.vector_load_idx %arg6[%xor3A_387] : memref<16xf32, #tpu.memory_space<vmem>>[vector<16xi32>], vector<16xf32>,
      %max3A_389 = arith.maximumf %max3A_382, %gather3A_388 : vector<16xf32>
      %swap3A_390 = arith.constant 0 : index
      %swap3A_391 = tpu.vector_load %arg6[%swap3A_390] {strides = array<i32>} : memref<16xf32, #tpu.memory_space<vmem>>, vector<16xf32>,
      tpu.vector_store %arg6[%swap3A_390], %max3A_389 {strides = array<i32>} : memref<16xf32, #tpu.memory_space<vmem>>, vector<16xf32>,
      %xor3A_392 = arith.constant 2 : i32
      %xor3A_393 = vector.broadcast %xor3A_392 : i32 to vector<16xi32>
      %xor3A_394 = arith.xori %iota3A, %xor3A_393 : vector<16xi32>
      %gather3A_395 = tpu.vector_load_idx %arg6[%xor3A_394] : memref<16xf32, #tpu.memory_space<vmem>>[vector<16xi32>], vector<16xf32>,
      %max3A_396 = arith.maximumf %max3A_389, %gather3A_395 : vector<16xf32>
      %swap3A_397 = arith.constant 0 : index
      %swap3A_398 = tpu.vector_load %arg6[%swap3A_397] {strides = array<i32>} : memref<16xf32, #tpu.memory_space<vmem>>, vector<16xf32>,
      tpu.vector_store %arg6[%swap3A_397], %max3A_396 {strides = array<i32>} : memref<16xf32, #tpu.memory_space<vmem>>, vector<16xf32>,
      %xor3A_399 = arith.constant 1 : i32
      %xor3A_400 = vector.broadcast %xor3A_399 : i32 to vector<16xi32>
      %xor3A_401 = arith.xori %iota3A, %xor3A_400 : vector<16xi32>
      %gather3A_402 = tpu.vector_load_idx %arg6[%xor3A_401] : memref<16xf32, #tpu.memory_space<vmem>>[vector<16xi32>], vector<16xf32>,
      %max3A_403 = arith.maximumf %max3A_396, %gather3A_402 : vector<16xf32>
      %eq3A_404 = arith.cmpf oeq, %select_n3A_350, %max3A_403 : vector<16xf32>
      %add3A_405 = arith.constant 0 : i32
      %add3A_406 = vector.broadcast %add3A_405 : i32 to vector<16xi32>
      %add3A_407 = arith.addi %iota3A, %add3A_406 : vector<16xi32>
      %select_n3A_408 = arith.select %eq3A_404, %add3A_407, %broadcast_in_dim3A_0 : vector<16xi1>, vector<16xi32>
      %min3A_409 = arith.minsi %broadcast_in_dim3A_0, %select_n3A_408 : vector<16xi32>
      %eq3A_410 = arith.cmpf oeq, %select_n3A_356, %max3A_403 : vector<16xf32>
      %add3A_411 = arith.constant 16 : i32
      %add3A_412 = vector.broadcast %add3A_411 : i32 to vector<16xi32>
      %add3A_413 = arith.addi %iota3A, %add3A_412 : vector<16xi32>
      %select_n3A_414 = arith.select %eq3A_410, %add3A_413, %broadcast_in_dim3A_0 : vector<16xi1>, vector<16xi32>
      %min3A_415 = arith.minsi %min3A_409, %select_n3A_414 : vector<16xi32>
      %eq3A_416 = arith.cmpf oeq, %select_n3A_362, %max3A_403 : vector<16xf32>
      %add3A_417 = arith.constant 32 : i32
      %add3A_418 = vector.broadcast %add3A_417 : i32 to vector<16xi32>
      %add3A_419 = arith.addi %iota3A, %add3A_418 : vector<16xi32>
      %select_n3A_420 = arith.select %eq3A_416, %add3A_419, %broadcast_in_dim3A_0 : vector<16xi1>, vector<16xi32>
      %min3A_421 = arith.minsi %min3A_415, %select_n3A_420 : vector<16xi32>
      %eq3A_422 = arith.cmpf oeq, %select_n3A_368, %max3A_403 : vector<16xf32>
      %add3A_423 = arith.constant 48 : i32
      %add3A_424 = vector.broadcast %add3A_423 : i32 to vector<16xi32>
      %add3A_425 = arith.addi %iota3A, %add3A_424 : vector<16xi32>
      %select_n3A_426 = arith.select %eq3A_422, %add3A_425, %broadcast_in_dim3A_0 : vector<16xi1>, vector<16xi32>
      %min3A_427 = arith.minsi %min3A_421, %select_n3A_426 : vector<16xi32>
      %swap3A_428 = arith.constant 0 : index
      %swap3A_429 = tpu.vector_load %arg7[%swap3A_428] {strides = array<i32>} : memref<16xi32, #tpu.memory_space<vmem>>, vector<16xi32>,
      tpu.vector_store %arg7[%swap3A_428], %min3A_427 {strides = array<i32>} : memref<16xi32, #tpu.memory_space<vmem>>, vector<16xi32>,
      %xor3A_430 = arith.constant 8 : i32
      %xor3A_431 = vector.broadcast %xor3A_430 : i32 to vector<16xi32>
      %xor3A_432 = arith.xori %iota3A, %xor3A_431 : vector<16xi32>
      %gather3A_433 = tpu.vector_load_idx %arg7[%xor3A_432] : memref<16xi32, #tpu.memory_space<vmem>>[vector<16xi32>], vector<16xi32>,
      %min3A_434 = arith.minsi %min3A_427, %gather3A_433 : vector<16xi32>
      %swap3A_435 = arith.constant 0 : index
      %swap3A_436 = tpu.vector_load %arg7[%swap3A_435] {strides = array<i32>} : memref<16xi32, #tpu.memory_space<vmem>>, vector<16xi32>,
      tpu.vector_store %arg7[%swap3A_435], %min3A_434 {strides = array<i32>} : memref<16xi32, #tpu.memory_space<vmem>>, vector<16xi32>,
      %xor3A_437 = arith.constant 4 : i32
      %xor3A_438 = vector.broadcast %xor3A_437 : i32 to vector<16xi32>
      %xor3A_439 = arith.xori %iota3A, %xor3A_438 : vector<16xi32>
      %gather3A_440 = tpu.vector_load_idx %arg7[%xor3A_439] : memref<16xi32, #tpu.memory_space<vmem>>[vector<16xi32>], vector<16xi32>,
      %min3A_441 = arith.minsi %min3A_434, %gather3A_440 : vector<16xi32>
      %swap3A_442 = arith.constant 0 : index
      %swap3A_443 = tpu.vector_load %arg7[%swap3A_442] {strides = array<i32>} : memref<16xi32, #tpu.memory_space<vmem>>, vector<16xi32>,
      tpu.vector_store %arg7[%swap3A_442], %min3A_441 {strides = array<i32>} : memref<16xi32, #tpu.memory_space<vmem>>, vector<16xi32>,
      %xor3A_444 = arith.constant 2 : i32
      %xor3A_445 = vector.broadcast %xor3A_444 : i32 to vector<16xi32>
      %xor3A_446 = arith.xori %iota3A, %xor3A_445 : vector<16xi32>
      %gather3A_447 = tpu.vector_load_idx %arg7[%xor3A_446] : memref<16xi32, #tpu.memory_space<vmem>>[vector<16xi32>], vector<16xi32>,
      %min3A_448 = arith.minsi %min3A_441, %gather3A_447 : vector<16xi32>
      %swap3A_449 = arith.constant 0 : index
      %swap3A_450 = tpu.vector_load %arg7[%swap3A_449] {strides = array<i32>} : memref<16xi32, #tpu.memory_space<vmem>>, vector<16xi32>,
      tpu.vector_store %arg7[%swap3A_449], %min3A_448 {strides = array<i32>} : memref<16xi32, #tpu.memory_space<vmem>>, vector<16xi32>,
      %xor3A_451 = arith.constant 1 : i32
      %xor3A_452 = vector.broadcast %xor3A_451 : i32 to vector<16xi32>
      %xor3A_453 = arith.xori %iota3A, %xor3A_452 : vector<16xi32>
      %gather3A_454 = tpu.vector_load_idx %arg7[%xor3A_453] : memref<16xi32, #tpu.memory_space<vmem>>[vector<16xi32>], vector<16xi32>,
      %min3A_455 = arith.minsi %min3A_448, %gather3A_454 : vector<16xi32>
      %neg3A_456 = arith.constant 0.000000e+00 : f32
      %neg3A_457 = arith.subf %neg3A_456, %cond3A_12 : f32
      %add3A_458 = arith.constant 0 : i32
      %add3A_459 = vector.broadcast %add3A_458 : i32 to vector<16xi32>
      %add3A_460 = arith.addi %iota3A, %add3A_459 : vector<16xi32>
      %eq3A_461 = arith.cmpi eq, %add3A_460, %min3A_455 : vector<16xi32>
      %broadcast_in_dim3A_462 = vector.broadcast %neg3A_457 : f32 to vector<16xf32>
      %select_n3A_463 = arith.select %eq3A_461, %broadcast_in_dim3A_462, %select_n3A_350 : vector<16xi1>, vector<16xf32>
      %add3A_464 = arith.constant 16 : i32
      %add3A_465 = vector.broadcast %add3A_464 : i32 to vector<16xi32>
      %add3A_466 = arith.addi %iota3A, %add3A_465 : vector<16xi32>
      %eq3A_467 = arith.cmpi eq, %add3A_466, %min3A_455 : vector<16xi32>
      %broadcast_in_dim3A_468 = vector.broadcast %neg3A_457 : f32 to vector<16xf32>
      %select_n3A_469 = arith.select %eq3A_467, %broadcast_in_dim3A_468, %select_n3A_356 : vector<16xi1>, vector<16xf32>
      %add3A_470 = arith.constant 32 : i32
      %add3A_471 = vector.broadcast %add3A_470 : i32 to vector<16xi32>
      %add3A_472 = arith.addi %iota3A, %add3A_471 : vector<16xi32>
      %eq3A_473 = arith.cmpi eq, %add3A_472, %min3A_455 : vector<16xi32>
      %broadcast_in_dim3A_474 = vector.broadcast %neg3A_457 : f32 to vector<16xf32>
      %select_n3A_475 = arith.select %eq3A_473, %broadcast_in_dim3A_474, %select_n3A_362 : vector<16xi1>, vector<16xf32>
      %add3A_476 = arith.constant 48 : i32
      %add3A_477 = vector.broadcast %add3A_476 : i32 to vector<16xi32>
      %add3A_478 = arith.addi %iota3A, %add3A_477 : vector<16xi32>
      %eq3A_479 = arith.cmpi eq, %add3A_478, %min3A_455 : vector<16xi32>
      %broadcast_in_dim3A_480 = vector.broadcast %neg3A_457 : f32 to vector<16xf32>
      %select_n3A_481 = arith.select %eq3A_479, %broadcast_in_dim3A_480, %select_n3A_368 : vector<16xi1>, vector<16xf32>
      %eq3A_482 = arith.constant 3 : i32
      %eq3A_483 = vector.broadcast %eq3A_482 : i32 to vector<16xi32>
      %eq3A_484 = arith.cmpi eq, %iota3A, %eq3A_483 : vector<16xi32>
      %select_n3A_485 = arith.select %eq3A_484, %min3A_455, %select_n3A_372 : vector<16xi1>, vector<16xi32>
      %swap3A_486 = arith.constant 0 : index
      %swap3A_487 = tpu.vector_load %arg5[%swap3A_486] {strides = array<i32>} : memref<16xi32, #tpu.memory_space<vmem>>, vector<16xi32>,
      tpu.vector_store %arg5[%swap3A_486], %select_n3A_485 {strides = array<i32>} : memref<16xi32, #tpu.memory_space<vmem>>, vector<16xi32>,
      %get3A_488 = arith.constant 0 : index
      %get3A_489 = tpu.vector_load %arg4[%get3A_488] {strides = array<i32>} : memref<64xf32, #tpu.memory_space<vmem>>, vector<16xf32>,
      %get3A_490 = arith.constant 16 : index
      %get3A_491 = tpu.vector_load %arg4[%get3A_490] {strides = array<i32>} : memref<64xf32, #tpu.memory_space<vmem>>, vector<16xf32>,
      %get3A_492 = arith.constant 32 : index
      %get3A_493 = tpu.vector_load %arg4[%get3A_492] {strides = array<i32>} : memref<64xf32, #tpu.memory_space<vmem>>, vector<16xf32>,
      %get3A_494 = arith.constant 48 : index
      %get3A_495 = tpu.vector_load %arg4[%get3A_494] {strides = array<i32>} : memref<64xf32, #tpu.memory_space<vmem>>, vector<16xf32>,
      %min3A_496 = arith.minimumf %get3A_489, %get3A_491 : vector<16xf32>
      %min3A_497 = arith.minimumf %get3A_493, %get3A_495 : vector<16xf32>
      %min3A_498 = arith.minimumf %min3A_496, %min3A_497 : vector<16xf32>
      %neg3A_499 = arith.constant 0.000000e+00 : f32
      %neg3A_500 = vector.broadcast %neg3A_499 : f32 to vector<16xf32>
      %neg3A_501 = arith.subf %neg3A_500, %min3A_498 : vector<16xf32>
      %swap3A_502 = arith.constant 0 : index
      %swap3A_503 = tpu.vector_load %arg6[%swap3A_502] {strides = array<i32>} : memref<16xf32, #tpu.memory_space<vmem>>, vector<16xf32>,
      tpu.vector_store %arg6[%swap3A_502], %neg3A_501 {strides = array<i32>} : memref<16xf32, #tpu.memory_space<vmem>>, vector<16xf32>,
      %xor3A_504 = arith.constant 8 : i32
      %xor3A_505 = vector.broadcast %xor3A_504 : i32 to vector<16xi32>
      %xor3A_506 = arith.xori %iota3A, %xor3A_505 : vector<16xi32>
      %gather3A_507 = tpu.vector_load_idx %arg6[%xor3A_506] : memref<16xf32, #tpu.memory_space<vmem>>[vector<16xi32>], vector<16xf32>,
      %max3A_508 = arith.maximumf %neg3A_501, %gather3A_507 : vector<16xf32>
      %swap3A_509 = arith.constant 0 : index
      %swap3A_510 = tpu.vector_load %arg6[%swap3A_509] {strides = array<i32>} : memref<16xf32, #tpu.memory_space<vmem>>, vector<16xf32>,
      tpu.vector_store %arg6[%swap3A_509], %max3A_508 {strides = array<i32>} : memref<16xf32, #tpu.memory_space<vmem>>, vector<16xf32>,
      %xor3A_511 = arith.constant 4 : i32
      %xor3A_512 = vector.broadcast %xor3A_511 : i32 to vector<16xi32>
      %xor3A_513 = arith.xori %iota3A, %xor3A_512 : vector<16xi32>
      %gather3A_514 = tpu.vector_load_idx %arg6[%xor3A_513] : memref<16xf32, #tpu.memory_space<vmem>>[vector<16xi32>], vector<16xf32>,
      %max3A_515 = arith.maximumf %max3A_508, %gather3A_514 : vector<16xf32>
      %swap3A_516 = arith.constant 0 : index
      %swap3A_517 = tpu.vector_load %arg6[%swap3A_516] {strides = array<i32>} : memref<16xf32, #tpu.memory_space<vmem>>, vector<16xf32>,
      tpu.vector_store %arg6[%swap3A_516], %max3A_515 {strides = array<i32>} : memref<16xf32, #tpu.memory_space<vmem>>, vector<16xf32>,
      %xor3A_518 = arith.constant 2 : i32
      %xor3A_519 = vector.broadcast %xor3A_518 : i32 to vector<16xi32>
      %xor3A_520 = arith.xori %iota3A, %xor3A_519 : vector<16xi32>
      %gather3A_521 = tpu.vector_load_idx %arg6[%xor3A_520] : memref<16xf32, #tpu.memory_space<vmem>>[vector<16xi32>], vector<16xf32>,
      %max3A_522 = arith.maximumf %max3A_515, %gather3A_521 : vector<16xf32>
      %swap3A_523 = arith.constant 0 : index
      %swap3A_524 = tpu.vector_load %arg6[%swap3A_523] {strides = array<i32>} : memref<16xf32, #tpu.memory_space<vmem>>, vector<16xf32>,
      tpu.vector_store %arg6[%swap3A_523], %max3A_522 {strides = array<i32>} : memref<16xf32, #tpu.memory_space<vmem>>, vector<16xf32>,
      %xor3A_525 = arith.constant 1 : i32
      %xor3A_526 = vector.broadcast %xor3A_525 : i32 to vector<16xi32>
      %xor3A_527 = arith.xori %iota3A, %xor3A_526 : vector<16xi32>
      %gather3A_528 = tpu.vector_load_idx %arg6[%xor3A_527] : memref<16xf32, #tpu.memory_space<vmem>>[vector<16xi32>], vector<16xf32>,
      %max3A_529 = arith.maximumf %max3A_522, %gather3A_528 : vector<16xf32>
      %neg3A_530 = arith.constant 0.000000e+00 : f32
      %neg3A_531 = vector.broadcast %neg3A_530 : f32 to vector<16xf32>
      %neg3A_532 = arith.subf %neg3A_531, %max3A_529 : vector<16xf32>
      %eq3A_533 = arith.cmpf oeq, %get3A_489, %neg3A_532 : vector<16xf32>
      %add3A_534 = arith.constant 0 : i32
      %add3A_535 = vector.broadcast %add3A_534 : i32 to vector<16xi32>
      %add3A_536 = arith.addi %iota3A, %add3A_535 : vector<16xi32>
      %select_n3A_537 = arith.select %eq3A_533, %add3A_536, %broadcast_in_dim3A_0 : vector<16xi1>, vector<16xi32>
      %min3A_538 = arith.minsi %broadcast_in_dim3A_0, %select_n3A_537 : vector<16xi32>
      %eq3A_539 = arith.cmpf oeq, %get3A_491, %neg3A_532 : vector<16xf32>
      %add3A_540 = arith.constant 16 : i32
      %add3A_541 = vector.broadcast %add3A_540 : i32 to vector<16xi32>
      %add3A_542 = arith.addi %iota3A, %add3A_541 : vector<16xi32>
      %select_n3A_543 = arith.select %eq3A_539, %add3A_542, %broadcast_in_dim3A_0 : vector<16xi1>, vector<16xi32>
      %min3A_544 = arith.minsi %min3A_538, %select_n3A_543 : vector<16xi32>
      %eq3A_545 = arith.cmpf oeq, %get3A_493, %neg3A_532 : vector<16xf32>
      %add3A_546 = arith.constant 32 : i32
      %add3A_547 = vector.broadcast %add3A_546 : i32 to vector<16xi32>
      %add3A_548 = arith.addi %iota3A, %add3A_547 : vector<16xi32>
      %select_n3A_549 = arith.select %eq3A_545, %add3A_548, %broadcast_in_dim3A_0 : vector<16xi1>, vector<16xi32>
      %min3A_550 = arith.minsi %min3A_544, %select_n3A_549 : vector<16xi32>
      %eq3A_551 = arith.cmpf oeq, %get3A_495, %neg3A_532 : vector<16xf32>
      %add3A_552 = arith.constant 48 : i32
      %add3A_553 = vector.broadcast %add3A_552 : i32 to vector<16xi32>
      %add3A_554 = arith.addi %iota3A, %add3A_553 : vector<16xi32>
      %select_n3A_555 = arith.select %eq3A_551, %add3A_554, %broadcast_in_dim3A_0 : vector<16xi1>, vector<16xi32>
      %min3A_556 = arith.minsi %min3A_550, %select_n3A_555 : vector<16xi32>
      %swap3A_557 = arith.constant 0 : index
      %swap3A_558 = tpu.vector_load %arg7[%swap3A_557] {strides = array<i32>} : memref<16xi32, #tpu.memory_space<vmem>>, vector<16xi32>,
      tpu.vector_store %arg7[%swap3A_557], %min3A_556 {strides = array<i32>} : memref<16xi32, #tpu.memory_space<vmem>>, vector<16xi32>,
      %xor3A_559 = arith.constant 8 : i32
      %xor3A_560 = vector.broadcast %xor3A_559 : i32 to vector<16xi32>
      %xor3A_561 = arith.xori %iota3A, %xor3A_560 : vector<16xi32>
      %gather3A_562 = tpu.vector_load_idx %arg7[%xor3A_561] : memref<16xi32, #tpu.memory_space<vmem>>[vector<16xi32>], vector<16xi32>,
      %min3A_563 = arith.minsi %min3A_556, %gather3A_562 : vector<16xi32>
      %swap3A_564 = arith.constant 0 : index
      %swap3A_565 = tpu.vector_load %arg7[%swap3A_564] {strides = array<i32>} : memref<16xi32, #tpu.memory_space<vmem>>, vector<16xi32>,
      tpu.vector_store %arg7[%swap3A_564], %min3A_563 {strides = array<i32>} : memref<16xi32, #tpu.memory_space<vmem>>, vector<16xi32>,
      %xor3A_566 = arith.constant 4 : i32
      %xor3A_567 = vector.broadcast %xor3A_566 : i32 to vector<16xi32>
      %xor3A_568 = arith.xori %iota3A, %xor3A_567 : vector<16xi32>
      %gather3A_569 = tpu.vector_load_idx %arg7[%xor3A_568] : memref<16xi32, #tpu.memory_space<vmem>>[vector<16xi32>], vector<16xi32>,
      %min3A_570 = arith.minsi %min3A_563, %gather3A_569 : vector<16xi32>
      %swap3A_571 = arith.constant 0 : index
      %swap3A_572 = tpu.vector_load %arg7[%swap3A_571] {strides = array<i32>} : memref<16xi32, #tpu.memory_space<vmem>>, vector<16xi32>,
      tpu.vector_store %arg7[%swap3A_571], %min3A_570 {strides = array<i32>} : memref<16xi32, #tpu.memory_space<vmem>>, vector<16xi32>,
      %xor3A_573 = arith.constant 2 : i32
      %xor3A_574 = vector.broadcast %xor3A_573 : i32 to vector<16xi32>
      %xor3A_575 = arith.xori %iota3A, %xor3A_574 : vector<16xi32>
      %gather3A_576 = tpu.vector_load_idx %arg7[%xor3A_575] : memref<16xi32, #tpu.memory_space<vmem>>[vector<16xi32>], vector<16xi32>,
      %min3A_577 = arith.minsi %min3A_570, %gather3A_576 : vector<16xi32>
      %swap3A_578 = arith.constant 0 : index
      %swap3A_579 = tpu.vector_load %arg7[%swap3A_578] {strides = array<i32>} : memref<16xi32, #tpu.memory_space<vmem>>, vector<16xi32>,
      tpu.vector_store %arg7[%swap3A_578], %min3A_577 {strides = array<i32>} : memref<16xi32, #tpu.memory_space<vmem>>, vector<16xi32>,
      %xor3A_580 = arith.constant 1 : i32
      %xor3A_581 = vector.broadcast %xor3A_580 : i32 to vector<16xi32>
      %xor3A_582 = arith.xori %iota3A, %xor3A_581 : vector<16xi32>
      %gather3A_583 = tpu.vector_load_idx %arg7[%xor3A_582] : memref<16xi32, #tpu.memory_space<vmem>>[vector<16xi32>], vector<16xi32>,
      %min3A_584 = arith.minsi %min3A_577, %gather3A_583 : vector<16xi32>
      %add3A_585 = arith.constant 0 : i32
      %add3A_586 = vector.broadcast %add3A_585 : i32 to vector<16xi32>
      %add3A_587 = arith.addi %iota3A, %add3A_586 : vector<16xi32>
      %eq3A_588 = arith.cmpi eq, %add3A_587, %min3A_584 : vector<16xi32>
      %broadcast_in_dim3A_589 = vector.broadcast %cond3A_12 : f32 to vector<16xf32>
      %select_n3A_590 = arith.select %eq3A_588, %broadcast_in_dim3A_589, %get3A_489 : vector<16xi1>, vector<16xf32>
      %add3A_591 = arith.constant 16 : i32
      %add3A_592 = vector.broadcast %add3A_591 : i32 to vector<16xi32>
      %add3A_593 = arith.addi %iota3A, %add3A_592 : vector<16xi32>
      %eq3A_594 = arith.cmpi eq, %add3A_593, %min3A_584 : vector<16xi32>
      %broadcast_in_dim3A_595 = vector.broadcast %cond3A_12 : f32 to vector<16xf32>
      %select_n3A_596 = arith.select %eq3A_594, %broadcast_in_dim3A_595, %get3A_491 : vector<16xi1>, vector<16xf32>
      %add3A_597 = arith.constant 32 : i32
      %add3A_598 = vector.broadcast %add3A_597 : i32 to vector<16xi32>
      %add3A_599 = arith.addi %iota3A, %add3A_598 : vector<16xi32>
      %eq3A_600 = arith.cmpi eq, %add3A_599, %min3A_584 : vector<16xi32>
      %broadcast_in_dim3A_601 = vector.broadcast %cond3A_12 : f32 to vector<16xf32>
      %select_n3A_602 = arith.select %eq3A_600, %broadcast_in_dim3A_601, %get3A_493 : vector<16xi1>, vector<16xf32>
      %add3A_603 = arith.constant 48 : i32
      %add3A_604 = vector.broadcast %add3A_603 : i32 to vector<16xi32>
      %add3A_605 = arith.addi %iota3A, %add3A_604 : vector<16xi32>
      %eq3A_606 = arith.cmpi eq, %add3A_605, %min3A_584 : vector<16xi32>
      %broadcast_in_dim3A_607 = vector.broadcast %cond3A_12 : f32 to vector<16xf32>
      %select_n3A_608 = arith.select %eq3A_606, %broadcast_in_dim3A_607, %get3A_495 : vector<16xi1>, vector<16xf32>
      %eq3A_609 = arith.constant 4 : i32
      %eq3A_610 = vector.broadcast %eq3A_609 : i32 to vector<16xi32>
      %eq3A_611 = arith.cmpi eq, %iota3A, %eq3A_610 : vector<16xi32>
      %select_n3A_612 = arith.select %eq3A_611, %min3A_584, %select_n3A_485 : vector<16xi1>, vector<16xi32>
      %min3A_613 = arith.minimumf %select_n3A_590, %select_n3A_596 : vector<16xf32>
      %min3A_614 = arith.minimumf %select_n3A_602, %select_n3A_608 : vector<16xf32>
      %min3A_615 = arith.minimumf %min3A_613, %min3A_614 : vector<16xf32>
      %neg3A_616 = arith.constant 0.000000e+00 : f32
      %neg3A_617 = vector.broadcast %neg3A_616 : f32 to vector<16xf32>
      %neg3A_618 = arith.subf %neg3A_617, %min3A_615 : vector<16xf32>
      %swap3A_619 = arith.constant 0 : index
      %swap3A_620 = tpu.vector_load %arg6[%swap3A_619] {strides = array<i32>} : memref<16xf32, #tpu.memory_space<vmem>>, vector<16xf32>,
      tpu.vector_store %arg6[%swap3A_619], %neg3A_618 {strides = array<i32>} : memref<16xf32, #tpu.memory_space<vmem>>, vector<16xf32>,
      %xor3A_621 = arith.constant 8 : i32
      %xor3A_622 = vector.broadcast %xor3A_621 : i32 to vector<16xi32>
      %xor3A_623 = arith.xori %iota3A, %xor3A_622 : vector<16xi32>
      %gather3A_624 = tpu.vector_load_idx %arg6[%xor3A_623] : memref<16xf32, #tpu.memory_space<vmem>>[vector<16xi32>], vector<16xf32>,
      %max3A_625 = arith.maximumf %neg3A_618, %gather3A_624 : vector<16xf32>
      %swap3A_626 = arith.constant 0 : index
      %swap3A_627 = tpu.vector_load %arg6[%swap3A_626] {strides = array<i32>} : memref<16xf32, #tpu.memory_space<vmem>>, vector<16xf32>,
      tpu.vector_store %arg6[%swap3A_626], %max3A_625 {strides = array<i32>} : memref<16xf32, #tpu.memory_space<vmem>>, vector<16xf32>,
      %xor3A_628 = arith.constant 4 : i32
      %xor3A_629 = vector.broadcast %xor3A_628 : i32 to vector<16xi32>
      %xor3A_630 = arith.xori %iota3A, %xor3A_629 : vector<16xi32>
      %gather3A_631 = tpu.vector_load_idx %arg6[%xor3A_630] : memref<16xf32, #tpu.memory_space<vmem>>[vector<16xi32>], vector<16xf32>,
      %max3A_632 = arith.maximumf %max3A_625, %gather3A_631 : vector<16xf32>
      %swap3A_633 = arith.constant 0 : index
      %swap3A_634 = tpu.vector_load %arg6[%swap3A_633] {strides = array<i32>} : memref<16xf32, #tpu.memory_space<vmem>>, vector<16xf32>,
      tpu.vector_store %arg6[%swap3A_633], %max3A_632 {strides = array<i32>} : memref<16xf32, #tpu.memory_space<vmem>>, vector<16xf32>,
      %xor3A_635 = arith.constant 2 : i32
      %xor3A_636 = vector.broadcast %xor3A_635 : i32 to vector<16xi32>
      %xor3A_637 = arith.xori %iota3A, %xor3A_636 : vector<16xi32>
      %gather3A_638 = tpu.vector_load_idx %arg6[%xor3A_637] : memref<16xf32, #tpu.memory_space<vmem>>[vector<16xi32>], vector<16xf32>,
      %max3A_639 = arith.maximumf %max3A_632, %gather3A_638 : vector<16xf32>
      %swap3A_640 = arith.constant 0 : index
      %swap3A_641 = tpu.vector_load %arg6[%swap3A_640] {strides = array<i32>} : memref<16xf32, #tpu.memory_space<vmem>>, vector<16xf32>,
      tpu.vector_store %arg6[%swap3A_640], %max3A_639 {strides = array<i32>} : memref<16xf32, #tpu.memory_space<vmem>>, vector<16xf32>,
      %xor3A_642 = arith.constant 1 : i32
      %xor3A_643 = vector.broadcast %xor3A_642 : i32 to vector<16xi32>
      %xor3A_644 = arith.xori %iota3A, %xor3A_643 : vector<16xi32>
      %gather3A_645 = tpu.vector_load_idx %arg6[%xor3A_644] : memref<16xf32, #tpu.memory_space<vmem>>[vector<16xi32>], vector<16xf32>,
      %max3A_646 = arith.maximumf %max3A_639, %gather3A_645 : vector<16xf32>
      %neg3A_647 = arith.constant 0.000000e+00 : f32
      %neg3A_648 = vector.broadcast %neg3A_647 : f32 to vector<16xf32>
      %neg3A_649 = arith.subf %neg3A_648, %max3A_646 : vector<16xf32>
      %eq3A_650 = arith.cmpf oeq, %select_n3A_590, %neg3A_649 : vector<16xf32>
      %add3A_651 = arith.constant 0 : i32
      %add3A_652 = vector.broadcast %add3A_651 : i32 to vector<16xi32>
      %add3A_653 = arith.addi %iota3A, %add3A_652 : vector<16xi32>
      %select_n3A_654 = arith.select %eq3A_650, %add3A_653, %broadcast_in_dim3A_0 : vector<16xi1>, vector<16xi32>
      %min3A_655 = arith.minsi %broadcast_in_dim3A_0, %select_n3A_654 : vector<16xi32>
      %eq3A_656 = arith.cmpf oeq, %select_n3A_596, %neg3A_649 : vector<16xf32>
      %add3A_657 = arith.constant 16 : i32
      %add3A_658 = vector.broadcast %add3A_657 : i32 to vector<16xi32>
      %add3A_659 = arith.addi %iota3A, %add3A_658 : vector<16xi32>
      %select_n3A_660 = arith.select %eq3A_656, %add3A_659, %broadcast_in_dim3A_0 : vector<16xi1>, vector<16xi32>
      %min3A_661 = arith.minsi %min3A_655, %select_n3A_660 : vector<16xi32>
      %eq3A_662 = arith.cmpf oeq, %select_n3A_602, %neg3A_649 : vector<16xf32>
      %add3A_663 = arith.constant 32 : i32
      %add3A_664 = vector.broadcast %add3A_663 : i32 to vector<16xi32>
      %add3A_665 = arith.addi %iota3A, %add3A_664 : vector<16xi32>
      %select_n3A_666 = arith.select %eq3A_662, %add3A_665, %broadcast_in_dim3A_0 : vector<16xi1>, vector<16xi32>
      %min3A_667 = arith.minsi %min3A_661, %select_n3A_666 : vector<16xi32>
      %eq3A_668 = arith.cmpf oeq, %select_n3A_608, %neg3A_649 : vector<16xf32>
      %add3A_669 = arith.constant 48 : i32
      %add3A_670 = vector.broadcast %add3A_669 : i32 to vector<16xi32>
      %add3A_671 = arith.addi %iota3A, %add3A_670 : vector<16xi32>
      %select_n3A_672 = arith.select %eq3A_668, %add3A_671, %broadcast_in_dim3A_0 : vector<16xi1>, vector<16xi32>
      %min3A_673 = arith.minsi %min3A_667, %select_n3A_672 : vector<16xi32>
      %swap3A_674 = arith.constant 0 : index
      %swap3A_675 = tpu.vector_load %arg7[%swap3A_674] {strides = array<i32>} : memref<16xi32, #tpu.memory_space<vmem>>, vector<16xi32>,
      tpu.vector_store %arg7[%swap3A_674], %min3A_673 {strides = array<i32>} : memref<16xi32, #tpu.memory_space<vmem>>, vector<16xi32>,
      %xor3A_676 = arith.constant 8 : i32
      %xor3A_677 = vector.broadcast %xor3A_676 : i32 to vector<16xi32>
      %xor3A_678 = arith.xori %iota3A, %xor3A_677 : vector<16xi32>
      %gather3A_679 = tpu.vector_load_idx %arg7[%xor3A_678] : memref<16xi32, #tpu.memory_space<vmem>>[vector<16xi32>], vector<16xi32>,
      %min3A_680 = arith.minsi %min3A_673, %gather3A_679 : vector<16xi32>
      %swap3A_681 = arith.constant 0 : index
      %swap3A_682 = tpu.vector_load %arg7[%swap3A_681] {strides = array<i32>} : memref<16xi32, #tpu.memory_space<vmem>>, vector<16xi32>,
      tpu.vector_store %arg7[%swap3A_681], %min3A_680 {strides = array<i32>} : memref<16xi32, #tpu.memory_space<vmem>>, vector<16xi32>,
      %xor3A_683 = arith.constant 4 : i32
      %xor3A_684 = vector.broadcast %xor3A_683 : i32 to vector<16xi32>
      %xor3A_685 = arith.xori %iota3A, %xor3A_684 : vector<16xi32>
      %gather3A_686 = tpu.vector_load_idx %arg7[%xor3A_685] : memref<16xi32, #tpu.memory_space<vmem>>[vector<16xi32>], vector<16xi32>,
      %min3A_687 = arith.minsi %min3A_680, %gather3A_686 : vector<16xi32>
      %swap3A_688 = arith.constant 0 : index
      %swap3A_689 = tpu.vector_load %arg7[%swap3A_688] {strides = array<i32>} : memref<16xi32, #tpu.memory_space<vmem>>, vector<16xi32>,
      tpu.vector_store %arg7[%swap3A_688], %min3A_687 {strides = array<i32>} : memref<16xi32, #tpu.memory_space<vmem>>, vector<16xi32>,
      %xor3A_690 = arith.constant 2 : i32
      %xor3A_691 = vector.broadcast %xor3A_690 : i32 to vector<16xi32>
      %xor3A_692 = arith.xori %iota3A, %xor3A_691 : vector<16xi32>
      %gather3A_693 = tpu.vector_load_idx %arg7[%xor3A_692] : memref<16xi32, #tpu.memory_space<vmem>>[vector<16xi32>], vector<16xi32>,
      %min3A_694 = arith.minsi %min3A_687, %gather3A_693 : vector<16xi32>
      %swap3A_695 = arith.constant 0 : index
      %swap3A_696 = tpu.vector_load %arg7[%swap3A_695] {strides = array<i32>} : memref<16xi32, #tpu.memory_space<vmem>>, vector<16xi32>,
      tpu.vector_store %arg7[%swap3A_695], %min3A_694 {strides = array<i32>} : memref<16xi32, #tpu.memory_space<vmem>>, vector<16xi32>,
      %xor3A_697 = arith.constant 1 : i32
      %xor3A_698 = vector.broadcast %xor3A_697 : i32 to vector<16xi32>
      %xor3A_699 = arith.xori %iota3A, %xor3A_698 : vector<16xi32>
      %gather3A_700 = tpu.vector_load_idx %arg7[%xor3A_699] : memref<16xi32, #tpu.memory_space<vmem>>[vector<16xi32>], vector<16xi32>,
      %min3A_701 = arith.minsi %min3A_694, %gather3A_700 : vector<16xi32>
      %add3A_702 = arith.constant 0 : i32
      %add3A_703 = vector.broadcast %add3A_702 : i32 to vector<16xi32>
      %add3A_704 = arith.addi %iota3A, %add3A_703 : vector<16xi32>
      %eq3A_705 = arith.cmpi eq, %add3A_704, %min3A_701 : vector<16xi32>
      %broadcast_in_dim3A_706 = vector.broadcast %cond3A_12 : f32 to vector<16xf32>
      %select_n3A_707 = arith.select %eq3A_705, %broadcast_in_dim3A_706, %select_n3A_590 : vector<16xi1>, vector<16xf32>
      %add3A_708 = arith.constant 16 : i32
      %add3A_709 = vector.broadcast %add3A_708 : i32 to vector<16xi32>
      %add3A_710 = arith.addi %iota3A, %add3A_709 : vector<16xi32>
      %eq3A_711 = arith.cmpi eq, %add3A_710, %min3A_701 : vector<16xi32>
      %broadcast_in_dim3A_712 = vector.broadcast %cond3A_12 : f32 to vector<16xf32>
      %select_n3A_713 = arith.select %eq3A_711, %broadcast_in_dim3A_712, %select_n3A_596 : vector<16xi1>, vector<16xf32>
      %add3A_714 = arith.constant 32 : i32
      %add3A_715 = vector.broadcast %add3A_714 : i32 to vector<16xi32>
      %add3A_716 = arith.addi %iota3A, %add3A_715 : vector<16xi32>
      %eq3A_717 = arith.cmpi eq, %add3A_716, %min3A_701 : vector<16xi32>
      %broadcast_in_dim3A_718 = vector.broadcast %cond3A_12 : f32 to vector<16xf32>
      %select_n3A_719 = arith.select %eq3A_717, %broadcast_in_dim3A_718, %select_n3A_602 : vector<16xi1>, vector<16xf32>
      %add3A_720 = arith.constant 48 : i32
      %add3A_721 = vector.broadcast %add3A_720 : i32 to vector<16xi32>
      %add3A_722 = arith.addi %iota3A, %add3A_721 : vector<16xi32>
      %eq3A_723 = arith.cmpi eq, %add3A_722, %min3A_701 : vector<16xi32>
      %broadcast_in_dim3A_724 = vector.broadcast %cond3A_12 : f32 to vector<16xf32>
      %select_n3A_725 = arith.select %eq3A_723, %broadcast_in_dim3A_724, %select_n3A_608 : vector<16xi1>, vector<16xf32>
      %eq3A_726 = arith.constant 5 : i32
      %eq3A_727 = vector.broadcast %eq3A_726 : i32 to vector<16xi32>
      %eq3A_728 = arith.cmpi eq, %iota3A, %eq3A_727 : vector<16xi32>
      %select_n3A_729 = arith.select %eq3A_728, %min3A_701, %select_n3A_612 : vector<16xi1>, vector<16xi32>
      %min3A_730 = arith.minimumf %select_n3A_707, %select_n3A_713 : vector<16xf32>
      %min3A_731 = arith.minimumf %select_n3A_719, %select_n3A_725 : vector<16xf32>
      %min3A_732 = arith.minimumf %min3A_730, %min3A_731 : vector<16xf32>
      %neg3A_733 = arith.constant 0.000000e+00 : f32
      %neg3A_734 = vector.broadcast %neg3A_733 : f32 to vector<16xf32>
      %neg3A_735 = arith.subf %neg3A_734, %min3A_732 : vector<16xf32>
      %swap3A_736 = arith.constant 0 : index
      %swap3A_737 = tpu.vector_load %arg6[%swap3A_736] {strides = array<i32>} : memref<16xf32, #tpu.memory_space<vmem>>, vector<16xf32>,
      tpu.vector_store %arg6[%swap3A_736], %neg3A_735 {strides = array<i32>} : memref<16xf32, #tpu.memory_space<vmem>>, vector<16xf32>,
      %xor3A_738 = arith.constant 8 : i32
      %xor3A_739 = vector.broadcast %xor3A_738 : i32 to vector<16xi32>
      %xor3A_740 = arith.xori %iota3A, %xor3A_739 : vector<16xi32>
      %gather3A_741 = tpu.vector_load_idx %arg6[%xor3A_740] : memref<16xf32, #tpu.memory_space<vmem>>[vector<16xi32>], vector<16xf32>,
      %max3A_742 = arith.maximumf %neg3A_735, %gather3A_741 : vector<16xf32>
      %swap3A_743 = arith.constant 0 : index
      %swap3A_744 = tpu.vector_load %arg6[%swap3A_743] {strides = array<i32>} : memref<16xf32, #tpu.memory_space<vmem>>, vector<16xf32>,
      tpu.vector_store %arg6[%swap3A_743], %max3A_742 {strides = array<i32>} : memref<16xf32, #tpu.memory_space<vmem>>, vector<16xf32>,
      %xor3A_745 = arith.constant 4 : i32
      %xor3A_746 = vector.broadcast %xor3A_745 : i32 to vector<16xi32>
      %xor3A_747 = arith.xori %iota3A, %xor3A_746 : vector<16xi32>
      %gather3A_748 = tpu.vector_load_idx %arg6[%xor3A_747] : memref<16xf32, #tpu.memory_space<vmem>>[vector<16xi32>], vector<16xf32>,
      %max3A_749 = arith.maximumf %max3A_742, %gather3A_748 : vector<16xf32>
      %swap3A_750 = arith.constant 0 : index
      %swap3A_751 = tpu.vector_load %arg6[%swap3A_750] {strides = array<i32>} : memref<16xf32, #tpu.memory_space<vmem>>, vector<16xf32>,
      tpu.vector_store %arg6[%swap3A_750], %max3A_749 {strides = array<i32>} : memref<16xf32, #tpu.memory_space<vmem>>, vector<16xf32>,
      %xor3A_752 = arith.constant 2 : i32
      %xor3A_753 = vector.broadcast %xor3A_752 : i32 to vector<16xi32>
      %xor3A_754 = arith.xori %iota3A, %xor3A_753 : vector<16xi32>
      %gather3A_755 = tpu.vector_load_idx %arg6[%xor3A_754] : memref<16xf32, #tpu.memory_space<vmem>>[vector<16xi32>], vector<16xf32>,
      %max3A_756 = arith.maximumf %max3A_749, %gather3A_755 : vector<16xf32>
      %swap3A_757 = arith.constant 0 : index
      %swap3A_758 = tpu.vector_load %arg6[%swap3A_757] {strides = array<i32>} : memref<16xf32, #tpu.memory_space<vmem>>, vector<16xf32>,
      tpu.vector_store %arg6[%swap3A_757], %max3A_756 {strides = array<i32>} : memref<16xf32, #tpu.memory_space<vmem>>, vector<16xf32>,
      %xor3A_759 = arith.constant 1 : i32
      %xor3A_760 = vector.broadcast %xor3A_759 : i32 to vector<16xi32>
      %xor3A_761 = arith.xori %iota3A, %xor3A_760 : vector<16xi32>
      %gather3A_762 = tpu.vector_load_idx %arg6[%xor3A_761] : memref<16xf32, #tpu.memory_space<vmem>>[vector<16xi32>], vector<16xf32>,
      %max3A_763 = arith.maximumf %max3A_756, %gather3A_762 : vector<16xf32>
      %neg3A_764 = arith.constant 0.000000e+00 : f32
      %neg3A_765 = vector.broadcast %neg3A_764 : f32 to vector<16xf32>
      %neg3A_766 = arith.subf %neg3A_765, %max3A_763 : vector<16xf32>
      %eq3A_767 = arith.cmpf oeq, %select_n3A_707, %neg3A_766 : vector<16xf32>
      %add3A_768 = arith.constant 0 : i32
      %add3A_769 = vector.broadcast %add3A_768 : i32 to vector<16xi32>
      %add3A_770 = arith.addi %iota3A, %add3A_769 : vector<16xi32>
      %select_n3A_771 = arith.select %eq3A_767, %add3A_770, %broadcast_in_dim3A_0 : vector<16xi1>, vector<16xi32>
      %min3A_772 = arith.minsi %broadcast_in_dim3A_0, %select_n3A_771 : vector<16xi32>
      %eq3A_773 = arith.cmpf oeq, %select_n3A_713, %neg3A_766 : vector<16xf32>
      %add3A_774 = arith.constant 16 : i32
      %add3A_775 = vector.broadcast %add3A_774 : i32 to vector<16xi32>
      %add3A_776 = arith.addi %iota3A, %add3A_775 : vector<16xi32>
      %select_n3A_777 = arith.select %eq3A_773, %add3A_776, %broadcast_in_dim3A_0 : vector<16xi1>, vector<16xi32>
      %min3A_778 = arith.minsi %min3A_772, %select_n3A_777 : vector<16xi32>
      %eq3A_779 = arith.cmpf oeq, %select_n3A_719, %neg3A_766 : vector<16xf32>
      %add3A_780 = arith.constant 32 : i32
      %add3A_781 = vector.broadcast %add3A_780 : i32 to vector<16xi32>
      %add3A_782 = arith.addi %iota3A, %add3A_781 : vector<16xi32>
      %select_n3A_783 = arith.select %eq3A_779, %add3A_782, %broadcast_in_dim3A_0 : vector<16xi1>, vector<16xi32>
      %min3A_784 = arith.minsi %min3A_778, %select_n3A_783 : vector<16xi32>
      %eq3A_785 = arith.cmpf oeq, %select_n3A_725, %neg3A_766 : vector<16xf32>
      %add3A_786 = arith.constant 48 : i32
      %add3A_787 = vector.broadcast %add3A_786 : i32 to vector<16xi32>
      %add3A_788 = arith.addi %iota3A, %add3A_787 : vector<16xi32>
      %select_n3A_789 = arith.select %eq3A_785, %add3A_788, %broadcast_in_dim3A_0 : vector<16xi1>, vector<16xi32>
      %min3A_790 = arith.minsi %min3A_784, %select_n3A_789 : vector<16xi32>
      %swap3A_791 = arith.constant 0 : index
      %swap3A_792 = tpu.vector_load %arg7[%swap3A_791] {strides = array<i32>} : memref<16xi32, #tpu.memory_space<vmem>>, vector<16xi32>,
      tpu.vector_store %arg7[%swap3A_791], %min3A_790 {strides = array<i32>} : memref<16xi32, #tpu.memory_space<vmem>>, vector<16xi32>,
      %xor3A_793 = arith.constant 8 : i32
      %xor3A_794 = vector.broadcast %xor3A_793 : i32 to vector<16xi32>
      %xor3A_795 = arith.xori %iota3A, %xor3A_794 : vector<16xi32>
      %gather3A_796 = tpu.vector_load_idx %arg7[%xor3A_795] : memref<16xi32, #tpu.memory_space<vmem>>[vector<16xi32>], vector<16xi32>,
      %min3A_797 = arith.minsi %min3A_790, %gather3A_796 : vector<16xi32>
      %swap3A_798 = arith.constant 0 : index
      %swap3A_799 = tpu.vector_load %arg7[%swap3A_798] {strides = array<i32>} : memref<16xi32, #tpu.memory_space<vmem>>, vector<16xi32>,
      tpu.vector_store %arg7[%swap3A_798], %min3A_797 {strides = array<i32>} : memref<16xi32, #tpu.memory_space<vmem>>, vector<16xi32>,
      %xor3A_800 = arith.constant 4 : i32
      %xor3A_801 = vector.broadcast %xor3A_800 : i32 to vector<16xi32>
      %xor3A_802 = arith.xori %iota3A, %xor3A_801 : vector<16xi32>
      %gather3A_803 = tpu.vector_load_idx %arg7[%xor3A_802] : memref<16xi32, #tpu.memory_space<vmem>>[vector<16xi32>], vector<16xi32>,
      %min3A_804 = arith.minsi %min3A_797, %gather3A_803 : vector<16xi32>
      %swap3A_805 = arith.constant 0 : index
      %swap3A_806 = tpu.vector_load %arg7[%swap3A_805] {strides = array<i32>} : memref<16xi32, #tpu.memory_space<vmem>>, vector<16xi32>,
      tpu.vector_store %arg7[%swap3A_805], %min3A_804 {strides = array<i32>} : memref<16xi32, #tpu.memory_space<vmem>>, vector<16xi32>,
      %xor3A_807 = arith.constant 2 : i32
      %xor3A_808 = vector.broadcast %xor3A_807 : i32 to vector<16xi32>
      %xor3A_809 = arith.xori %iota3A, %xor3A_808 : vector<16xi32>
      %gather3A_810 = tpu.vector_load_idx %arg7[%xor3A_809] : memref<16xi32, #tpu.memory_space<vmem>>[vector<16xi32>], vector<16xi32>,
      %min3A_811 = arith.minsi %min3A_804, %gather3A_810 : vector<16xi32>
      %swap3A_812 = arith.constant 0 : index
      %swap3A_813 = tpu.vector_load %arg7[%swap3A_812] {strides = array<i32>} : memref<16xi32, #tpu.memory_space<vmem>>, vector<16xi32>,
      tpu.vector_store %arg7[%swap3A_812], %min3A_811 {strides = array<i32>} : memref<16xi32, #tpu.memory_space<vmem>>, vector<16xi32>,
      %xor3A_814 = arith.constant 1 : i32
      %xor3A_815 = vector.broadcast %xor3A_814 : i32 to vector<16xi32>
      %xor3A_816 = arith.xori %iota3A, %xor3A_815 : vector<16xi32>
      %gather3A_817 = tpu.vector_load_idx %arg7[%xor3A_816] : memref<16xi32, #tpu.memory_space<vmem>>[vector<16xi32>], vector<16xi32>,
      %min3A_818 = arith.minsi %min3A_811, %gather3A_817 : vector<16xi32>
      %add3A_819 = arith.constant 0 : i32
      %add3A_820 = vector.broadcast %add3A_819 : i32 to vector<16xi32>
      %add3A_821 = arith.addi %iota3A, %add3A_820 : vector<16xi32>
      %eq3A_822 = arith.cmpi eq, %add3A_821, %min3A_818 : vector<16xi32>
      %broadcast_in_dim3A_823 = vector.broadcast %cond3A_12 : f32 to vector<16xf32>
      %select_n3A_824 = arith.select %eq3A_822, %broadcast_in_dim3A_823, %select_n3A_707 : vector<16xi1>, vector<16xf32>
      %add3A_825 = arith.constant 16 : i32
      %add3A_826 = vector.broadcast %add3A_825 : i32 to vector<16xi32>
      %add3A_827 = arith.addi %iota3A, %add3A_826 : vector<16xi32>
      %eq3A_828 = arith.cmpi eq, %add3A_827, %min3A_818 : vector<16xi32>
      %broadcast_in_dim3A_829 = vector.broadcast %cond3A_12 : f32 to vector<16xf32>
      %select_n3A_830 = arith.select %eq3A_828, %broadcast_in_dim3A_829, %select_n3A_713 : vector<16xi1>, vector<16xf32>
      %add3A_831 = arith.constant 32 : i32
      %add3A_832 = vector.broadcast %add3A_831 : i32 to vector<16xi32>
      %add3A_833 = arith.addi %iota3A, %add3A_832 : vector<16xi32>
      %eq3A_834 = arith.cmpi eq, %add3A_833, %min3A_818 : vector<16xi32>
      %broadcast_in_dim3A_835 = vector.broadcast %cond3A_12 : f32 to vector<16xf32>
      %select_n3A_836 = arith.select %eq3A_834, %broadcast_in_dim3A_835, %select_n3A_719 : vector<16xi1>, vector<16xf32>
      %add3A_837 = arith.constant 48 : i32
      %add3A_838 = vector.broadcast %add3A_837 : i32 to vector<16xi32>
      %add3A_839 = arith.addi %iota3A, %add3A_838 : vector<16xi32>
      %eq3A_840 = arith.cmpi eq, %add3A_839, %min3A_818 : vector<16xi32>
      %broadcast_in_dim3A_841 = vector.broadcast %cond3A_12 : f32 to vector<16xf32>
      %select_n3A_842 = arith.select %eq3A_840, %broadcast_in_dim3A_841, %select_n3A_725 : vector<16xi1>, vector<16xf32>
      %eq3A_843 = arith.constant 6 : i32
      %eq3A_844 = vector.broadcast %eq3A_843 : i32 to vector<16xi32>
      %eq3A_845 = arith.cmpi eq, %iota3A, %eq3A_844 : vector<16xi32>
      %select_n3A_846 = arith.select %eq3A_845, %min3A_818, %select_n3A_729 : vector<16xi1>, vector<16xi32>
      %min3A_847 = arith.minimumf %select_n3A_824, %select_n3A_830 : vector<16xf32>
      %min3A_848 = arith.minimumf %select_n3A_836, %select_n3A_842 : vector<16xf32>
      %min3A_849 = arith.minimumf %min3A_847, %min3A_848 : vector<16xf32>
      %neg3A_850 = arith.constant 0.000000e+00 : f32
      %neg3A_851 = vector.broadcast %neg3A_850 : f32 to vector<16xf32>
      %neg3A_852 = arith.subf %neg3A_851, %min3A_849 : vector<16xf32>
      %swap3A_853 = arith.constant 0 : index
      %swap3A_854 = tpu.vector_load %arg6[%swap3A_853] {strides = array<i32>} : memref<16xf32, #tpu.memory_space<vmem>>, vector<16xf32>,
      tpu.vector_store %arg6[%swap3A_853], %neg3A_852 {strides = array<i32>} : memref<16xf32, #tpu.memory_space<vmem>>, vector<16xf32>,
      %xor3A_855 = arith.constant 8 : i32
      %xor3A_856 = vector.broadcast %xor3A_855 : i32 to vector<16xi32>
      %xor3A_857 = arith.xori %iota3A, %xor3A_856 : vector<16xi32>
      %gather3A_858 = tpu.vector_load_idx %arg6[%xor3A_857] : memref<16xf32, #tpu.memory_space<vmem>>[vector<16xi32>], vector<16xf32>,
      %max3A_859 = arith.maximumf %neg3A_852, %gather3A_858 : vector<16xf32>
      %swap3A_860 = arith.constant 0 : index
      %swap3A_861 = tpu.vector_load %arg6[%swap3A_860] {strides = array<i32>} : memref<16xf32, #tpu.memory_space<vmem>>, vector<16xf32>,
      tpu.vector_store %arg6[%swap3A_860], %max3A_859 {strides = array<i32>} : memref<16xf32, #tpu.memory_space<vmem>>, vector<16xf32>,
      %xor3A_862 = arith.constant 4 : i32
      %xor3A_863 = vector.broadcast %xor3A_862 : i32 to vector<16xi32>
      %xor3A_864 = arith.xori %iota3A, %xor3A_863 : vector<16xi32>
      %gather3A_865 = tpu.vector_load_idx %arg6[%xor3A_864] : memref<16xf32, #tpu.memory_space<vmem>>[vector<16xi32>], vector<16xf32>,
      %max3A_866 = arith.maximumf %max3A_859, %gather3A_865 : vector<16xf32>
      %swap3A_867 = arith.constant 0 : index
      %swap3A_868 = tpu.vector_load %arg6[%swap3A_867] {strides = array<i32>} : memref<16xf32, #tpu.memory_space<vmem>>, vector<16xf32>,
      tpu.vector_store %arg6[%swap3A_867], %max3A_866 {strides = array<i32>} : memref<16xf32, #tpu.memory_space<vmem>>, vector<16xf32>,
      %xor3A_869 = arith.constant 2 : i32
      %xor3A_870 = vector.broadcast %xor3A_869 : i32 to vector<16xi32>
      %xor3A_871 = arith.xori %iota3A, %xor3A_870 : vector<16xi32>
      %gather3A_872 = tpu.vector_load_idx %arg6[%xor3A_871] : memref<16xf32, #tpu.memory_space<vmem>>[vector<16xi32>], vector<16xf32>,
      %max3A_873 = arith.maximumf %max3A_866, %gather3A_872 : vector<16xf32>
      %swap3A_874 = arith.constant 0 : index
      %swap3A_875 = tpu.vector_load %arg6[%swap3A_874] {strides = array<i32>} : memref<16xf32, #tpu.memory_space<vmem>>, vector<16xf32>,
      tpu.vector_store %arg6[%swap3A_874], %max3A_873 {strides = array<i32>} : memref<16xf32, #tpu.memory_space<vmem>>, vector<16xf32>,
      %xor3A_876 = arith.constant 1 : i32
      %xor3A_877 = vector.broadcast %xor3A_876 : i32 to vector<16xi32>
      %xor3A_878 = arith.xori %iota3A, %xor3A_877 : vector<16xi32>
      %gather3A_879 = tpu.vector_load_idx %arg6[%xor3A_878] : memref<16xf32, #tpu.memory_space<vmem>>[vector<16xi32>], vector<16xf32>,
      %max3A_880 = arith.maximumf %max3A_873, %gather3A_879 : vector<16xf32>
      %neg3A_881 = arith.constant 0.000000e+00 : f32
      %neg3A_882 = vector.broadcast %neg3A_881 : f32 to vector<16xf32>
      %neg3A_883 = arith.subf %neg3A_882, %max3A_880 : vector<16xf32>
      %eq3A_884 = arith.cmpf oeq, %select_n3A_824, %neg3A_883 : vector<16xf32>
      %add3A_885 = arith.constant 0 : i32
      %add3A_886 = vector.broadcast %add3A_885 : i32 to vector<16xi32>
      %add3A_887 = arith.addi %iota3A, %add3A_886 : vector<16xi32>
      %select_n3A_888 = arith.select %eq3A_884, %add3A_887, %broadcast_in_dim3A_0 : vector<16xi1>, vector<16xi32>
      %min3A_889 = arith.minsi %broadcast_in_dim3A_0, %select_n3A_888 : vector<16xi32>
      %eq3A_890 = arith.cmpf oeq, %select_n3A_830, %neg3A_883 : vector<16xf32>
      %add3A_891 = arith.constant 16 : i32
      %add3A_892 = vector.broadcast %add3A_891 : i32 to vector<16xi32>
      %add3A_893 = arith.addi %iota3A, %add3A_892 : vector<16xi32>
      %select_n3A_894 = arith.select %eq3A_890, %add3A_893, %broadcast_in_dim3A_0 : vector<16xi1>, vector<16xi32>
      %min3A_895 = arith.minsi %min3A_889, %select_n3A_894 : vector<16xi32>
      %eq3A_896 = arith.cmpf oeq, %select_n3A_836, %neg3A_883 : vector<16xf32>
      %add3A_897 = arith.constant 32 : i32
      %add3A_898 = vector.broadcast %add3A_897 : i32 to vector<16xi32>
      %add3A_899 = arith.addi %iota3A, %add3A_898 : vector<16xi32>
      %select_n3A_900 = arith.select %eq3A_896, %add3A_899, %broadcast_in_dim3A_0 : vector<16xi1>, vector<16xi32>
      %min3A_901 = arith.minsi %min3A_895, %select_n3A_900 : vector<16xi32>
      %eq3A_902 = arith.cmpf oeq, %select_n3A_842, %neg3A_883 : vector<16xf32>
      %add3A_903 = arith.constant 48 : i32
      %add3A_904 = vector.broadcast %add3A_903 : i32 to vector<16xi32>
      %add3A_905 = arith.addi %iota3A, %add3A_904 : vector<16xi32>
      %select_n3A_906 = arith.select %eq3A_902, %add3A_905, %broadcast_in_dim3A_0 : vector<16xi1>, vector<16xi32>
      %min3A_907 = arith.minsi %min3A_901, %select_n3A_906 : vector<16xi32>
      %swap3A_908 = arith.constant 0 : index
      %swap3A_909 = tpu.vector_load %arg7[%swap3A_908] {strides = array<i32>} : memref<16xi32, #tpu.memory_space<vmem>>, vector<16xi32>,
      tpu.vector_store %arg7[%swap3A_908], %min3A_907 {strides = array<i32>} : memref<16xi32, #tpu.memory_space<vmem>>, vector<16xi32>,
      %xor3A_910 = arith.constant 8 : i32
      %xor3A_911 = vector.broadcast %xor3A_910 : i32 to vector<16xi32>
      %xor3A_912 = arith.xori %iota3A, %xor3A_911 : vector<16xi32>
      %gather3A_913 = tpu.vector_load_idx %arg7[%xor3A_912] : memref<16xi32, #tpu.memory_space<vmem>>[vector<16xi32>], vector<16xi32>,
      %min3A_914 = arith.minsi %min3A_907, %gather3A_913 : vector<16xi32>
      %swap3A_915 = arith.constant 0 : index
      %swap3A_916 = tpu.vector_load %arg7[%swap3A_915] {strides = array<i32>} : memref<16xi32, #tpu.memory_space<vmem>>, vector<16xi32>,
      tpu.vector_store %arg7[%swap3A_915], %min3A_914 {strides = array<i32>} : memref<16xi32, #tpu.memory_space<vmem>>, vector<16xi32>,
      %xor3A_917 = arith.constant 4 : i32
      %xor3A_918 = vector.broadcast %xor3A_917 : i32 to vector<16xi32>
      %xor3A_919 = arith.xori %iota3A, %xor3A_918 : vector<16xi32>
      %gather3A_920 = tpu.vector_load_idx %arg7[%xor3A_919] : memref<16xi32, #tpu.memory_space<vmem>>[vector<16xi32>], vector<16xi32>,
      %min3A_921 = arith.minsi %min3A_914, %gather3A_920 : vector<16xi32>
      %swap3A_922 = arith.constant 0 : index
      %swap3A_923 = tpu.vector_load %arg7[%swap3A_922] {strides = array<i32>} : memref<16xi32, #tpu.memory_space<vmem>>, vector<16xi32>,
      tpu.vector_store %arg7[%swap3A_922], %min3A_921 {strides = array<i32>} : memref<16xi32, #tpu.memory_space<vmem>>, vector<16xi32>,
      %xor3A_924 = arith.constant 2 : i32
      %xor3A_925 = vector.broadcast %xor3A_924 : i32 to vector<16xi32>
      %xor3A_926 = arith.xori %iota3A, %xor3A_925 : vector<16xi32>
      %gather3A_927 = tpu.vector_load_idx %arg7[%xor3A_926] : memref<16xi32, #tpu.memory_space<vmem>>[vector<16xi32>], vector<16xi32>,
      %min3A_928 = arith.minsi %min3A_921, %gather3A_927 : vector<16xi32>
      %swap3A_929 = arith.constant 0 : index
      %swap3A_930 = tpu.vector_load %arg7[%swap3A_929] {strides = array<i32>} : memref<16xi32, #tpu.memory_space<vmem>>, vector<16xi32>,
      tpu.vector_store %arg7[%swap3A_929], %min3A_928 {strides = array<i32>} : memref<16xi32, #tpu.memory_space<vmem>>, vector<16xi32>,
      %xor3A_931 = arith.constant 1 : i32
      %xor3A_932 = vector.broadcast %xor3A_931 : i32 to vector<16xi32>
      %xor3A_933 = arith.xori %iota3A, %xor3A_932 : vector<16xi32>
      %gather3A_934 = tpu.vector_load_idx %arg7[%xor3A_933] : memref<16xi32, #tpu.memory_space<vmem>>[vector<16xi32>], vector<16xi32>,
      %min3A_935 = arith.minsi %min3A_928, %gather3A_934 : vector<16xi32>
      %add3A_936 = arith.constant 0 : i32
      %add3A_937 = vector.broadcast %add3A_936 : i32 to vector<16xi32>
      %add3A_938 = arith.addi %iota3A, %add3A_937 : vector<16xi32>
      %eq3A_939 = arith.cmpi eq, %add3A_938, %min3A_935 : vector<16xi32>
      %broadcast_in_dim3A_940 = vector.broadcast %cond3A_12 : f32 to vector<16xf32>
      %select_n3A_941 = arith.select %eq3A_939, %broadcast_in_dim3A_940, %select_n3A_824 : vector<16xi1>, vector<16xf32>
      %add3A_942 = arith.constant 16 : i32
      %add3A_943 = vector.broadcast %add3A_942 : i32 to vector<16xi32>
      %add3A_944 = arith.addi %iota3A, %add3A_943 : vector<16xi32>
      %eq3A_945 = arith.cmpi eq, %add3A_944, %min3A_935 : vector<16xi32>
      %broadcast_in_dim3A_946 = vector.broadcast %cond3A_12 : f32 to vector<16xf32>
      %select_n3A_947 = arith.select %eq3A_945, %broadcast_in_dim3A_946, %select_n3A_830 : vector<16xi1>, vector<16xf32>
      %add3A_948 = arith.constant 32 : i32
      %add3A_949 = vector.broadcast %add3A_948 : i32 to vector<16xi32>
      %add3A_950 = arith.addi %iota3A, %add3A_949 : vector<16xi32>
      %eq3A_951 = arith.cmpi eq, %add3A_950, %min3A_935 : vector<16xi32>
      %broadcast_in_dim3A_952 = vector.broadcast %cond3A_12 : f32 to vector<16xf32>
      %select_n3A_953 = arith.select %eq3A_951, %broadcast_in_dim3A_952, %select_n3A_836 : vector<16xi1>, vector<16xf32>
      %add3A_954 = arith.constant 48 : i32
      %add3A_955 = vector.broadcast %add3A_954 : i32 to vector<16xi32>
      %add3A_956 = arith.addi %iota3A, %add3A_955 : vector<16xi32>
      %eq3A_957 = arith.cmpi eq, %add3A_956, %min3A_935 : vector<16xi32>
      %broadcast_in_dim3A_958 = vector.broadcast %cond3A_12 : f32 to vector<16xf32>
      %select_n3A_959 = arith.select %eq3A_957, %broadcast_in_dim3A_958, %select_n3A_842 : vector<16xi1>, vector<16xf32>
      %eq3A_960 = arith.constant 7 : i32
      %eq3A_961 = vector.broadcast %eq3A_960 : i32 to vector<16xi32>
      %eq3A_962 = arith.cmpi eq, %iota3A, %eq3A_961 : vector<16xi32>
      %select_n3A_963 = arith.select %eq3A_962, %min3A_935, %select_n3A_846 : vector<16xi1>, vector<16xi32>
      %swap3A_964 = arith.constant 0 : index
      %swap3A_965 = tpu.vector_load %arg5[%swap3A_964] {strides = array<i32>} : memref<16xi32, #tpu.memory_space<vmem>>, vector<16xi32>,
      tpu.vector_store %arg5[%swap3A_964], %select_n3A_963 {strides = array<i32>} : memref<16xi32, #tpu.memory_space<vmem>>, vector<16xi32>,
      %run_scoped3A_966 = arith.constant 1 : i32
      "tpu.region"() ({
        %run_scoped3A_967 = tpu.sem_alloc : memref<!tpu.dma_semaphore, #tpu.memory_space<semaphore_mem>>
        %dma_start3A = arith.constant 0 : i32
        %dma_start3A_968 = tpu.memref_slice %arg3[%run_scoped3A_966, %dma_start3A] : memref<4x16xi32, #tpu.memory_space<hbm>> -> memref<1x16xi32, #tpu.memory_space<hbm>>
        %dma_start3A_969 = tpu.memref_squeeze %dma_start3A_968 : memref<1x16xi32, #tpu.memory_space<hbm>> -> memref<16xi32, #tpu.memory_space<hbm>>
        %dma_start3A_970 = arith.constant 0 : i32
        %dma_start3A_971 = tpu.memref_slice %arg3[%run_scoped3A_966, %dma_start3A_970] : memref<4x16xi32, #tpu.memory_space<hbm>> -> memref<1x16xi32, #tpu.memory_space<hbm>>
        %dma_start3A_972 = tpu.memref_squeeze %dma_start3A_971 : memref<1x16xi32, #tpu.memory_space<hbm>> -> memref<16xi32, #tpu.memory_space<hbm>>
        tpu.enqueue_dma source(%arg5 : memref<16xi32, #tpu.memory_space<vmem>>) target(%dma_start3A_972 : memref<16xi32, #tpu.memory_space<hbm>>) target_semaphore(%run_scoped3A_967 : memref<!tpu.dma_semaphore, #tpu.memory_space<semaphore_mem>>)
        %dma_wait3A = arith.constant 0 : i32
        %dma_wait3A_973 = tpu.memref_slice %arg3[%run_scoped3A_966, %dma_wait3A] : memref<4x16xi32, #tpu.memory_space<hbm>> -> memref<1x16xi32, #tpu.memory_space<hbm>>
        %dma_wait3A_974 = tpu.memref_squeeze %dma_wait3A_973 : memref<1x16xi32, #tpu.memory_space<hbm>> -> memref<16xi32, #tpu.memory_space<hbm>>
        %dma_wait3A_975 = arith.constant 0 : i32
        %dma_wait3A_976 = tpu.memref_slice %arg3[%run_scoped3A_966, %dma_wait3A_975] : memref<4x16xi32, #tpu.memory_space<hbm>> -> memref<1x16xi32, #tpu.memory_space<hbm>>
        %dma_wait3A_977 = tpu.memref_squeeze %dma_wait3A_976 : memref<1x16xi32, #tpu.memory_space<hbm>> -> memref<16xi32, #tpu.memory_space<hbm>>
        tpu.wait_dma2 semaphore(%run_scoped3A_967 : memref<!tpu.dma_semaphore, #tpu.memory_space<semaphore_mem>>) src(%arg5 : memref<16xi32, #tpu.memory_space<vmem>>) dst(%dma_wait3A_977 : memref<16xi32, #tpu.memory_space<hbm>>)
        tpu.yield
      }) : () -> ()
    } else {
    }
    %eq3A_15 = arith.constant 0 : i32
    %eq3A_16 = arith.cmpi eq, %arg0, %eq3A_15 : i32
    %eq3A_17 = arith.constant 2 : i32
    %eq3A_18 = arith.cmpi eq, %arg1, %eq3A_17 : i32
    %and3A_19 = arith.andi %eq3A_16, %eq3A_18 : i1
    %convert_element_type3A_20 = arith.extui %and3A_19 : i1 to i32
    %cond3A_21 = arith.constant 0x7F800000 : f32
    %cond3A_22 = arith.constant 0 : i32
    %cond3A_23 = arith.cmpi ne, %convert_element_type3A_20, %cond3A_22 : i32
    scf.if %cond3A_23 {
      %run_scoped3A = arith.constant 2 : i32
      "tpu.region"() ({
        %run_scoped3A_967 = tpu.sem_alloc : memref<!tpu.dma_semaphore, #tpu.memory_space<semaphore_mem>>
        %dma_start3A = arith.constant 0 : i32
        %dma_start3A_968 = tpu.memref_slice %arg2[%run_scoped3A, %dma_start3A] : memref<4x64xf32, #tpu.memory_space<hbm>> -> memref<1x64xf32, #tpu.memory_space<hbm>>
        %dma_start3A_969 = tpu.memref_squeeze %dma_start3A_968 : memref<1x64xf32, #tpu.memory_space<hbm>> -> memref<64xf32, #tpu.memory_space<hbm>>
        %dma_start3A_970 = arith.constant 0 : i32
        %dma_start3A_971 = tpu.memref_slice %arg2[%run_scoped3A, %dma_start3A_970] : memref<4x64xf32, #tpu.memory_space<hbm>> -> memref<1x64xf32, #tpu.memory_space<hbm>>
        %dma_start3A_972 = tpu.memref_squeeze %dma_start3A_971 : memref<1x64xf32, #tpu.memory_space<hbm>> -> memref<64xf32, #tpu.memory_space<hbm>>
        tpu.enqueue_dma source(%dma_start3A_972 : memref<64xf32, #tpu.memory_space<hbm>>) target(%arg4 : memref<64xf32, #tpu.memory_space<vmem>>) target_semaphore(%run_scoped3A_967 : memref<!tpu.dma_semaphore, #tpu.memory_space<semaphore_mem>>)
        %dma_wait3A = arith.constant 0 : i32
        %dma_wait3A_973 = tpu.memref_slice %arg2[%run_scoped3A, %dma_wait3A] : memref<4x64xf32, #tpu.memory_space<hbm>> -> memref<1x64xf32, #tpu.memory_space<hbm>>
        %dma_wait3A_974 = tpu.memref_squeeze %dma_wait3A_973 : memref<1x64xf32, #tpu.memory_space<hbm>> -> memref<64xf32, #tpu.memory_space<hbm>>
        %dma_wait3A_975 = arith.constant 0 : i32
        %dma_wait3A_976 = tpu.memref_slice %arg2[%run_scoped3A, %dma_wait3A_975] : memref<4x64xf32, #tpu.memory_space<hbm>> -> memref<1x64xf32, #tpu.memory_space<hbm>>
        %dma_wait3A_977 = tpu.memref_squeeze %dma_wait3A_976 : memref<1x64xf32, #tpu.memory_space<hbm>> -> memref<64xf32, #tpu.memory_space<hbm>>
        tpu.wait_dma2 semaphore(%run_scoped3A_967 : memref<!tpu.dma_semaphore, #tpu.memory_space<semaphore_mem>>) src(%dma_wait3A_977 : memref<64xf32, #tpu.memory_space<hbm>>) dst(%arg4 : memref<64xf32, #tpu.memory_space<vmem>>)
        tpu.yield
      }) : () -> ()
      %broadcast_in_dim3A_33 = arith.constant 0 : i32
      %broadcast_in_dim3A_34 = vector.broadcast %broadcast_in_dim3A_33 : i32 to vector<16xi32>
      %get3A = arith.constant 0 : index
      %get3A_35 = tpu.vector_load %arg4[%get3A] {strides = array<i32>} : memref<64xf32, #tpu.memory_space<vmem>>, vector<16xf32>,
      %get3A_36 = arith.constant 16 : index
      %get3A_37 = tpu.vector_load %arg4[%get3A_36] {strides = array<i32>} : memref<64xf32, #tpu.memory_space<vmem>>, vector<16xf32>,
      %get3A_38 = arith.constant 32 : index
      %get3A_39 = tpu.vector_load %arg4[%get3A_38] {strides = array<i32>} : memref<64xf32, #tpu.memory_space<vmem>>, vector<16xf32>,
      %get3A_40 = arith.constant 48 : index
      %get3A_41 = tpu.vector_load %arg4[%get3A_40] {strides = array<i32>} : memref<64xf32, #tpu.memory_space<vmem>>, vector<16xf32>,
      %max3A = arith.maximumf %get3A_35, %get3A_37 : vector<16xf32>
      %max3A_42 = arith.maximumf %get3A_39, %get3A_41 : vector<16xf32>
      %max3A_43 = arith.maximumf %max3A, %max3A_42 : vector<16xf32>
      %swap3A = arith.constant 0 : index
      %swap3A_44 = tpu.vector_load %arg6[%swap3A] {strides = array<i32>} : memref<16xf32, #tpu.memory_space<vmem>>, vector<16xf32>,
      tpu.vector_store %arg6[%swap3A], %max3A_43 {strides = array<i32>} : memref<16xf32, #tpu.memory_space<vmem>>, vector<16xf32>,
      %xor3A = arith.constant 8 : i32
      %xor3A_45 = vector.broadcast %xor3A : i32 to vector<16xi32>
      %xor3A_46 = arith.xori %iota3A, %xor3A_45 : vector<16xi32>
      %gather3A = tpu.vector_load_idx %arg6[%xor3A_46] : memref<16xf32, #tpu.memory_space<vmem>>[vector<16xi32>], vector<16xf32>,
      %max3A_47 = arith.maximumf %max3A_43, %gather3A : vector<16xf32>
      %swap3A_48 = arith.constant 0 : index
      %swap3A_49 = tpu.vector_load %arg6[%swap3A_48] {strides = array<i32>} : memref<16xf32, #tpu.memory_space<vmem>>, vector<16xf32>,
      tpu.vector_store %arg6[%swap3A_48], %max3A_47 {strides = array<i32>} : memref<16xf32, #tpu.memory_space<vmem>>, vector<16xf32>,
      %xor3A_50 = arith.constant 4 : i32
      %xor3A_51 = vector.broadcast %xor3A_50 : i32 to vector<16xi32>
      %xor3A_52 = arith.xori %iota3A, %xor3A_51 : vector<16xi32>
      %gather3A_53 = tpu.vector_load_idx %arg6[%xor3A_52] : memref<16xf32, #tpu.memory_space<vmem>>[vector<16xi32>], vector<16xf32>,
      %max3A_54 = arith.maximumf %max3A_47, %gather3A_53 : vector<16xf32>
      %swap3A_55 = arith.constant 0 : index
      %swap3A_56 = tpu.vector_load %arg6[%swap3A_55] {strides = array<i32>} : memref<16xf32, #tpu.memory_space<vmem>>, vector<16xf32>,
      tpu.vector_store %arg6[%swap3A_55], %max3A_54 {strides = array<i32>} : memref<16xf32, #tpu.memory_space<vmem>>, vector<16xf32>,
      %xor3A_57 = arith.constant 2 : i32
      %xor3A_58 = vector.broadcast %xor3A_57 : i32 to vector<16xi32>
      %xor3A_59 = arith.xori %iota3A, %xor3A_58 : vector<16xi32>
      %gather3A_60 = tpu.vector_load_idx %arg6[%xor3A_59] : memref<16xf32, #tpu.memory_space<vmem>>[vector<16xi32>], vector<16xf32>,
      %max3A_61 = arith.maximumf %max3A_54, %gather3A_60 : vector<16xf32>
      %swap3A_62 = arith.constant 0 : index
      %swap3A_63 = tpu.vector_load %arg6[%swap3A_62] {strides = array<i32>} : memref<16xf32, #tpu.memory_space<vmem>>, vector<16xf32>,
      tpu.vector_store %arg6[%swap3A_62], %max3A_61 {strides = array<i32>} : memref<16xf32, #tpu.memory_space<vmem>>, vector<16xf32>,
      %xor3A_64 = arith.constant 1 : i32
      %xor3A_65 = vector.broadcast %xor3A_64 : i32 to vector<16xi32>
      %xor3A_66 = arith.xori %iota3A, %xor3A_65 : vector<16xi32>
      %gather3A_67 = tpu.vector_load_idx %arg6[%xor3A_66] : memref<16xf32, #tpu.memory_space<vmem>>[vector<16xi32>], vector<16xf32>,
      %max3A_68 = arith.maximumf %max3A_61, %gather3A_67 : vector<16xf32>
      %eq3A_69 = arith.cmpf oeq, %get3A_35, %max3A_68 : vector<16xf32>
      %add3A = arith.constant 0 : i32
      %add3A_70 = vector.broadcast %add3A : i32 to vector<16xi32>
      %add3A_71 = arith.addi %iota3A, %add3A_70 : vector<16xi32>
      %select_n3A = arith.select %eq3A_69, %add3A_71, %broadcast_in_dim3A_0 : vector<16xi1>, vector<16xi32>
      %min3A = arith.minsi %broadcast_in_dim3A_0, %select_n3A : vector<16xi32>
      %eq3A_72 = arith.cmpf oeq, %get3A_37, %max3A_68 : vector<16xf32>
      %add3A_73 = arith.constant 16 : i32
      %add3A_74 = vector.broadcast %add3A_73 : i32 to vector<16xi32>
      %add3A_75 = arith.addi %iota3A, %add3A_74 : vector<16xi32>
      %select_n3A_76 = arith.select %eq3A_72, %add3A_75, %broadcast_in_dim3A_0 : vector<16xi1>, vector<16xi32>
      %min3A_77 = arith.minsi %min3A, %select_n3A_76 : vector<16xi32>
      %eq3A_78 = arith.cmpf oeq, %get3A_39, %max3A_68 : vector<16xf32>
      %add3A_79 = arith.constant 32 : i32
      %add3A_80 = vector.broadcast %add3A_79 : i32 to vector<16xi32>
      %add3A_81 = arith.addi %iota3A, %add3A_80 : vector<16xi32>
      %select_n3A_82 = arith.select %eq3A_78, %add3A_81, %broadcast_in_dim3A_0 : vector<16xi1>, vector<16xi32>
      %min3A_83 = arith.minsi %min3A_77, %select_n3A_82 : vector<16xi32>
      %eq3A_84 = arith.cmpf oeq, %get3A_41, %max3A_68 : vector<16xf32>
      %add3A_85 = arith.constant 48 : i32
      %add3A_86 = vector.broadcast %add3A_85 : i32 to vector<16xi32>
      %add3A_87 = arith.addi %iota3A, %add3A_86 : vector<16xi32>
      %select_n3A_88 = arith.select %eq3A_84, %add3A_87, %broadcast_in_dim3A_0 : vector<16xi1>, vector<16xi32>
      %min3A_89 = arith.minsi %min3A_83, %select_n3A_88 : vector<16xi32>
      %swap3A_90 = arith.constant 0 : index
      %swap3A_91 = tpu.vector_load %arg7[%swap3A_90] {strides = array<i32>} : memref<16xi32, #tpu.memory_space<vmem>>, vector<16xi32>,
      tpu.vector_store %arg7[%swap3A_90], %min3A_89 {strides = array<i32>} : memref<16xi32, #tpu.memory_space<vmem>>, vector<16xi32>,
      %xor3A_92 = arith.constant 8 : i32
      %xor3A_93 = vector.broadcast %xor3A_92 : i32 to vector<16xi32>
      %xor3A_94 = arith.xori %iota3A, %xor3A_93 : vector<16xi32>
      %gather3A_95 = tpu.vector_load_idx %arg7[%xor3A_94] : memref<16xi32, #tpu.memory_space<vmem>>[vector<16xi32>], vector<16xi32>,
      %min3A_96 = arith.minsi %min3A_89, %gather3A_95 : vector<16xi32>
      %swap3A_97 = arith.constant 0 : index
      %swap3A_98 = tpu.vector_load %arg7[%swap3A_97] {strides = array<i32>} : memref<16xi32, #tpu.memory_space<vmem>>, vector<16xi32>,
      tpu.vector_store %arg7[%swap3A_97], %min3A_96 {strides = array<i32>} : memref<16xi32, #tpu.memory_space<vmem>>, vector<16xi32>,
      %xor3A_99 = arith.constant 4 : i32
      %xor3A_100 = vector.broadcast %xor3A_99 : i32 to vector<16xi32>
      %xor3A_101 = arith.xori %iota3A, %xor3A_100 : vector<16xi32>
      %gather3A_102 = tpu.vector_load_idx %arg7[%xor3A_101] : memref<16xi32, #tpu.memory_space<vmem>>[vector<16xi32>], vector<16xi32>,
      %min3A_103 = arith.minsi %min3A_96, %gather3A_102 : vector<16xi32>
      %swap3A_104 = arith.constant 0 : index
      %swap3A_105 = tpu.vector_load %arg7[%swap3A_104] {strides = array<i32>} : memref<16xi32, #tpu.memory_space<vmem>>, vector<16xi32>,
      tpu.vector_store %arg7[%swap3A_104], %min3A_103 {strides = array<i32>} : memref<16xi32, #tpu.memory_space<vmem>>, vector<16xi32>,
      %xor3A_106 = arith.constant 2 : i32
      %xor3A_107 = vector.broadcast %xor3A_106 : i32 to vector<16xi32>
      %xor3A_108 = arith.xori %iota3A, %xor3A_107 : vector<16xi32>
      %gather3A_109 = tpu.vector_load_idx %arg7[%xor3A_108] : memref<16xi32, #tpu.memory_space<vmem>>[vector<16xi32>], vector<16xi32>,
      %min3A_110 = arith.minsi %min3A_103, %gather3A_109 : vector<16xi32>
      %swap3A_111 = arith.constant 0 : index
      %swap3A_112 = tpu.vector_load %arg7[%swap3A_111] {strides = array<i32>} : memref<16xi32, #tpu.memory_space<vmem>>, vector<16xi32>,
      tpu.vector_store %arg7[%swap3A_111], %min3A_110 {strides = array<i32>} : memref<16xi32, #tpu.memory_space<vmem>>, vector<16xi32>,
      %xor3A_113 = arith.constant 1 : i32
      %xor3A_114 = vector.broadcast %xor3A_113 : i32 to vector<16xi32>
      %xor3A_115 = arith.xori %iota3A, %xor3A_114 : vector<16xi32>
      %gather3A_116 = tpu.vector_load_idx %arg7[%xor3A_115] : memref<16xi32, #tpu.memory_space<vmem>>[vector<16xi32>], vector<16xi32>,
      %min3A_117 = arith.minsi %min3A_110, %gather3A_116 : vector<16xi32>
      %neg3A = arith.constant 0.000000e+00 : f32
      %neg3A_118 = arith.subf %neg3A, %cond3A_21 : f32
      %add3A_119 = arith.constant 0 : i32
      %add3A_120 = vector.broadcast %add3A_119 : i32 to vector<16xi32>
      %add3A_121 = arith.addi %iota3A, %add3A_120 : vector<16xi32>
      %eq3A_122 = arith.cmpi eq, %add3A_121, %min3A_117 : vector<16xi32>
      %broadcast_in_dim3A_123 = vector.broadcast %neg3A_118 : f32 to vector<16xf32>
      %select_n3A_124 = arith.select %eq3A_122, %broadcast_in_dim3A_123, %get3A_35 : vector<16xi1>, vector<16xf32>
      %add3A_125 = arith.constant 16 : i32
      %add3A_126 = vector.broadcast %add3A_125 : i32 to vector<16xi32>
      %add3A_127 = arith.addi %iota3A, %add3A_126 : vector<16xi32>
      %eq3A_128 = arith.cmpi eq, %add3A_127, %min3A_117 : vector<16xi32>
      %broadcast_in_dim3A_129 = vector.broadcast %neg3A_118 : f32 to vector<16xf32>
      %select_n3A_130 = arith.select %eq3A_128, %broadcast_in_dim3A_129, %get3A_37 : vector<16xi1>, vector<16xf32>
      %add3A_131 = arith.constant 32 : i32
      %add3A_132 = vector.broadcast %add3A_131 : i32 to vector<16xi32>
      %add3A_133 = arith.addi %iota3A, %add3A_132 : vector<16xi32>
      %eq3A_134 = arith.cmpi eq, %add3A_133, %min3A_117 : vector<16xi32>
      %broadcast_in_dim3A_135 = vector.broadcast %neg3A_118 : f32 to vector<16xf32>
      %select_n3A_136 = arith.select %eq3A_134, %broadcast_in_dim3A_135, %get3A_39 : vector<16xi1>, vector<16xf32>
      %add3A_137 = arith.constant 48 : i32
      %add3A_138 = vector.broadcast %add3A_137 : i32 to vector<16xi32>
      %add3A_139 = arith.addi %iota3A, %add3A_138 : vector<16xi32>
      %eq3A_140 = arith.cmpi eq, %add3A_139, %min3A_117 : vector<16xi32>
      %broadcast_in_dim3A_141 = vector.broadcast %neg3A_118 : f32 to vector<16xf32>
      %select_n3A_142 = arith.select %eq3A_140, %broadcast_in_dim3A_141, %get3A_41 : vector<16xi1>, vector<16xf32>
      %eq3A_143 = arith.constant 0 : i32
      %eq3A_144 = vector.broadcast %eq3A_143 : i32 to vector<16xi32>
      %eq3A_145 = arith.cmpi eq, %iota3A, %eq3A_144 : vector<16xi32>
      %select_n3A_146 = arith.select %eq3A_145, %min3A_117, %broadcast_in_dim3A_34 : vector<16xi1>, vector<16xi32>
      %max3A_147 = arith.maximumf %select_n3A_124, %select_n3A_130 : vector<16xf32>
      %max3A_148 = arith.maximumf %select_n3A_136, %select_n3A_142 : vector<16xf32>
      %max3A_149 = arith.maximumf %max3A_147, %max3A_148 : vector<16xf32>
      %swap3A_150 = arith.constant 0 : index
      %swap3A_151 = tpu.vector_load %arg6[%swap3A_150] {strides = array<i32>} : memref<16xf32, #tpu.memory_space<vmem>>, vector<16xf32>,
      tpu.vector_store %arg6[%swap3A_150], %max3A_149 {strides = array<i32>} : memref<16xf32, #tpu.memory_space<vmem>>, vector<16xf32>,
      %xor3A_152 = arith.constant 8 : i32
      %xor3A_153 = vector.broadcast %xor3A_152 : i32 to vector<16xi32>
      %xor3A_154 = arith.xori %iota3A, %xor3A_153 : vector<16xi32>
      %gather3A_155 = tpu.vector_load_idx %arg6[%xor3A_154] : memref<16xf32, #tpu.memory_space<vmem>>[vector<16xi32>], vector<16xf32>,
      %max3A_156 = arith.maximumf %max3A_149, %gather3A_155 : vector<16xf32>
      %swap3A_157 = arith.constant 0 : index
      %swap3A_158 = tpu.vector_load %arg6[%swap3A_157] {strides = array<i32>} : memref<16xf32, #tpu.memory_space<vmem>>, vector<16xf32>,
      tpu.vector_store %arg6[%swap3A_157], %max3A_156 {strides = array<i32>} : memref<16xf32, #tpu.memory_space<vmem>>, vector<16xf32>,
      %xor3A_159 = arith.constant 4 : i32
      %xor3A_160 = vector.broadcast %xor3A_159 : i32 to vector<16xi32>
      %xor3A_161 = arith.xori %iota3A, %xor3A_160 : vector<16xi32>
      %gather3A_162 = tpu.vector_load_idx %arg6[%xor3A_161] : memref<16xf32, #tpu.memory_space<vmem>>[vector<16xi32>], vector<16xf32>,
      %max3A_163 = arith.maximumf %max3A_156, %gather3A_162 : vector<16xf32>
      %swap3A_164 = arith.constant 0 : index
      %swap3A_165 = tpu.vector_load %arg6[%swap3A_164] {strides = array<i32>} : memref<16xf32, #tpu.memory_space<vmem>>, vector<16xf32>,
      tpu.vector_store %arg6[%swap3A_164], %max3A_163 {strides = array<i32>} : memref<16xf32, #tpu.memory_space<vmem>>, vector<16xf32>,
      %xor3A_166 = arith.constant 2 : i32
      %xor3A_167 = vector.broadcast %xor3A_166 : i32 to vector<16xi32>
      %xor3A_168 = arith.xori %iota3A, %xor3A_167 : vector<16xi32>
      %gather3A_169 = tpu.vector_load_idx %arg6[%xor3A_168] : memref<16xf32, #tpu.memory_space<vmem>>[vector<16xi32>], vector<16xf32>,
      %max3A_170 = arith.maximumf %max3A_163, %gather3A_169 : vector<16xf32>
      %swap3A_171 = arith.constant 0 : index
      %swap3A_172 = tpu.vector_load %arg6[%swap3A_171] {strides = array<i32>} : memref<16xf32, #tpu.memory_space<vmem>>, vector<16xf32>,
      tpu.vector_store %arg6[%swap3A_171], %max3A_170 {strides = array<i32>} : memref<16xf32, #tpu.memory_space<vmem>>, vector<16xf32>,
      %xor3A_173 = arith.constant 1 : i32
      %xor3A_174 = vector.broadcast %xor3A_173 : i32 to vector<16xi32>
      %xor3A_175 = arith.xori %iota3A, %xor3A_174 : vector<16xi32>
      %gather3A_176 = tpu.vector_load_idx %arg6[%xor3A_175] : memref<16xf32, #tpu.memory_space<vmem>>[vector<16xi32>], vector<16xf32>,
      %max3A_177 = arith.maximumf %max3A_170, %gather3A_176 : vector<16xf32>
      %eq3A_178 = arith.cmpf oeq, %select_n3A_124, %max3A_177 : vector<16xf32>
      %add3A_179 = arith.constant 0 : i32
      %add3A_180 = vector.broadcast %add3A_179 : i32 to vector<16xi32>
      %add3A_181 = arith.addi %iota3A, %add3A_180 : vector<16xi32>
      %select_n3A_182 = arith.select %eq3A_178, %add3A_181, %broadcast_in_dim3A_0 : vector<16xi1>, vector<16xi32>
      %min3A_183 = arith.minsi %broadcast_in_dim3A_0, %select_n3A_182 : vector<16xi32>
      %eq3A_184 = arith.cmpf oeq, %select_n3A_130, %max3A_177 : vector<16xf32>
      %add3A_185 = arith.constant 16 : i32
      %add3A_186 = vector.broadcast %add3A_185 : i32 to vector<16xi32>
      %add3A_187 = arith.addi %iota3A, %add3A_186 : vector<16xi32>
      %select_n3A_188 = arith.select %eq3A_184, %add3A_187, %broadcast_in_dim3A_0 : vector<16xi1>, vector<16xi32>
      %min3A_189 = arith.minsi %min3A_183, %select_n3A_188 : vector<16xi32>
      %eq3A_190 = arith.cmpf oeq, %select_n3A_136, %max3A_177 : vector<16xf32>
      %add3A_191 = arith.constant 32 : i32
      %add3A_192 = vector.broadcast %add3A_191 : i32 to vector<16xi32>
      %add3A_193 = arith.addi %iota3A, %add3A_192 : vector<16xi32>
      %select_n3A_194 = arith.select %eq3A_190, %add3A_193, %broadcast_in_dim3A_0 : vector<16xi1>, vector<16xi32>
      %min3A_195 = arith.minsi %min3A_189, %select_n3A_194 : vector<16xi32>
      %eq3A_196 = arith.cmpf oeq, %select_n3A_142, %max3A_177 : vector<16xf32>
      %add3A_197 = arith.constant 48 : i32
      %add3A_198 = vector.broadcast %add3A_197 : i32 to vector<16xi32>
      %add3A_199 = arith.addi %iota3A, %add3A_198 : vector<16xi32>
      %select_n3A_200 = arith.select %eq3A_196, %add3A_199, %broadcast_in_dim3A_0 : vector<16xi1>, vector<16xi32>
      %min3A_201 = arith.minsi %min3A_195, %select_n3A_200 : vector<16xi32>
      %swap3A_202 = arith.constant 0 : index
      %swap3A_203 = tpu.vector_load %arg7[%swap3A_202] {strides = array<i32>} : memref<16xi32, #tpu.memory_space<vmem>>, vector<16xi32>,
      tpu.vector_store %arg7[%swap3A_202], %min3A_201 {strides = array<i32>} : memref<16xi32, #tpu.memory_space<vmem>>, vector<16xi32>,
      %xor3A_204 = arith.constant 8 : i32
      %xor3A_205 = vector.broadcast %xor3A_204 : i32 to vector<16xi32>
      %xor3A_206 = arith.xori %iota3A, %xor3A_205 : vector<16xi32>
      %gather3A_207 = tpu.vector_load_idx %arg7[%xor3A_206] : memref<16xi32, #tpu.memory_space<vmem>>[vector<16xi32>], vector<16xi32>,
      %min3A_208 = arith.minsi %min3A_201, %gather3A_207 : vector<16xi32>
      %swap3A_209 = arith.constant 0 : index
      %swap3A_210 = tpu.vector_load %arg7[%swap3A_209] {strides = array<i32>} : memref<16xi32, #tpu.memory_space<vmem>>, vector<16xi32>,
      tpu.vector_store %arg7[%swap3A_209], %min3A_208 {strides = array<i32>} : memref<16xi32, #tpu.memory_space<vmem>>, vector<16xi32>,
      %xor3A_211 = arith.constant 4 : i32
      %xor3A_212 = vector.broadcast %xor3A_211 : i32 to vector<16xi32>
      %xor3A_213 = arith.xori %iota3A, %xor3A_212 : vector<16xi32>
      %gather3A_214 = tpu.vector_load_idx %arg7[%xor3A_213] : memref<16xi32, #tpu.memory_space<vmem>>[vector<16xi32>], vector<16xi32>,
      %min3A_215 = arith.minsi %min3A_208, %gather3A_214 : vector<16xi32>
      %swap3A_216 = arith.constant 0 : index
      %swap3A_217 = tpu.vector_load %arg7[%swap3A_216] {strides = array<i32>} : memref<16xi32, #tpu.memory_space<vmem>>, vector<16xi32>,
      tpu.vector_store %arg7[%swap3A_216], %min3A_215 {strides = array<i32>} : memref<16xi32, #tpu.memory_space<vmem>>, vector<16xi32>,
      %xor3A_218 = arith.constant 2 : i32
      %xor3A_219 = vector.broadcast %xor3A_218 : i32 to vector<16xi32>
      %xor3A_220 = arith.xori %iota3A, %xor3A_219 : vector<16xi32>
      %gather3A_221 = tpu.vector_load_idx %arg7[%xor3A_220] : memref<16xi32, #tpu.memory_space<vmem>>[vector<16xi32>], vector<16xi32>,
      %min3A_222 = arith.minsi %min3A_215, %gather3A_221 : vector<16xi32>
      %swap3A_223 = arith.constant 0 : index
      %swap3A_224 = tpu.vector_load %arg7[%swap3A_223] {strides = array<i32>} : memref<16xi32, #tpu.memory_space<vmem>>, vector<16xi32>,
      tpu.vector_store %arg7[%swap3A_223], %min3A_222 {strides = array<i32>} : memref<16xi32, #tpu.memory_space<vmem>>, vector<16xi32>,
      %xor3A_225 = arith.constant 1 : i32
      %xor3A_226 = vector.broadcast %xor3A_225 : i32 to vector<16xi32>
      %xor3A_227 = arith.xori %iota3A, %xor3A_226 : vector<16xi32>
      %gather3A_228 = tpu.vector_load_idx %arg7[%xor3A_227] : memref<16xi32, #tpu.memory_space<vmem>>[vector<16xi32>], vector<16xi32>,
      %min3A_229 = arith.minsi %min3A_222, %gather3A_228 : vector<16xi32>
      %neg3A_230 = arith.constant 0.000000e+00 : f32
      %neg3A_231 = arith.subf %neg3A_230, %cond3A_21 : f32
      %add3A_232 = arith.constant 0 : i32
      %add3A_233 = vector.broadcast %add3A_232 : i32 to vector<16xi32>
      %add3A_234 = arith.addi %iota3A, %add3A_233 : vector<16xi32>
      %eq3A_235 = arith.cmpi eq, %add3A_234, %min3A_229 : vector<16xi32>
      %broadcast_in_dim3A_236 = vector.broadcast %neg3A_231 : f32 to vector<16xf32>
      %select_n3A_237 = arith.select %eq3A_235, %broadcast_in_dim3A_236, %select_n3A_124 : vector<16xi1>, vector<16xf32>
      %add3A_238 = arith.constant 16 : i32
      %add3A_239 = vector.broadcast %add3A_238 : i32 to vector<16xi32>
      %add3A_240 = arith.addi %iota3A, %add3A_239 : vector<16xi32>
      %eq3A_241 = arith.cmpi eq, %add3A_240, %min3A_229 : vector<16xi32>
      %broadcast_in_dim3A_242 = vector.broadcast %neg3A_231 : f32 to vector<16xf32>
      %select_n3A_243 = arith.select %eq3A_241, %broadcast_in_dim3A_242, %select_n3A_130 : vector<16xi1>, vector<16xf32>
      %add3A_244 = arith.constant 32 : i32
      %add3A_245 = vector.broadcast %add3A_244 : i32 to vector<16xi32>
      %add3A_246 = arith.addi %iota3A, %add3A_245 : vector<16xi32>
      %eq3A_247 = arith.cmpi eq, %add3A_246, %min3A_229 : vector<16xi32>
      %broadcast_in_dim3A_248 = vector.broadcast %neg3A_231 : f32 to vector<16xf32>
      %select_n3A_249 = arith.select %eq3A_247, %broadcast_in_dim3A_248, %select_n3A_136 : vector<16xi1>, vector<16xf32>
      %add3A_250 = arith.constant 48 : i32
      %add3A_251 = vector.broadcast %add3A_250 : i32 to vector<16xi32>
      %add3A_252 = arith.addi %iota3A, %add3A_251 : vector<16xi32>
      %eq3A_253 = arith.cmpi eq, %add3A_252, %min3A_229 : vector<16xi32>
      %broadcast_in_dim3A_254 = vector.broadcast %neg3A_231 : f32 to vector<16xf32>
      %select_n3A_255 = arith.select %eq3A_253, %broadcast_in_dim3A_254, %select_n3A_142 : vector<16xi1>, vector<16xf32>
      %eq3A_256 = arith.constant 1 : i32
      %eq3A_257 = vector.broadcast %eq3A_256 : i32 to vector<16xi32>
      %eq3A_258 = arith.cmpi eq, %iota3A, %eq3A_257 : vector<16xi32>
      %select_n3A_259 = arith.select %eq3A_258, %min3A_229, %select_n3A_146 : vector<16xi1>, vector<16xi32>
      %max3A_260 = arith.maximumf %select_n3A_237, %select_n3A_243 : vector<16xf32>
      %max3A_261 = arith.maximumf %select_n3A_249, %select_n3A_255 : vector<16xf32>
      %max3A_262 = arith.maximumf %max3A_260, %max3A_261 : vector<16xf32>
      %swap3A_263 = arith.constant 0 : index
      %swap3A_264 = tpu.vector_load %arg6[%swap3A_263] {strides = array<i32>} : memref<16xf32, #tpu.memory_space<vmem>>, vector<16xf32>,
      tpu.vector_store %arg6[%swap3A_263], %max3A_262 {strides = array<i32>} : memref<16xf32, #tpu.memory_space<vmem>>, vector<16xf32>,
      %xor3A_265 = arith.constant 8 : i32
      %xor3A_266 = vector.broadcast %xor3A_265 : i32 to vector<16xi32>
      %xor3A_267 = arith.xori %iota3A, %xor3A_266 : vector<16xi32>
      %gather3A_268 = tpu.vector_load_idx %arg6[%xor3A_267] : memref<16xf32, #tpu.memory_space<vmem>>[vector<16xi32>], vector<16xf32>,
      %max3A_269 = arith.maximumf %max3A_262, %gather3A_268 : vector<16xf32>
      %swap3A_270 = arith.constant 0 : index
      %swap3A_271 = tpu.vector_load %arg6[%swap3A_270] {strides = array<i32>} : memref<16xf32, #tpu.memory_space<vmem>>, vector<16xf32>,
      tpu.vector_store %arg6[%swap3A_270], %max3A_269 {strides = array<i32>} : memref<16xf32, #tpu.memory_space<vmem>>, vector<16xf32>,
      %xor3A_272 = arith.constant 4 : i32
      %xor3A_273 = vector.broadcast %xor3A_272 : i32 to vector<16xi32>
      %xor3A_274 = arith.xori %iota3A, %xor3A_273 : vector<16xi32>
      %gather3A_275 = tpu.vector_load_idx %arg6[%xor3A_274] : memref<16xf32, #tpu.memory_space<vmem>>[vector<16xi32>], vector<16xf32>,
      %max3A_276 = arith.maximumf %max3A_269, %gather3A_275 : vector<16xf32>
      %swap3A_277 = arith.constant 0 : index
      %swap3A_278 = tpu.vector_load %arg6[%swap3A_277] {strides = array<i32>} : memref<16xf32, #tpu.memory_space<vmem>>, vector<16xf32>,
      tpu.vector_store %arg6[%swap3A_277], %max3A_276 {strides = array<i32>} : memref<16xf32, #tpu.memory_space<vmem>>, vector<16xf32>,
      %xor3A_279 = arith.constant 2 : i32
      %xor3A_280 = vector.broadcast %xor3A_279 : i32 to vector<16xi32>
      %xor3A_281 = arith.xori %iota3A, %xor3A_280 : vector<16xi32>
      %gather3A_282 = tpu.vector_load_idx %arg6[%xor3A_281] : memref<16xf32, #tpu.memory_space<vmem>>[vector<16xi32>], vector<16xf32>,
      %max3A_283 = arith.maximumf %max3A_276, %gather3A_282 : vector<16xf32>
      %swap3A_284 = arith.constant 0 : index
      %swap3A_285 = tpu.vector_load %arg6[%swap3A_284] {strides = array<i32>} : memref<16xf32, #tpu.memory_space<vmem>>, vector<16xf32>,
      tpu.vector_store %arg6[%swap3A_284], %max3A_283 {strides = array<i32>} : memref<16xf32, #tpu.memory_space<vmem>>, vector<16xf32>,
      %xor3A_286 = arith.constant 1 : i32
      %xor3A_287 = vector.broadcast %xor3A_286 : i32 to vector<16xi32>
      %xor3A_288 = arith.xori %iota3A, %xor3A_287 : vector<16xi32>
      %gather3A_289 = tpu.vector_load_idx %arg6[%xor3A_288] : memref<16xf32, #tpu.memory_space<vmem>>[vector<16xi32>], vector<16xf32>,
      %max3A_290 = arith.maximumf %max3A_283, %gather3A_289 : vector<16xf32>
      %eq3A_291 = arith.cmpf oeq, %select_n3A_237, %max3A_290 : vector<16xf32>
      %add3A_292 = arith.constant 0 : i32
      %add3A_293 = vector.broadcast %add3A_292 : i32 to vector<16xi32>
      %add3A_294 = arith.addi %iota3A, %add3A_293 : vector<16xi32>
      %select_n3A_295 = arith.select %eq3A_291, %add3A_294, %broadcast_in_dim3A_0 : vector<16xi1>, vector<16xi32>
      %min3A_296 = arith.minsi %broadcast_in_dim3A_0, %select_n3A_295 : vector<16xi32>
      %eq3A_297 = arith.cmpf oeq, %select_n3A_243, %max3A_290 : vector<16xf32>
      %add3A_298 = arith.constant 16 : i32
      %add3A_299 = vector.broadcast %add3A_298 : i32 to vector<16xi32>
      %add3A_300 = arith.addi %iota3A, %add3A_299 : vector<16xi32>
      %select_n3A_301 = arith.select %eq3A_297, %add3A_300, %broadcast_in_dim3A_0 : vector<16xi1>, vector<16xi32>
      %min3A_302 = arith.minsi %min3A_296, %select_n3A_301 : vector<16xi32>
      %eq3A_303 = arith.cmpf oeq, %select_n3A_249, %max3A_290 : vector<16xf32>
      %add3A_304 = arith.constant 32 : i32
      %add3A_305 = vector.broadcast %add3A_304 : i32 to vector<16xi32>
      %add3A_306 = arith.addi %iota3A, %add3A_305 : vector<16xi32>
      %select_n3A_307 = arith.select %eq3A_303, %add3A_306, %broadcast_in_dim3A_0 : vector<16xi1>, vector<16xi32>
      %min3A_308 = arith.minsi %min3A_302, %select_n3A_307 : vector<16xi32>
      %eq3A_309 = arith.cmpf oeq, %select_n3A_255, %max3A_290 : vector<16xf32>
      %add3A_310 = arith.constant 48 : i32
      %add3A_311 = vector.broadcast %add3A_310 : i32 to vector<16xi32>
      %add3A_312 = arith.addi %iota3A, %add3A_311 : vector<16xi32>
      %select_n3A_313 = arith.select %eq3A_309, %add3A_312, %broadcast_in_dim3A_0 : vector<16xi1>, vector<16xi32>
      %min3A_314 = arith.minsi %min3A_308, %select_n3A_313 : vector<16xi32>
      %swap3A_315 = arith.constant 0 : index
      %swap3A_316 = tpu.vector_load %arg7[%swap3A_315] {strides = array<i32>} : memref<16xi32, #tpu.memory_space<vmem>>, vector<16xi32>,
      tpu.vector_store %arg7[%swap3A_315], %min3A_314 {strides = array<i32>} : memref<16xi32, #tpu.memory_space<vmem>>, vector<16xi32>,
      %xor3A_317 = arith.constant 8 : i32
      %xor3A_318 = vector.broadcast %xor3A_317 : i32 to vector<16xi32>
      %xor3A_319 = arith.xori %iota3A, %xor3A_318 : vector<16xi32>
      %gather3A_320 = tpu.vector_load_idx %arg7[%xor3A_319] : memref<16xi32, #tpu.memory_space<vmem>>[vector<16xi32>], vector<16xi32>,
      %min3A_321 = arith.minsi %min3A_314, %gather3A_320 : vector<16xi32>
      %swap3A_322 = arith.constant 0 : index
      %swap3A_323 = tpu.vector_load %arg7[%swap3A_322] {strides = array<i32>} : memref<16xi32, #tpu.memory_space<vmem>>, vector<16xi32>,
      tpu.vector_store %arg7[%swap3A_322], %min3A_321 {strides = array<i32>} : memref<16xi32, #tpu.memory_space<vmem>>, vector<16xi32>,
      %xor3A_324 = arith.constant 4 : i32
      %xor3A_325 = vector.broadcast %xor3A_324 : i32 to vector<16xi32>
      %xor3A_326 = arith.xori %iota3A, %xor3A_325 : vector<16xi32>
      %gather3A_327 = tpu.vector_load_idx %arg7[%xor3A_326] : memref<16xi32, #tpu.memory_space<vmem>>[vector<16xi32>], vector<16xi32>,
      %min3A_328 = arith.minsi %min3A_321, %gather3A_327 : vector<16xi32>
      %swap3A_329 = arith.constant 0 : index
      %swap3A_330 = tpu.vector_load %arg7[%swap3A_329] {strides = array<i32>} : memref<16xi32, #tpu.memory_space<vmem>>, vector<16xi32>,
      tpu.vector_store %arg7[%swap3A_329], %min3A_328 {strides = array<i32>} : memref<16xi32, #tpu.memory_space<vmem>>, vector<16xi32>,
      %xor3A_331 = arith.constant 2 : i32
      %xor3A_332 = vector.broadcast %xor3A_331 : i32 to vector<16xi32>
      %xor3A_333 = arith.xori %iota3A, %xor3A_332 : vector<16xi32>
      %gather3A_334 = tpu.vector_load_idx %arg7[%xor3A_333] : memref<16xi32, #tpu.memory_space<vmem>>[vector<16xi32>], vector<16xi32>,
      %min3A_335 = arith.minsi %min3A_328, %gather3A_334 : vector<16xi32>
      %swap3A_336 = arith.constant 0 : index
      %swap3A_337 = tpu.vector_load %arg7[%swap3A_336] {strides = array<i32>} : memref<16xi32, #tpu.memory_space<vmem>>, vector<16xi32>,
      tpu.vector_store %arg7[%swap3A_336], %min3A_335 {strides = array<i32>} : memref<16xi32, #tpu.memory_space<vmem>>, vector<16xi32>,
      %xor3A_338 = arith.constant 1 : i32
      %xor3A_339 = vector.broadcast %xor3A_338 : i32 to vector<16xi32>
      %xor3A_340 = arith.xori %iota3A, %xor3A_339 : vector<16xi32>
      %gather3A_341 = tpu.vector_load_idx %arg7[%xor3A_340] : memref<16xi32, #tpu.memory_space<vmem>>[vector<16xi32>], vector<16xi32>,
      %min3A_342 = arith.minsi %min3A_335, %gather3A_341 : vector<16xi32>
      %neg3A_343 = arith.constant 0.000000e+00 : f32
      %neg3A_344 = arith.subf %neg3A_343, %cond3A_21 : f32
      %add3A_345 = arith.constant 0 : i32
      %add3A_346 = vector.broadcast %add3A_345 : i32 to vector<16xi32>
      %add3A_347 = arith.addi %iota3A, %add3A_346 : vector<16xi32>
      %eq3A_348 = arith.cmpi eq, %add3A_347, %min3A_342 : vector<16xi32>
      %broadcast_in_dim3A_349 = vector.broadcast %neg3A_344 : f32 to vector<16xf32>
      %select_n3A_350 = arith.select %eq3A_348, %broadcast_in_dim3A_349, %select_n3A_237 : vector<16xi1>, vector<16xf32>
      %add3A_351 = arith.constant 16 : i32
      %add3A_352 = vector.broadcast %add3A_351 : i32 to vector<16xi32>
      %add3A_353 = arith.addi %iota3A, %add3A_352 : vector<16xi32>
      %eq3A_354 = arith.cmpi eq, %add3A_353, %min3A_342 : vector<16xi32>
      %broadcast_in_dim3A_355 = vector.broadcast %neg3A_344 : f32 to vector<16xf32>
      %select_n3A_356 = arith.select %eq3A_354, %broadcast_in_dim3A_355, %select_n3A_243 : vector<16xi1>, vector<16xf32>
      %add3A_357 = arith.constant 32 : i32
      %add3A_358 = vector.broadcast %add3A_357 : i32 to vector<16xi32>
      %add3A_359 = arith.addi %iota3A, %add3A_358 : vector<16xi32>
      %eq3A_360 = arith.cmpi eq, %add3A_359, %min3A_342 : vector<16xi32>
      %broadcast_in_dim3A_361 = vector.broadcast %neg3A_344 : f32 to vector<16xf32>
      %select_n3A_362 = arith.select %eq3A_360, %broadcast_in_dim3A_361, %select_n3A_249 : vector<16xi1>, vector<16xf32>
      %add3A_363 = arith.constant 48 : i32
      %add3A_364 = vector.broadcast %add3A_363 : i32 to vector<16xi32>
      %add3A_365 = arith.addi %iota3A, %add3A_364 : vector<16xi32>
      %eq3A_366 = arith.cmpi eq, %add3A_365, %min3A_342 : vector<16xi32>
      %broadcast_in_dim3A_367 = vector.broadcast %neg3A_344 : f32 to vector<16xf32>
      %select_n3A_368 = arith.select %eq3A_366, %broadcast_in_dim3A_367, %select_n3A_255 : vector<16xi1>, vector<16xf32>
      %eq3A_369 = arith.constant 2 : i32
      %eq3A_370 = vector.broadcast %eq3A_369 : i32 to vector<16xi32>
      %eq3A_371 = arith.cmpi eq, %iota3A, %eq3A_370 : vector<16xi32>
      %select_n3A_372 = arith.select %eq3A_371, %min3A_342, %select_n3A_259 : vector<16xi1>, vector<16xi32>
      %max3A_373 = arith.maximumf %select_n3A_350, %select_n3A_356 : vector<16xf32>
      %max3A_374 = arith.maximumf %select_n3A_362, %select_n3A_368 : vector<16xf32>
      %max3A_375 = arith.maximumf %max3A_373, %max3A_374 : vector<16xf32>
      %swap3A_376 = arith.constant 0 : index
      %swap3A_377 = tpu.vector_load %arg6[%swap3A_376] {strides = array<i32>} : memref<16xf32, #tpu.memory_space<vmem>>, vector<16xf32>,
      tpu.vector_store %arg6[%swap3A_376], %max3A_375 {strides = array<i32>} : memref<16xf32, #tpu.memory_space<vmem>>, vector<16xf32>,
      %xor3A_378 = arith.constant 8 : i32
      %xor3A_379 = vector.broadcast %xor3A_378 : i32 to vector<16xi32>
      %xor3A_380 = arith.xori %iota3A, %xor3A_379 : vector<16xi32>
      %gather3A_381 = tpu.vector_load_idx %arg6[%xor3A_380] : memref<16xf32, #tpu.memory_space<vmem>>[vector<16xi32>], vector<16xf32>,
      %max3A_382 = arith.maximumf %max3A_375, %gather3A_381 : vector<16xf32>
      %swap3A_383 = arith.constant 0 : index
      %swap3A_384 = tpu.vector_load %arg6[%swap3A_383] {strides = array<i32>} : memref<16xf32, #tpu.memory_space<vmem>>, vector<16xf32>,
      tpu.vector_store %arg6[%swap3A_383], %max3A_382 {strides = array<i32>} : memref<16xf32, #tpu.memory_space<vmem>>, vector<16xf32>,
      %xor3A_385 = arith.constant 4 : i32
      %xor3A_386 = vector.broadcast %xor3A_385 : i32 to vector<16xi32>
      %xor3A_387 = arith.xori %iota3A, %xor3A_386 : vector<16xi32>
      %gather3A_388 = tpu.vector_load_idx %arg6[%xor3A_387] : memref<16xf32, #tpu.memory_space<vmem>>[vector<16xi32>], vector<16xf32>,
      %max3A_389 = arith.maximumf %max3A_382, %gather3A_388 : vector<16xf32>
      %swap3A_390 = arith.constant 0 : index
      %swap3A_391 = tpu.vector_load %arg6[%swap3A_390] {strides = array<i32>} : memref<16xf32, #tpu.memory_space<vmem>>, vector<16xf32>,
      tpu.vector_store %arg6[%swap3A_390], %max3A_389 {strides = array<i32>} : memref<16xf32, #tpu.memory_space<vmem>>, vector<16xf32>,
      %xor3A_392 = arith.constant 2 : i32
      %xor3A_393 = vector.broadcast %xor3A_392 : i32 to vector<16xi32>
      %xor3A_394 = arith.xori %iota3A, %xor3A_393 : vector<16xi32>
      %gather3A_395 = tpu.vector_load_idx %arg6[%xor3A_394] : memref<16xf32, #tpu.memory_space<vmem>>[vector<16xi32>], vector<16xf32>,
      %max3A_396 = arith.maximumf %max3A_389, %gather3A_395 : vector<16xf32>
      %swap3A_397 = arith.constant 0 : index
      %swap3A_398 = tpu.vector_load %arg6[%swap3A_397] {strides = array<i32>} : memref<16xf32, #tpu.memory_space<vmem>>, vector<16xf32>,
      tpu.vector_store %arg6[%swap3A_397], %max3A_396 {strides = array<i32>} : memref<16xf32, #tpu.memory_space<vmem>>, vector<16xf32>,
      %xor3A_399 = arith.constant 1 : i32
      %xor3A_400 = vector.broadcast %xor3A_399 : i32 to vector<16xi32>
      %xor3A_401 = arith.xori %iota3A, %xor3A_400 : vector<16xi32>
      %gather3A_402 = tpu.vector_load_idx %arg6[%xor3A_401] : memref<16xf32, #tpu.memory_space<vmem>>[vector<16xi32>], vector<16xf32>,
      %max3A_403 = arith.maximumf %max3A_396, %gather3A_402 : vector<16xf32>
      %eq3A_404 = arith.cmpf oeq, %select_n3A_350, %max3A_403 : vector<16xf32>
      %add3A_405 = arith.constant 0 : i32
      %add3A_406 = vector.broadcast %add3A_405 : i32 to vector<16xi32>
      %add3A_407 = arith.addi %iota3A, %add3A_406 : vector<16xi32>
      %select_n3A_408 = arith.select %eq3A_404, %add3A_407, %broadcast_in_dim3A_0 : vector<16xi1>, vector<16xi32>
      %min3A_409 = arith.minsi %broadcast_in_dim3A_0, %select_n3A_408 : vector<16xi32>
      %eq3A_410 = arith.cmpf oeq, %select_n3A_356, %max3A_403 : vector<16xf32>
      %add3A_411 = arith.constant 16 : i32
      %add3A_412 = vector.broadcast %add3A_411 : i32 to vector<16xi32>
      %add3A_413 = arith.addi %iota3A, %add3A_412 : vector<16xi32>
      %select_n3A_414 = arith.select %eq3A_410, %add3A_413, %broadcast_in_dim3A_0 : vector<16xi1>, vector<16xi32>
      %min3A_415 = arith.minsi %min3A_409, %select_n3A_414 : vector<16xi32>
      %eq3A_416 = arith.cmpf oeq, %select_n3A_362, %max3A_403 : vector<16xf32>
      %add3A_417 = arith.constant 32 : i32
      %add3A_418 = vector.broadcast %add3A_417 : i32 to vector<16xi32>
      %add3A_419 = arith.addi %iota3A, %add3A_418 : vector<16xi32>
      %select_n3A_420 = arith.select %eq3A_416, %add3A_419, %broadcast_in_dim3A_0 : vector<16xi1>, vector<16xi32>
      %min3A_421 = arith.minsi %min3A_415, %select_n3A_420 : vector<16xi32>
      %eq3A_422 = arith.cmpf oeq, %select_n3A_368, %max3A_403 : vector<16xf32>
      %add3A_423 = arith.constant 48 : i32
      %add3A_424 = vector.broadcast %add3A_423 : i32 to vector<16xi32>
      %add3A_425 = arith.addi %iota3A, %add3A_424 : vector<16xi32>
      %select_n3A_426 = arith.select %eq3A_422, %add3A_425, %broadcast_in_dim3A_0 : vector<16xi1>, vector<16xi32>
      %min3A_427 = arith.minsi %min3A_421, %select_n3A_426 : vector<16xi32>
      %swap3A_428 = arith.constant 0 : index
      %swap3A_429 = tpu.vector_load %arg7[%swap3A_428] {strides = array<i32>} : memref<16xi32, #tpu.memory_space<vmem>>, vector<16xi32>,
      tpu.vector_store %arg7[%swap3A_428], %min3A_427 {strides = array<i32>} : memref<16xi32, #tpu.memory_space<vmem>>, vector<16xi32>,
      %xor3A_430 = arith.constant 8 : i32
      %xor3A_431 = vector.broadcast %xor3A_430 : i32 to vector<16xi32>
      %xor3A_432 = arith.xori %iota3A, %xor3A_431 : vector<16xi32>
      %gather3A_433 = tpu.vector_load_idx %arg7[%xor3A_432] : memref<16xi32, #tpu.memory_space<vmem>>[vector<16xi32>], vector<16xi32>,
      %min3A_434 = arith.minsi %min3A_427, %gather3A_433 : vector<16xi32>
      %swap3A_435 = arith.constant 0 : index
      %swap3A_436 = tpu.vector_load %arg7[%swap3A_435] {strides = array<i32>} : memref<16xi32, #tpu.memory_space<vmem>>, vector<16xi32>,
      tpu.vector_store %arg7[%swap3A_435], %min3A_434 {strides = array<i32>} : memref<16xi32, #tpu.memory_space<vmem>>, vector<16xi32>,
      %xor3A_437 = arith.constant 4 : i32
      %xor3A_438 = vector.broadcast %xor3A_437 : i32 to vector<16xi32>
      %xor3A_439 = arith.xori %iota3A, %xor3A_438 : vector<16xi32>
      %gather3A_440 = tpu.vector_load_idx %arg7[%xor3A_439] : memref<16xi32, #tpu.memory_space<vmem>>[vector<16xi32>], vector<16xi32>,
      %min3A_441 = arith.minsi %min3A_434, %gather3A_440 : vector<16xi32>
      %swap3A_442 = arith.constant 0 : index
      %swap3A_443 = tpu.vector_load %arg7[%swap3A_442] {strides = array<i32>} : memref<16xi32, #tpu.memory_space<vmem>>, vector<16xi32>,
      tpu.vector_store %arg7[%swap3A_442], %min3A_441 {strides = array<i32>} : memref<16xi32, #tpu.memory_space<vmem>>, vector<16xi32>,
      %xor3A_444 = arith.constant 2 : i32
      %xor3A_445 = vector.broadcast %xor3A_444 : i32 to vector<16xi32>
      %xor3A_446 = arith.xori %iota3A, %xor3A_445 : vector<16xi32>
      %gather3A_447 = tpu.vector_load_idx %arg7[%xor3A_446] : memref<16xi32, #tpu.memory_space<vmem>>[vector<16xi32>], vector<16xi32>,
      %min3A_448 = arith.minsi %min3A_441, %gather3A_447 : vector<16xi32>
      %swap3A_449 = arith.constant 0 : index
      %swap3A_450 = tpu.vector_load %arg7[%swap3A_449] {strides = array<i32>} : memref<16xi32, #tpu.memory_space<vmem>>, vector<16xi32>,
      tpu.vector_store %arg7[%swap3A_449], %min3A_448 {strides = array<i32>} : memref<16xi32, #tpu.memory_space<vmem>>, vector<16xi32>,
      %xor3A_451 = arith.constant 1 : i32
      %xor3A_452 = vector.broadcast %xor3A_451 : i32 to vector<16xi32>
      %xor3A_453 = arith.xori %iota3A, %xor3A_452 : vector<16xi32>
      %gather3A_454 = tpu.vector_load_idx %arg7[%xor3A_453] : memref<16xi32, #tpu.memory_space<vmem>>[vector<16xi32>], vector<16xi32>,
      %min3A_455 = arith.minsi %min3A_448, %gather3A_454 : vector<16xi32>
      %neg3A_456 = arith.constant 0.000000e+00 : f32
      %neg3A_457 = arith.subf %neg3A_456, %cond3A_21 : f32
      %add3A_458 = arith.constant 0 : i32
      %add3A_459 = vector.broadcast %add3A_458 : i32 to vector<16xi32>
      %add3A_460 = arith.addi %iota3A, %add3A_459 : vector<16xi32>
      %eq3A_461 = arith.cmpi eq, %add3A_460, %min3A_455 : vector<16xi32>
      %broadcast_in_dim3A_462 = vector.broadcast %neg3A_457 : f32 to vector<16xf32>
      %select_n3A_463 = arith.select %eq3A_461, %broadcast_in_dim3A_462, %select_n3A_350 : vector<16xi1>, vector<16xf32>
      %add3A_464 = arith.constant 16 : i32
      %add3A_465 = vector.broadcast %add3A_464 : i32 to vector<16xi32>
      %add3A_466 = arith.addi %iota3A, %add3A_465 : vector<16xi32>
      %eq3A_467 = arith.cmpi eq, %add3A_466, %min3A_455 : vector<16xi32>
      %broadcast_in_dim3A_468 = vector.broadcast %neg3A_457 : f32 to vector<16xf32>
      %select_n3A_469 = arith.select %eq3A_467, %broadcast_in_dim3A_468, %select_n3A_356 : vector<16xi1>, vector<16xf32>
      %add3A_470 = arith.constant 32 : i32
      %add3A_471 = vector.broadcast %add3A_470 : i32 to vector<16xi32>
      %add3A_472 = arith.addi %iota3A, %add3A_471 : vector<16xi32>
      %eq3A_473 = arith.cmpi eq, %add3A_472, %min3A_455 : vector<16xi32>
      %broadcast_in_dim3A_474 = vector.broadcast %neg3A_457 : f32 to vector<16xf32>
      %select_n3A_475 = arith.select %eq3A_473, %broadcast_in_dim3A_474, %select_n3A_362 : vector<16xi1>, vector<16xf32>
      %add3A_476 = arith.constant 48 : i32
      %add3A_477 = vector.broadcast %add3A_476 : i32 to vector<16xi32>
      %add3A_478 = arith.addi %iota3A, %add3A_477 : vector<16xi32>
      %eq3A_479 = arith.cmpi eq, %add3A_478, %min3A_455 : vector<16xi32>
      %broadcast_in_dim3A_480 = vector.broadcast %neg3A_457 : f32 to vector<16xf32>
      %select_n3A_481 = arith.select %eq3A_479, %broadcast_in_dim3A_480, %select_n3A_368 : vector<16xi1>, vector<16xf32>
      %eq3A_482 = arith.constant 3 : i32
      %eq3A_483 = vector.broadcast %eq3A_482 : i32 to vector<16xi32>
      %eq3A_484 = arith.cmpi eq, %iota3A, %eq3A_483 : vector<16xi32>
      %select_n3A_485 = arith.select %eq3A_484, %min3A_455, %select_n3A_372 : vector<16xi1>, vector<16xi32>
      %swap3A_486 = arith.constant 0 : index
      %swap3A_487 = tpu.vector_load %arg5[%swap3A_486] {strides = array<i32>} : memref<16xi32, #tpu.memory_space<vmem>>, vector<16xi32>,
      tpu.vector_store %arg5[%swap3A_486], %select_n3A_485 {strides = array<i32>} : memref<16xi32, #tpu.memory_space<vmem>>, vector<16xi32>,
      %get3A_488 = arith.constant 0 : index
      %get3A_489 = tpu.vector_load %arg4[%get3A_488] {strides = array<i32>} : memref<64xf32, #tpu.memory_space<vmem>>, vector<16xf32>,
      %get3A_490 = arith.constant 16 : index
      %get3A_491 = tpu.vector_load %arg4[%get3A_490] {strides = array<i32>} : memref<64xf32, #tpu.memory_space<vmem>>, vector<16xf32>,
      %get3A_492 = arith.constant 32 : index
      %get3A_493 = tpu.vector_load %arg4[%get3A_492] {strides = array<i32>} : memref<64xf32, #tpu.memory_space<vmem>>, vector<16xf32>,
      %get3A_494 = arith.constant 48 : index
      %get3A_495 = tpu.vector_load %arg4[%get3A_494] {strides = array<i32>} : memref<64xf32, #tpu.memory_space<vmem>>, vector<16xf32>,
      %min3A_496 = arith.minimumf %get3A_489, %get3A_491 : vector<16xf32>
      %min3A_497 = arith.minimumf %get3A_493, %get3A_495 : vector<16xf32>
      %min3A_498 = arith.minimumf %min3A_496, %min3A_497 : vector<16xf32>
      %neg3A_499 = arith.constant 0.000000e+00 : f32
      %neg3A_500 = vector.broadcast %neg3A_499 : f32 to vector<16xf32>
      %neg3A_501 = arith.subf %neg3A_500, %min3A_498 : vector<16xf32>
      %swap3A_502 = arith.constant 0 : index
      %swap3A_503 = tpu.vector_load %arg6[%swap3A_502] {strides = array<i32>} : memref<16xf32, #tpu.memory_space<vmem>>, vector<16xf32>,
      tpu.vector_store %arg6[%swap3A_502], %neg3A_501 {strides = array<i32>} : memref<16xf32, #tpu.memory_space<vmem>>, vector<16xf32>,
      %xor3A_504 = arith.constant 8 : i32
      %xor3A_505 = vector.broadcast %xor3A_504 : i32 to vector<16xi32>
      %xor3A_506 = arith.xori %iota3A, %xor3A_505 : vector<16xi32>
      %gather3A_507 = tpu.vector_load_idx %arg6[%xor3A_506] : memref<16xf32, #tpu.memory_space<vmem>>[vector<16xi32>], vector<16xf32>,
      %max3A_508 = arith.maximumf %neg3A_501, %gather3A_507 : vector<16xf32>
      %swap3A_509 = arith.constant 0 : index
      %swap3A_510 = tpu.vector_load %arg6[%swap3A_509] {strides = array<i32>} : memref<16xf32, #tpu.memory_space<vmem>>, vector<16xf32>,
      tpu.vector_store %arg6[%swap3A_509], %max3A_508 {strides = array<i32>} : memref<16xf32, #tpu.memory_space<vmem>>, vector<16xf32>,
      %xor3A_511 = arith.constant 4 : i32
      %xor3A_512 = vector.broadcast %xor3A_511 : i32 to vector<16xi32>
      %xor3A_513 = arith.xori %iota3A, %xor3A_512 : vector<16xi32>
      %gather3A_514 = tpu.vector_load_idx %arg6[%xor3A_513] : memref<16xf32, #tpu.memory_space<vmem>>[vector<16xi32>], vector<16xf32>,
      %max3A_515 = arith.maximumf %max3A_508, %gather3A_514 : vector<16xf32>
      %swap3A_516 = arith.constant 0 : index
      %swap3A_517 = tpu.vector_load %arg6[%swap3A_516] {strides = array<i32>} : memref<16xf32, #tpu.memory_space<vmem>>, vector<16xf32>,
      tpu.vector_store %arg6[%swap3A_516], %max3A_515 {strides = array<i32>} : memref<16xf32, #tpu.memory_space<vmem>>, vector<16xf32>,
      %xor3A_518 = arith.constant 2 : i32
      %xor3A_519 = vector.broadcast %xor3A_518 : i32 to vector<16xi32>
      %xor3A_520 = arith.xori %iota3A, %xor3A_519 : vector<16xi32>
      %gather3A_521 = tpu.vector_load_idx %arg6[%xor3A_520] : memref<16xf32, #tpu.memory_space<vmem>>[vector<16xi32>], vector<16xf32>,
      %max3A_522 = arith.maximumf %max3A_515, %gather3A_521 : vector<16xf32>
      %swap3A_523 = arith.constant 0 : index
      %swap3A_524 = tpu.vector_load %arg6[%swap3A_523] {strides = array<i32>} : memref<16xf32, #tpu.memory_space<vmem>>, vector<16xf32>,
      tpu.vector_store %arg6[%swap3A_523], %max3A_522 {strides = array<i32>} : memref<16xf32, #tpu.memory_space<vmem>>, vector<16xf32>,
      %xor3A_525 = arith.constant 1 : i32
      %xor3A_526 = vector.broadcast %xor3A_525 : i32 to vector<16xi32>
      %xor3A_527 = arith.xori %iota3A, %xor3A_526 : vector<16xi32>
      %gather3A_528 = tpu.vector_load_idx %arg6[%xor3A_527] : memref<16xf32, #tpu.memory_space<vmem>>[vector<16xi32>], vector<16xf32>,
      %max3A_529 = arith.maximumf %max3A_522, %gather3A_528 : vector<16xf32>
      %neg3A_530 = arith.constant 0.000000e+00 : f32
      %neg3A_531 = vector.broadcast %neg3A_530 : f32 to vector<16xf32>
      %neg3A_532 = arith.subf %neg3A_531, %max3A_529 : vector<16xf32>
      %eq3A_533 = arith.cmpf oeq, %get3A_489, %neg3A_532 : vector<16xf32>
      %add3A_534 = arith.constant 0 : i32
      %add3A_535 = vector.broadcast %add3A_534 : i32 to vector<16xi32>
      %add3A_536 = arith.addi %iota3A, %add3A_535 : vector<16xi32>
      %select_n3A_537 = arith.select %eq3A_533, %add3A_536, %broadcast_in_dim3A_0 : vector<16xi1>, vector<16xi32>
      %min3A_538 = arith.minsi %broadcast_in_dim3A_0, %select_n3A_537 : vector<16xi32>
      %eq3A_539 = arith.cmpf oeq, %get3A_491, %neg3A_532 : vector<16xf32>
      %add3A_540 = arith.constant 16 : i32
      %add3A_541 = vector.broadcast %add3A_540 : i32 to vector<16xi32>
      %add3A_542 = arith.addi %iota3A, %add3A_541 : vector<16xi32>
      %select_n3A_543 = arith.select %eq3A_539, %add3A_542, %broadcast_in_dim3A_0 : vector<16xi1>, vector<16xi32>
      %min3A_544 = arith.minsi %min3A_538, %select_n3A_543 : vector<16xi32>
      %eq3A_545 = arith.cmpf oeq, %get3A_493, %neg3A_532 : vector<16xf32>
      %add3A_546 = arith.constant 32 : i32
      %add3A_547 = vector.broadcast %add3A_546 : i32 to vector<16xi32>
      %add3A_548 = arith.addi %iota3A, %add3A_547 : vector<16xi32>
      %select_n3A_549 = arith.select %eq3A_545, %add3A_548, %broadcast_in_dim3A_0 : vector<16xi1>, vector<16xi32>
      %min3A_550 = arith.minsi %min3A_544, %select_n3A_549 : vector<16xi32>
      %eq3A_551 = arith.cmpf oeq, %get3A_495, %neg3A_532 : vector<16xf32>
      %add3A_552 = arith.constant 48 : i32
      %add3A_553 = vector.broadcast %add3A_552 : i32 to vector<16xi32>
      %add3A_554 = arith.addi %iota3A, %add3A_553 : vector<16xi32>
      %select_n3A_555 = arith.select %eq3A_551, %add3A_554, %broadcast_in_dim3A_0 : vector<16xi1>, vector<16xi32>
      %min3A_556 = arith.minsi %min3A_550, %select_n3A_555 : vector<16xi32>
      %swap3A_557 = arith.constant 0 : index
      %swap3A_558 = tpu.vector_load %arg7[%swap3A_557] {strides = array<i32>} : memref<16xi32, #tpu.memory_space<vmem>>, vector<16xi32>,
      tpu.vector_store %arg7[%swap3A_557], %min3A_556 {strides = array<i32>} : memref<16xi32, #tpu.memory_space<vmem>>, vector<16xi32>,
      %xor3A_559 = arith.constant 8 : i32
      %xor3A_560 = vector.broadcast %xor3A_559 : i32 to vector<16xi32>
      %xor3A_561 = arith.xori %iota3A, %xor3A_560 : vector<16xi32>
      %gather3A_562 = tpu.vector_load_idx %arg7[%xor3A_561] : memref<16xi32, #tpu.memory_space<vmem>>[vector<16xi32>], vector<16xi32>,
      %min3A_563 = arith.minsi %min3A_556, %gather3A_562 : vector<16xi32>
      %swap3A_564 = arith.constant 0 : index
      %swap3A_565 = tpu.vector_load %arg7[%swap3A_564] {strides = array<i32>} : memref<16xi32, #tpu.memory_space<vmem>>, vector<16xi32>,
      tpu.vector_store %arg7[%swap3A_564], %min3A_563 {strides = array<i32>} : memref<16xi32, #tpu.memory_space<vmem>>, vector<16xi32>,
      %xor3A_566 = arith.constant 4 : i32
      %xor3A_567 = vector.broadcast %xor3A_566 : i32 to vector<16xi32>
      %xor3A_568 = arith.xori %iota3A, %xor3A_567 : vector<16xi32>
      %gather3A_569 = tpu.vector_load_idx %arg7[%xor3A_568] : memref<16xi32, #tpu.memory_space<vmem>>[vector<16xi32>], vector<16xi32>,
      %min3A_570 = arith.minsi %min3A_563, %gather3A_569 : vector<16xi32>
      %swap3A_571 = arith.constant 0 : index
      %swap3A_572 = tpu.vector_load %arg7[%swap3A_571] {strides = array<i32>} : memref<16xi32, #tpu.memory_space<vmem>>, vector<16xi32>,
      tpu.vector_store %arg7[%swap3A_571], %min3A_570 {strides = array<i32>} : memref<16xi32, #tpu.memory_space<vmem>>, vector<16xi32>,
      %xor3A_573 = arith.constant 2 : i32
      %xor3A_574 = vector.broadcast %xor3A_573 : i32 to vector<16xi32>
      %xor3A_575 = arith.xori %iota3A, %xor3A_574 : vector<16xi32>
      %gather3A_576 = tpu.vector_load_idx %arg7[%xor3A_575] : memref<16xi32, #tpu.memory_space<vmem>>[vector<16xi32>], vector<16xi32>,
      %min3A_577 = arith.minsi %min3A_570, %gather3A_576 : vector<16xi32>
      %swap3A_578 = arith.constant 0 : index
      %swap3A_579 = tpu.vector_load %arg7[%swap3A_578] {strides = array<i32>} : memref<16xi32, #tpu.memory_space<vmem>>, vector<16xi32>,
      tpu.vector_store %arg7[%swap3A_578], %min3A_577 {strides = array<i32>} : memref<16xi32, #tpu.memory_space<vmem>>, vector<16xi32>,
      %xor3A_580 = arith.constant 1 : i32
      %xor3A_581 = vector.broadcast %xor3A_580 : i32 to vector<16xi32>
      %xor3A_582 = arith.xori %iota3A, %xor3A_581 : vector<16xi32>
      %gather3A_583 = tpu.vector_load_idx %arg7[%xor3A_582] : memref<16xi32, #tpu.memory_space<vmem>>[vector<16xi32>], vector<16xi32>,
      %min3A_584 = arith.minsi %min3A_577, %gather3A_583 : vector<16xi32>
      %add3A_585 = arith.constant 0 : i32
      %add3A_586 = vector.broadcast %add3A_585 : i32 to vector<16xi32>
      %add3A_587 = arith.addi %iota3A, %add3A_586 : vector<16xi32>
      %eq3A_588 = arith.cmpi eq, %add3A_587, %min3A_584 : vector<16xi32>
      %broadcast_in_dim3A_589 = vector.broadcast %cond3A_21 : f32 to vector<16xf32>
      %select_n3A_590 = arith.select %eq3A_588, %broadcast_in_dim3A_589, %get3A_489 : vector<16xi1>, vector<16xf32>
      %add3A_591 = arith.constant 16 : i32
      %add3A_592 = vector.broadcast %add3A_591 : i32 to vector<16xi32>
      %add3A_593 = arith.addi %iota3A, %add3A_592 : vector<16xi32>
      %eq3A_594 = arith.cmpi eq, %add3A_593, %min3A_584 : vector<16xi32>
      %broadcast_in_dim3A_595 = vector.broadcast %cond3A_21 : f32 to vector<16xf32>
      %select_n3A_596 = arith.select %eq3A_594, %broadcast_in_dim3A_595, %get3A_491 : vector<16xi1>, vector<16xf32>
      %add3A_597 = arith.constant 32 : i32
      %add3A_598 = vector.broadcast %add3A_597 : i32 to vector<16xi32>
      %add3A_599 = arith.addi %iota3A, %add3A_598 : vector<16xi32>
      %eq3A_600 = arith.cmpi eq, %add3A_599, %min3A_584 : vector<16xi32>
      %broadcast_in_dim3A_601 = vector.broadcast %cond3A_21 : f32 to vector<16xf32>
      %select_n3A_602 = arith.select %eq3A_600, %broadcast_in_dim3A_601, %get3A_493 : vector<16xi1>, vector<16xf32>
      %add3A_603 = arith.constant 48 : i32
      %add3A_604 = vector.broadcast %add3A_603 : i32 to vector<16xi32>
      %add3A_605 = arith.addi %iota3A, %add3A_604 : vector<16xi32>
      %eq3A_606 = arith.cmpi eq, %add3A_605, %min3A_584 : vector<16xi32>
      %broadcast_in_dim3A_607 = vector.broadcast %cond3A_21 : f32 to vector<16xf32>
      %select_n3A_608 = arith.select %eq3A_606, %broadcast_in_dim3A_607, %get3A_495 : vector<16xi1>, vector<16xf32>
      %eq3A_609 = arith.constant 4 : i32
      %eq3A_610 = vector.broadcast %eq3A_609 : i32 to vector<16xi32>
      %eq3A_611 = arith.cmpi eq, %iota3A, %eq3A_610 : vector<16xi32>
      %select_n3A_612 = arith.select %eq3A_611, %min3A_584, %select_n3A_485 : vector<16xi1>, vector<16xi32>
      %min3A_613 = arith.minimumf %select_n3A_590, %select_n3A_596 : vector<16xf32>
      %min3A_614 = arith.minimumf %select_n3A_602, %select_n3A_608 : vector<16xf32>
      %min3A_615 = arith.minimumf %min3A_613, %min3A_614 : vector<16xf32>
      %neg3A_616 = arith.constant 0.000000e+00 : f32
      %neg3A_617 = vector.broadcast %neg3A_616 : f32 to vector<16xf32>
      %neg3A_618 = arith.subf %neg3A_617, %min3A_615 : vector<16xf32>
      %swap3A_619 = arith.constant 0 : index
      %swap3A_620 = tpu.vector_load %arg6[%swap3A_619] {strides = array<i32>} : memref<16xf32, #tpu.memory_space<vmem>>, vector<16xf32>,
      tpu.vector_store %arg6[%swap3A_619], %neg3A_618 {strides = array<i32>} : memref<16xf32, #tpu.memory_space<vmem>>, vector<16xf32>,
      %xor3A_621 = arith.constant 8 : i32
      %xor3A_622 = vector.broadcast %xor3A_621 : i32 to vector<16xi32>
      %xor3A_623 = arith.xori %iota3A, %xor3A_622 : vector<16xi32>
      %gather3A_624 = tpu.vector_load_idx %arg6[%xor3A_623] : memref<16xf32, #tpu.memory_space<vmem>>[vector<16xi32>], vector<16xf32>,
      %max3A_625 = arith.maximumf %neg3A_618, %gather3A_624 : vector<16xf32>
      %swap3A_626 = arith.constant 0 : index
      %swap3A_627 = tpu.vector_load %arg6[%swap3A_626] {strides = array<i32>} : memref<16xf32, #tpu.memory_space<vmem>>, vector<16xf32>,
      tpu.vector_store %arg6[%swap3A_626], %max3A_625 {strides = array<i32>} : memref<16xf32, #tpu.memory_space<vmem>>, vector<16xf32>,
      %xor3A_628 = arith.constant 4 : i32
      %xor3A_629 = vector.broadcast %xor3A_628 : i32 to vector<16xi32>
      %xor3A_630 = arith.xori %iota3A, %xor3A_629 : vector<16xi32>
      %gather3A_631 = tpu.vector_load_idx %arg6[%xor3A_630] : memref<16xf32, #tpu.memory_space<vmem>>[vector<16xi32>], vector<16xf32>,
      %max3A_632 = arith.maximumf %max3A_625, %gather3A_631 : vector<16xf32>
      %swap3A_633 = arith.constant 0 : index
      %swap3A_634 = tpu.vector_load %arg6[%swap3A_633] {strides = array<i32>} : memref<16xf32, #tpu.memory_space<vmem>>, vector<16xf32>,
      tpu.vector_store %arg6[%swap3A_633], %max3A_632 {strides = array<i32>} : memref<16xf32, #tpu.memory_space<vmem>>, vector<16xf32>,
      %xor3A_635 = arith.constant 2 : i32
      %xor3A_636 = vector.broadcast %xor3A_635 : i32 to vector<16xi32>
      %xor3A_637 = arith.xori %iota3A, %xor3A_636 : vector<16xi32>
      %gather3A_638 = tpu.vector_load_idx %arg6[%xor3A_637] : memref<16xf32, #tpu.memory_space<vmem>>[vector<16xi32>], vector<16xf32>,
      %max3A_639 = arith.maximumf %max3A_632, %gather3A_638 : vector<16xf32>
      %swap3A_640 = arith.constant 0 : index
      %swap3A_641 = tpu.vector_load %arg6[%swap3A_640] {strides = array<i32>} : memref<16xf32, #tpu.memory_space<vmem>>, vector<16xf32>,
      tpu.vector_store %arg6[%swap3A_640], %max3A_639 {strides = array<i32>} : memref<16xf32, #tpu.memory_space<vmem>>, vector<16xf32>,
      %xor3A_642 = arith.constant 1 : i32
      %xor3A_643 = vector.broadcast %xor3A_642 : i32 to vector<16xi32>
      %xor3A_644 = arith.xori %iota3A, %xor3A_643 : vector<16xi32>
      %gather3A_645 = tpu.vector_load_idx %arg6[%xor3A_644] : memref<16xf32, #tpu.memory_space<vmem>>[vector<16xi32>], vector<16xf32>,
      %max3A_646 = arith.maximumf %max3A_639, %gather3A_645 : vector<16xf32>
      %neg3A_647 = arith.constant 0.000000e+00 : f32
      %neg3A_648 = vector.broadcast %neg3A_647 : f32 to vector<16xf32>
      %neg3A_649 = arith.subf %neg3A_648, %max3A_646 : vector<16xf32>
      %eq3A_650 = arith.cmpf oeq, %select_n3A_590, %neg3A_649 : vector<16xf32>
      %add3A_651 = arith.constant 0 : i32
      %add3A_652 = vector.broadcast %add3A_651 : i32 to vector<16xi32>
      %add3A_653 = arith.addi %iota3A, %add3A_652 : vector<16xi32>
      %select_n3A_654 = arith.select %eq3A_650, %add3A_653, %broadcast_in_dim3A_0 : vector<16xi1>, vector<16xi32>
      %min3A_655 = arith.minsi %broadcast_in_dim3A_0, %select_n3A_654 : vector<16xi32>
      %eq3A_656 = arith.cmpf oeq, %select_n3A_596, %neg3A_649 : vector<16xf32>
      %add3A_657 = arith.constant 16 : i32
      %add3A_658 = vector.broadcast %add3A_657 : i32 to vector<16xi32>
      %add3A_659 = arith.addi %iota3A, %add3A_658 : vector<16xi32>
      %select_n3A_660 = arith.select %eq3A_656, %add3A_659, %broadcast_in_dim3A_0 : vector<16xi1>, vector<16xi32>
      %min3A_661 = arith.minsi %min3A_655, %select_n3A_660 : vector<16xi32>
      %eq3A_662 = arith.cmpf oeq, %select_n3A_602, %neg3A_649 : vector<16xf32>
      %add3A_663 = arith.constant 32 : i32
      %add3A_664 = vector.broadcast %add3A_663 : i32 to vector<16xi32>
      %add3A_665 = arith.addi %iota3A, %add3A_664 : vector<16xi32>
      %select_n3A_666 = arith.select %eq3A_662, %add3A_665, %broadcast_in_dim3A_0 : vector<16xi1>, vector<16xi32>
      %min3A_667 = arith.minsi %min3A_661, %select_n3A_666 : vector<16xi32>
      %eq3A_668 = arith.cmpf oeq, %select_n3A_608, %neg3A_649 : vector<16xf32>
      %add3A_669 = arith.constant 48 : i32
      %add3A_670 = vector.broadcast %add3A_669 : i32 to vector<16xi32>
      %add3A_671 = arith.addi %iota3A, %add3A_670 : vector<16xi32>
      %select_n3A_672 = arith.select %eq3A_668, %add3A_671, %broadcast_in_dim3A_0 : vector<16xi1>, vector<16xi32>
      %min3A_673 = arith.minsi %min3A_667, %select_n3A_672 : vector<16xi32>
      %swap3A_674 = arith.constant 0 : index
      %swap3A_675 = tpu.vector_load %arg7[%swap3A_674] {strides = array<i32>} : memref<16xi32, #tpu.memory_space<vmem>>, vector<16xi32>,
      tpu.vector_store %arg7[%swap3A_674], %min3A_673 {strides = array<i32>} : memref<16xi32, #tpu.memory_space<vmem>>, vector<16xi32>,
      %xor3A_676 = arith.constant 8 : i32
      %xor3A_677 = vector.broadcast %xor3A_676 : i32 to vector<16xi32>
      %xor3A_678 = arith.xori %iota3A, %xor3A_677 : vector<16xi32>
      %gather3A_679 = tpu.vector_load_idx %arg7[%xor3A_678] : memref<16xi32, #tpu.memory_space<vmem>>[vector<16xi32>], vector<16xi32>,
      %min3A_680 = arith.minsi %min3A_673, %gather3A_679 : vector<16xi32>
      %swap3A_681 = arith.constant 0 : index
      %swap3A_682 = tpu.vector_load %arg7[%swap3A_681] {strides = array<i32>} : memref<16xi32, #tpu.memory_space<vmem>>, vector<16xi32>,
      tpu.vector_store %arg7[%swap3A_681], %min3A_680 {strides = array<i32>} : memref<16xi32, #tpu.memory_space<vmem>>, vector<16xi32>,
      %xor3A_683 = arith.constant 4 : i32
      %xor3A_684 = vector.broadcast %xor3A_683 : i32 to vector<16xi32>
      %xor3A_685 = arith.xori %iota3A, %xor3A_684 : vector<16xi32>
      %gather3A_686 = tpu.vector_load_idx %arg7[%xor3A_685] : memref<16xi32, #tpu.memory_space<vmem>>[vector<16xi32>], vector<16xi32>,
      %min3A_687 = arith.minsi %min3A_680, %gather3A_686 : vector<16xi32>
      %swap3A_688 = arith.constant 0 : index
      %swap3A_689 = tpu.vector_load %arg7[%swap3A_688] {strides = array<i32>} : memref<16xi32, #tpu.memory_space<vmem>>, vector<16xi32>,
      tpu.vector_store %arg7[%swap3A_688], %min3A_687 {strides = array<i32>} : memref<16xi32, #tpu.memory_space<vmem>>, vector<16xi32>,
      %xor3A_690 = arith.constant 2 : i32
      %xor3A_691 = vector.broadcast %xor3A_690 : i32 to vector<16xi32>
      %xor3A_692 = arith.xori %iota3A, %xor3A_691 : vector<16xi32>
      %gather3A_693 = tpu.vector_load_idx %arg7[%xor3A_692] : memref<16xi32, #tpu.memory_space<vmem>>[vector<16xi32>], vector<16xi32>,
      %min3A_694 = arith.minsi %min3A_687, %gather3A_693 : vector<16xi32>
      %swap3A_695 = arith.constant 0 : index
      %swap3A_696 = tpu.vector_load %arg7[%swap3A_695] {strides = array<i32>} : memref<16xi32, #tpu.memory_space<vmem>>, vector<16xi32>,
      tpu.vector_store %arg7[%swap3A_695], %min3A_694 {strides = array<i32>} : memref<16xi32, #tpu.memory_space<vmem>>, vector<16xi32>,
      %xor3A_697 = arith.constant 1 : i32
      %xor3A_698 = vector.broadcast %xor3A_697 : i32 to vector<16xi32>
      %xor3A_699 = arith.xori %iota3A, %xor3A_698 : vector<16xi32>
      %gather3A_700 = tpu.vector_load_idx %arg7[%xor3A_699] : memref<16xi32, #tpu.memory_space<vmem>>[vector<16xi32>], vector<16xi32>,
      %min3A_701 = arith.minsi %min3A_694, %gather3A_700 : vector<16xi32>
      %add3A_702 = arith.constant 0 : i32
      %add3A_703 = vector.broadcast %add3A_702 : i32 to vector<16xi32>
      %add3A_704 = arith.addi %iota3A, %add3A_703 : vector<16xi32>
      %eq3A_705 = arith.cmpi eq, %add3A_704, %min3A_701 : vector<16xi32>
      %broadcast_in_dim3A_706 = vector.broadcast %cond3A_21 : f32 to vector<16xf32>
      %select_n3A_707 = arith.select %eq3A_705, %broadcast_in_dim3A_706, %select_n3A_590 : vector<16xi1>, vector<16xf32>
      %add3A_708 = arith.constant 16 : i32
      %add3A_709 = vector.broadcast %add3A_708 : i32 to vector<16xi32>
      %add3A_710 = arith.addi %iota3A, %add3A_709 : vector<16xi32>
      %eq3A_711 = arith.cmpi eq, %add3A_710, %min3A_701 : vector<16xi32>
      %broadcast_in_dim3A_712 = vector.broadcast %cond3A_21 : f32 to vector<16xf32>
      %select_n3A_713 = arith.select %eq3A_711, %broadcast_in_dim3A_712, %select_n3A_596 : vector<16xi1>, vector<16xf32>
      %add3A_714 = arith.constant 32 : i32
      %add3A_715 = vector.broadcast %add3A_714 : i32 to vector<16xi32>
      %add3A_716 = arith.addi %iota3A, %add3A_715 : vector<16xi32>
      %eq3A_717 = arith.cmpi eq, %add3A_716, %min3A_701 : vector<16xi32>
      %broadcast_in_dim3A_718 = vector.broadcast %cond3A_21 : f32 to vector<16xf32>
      %select_n3A_719 = arith.select %eq3A_717, %broadcast_in_dim3A_718, %select_n3A_602 : vector<16xi1>, vector<16xf32>
      %add3A_720 = arith.constant 48 : i32
      %add3A_721 = vector.broadcast %add3A_720 : i32 to vector<16xi32>
      %add3A_722 = arith.addi %iota3A, %add3A_721 : vector<16xi32>
      %eq3A_723 = arith.cmpi eq, %add3A_722, %min3A_701 : vector<16xi32>
      %broadcast_in_dim3A_724 = vector.broadcast %cond3A_21 : f32 to vector<16xf32>
      %select_n3A_725 = arith.select %eq3A_723, %broadcast_in_dim3A_724, %select_n3A_608 : vector<16xi1>, vector<16xf32>
      %eq3A_726 = arith.constant 5 : i32
      %eq3A_727 = vector.broadcast %eq3A_726 : i32 to vector<16xi32>
      %eq3A_728 = arith.cmpi eq, %iota3A, %eq3A_727 : vector<16xi32>
      %select_n3A_729 = arith.select %eq3A_728, %min3A_701, %select_n3A_612 : vector<16xi1>, vector<16xi32>
      %min3A_730 = arith.minimumf %select_n3A_707, %select_n3A_713 : vector<16xf32>
      %min3A_731 = arith.minimumf %select_n3A_719, %select_n3A_725 : vector<16xf32>
      %min3A_732 = arith.minimumf %min3A_730, %min3A_731 : vector<16xf32>
      %neg3A_733 = arith.constant 0.000000e+00 : f32
      %neg3A_734 = vector.broadcast %neg3A_733 : f32 to vector<16xf32>
      %neg3A_735 = arith.subf %neg3A_734, %min3A_732 : vector<16xf32>
      %swap3A_736 = arith.constant 0 : index
      %swap3A_737 = tpu.vector_load %arg6[%swap3A_736] {strides = array<i32>} : memref<16xf32, #tpu.memory_space<vmem>>, vector<16xf32>,
      tpu.vector_store %arg6[%swap3A_736], %neg3A_735 {strides = array<i32>} : memref<16xf32, #tpu.memory_space<vmem>>, vector<16xf32>,
      %xor3A_738 = arith.constant 8 : i32
      %xor3A_739 = vector.broadcast %xor3A_738 : i32 to vector<16xi32>
      %xor3A_740 = arith.xori %iota3A, %xor3A_739 : vector<16xi32>
      %gather3A_741 = tpu.vector_load_idx %arg6[%xor3A_740] : memref<16xf32, #tpu.memory_space<vmem>>[vector<16xi32>], vector<16xf32>,
      %max3A_742 = arith.maximumf %neg3A_735, %gather3A_741 : vector<16xf32>
      %swap3A_743 = arith.constant 0 : index
      %swap3A_744 = tpu.vector_load %arg6[%swap3A_743] {strides = array<i32>} : memref<16xf32, #tpu.memory_space<vmem>>, vector<16xf32>,
      tpu.vector_store %arg6[%swap3A_743], %max3A_742 {strides = array<i32>} : memref<16xf32, #tpu.memory_space<vmem>>, vector<16xf32>,
      %xor3A_745 = arith.constant 4 : i32
      %xor3A_746 = vector.broadcast %xor3A_745 : i32 to vector<16xi32>
      %xor3A_747 = arith.xori %iota3A, %xor3A_746 : vector<16xi32>
      %gather3A_748 = tpu.vector_load_idx %arg6[%xor3A_747] : memref<16xf32, #tpu.memory_space<vmem>>[vector<16xi32>], vector<16xf32>,
      %max3A_749 = arith.maximumf %max3A_742, %gather3A_748 : vector<16xf32>
      %swap3A_750 = arith.constant 0 : index
      %swap3A_751 = tpu.vector_load %arg6[%swap3A_750] {strides = array<i32>} : memref<16xf32, #tpu.memory_space<vmem>>, vector<16xf32>,
      tpu.vector_store %arg6[%swap3A_750], %max3A_749 {strides = array<i32>} : memref<16xf32, #tpu.memory_space<vmem>>, vector<16xf32>,
      %xor3A_752 = arith.constant 2 : i32
      %xor3A_753 = vector.broadcast %xor3A_752 : i32 to vector<16xi32>
      %xor3A_754 = arith.xori %iota3A, %xor3A_753 : vector<16xi32>
      %gather3A_755 = tpu.vector_load_idx %arg6[%xor3A_754] : memref<16xf32, #tpu.memory_space<vmem>>[vector<16xi32>], vector<16xf32>,
      %max3A_756 = arith.maximumf %max3A_749, %gather3A_755 : vector<16xf32>
      %swap3A_757 = arith.constant 0 : index
      %swap3A_758 = tpu.vector_load %arg6[%swap3A_757] {strides = array<i32>} : memref<16xf32, #tpu.memory_space<vmem>>, vector<16xf32>,
      tpu.vector_store %arg6[%swap3A_757], %max3A_756 {strides = array<i32>} : memref<16xf32, #tpu.memory_space<vmem>>, vector<16xf32>,
      %xor3A_759 = arith.constant 1 : i32
      %xor3A_760 = vector.broadcast %xor3A_759 : i32 to vector<16xi32>
      %xor3A_761 = arith.xori %iota3A, %xor3A_760 : vector<16xi32>
      %gather3A_762 = tpu.vector_load_idx %arg6[%xor3A_761] : memref<16xf32, #tpu.memory_space<vmem>>[vector<16xi32>], vector<16xf32>,
      %max3A_763 = arith.maximumf %max3A_756, %gather3A_762 : vector<16xf32>
      %neg3A_764 = arith.constant 0.000000e+00 : f32
      %neg3A_765 = vector.broadcast %neg3A_764 : f32 to vector<16xf32>
      %neg3A_766 = arith.subf %neg3A_765, %max3A_763 : vector<16xf32>
      %eq3A_767 = arith.cmpf oeq, %select_n3A_707, %neg3A_766 : vector<16xf32>
      %add3A_768 = arith.constant 0 : i32
      %add3A_769 = vector.broadcast %add3A_768 : i32 to vector<16xi32>
      %add3A_770 = arith.addi %iota3A, %add3A_769 : vector<16xi32>
      %select_n3A_771 = arith.select %eq3A_767, %add3A_770, %broadcast_in_dim3A_0 : vector<16xi1>, vector<16xi32>
      %min3A_772 = arith.minsi %broadcast_in_dim3A_0, %select_n3A_771 : vector<16xi32>
      %eq3A_773 = arith.cmpf oeq, %select_n3A_713, %neg3A_766 : vector<16xf32>
      %add3A_774 = arith.constant 16 : i32
      %add3A_775 = vector.broadcast %add3A_774 : i32 to vector<16xi32>
      %add3A_776 = arith.addi %iota3A, %add3A_775 : vector<16xi32>
      %select_n3A_777 = arith.select %eq3A_773, %add3A_776, %broadcast_in_dim3A_0 : vector<16xi1>, vector<16xi32>
      %min3A_778 = arith.minsi %min3A_772, %select_n3A_777 : vector<16xi32>
      %eq3A_779 = arith.cmpf oeq, %select_n3A_719, %neg3A_766 : vector<16xf32>
      %add3A_780 = arith.constant 32 : i32
      %add3A_781 = vector.broadcast %add3A_780 : i32 to vector<16xi32>
      %add3A_782 = arith.addi %iota3A, %add3A_781 : vector<16xi32>
      %select_n3A_783 = arith.select %eq3A_779, %add3A_782, %broadcast_in_dim3A_0 : vector<16xi1>, vector<16xi32>
      %min3A_784 = arith.minsi %min3A_778, %select_n3A_783 : vector<16xi32>
      %eq3A_785 = arith.cmpf oeq, %select_n3A_725, %neg3A_766 : vector<16xf32>
      %add3A_786 = arith.constant 48 : i32
      %add3A_787 = vector.broadcast %add3A_786 : i32 to vector<16xi32>
      %add3A_788 = arith.addi %iota3A, %add3A_787 : vector<16xi32>
      %select_n3A_789 = arith.select %eq3A_785, %add3A_788, %broadcast_in_dim3A_0 : vector<16xi1>, vector<16xi32>
      %min3A_790 = arith.minsi %min3A_784, %select_n3A_789 : vector<16xi32>
      %swap3A_791 = arith.constant 0 : index
      %swap3A_792 = tpu.vector_load %arg7[%swap3A_791] {strides = array<i32>} : memref<16xi32, #tpu.memory_space<vmem>>, vector<16xi32>,
      tpu.vector_store %arg7[%swap3A_791], %min3A_790 {strides = array<i32>} : memref<16xi32, #tpu.memory_space<vmem>>, vector<16xi32>,
      %xor3A_793 = arith.constant 8 : i32
      %xor3A_794 = vector.broadcast %xor3A_793 : i32 to vector<16xi32>
      %xor3A_795 = arith.xori %iota3A, %xor3A_794 : vector<16xi32>
      %gather3A_796 = tpu.vector_load_idx %arg7[%xor3A_795] : memref<16xi32, #tpu.memory_space<vmem>>[vector<16xi32>], vector<16xi32>,
      %min3A_797 = arith.minsi %min3A_790, %gather3A_796 : vector<16xi32>
      %swap3A_798 = arith.constant 0 : index
      %swap3A_799 = tpu.vector_load %arg7[%swap3A_798] {strides = array<i32>} : memref<16xi32, #tpu.memory_space<vmem>>, vector<16xi32>,
      tpu.vector_store %arg7[%swap3A_798], %min3A_797 {strides = array<i32>} : memref<16xi32, #tpu.memory_space<vmem>>, vector<16xi32>,
      %xor3A_800 = arith.constant 4 : i32
      %xor3A_801 = vector.broadcast %xor3A_800 : i32 to vector<16xi32>
      %xor3A_802 = arith.xori %iota3A, %xor3A_801 : vector<16xi32>
      %gather3A_803 = tpu.vector_load_idx %arg7[%xor3A_802] : memref<16xi32, #tpu.memory_space<vmem>>[vector<16xi32>], vector<16xi32>,
      %min3A_804 = arith.minsi %min3A_797, %gather3A_803 : vector<16xi32>
      %swap3A_805 = arith.constant 0 : index
      %swap3A_806 = tpu.vector_load %arg7[%swap3A_805] {strides = array<i32>} : memref<16xi32, #tpu.memory_space<vmem>>, vector<16xi32>,
      tpu.vector_store %arg7[%swap3A_805], %min3A_804 {strides = array<i32>} : memref<16xi32, #tpu.memory_space<vmem>>, vector<16xi32>,
      %xor3A_807 = arith.constant 2 : i32
      %xor3A_808 = vector.broadcast %xor3A_807 : i32 to vector<16xi32>
      %xor3A_809 = arith.xori %iota3A, %xor3A_808 : vector<16xi32>
      %gather3A_810 = tpu.vector_load_idx %arg7[%xor3A_809] : memref<16xi32, #tpu.memory_space<vmem>>[vector<16xi32>], vector<16xi32>,
      %min3A_811 = arith.minsi %min3A_804, %gather3A_810 : vector<16xi32>
      %swap3A_812 = arith.constant 0 : index
      %swap3A_813 = tpu.vector_load %arg7[%swap3A_812] {strides = array<i32>} : memref<16xi32, #tpu.memory_space<vmem>>, vector<16xi32>,
      tpu.vector_store %arg7[%swap3A_812], %min3A_811 {strides = array<i32>} : memref<16xi32, #tpu.memory_space<vmem>>, vector<16xi32>,
      %xor3A_814 = arith.constant 1 : i32
      %xor3A_815 = vector.broadcast %xor3A_814 : i32 to vector<16xi32>
      %xor3A_816 = arith.xori %iota3A, %xor3A_815 : vector<16xi32>
      %gather3A_817 = tpu.vector_load_idx %arg7[%xor3A_816] : memref<16xi32, #tpu.memory_space<vmem>>[vector<16xi32>], vector<16xi32>,
      %min3A_818 = arith.minsi %min3A_811, %gather3A_817 : vector<16xi32>
      %add3A_819 = arith.constant 0 : i32
      %add3A_820 = vector.broadcast %add3A_819 : i32 to vector<16xi32>
      %add3A_821 = arith.addi %iota3A, %add3A_820 : vector<16xi32>
      %eq3A_822 = arith.cmpi eq, %add3A_821, %min3A_818 : vector<16xi32>
      %broadcast_in_dim3A_823 = vector.broadcast %cond3A_21 : f32 to vector<16xf32>
      %select_n3A_824 = arith.select %eq3A_822, %broadcast_in_dim3A_823, %select_n3A_707 : vector<16xi1>, vector<16xf32>
      %add3A_825 = arith.constant 16 : i32
      %add3A_826 = vector.broadcast %add3A_825 : i32 to vector<16xi32>
      %add3A_827 = arith.addi %iota3A, %add3A_826 : vector<16xi32>
      %eq3A_828 = arith.cmpi eq, %add3A_827, %min3A_818 : vector<16xi32>
      %broadcast_in_dim3A_829 = vector.broadcast %cond3A_21 : f32 to vector<16xf32>
      %select_n3A_830 = arith.select %eq3A_828, %broadcast_in_dim3A_829, %select_n3A_713 : vector<16xi1>, vector<16xf32>
      %add3A_831 = arith.constant 32 : i32
      %add3A_832 = vector.broadcast %add3A_831 : i32 to vector<16xi32>
      %add3A_833 = arith.addi %iota3A, %add3A_832 : vector<16xi32>
      %eq3A_834 = arith.cmpi eq, %add3A_833, %min3A_818 : vector<16xi32>
      %broadcast_in_dim3A_835 = vector.broadcast %cond3A_21 : f32 to vector<16xf32>
      %select_n3A_836 = arith.select %eq3A_834, %broadcast_in_dim3A_835, %select_n3A_719 : vector<16xi1>, vector<16xf32>
      %add3A_837 = arith.constant 48 : i32
      %add3A_838 = vector.broadcast %add3A_837 : i32 to vector<16xi32>
      %add3A_839 = arith.addi %iota3A, %add3A_838 : vector<16xi32>
      %eq3A_840 = arith.cmpi eq, %add3A_839, %min3A_818 : vector<16xi32>
      %broadcast_in_dim3A_841 = vector.broadcast %cond3A_21 : f32 to vector<16xf32>
      %select_n3A_842 = arith.select %eq3A_840, %broadcast_in_dim3A_841, %select_n3A_725 : vector<16xi1>, vector<16xf32>
      %eq3A_843 = arith.constant 6 : i32
      %eq3A_844 = vector.broadcast %eq3A_843 : i32 to vector<16xi32>
      %eq3A_845 = arith.cmpi eq, %iota3A, %eq3A_844 : vector<16xi32>
      %select_n3A_846 = arith.select %eq3A_845, %min3A_818, %select_n3A_729 : vector<16xi1>, vector<16xi32>
      %min3A_847 = arith.minimumf %select_n3A_824, %select_n3A_830 : vector<16xf32>
      %min3A_848 = arith.minimumf %select_n3A_836, %select_n3A_842 : vector<16xf32>
      %min3A_849 = arith.minimumf %min3A_847, %min3A_848 : vector<16xf32>
      %neg3A_850 = arith.constant 0.000000e+00 : f32
      %neg3A_851 = vector.broadcast %neg3A_850 : f32 to vector<16xf32>
      %neg3A_852 = arith.subf %neg3A_851, %min3A_849 : vector<16xf32>
      %swap3A_853 = arith.constant 0 : index
      %swap3A_854 = tpu.vector_load %arg6[%swap3A_853] {strides = array<i32>} : memref<16xf32, #tpu.memory_space<vmem>>, vector<16xf32>,
      tpu.vector_store %arg6[%swap3A_853], %neg3A_852 {strides = array<i32>} : memref<16xf32, #tpu.memory_space<vmem>>, vector<16xf32>,
      %xor3A_855 = arith.constant 8 : i32
      %xor3A_856 = vector.broadcast %xor3A_855 : i32 to vector<16xi32>
      %xor3A_857 = arith.xori %iota3A, %xor3A_856 : vector<16xi32>
      %gather3A_858 = tpu.vector_load_idx %arg6[%xor3A_857] : memref<16xf32, #tpu.memory_space<vmem>>[vector<16xi32>], vector<16xf32>,
      %max3A_859 = arith.maximumf %neg3A_852, %gather3A_858 : vector<16xf32>
      %swap3A_860 = arith.constant 0 : index
      %swap3A_861 = tpu.vector_load %arg6[%swap3A_860] {strides = array<i32>} : memref<16xf32, #tpu.memory_space<vmem>>, vector<16xf32>,
      tpu.vector_store %arg6[%swap3A_860], %max3A_859 {strides = array<i32>} : memref<16xf32, #tpu.memory_space<vmem>>, vector<16xf32>,
      %xor3A_862 = arith.constant 4 : i32
      %xor3A_863 = vector.broadcast %xor3A_862 : i32 to vector<16xi32>
      %xor3A_864 = arith.xori %iota3A, %xor3A_863 : vector<16xi32>
      %gather3A_865 = tpu.vector_load_idx %arg6[%xor3A_864] : memref<16xf32, #tpu.memory_space<vmem>>[vector<16xi32>], vector<16xf32>,
      %max3A_866 = arith.maximumf %max3A_859, %gather3A_865 : vector<16xf32>
      %swap3A_867 = arith.constant 0 : index
      %swap3A_868 = tpu.vector_load %arg6[%swap3A_867] {strides = array<i32>} : memref<16xf32, #tpu.memory_space<vmem>>, vector<16xf32>,
      tpu.vector_store %arg6[%swap3A_867], %max3A_866 {strides = array<i32>} : memref<16xf32, #tpu.memory_space<vmem>>, vector<16xf32>,
      %xor3A_869 = arith.constant 2 : i32
      %xor3A_870 = vector.broadcast %xor3A_869 : i32 to vector<16xi32>
      %xor3A_871 = arith.xori %iota3A, %xor3A_870 : vector<16xi32>
      %gather3A_872 = tpu.vector_load_idx %arg6[%xor3A_871] : memref<16xf32, #tpu.memory_space<vmem>>[vector<16xi32>], vector<16xf32>,
      %max3A_873 = arith.maximumf %max3A_866, %gather3A_872 : vector<16xf32>
      %swap3A_874 = arith.constant 0 : index
      %swap3A_875 = tpu.vector_load %arg6[%swap3A_874] {strides = array<i32>} : memref<16xf32, #tpu.memory_space<vmem>>, vector<16xf32>,
      tpu.vector_store %arg6[%swap3A_874], %max3A_873 {strides = array<i32>} : memref<16xf32, #tpu.memory_space<vmem>>, vector<16xf32>,
      %xor3A_876 = arith.constant 1 : i32
      %xor3A_877 = vector.broadcast %xor3A_876 : i32 to vector<16xi32>
      %xor3A_878 = arith.xori %iota3A, %xor3A_877 : vector<16xi32>
      %gather3A_879 = tpu.vector_load_idx %arg6[%xor3A_878] : memref<16xf32, #tpu.memory_space<vmem>>[vector<16xi32>], vector<16xf32>,
      %max3A_880 = arith.maximumf %max3A_873, %gather3A_879 : vector<16xf32>
      %neg3A_881 = arith.constant 0.000000e+00 : f32
      %neg3A_882 = vector.broadcast %neg3A_881 : f32 to vector<16xf32>
      %neg3A_883 = arith.subf %neg3A_882, %max3A_880 : vector<16xf32>
      %eq3A_884 = arith.cmpf oeq, %select_n3A_824, %neg3A_883 : vector<16xf32>
      %add3A_885 = arith.constant 0 : i32
      %add3A_886 = vector.broadcast %add3A_885 : i32 to vector<16xi32>
      %add3A_887 = arith.addi %iota3A, %add3A_886 : vector<16xi32>
      %select_n3A_888 = arith.select %eq3A_884, %add3A_887, %broadcast_in_dim3A_0 : vector<16xi1>, vector<16xi32>
      %min3A_889 = arith.minsi %broadcast_in_dim3A_0, %select_n3A_888 : vector<16xi32>
      %eq3A_890 = arith.cmpf oeq, %select_n3A_830, %neg3A_883 : vector<16xf32>
      %add3A_891 = arith.constant 16 : i32
      %add3A_892 = vector.broadcast %add3A_891 : i32 to vector<16xi32>
      %add3A_893 = arith.addi %iota3A, %add3A_892 : vector<16xi32>
      %select_n3A_894 = arith.select %eq3A_890, %add3A_893, %broadcast_in_dim3A_0 : vector<16xi1>, vector<16xi32>
      %min3A_895 = arith.minsi %min3A_889, %select_n3A_894 : vector<16xi32>
      %eq3A_896 = arith.cmpf oeq, %select_n3A_836, %neg3A_883 : vector<16xf32>
      %add3A_897 = arith.constant 32 : i32
      %add3A_898 = vector.broadcast %add3A_897 : i32 to vector<16xi32>
      %add3A_899 = arith.addi %iota3A, %add3A_898 : vector<16xi32>
      %select_n3A_900 = arith.select %eq3A_896, %add3A_899, %broadcast_in_dim3A_0 : vector<16xi1>, vector<16xi32>
      %min3A_901 = arith.minsi %min3A_895, %select_n3A_900 : vector<16xi32>
      %eq3A_902 = arith.cmpf oeq, %select_n3A_842, %neg3A_883 : vector<16xf32>
      %add3A_903 = arith.constant 48 : i32
      %add3A_904 = vector.broadcast %add3A_903 : i32 to vector<16xi32>
      %add3A_905 = arith.addi %iota3A, %add3A_904 : vector<16xi32>
      %select_n3A_906 = arith.select %eq3A_902, %add3A_905, %broadcast_in_dim3A_0 : vector<16xi1>, vector<16xi32>
      %min3A_907 = arith.minsi %min3A_901, %select_n3A_906 : vector<16xi32>
      %swap3A_908 = arith.constant 0 : index
      %swap3A_909 = tpu.vector_load %arg7[%swap3A_908] {strides = array<i32>} : memref<16xi32, #tpu.memory_space<vmem>>, vector<16xi32>,
      tpu.vector_store %arg7[%swap3A_908], %min3A_907 {strides = array<i32>} : memref<16xi32, #tpu.memory_space<vmem>>, vector<16xi32>,
      %xor3A_910 = arith.constant 8 : i32
      %xor3A_911 = vector.broadcast %xor3A_910 : i32 to vector<16xi32>
      %xor3A_912 = arith.xori %iota3A, %xor3A_911 : vector<16xi32>
      %gather3A_913 = tpu.vector_load_idx %arg7[%xor3A_912] : memref<16xi32, #tpu.memory_space<vmem>>[vector<16xi32>], vector<16xi32>,
      %min3A_914 = arith.minsi %min3A_907, %gather3A_913 : vector<16xi32>
      %swap3A_915 = arith.constant 0 : index
      %swap3A_916 = tpu.vector_load %arg7[%swap3A_915] {strides = array<i32>} : memref<16xi32, #tpu.memory_space<vmem>>, vector<16xi32>,
      tpu.vector_store %arg7[%swap3A_915], %min3A_914 {strides = array<i32>} : memref<16xi32, #tpu.memory_space<vmem>>, vector<16xi32>,
      %xor3A_917 = arith.constant 4 : i32
      %xor3A_918 = vector.broadcast %xor3A_917 : i32 to vector<16xi32>
      %xor3A_919 = arith.xori %iota3A, %xor3A_918 : vector<16xi32>
      %gather3A_920 = tpu.vector_load_idx %arg7[%xor3A_919] : memref<16xi32, #tpu.memory_space<vmem>>[vector<16xi32>], vector<16xi32>,
      %min3A_921 = arith.minsi %min3A_914, %gather3A_920 : vector<16xi32>
      %swap3A_922 = arith.constant 0 : index
      %swap3A_923 = tpu.vector_load %arg7[%swap3A_922] {strides = array<i32>} : memref<16xi32, #tpu.memory_space<vmem>>, vector<16xi32>,
      tpu.vector_store %arg7[%swap3A_922], %min3A_921 {strides = array<i32>} : memref<16xi32, #tpu.memory_space<vmem>>, vector<16xi32>,
      %xor3A_924 = arith.constant 2 : i32
      %xor3A_925 = vector.broadcast %xor3A_924 : i32 to vector<16xi32>
      %xor3A_926 = arith.xori %iota3A, %xor3A_925 : vector<16xi32>
      %gather3A_927 = tpu.vector_load_idx %arg7[%xor3A_926] : memref<16xi32, #tpu.memory_space<vmem>>[vector<16xi32>], vector<16xi32>,
      %min3A_928 = arith.minsi %min3A_921, %gather3A_927 : vector<16xi32>
      %swap3A_929 = arith.constant 0 : index
      %swap3A_930 = tpu.vector_load %arg7[%swap3A_929] {strides = array<i32>} : memref<16xi32, #tpu.memory_space<vmem>>, vector<16xi32>,
      tpu.vector_store %arg7[%swap3A_929], %min3A_928 {strides = array<i32>} : memref<16xi32, #tpu.memory_space<vmem>>, vector<16xi32>,
      %xor3A_931 = arith.constant 1 : i32
      %xor3A_932 = vector.broadcast %xor3A_931 : i32 to vector<16xi32>
      %xor3A_933 = arith.xori %iota3A, %xor3A_932 : vector<16xi32>
      %gather3A_934 = tpu.vector_load_idx %arg7[%xor3A_933] : memref<16xi32, #tpu.memory_space<vmem>>[vector<16xi32>], vector<16xi32>,
      %min3A_935 = arith.minsi %min3A_928, %gather3A_934 : vector<16xi32>
      %add3A_936 = arith.constant 0 : i32
      %add3A_937 = vector.broadcast %add3A_936 : i32 to vector<16xi32>
      %add3A_938 = arith.addi %iota3A, %add3A_937 : vector<16xi32>
      %eq3A_939 = arith.cmpi eq, %add3A_938, %min3A_935 : vector<16xi32>
      %broadcast_in_dim3A_940 = vector.broadcast %cond3A_21 : f32 to vector<16xf32>
      %select_n3A_941 = arith.select %eq3A_939, %broadcast_in_dim3A_940, %select_n3A_824 : vector<16xi1>, vector<16xf32>
      %add3A_942 = arith.constant 16 : i32
      %add3A_943 = vector.broadcast %add3A_942 : i32 to vector<16xi32>
      %add3A_944 = arith.addi %iota3A, %add3A_943 : vector<16xi32>
      %eq3A_945 = arith.cmpi eq, %add3A_944, %min3A_935 : vector<16xi32>
      %broadcast_in_dim3A_946 = vector.broadcast %cond3A_21 : f32 to vector<16xf32>
      %select_n3A_947 = arith.select %eq3A_945, %broadcast_in_dim3A_946, %select_n3A_830 : vector<16xi1>, vector<16xf32>
      %add3A_948 = arith.constant 32 : i32
      %add3A_949 = vector.broadcast %add3A_948 : i32 to vector<16xi32>
      %add3A_950 = arith.addi %iota3A, %add3A_949 : vector<16xi32>
      %eq3A_951 = arith.cmpi eq, %add3A_950, %min3A_935 : vector<16xi32>
      %broadcast_in_dim3A_952 = vector.broadcast %cond3A_21 : f32 to vector<16xf32>
      %select_n3A_953 = arith.select %eq3A_951, %broadcast_in_dim3A_952, %select_n3A_836 : vector<16xi1>, vector<16xf32>
      %add3A_954 = arith.constant 48 : i32
      %add3A_955 = vector.broadcast %add3A_954 : i32 to vector<16xi32>
      %add3A_956 = arith.addi %iota3A, %add3A_955 : vector<16xi32>
      %eq3A_957 = arith.cmpi eq, %add3A_956, %min3A_935 : vector<16xi32>
      %broadcast_in_dim3A_958 = vector.broadcast %cond3A_21 : f32 to vector<16xf32>
      %select_n3A_959 = arith.select %eq3A_957, %broadcast_in_dim3A_958, %select_n3A_842 : vector<16xi1>, vector<16xf32>
      %eq3A_960 = arith.constant 7 : i32
      %eq3A_961 = vector.broadcast %eq3A_960 : i32 to vector<16xi32>
      %eq3A_962 = arith.cmpi eq, %iota3A, %eq3A_961 : vector<16xi32>
      %select_n3A_963 = arith.select %eq3A_962, %min3A_935, %select_n3A_846 : vector<16xi1>, vector<16xi32>
      %swap3A_964 = arith.constant 0 : index
      %swap3A_965 = tpu.vector_load %arg5[%swap3A_964] {strides = array<i32>} : memref<16xi32, #tpu.memory_space<vmem>>, vector<16xi32>,
      tpu.vector_store %arg5[%swap3A_964], %select_n3A_963 {strides = array<i32>} : memref<16xi32, #tpu.memory_space<vmem>>, vector<16xi32>,
      %run_scoped3A_966 = arith.constant 2 : i32
      "tpu.region"() ({
        %run_scoped3A_967 = tpu.sem_alloc : memref<!tpu.dma_semaphore, #tpu.memory_space<semaphore_mem>>
        %dma_start3A = arith.constant 0 : i32
        %dma_start3A_968 = tpu.memref_slice %arg3[%run_scoped3A_966, %dma_start3A] : memref<4x16xi32, #tpu.memory_space<hbm>> -> memref<1x16xi32, #tpu.memory_space<hbm>>
        %dma_start3A_969 = tpu.memref_squeeze %dma_start3A_968 : memref<1x16xi32, #tpu.memory_space<hbm>> -> memref<16xi32, #tpu.memory_space<hbm>>
        %dma_start3A_970 = arith.constant 0 : i32
        %dma_start3A_971 = tpu.memref_slice %arg3[%run_scoped3A_966, %dma_start3A_970] : memref<4x16xi32, #tpu.memory_space<hbm>> -> memref<1x16xi32, #tpu.memory_space<hbm>>
        %dma_start3A_972 = tpu.memref_squeeze %dma_start3A_971 : memref<1x16xi32, #tpu.memory_space<hbm>> -> memref<16xi32, #tpu.memory_space<hbm>>
        tpu.enqueue_dma source(%arg5 : memref<16xi32, #tpu.memory_space<vmem>>) target(%dma_start3A_972 : memref<16xi32, #tpu.memory_space<hbm>>) target_semaphore(%run_scoped3A_967 : memref<!tpu.dma_semaphore, #tpu.memory_space<semaphore_mem>>)
        %dma_wait3A = arith.constant 0 : i32
        %dma_wait3A_973 = tpu.memref_slice %arg3[%run_scoped3A_966, %dma_wait3A] : memref<4x16xi32, #tpu.memory_space<hbm>> -> memref<1x16xi32, #tpu.memory_space<hbm>>
        %dma_wait3A_974 = tpu.memref_squeeze %dma_wait3A_973 : memref<1x16xi32, #tpu.memory_space<hbm>> -> memref<16xi32, #tpu.memory_space<hbm>>
        %dma_wait3A_975 = arith.constant 0 : i32
        %dma_wait3A_976 = tpu.memref_slice %arg3[%run_scoped3A_966, %dma_wait3A_975] : memref<4x16xi32, #tpu.memory_space<hbm>> -> memref<1x16xi32, #tpu.memory_space<hbm>>
        %dma_wait3A_977 = tpu.memref_squeeze %dma_wait3A_976 : memref<1x16xi32, #tpu.memory_space<hbm>> -> memref<16xi32, #tpu.memory_space<hbm>>
        tpu.wait_dma2 semaphore(%run_scoped3A_967 : memref<!tpu.dma_semaphore, #tpu.memory_space<semaphore_mem>>) src(%arg5 : memref<16xi32, #tpu.memory_space<vmem>>) dst(%dma_wait3A_977 : memref<16xi32, #tpu.memory_space<hbm>>)
        tpu.yield
      }) : () -> ()
    } else {
    }
    %eq3A_24 = arith.constant 0 : i32
    %eq3A_25 = arith.cmpi eq, %arg0, %eq3A_24 : i32
    %eq3A_26 = arith.constant 3 : i32
    %eq3A_27 = arith.cmpi eq, %arg1, %eq3A_26 : i32
    %and3A_28 = arith.andi %eq3A_25, %eq3A_27 : i1
    %convert_element_type3A_29 = arith.extui %and3A_28 : i1 to i32
    %cond3A_30 = arith.constant 0x7F800000 : f32
    %cond3A_31 = arith.constant 0 : i32
    %cond3A_32 = arith.cmpi ne, %convert_element_type3A_29, %cond3A_31 : i32
    scf.if %cond3A_32 {
      %run_scoped3A = arith.constant 3 : i32
      "tpu.region"() ({
        %run_scoped3A_967 = tpu.sem_alloc : memref<!tpu.dma_semaphore, #tpu.memory_space<semaphore_mem>>
        %dma_start3A = arith.constant 0 : i32
        %dma_start3A_968 = tpu.memref_slice %arg2[%run_scoped3A, %dma_start3A] : memref<4x64xf32, #tpu.memory_space<hbm>> -> memref<1x64xf32, #tpu.memory_space<hbm>>
        %dma_start3A_969 = tpu.memref_squeeze %dma_start3A_968 : memref<1x64xf32, #tpu.memory_space<hbm>> -> memref<64xf32, #tpu.memory_space<hbm>>
        %dma_start3A_970 = arith.constant 0 : i32
        %dma_start3A_971 = tpu.memref_slice %arg2[%run_scoped3A, %dma_start3A_970] : memref<4x64xf32, #tpu.memory_space<hbm>> -> memref<1x64xf32, #tpu.memory_space<hbm>>
        %dma_start3A_972 = tpu.memref_squeeze %dma_start3A_971 : memref<1x64xf32, #tpu.memory_space<hbm>> -> memref<64xf32, #tpu.memory_space<hbm>>
        tpu.enqueue_dma source(%dma_start3A_972 : memref<64xf32, #tpu.memory_space<hbm>>) target(%arg4 : memref<64xf32, #tpu.memory_space<vmem>>) target_semaphore(%run_scoped3A_967 : memref<!tpu.dma_semaphore, #tpu.memory_space<semaphore_mem>>)
        %dma_wait3A = arith.constant 0 : i32
        %dma_wait3A_973 = tpu.memref_slice %arg2[%run_scoped3A, %dma_wait3A] : memref<4x64xf32, #tpu.memory_space<hbm>> -> memref<1x64xf32, #tpu.memory_space<hbm>>
        %dma_wait3A_974 = tpu.memref_squeeze %dma_wait3A_973 : memref<1x64xf32, #tpu.memory_space<hbm>> -> memref<64xf32, #tpu.memory_space<hbm>>
        %dma_wait3A_975 = arith.constant 0 : i32
        %dma_wait3A_976 = tpu.memref_slice %arg2[%run_scoped3A, %dma_wait3A_975] : memref<4x64xf32, #tpu.memory_space<hbm>> -> memref<1x64xf32, #tpu.memory_space<hbm>>
        %dma_wait3A_977 = tpu.memref_squeeze %dma_wait3A_976 : memref<1x64xf32, #tpu.memory_space<hbm>> -> memref<64xf32, #tpu.memory_space<hbm>>
        tpu.wait_dma2 semaphore(%run_scoped3A_967 : memref<!tpu.dma_semaphore, #tpu.memory_space<semaphore_mem>>) src(%dma_wait3A_977 : memref<64xf32, #tpu.memory_space<hbm>>) dst(%arg4 : memref<64xf32, #tpu.memory_space<vmem>>)
        tpu.yield
      }) : () -> ()
      %broadcast_in_dim3A_33 = arith.constant 0 : i32
      %broadcast_in_dim3A_34 = vector.broadcast %broadcast_in_dim3A_33 : i32 to vector<16xi32>
      %get3A = arith.constant 0 : index
      %get3A_35 = tpu.vector_load %arg4[%get3A] {strides = array<i32>} : memref<64xf32, #tpu.memory_space<vmem>>, vector<16xf32>,
      %get3A_36 = arith.constant 16 : index
      %get3A_37 = tpu.vector_load %arg4[%get3A_36] {strides = array<i32>} : memref<64xf32, #tpu.memory_space<vmem>>, vector<16xf32>,
      %get3A_38 = arith.constant 32 : index
      %get3A_39 = tpu.vector_load %arg4[%get3A_38] {strides = array<i32>} : memref<64xf32, #tpu.memory_space<vmem>>, vector<16xf32>,
      %get3A_40 = arith.constant 48 : index
      %get3A_41 = tpu.vector_load %arg4[%get3A_40] {strides = array<i32>} : memref<64xf32, #tpu.memory_space<vmem>>, vector<16xf32>,
      %max3A = arith.maximumf %get3A_35, %get3A_37 : vector<16xf32>
      %max3A_42 = arith.maximumf %get3A_39, %get3A_41 : vector<16xf32>
      %max3A_43 = arith.maximumf %max3A, %max3A_42 : vector<16xf32>
      %swap3A = arith.constant 0 : index
      %swap3A_44 = tpu.vector_load %arg6[%swap3A] {strides = array<i32>} : memref<16xf32, #tpu.memory_space<vmem>>, vector<16xf32>,
      tpu.vector_store %arg6[%swap3A], %max3A_43 {strides = array<i32>} : memref<16xf32, #tpu.memory_space<vmem>>, vector<16xf32>,
      %xor3A = arith.constant 8 : i32
      %xor3A_45 = vector.broadcast %xor3A : i32 to vector<16xi32>
      %xor3A_46 = arith.xori %iota3A, %xor3A_45 : vector<16xi32>
      %gather3A = tpu.vector_load_idx %arg6[%xor3A_46] : memref<16xf32, #tpu.memory_space<vmem>>[vector<16xi32>], vector<16xf32>,
      %max3A_47 = arith.maximumf %max3A_43, %gather3A : vector<16xf32>
      %swap3A_48 = arith.constant 0 : index
      %swap3A_49 = tpu.vector_load %arg6[%swap3A_48] {strides = array<i32>} : memref<16xf32, #tpu.memory_space<vmem>>, vector<16xf32>,
      tpu.vector_store %arg6[%swap3A_48], %max3A_47 {strides = array<i32>} : memref<16xf32, #tpu.memory_space<vmem>>, vector<16xf32>,
      %xor3A_50 = arith.constant 4 : i32
      %xor3A_51 = vector.broadcast %xor3A_50 : i32 to vector<16xi32>
      %xor3A_52 = arith.xori %iota3A, %xor3A_51 : vector<16xi32>
      %gather3A_53 = tpu.vector_load_idx %arg6[%xor3A_52] : memref<16xf32, #tpu.memory_space<vmem>>[vector<16xi32>], vector<16xf32>,
      %max3A_54 = arith.maximumf %max3A_47, %gather3A_53 : vector<16xf32>
      %swap3A_55 = arith.constant 0 : index
      %swap3A_56 = tpu.vector_load %arg6[%swap3A_55] {strides = array<i32>} : memref<16xf32, #tpu.memory_space<vmem>>, vector<16xf32>,
      tpu.vector_store %arg6[%swap3A_55], %max3A_54 {strides = array<i32>} : memref<16xf32, #tpu.memory_space<vmem>>, vector<16xf32>,
      %xor3A_57 = arith.constant 2 : i32
      %xor3A_58 = vector.broadcast %xor3A_57 : i32 to vector<16xi32>
      %xor3A_59 = arith.xori %iota3A, %xor3A_58 : vector<16xi32>
      %gather3A_60 = tpu.vector_load_idx %arg6[%xor3A_59] : memref<16xf32, #tpu.memory_space<vmem>>[vector<16xi32>], vector<16xf32>,
      %max3A_61 = arith.maximumf %max3A_54, %gather3A_60 : vector<16xf32>
      %swap3A_62 = arith.constant 0 : index
      %swap3A_63 = tpu.vector_load %arg6[%swap3A_62] {strides = array<i32>} : memref<16xf32, #tpu.memory_space<vmem>>, vector<16xf32>,
      tpu.vector_store %arg6[%swap3A_62], %max3A_61 {strides = array<i32>} : memref<16xf32, #tpu.memory_space<vmem>>, vector<16xf32>,
      %xor3A_64 = arith.constant 1 : i32
      %xor3A_65 = vector.broadcast %xor3A_64 : i32 to vector<16xi32>
      %xor3A_66 = arith.xori %iota3A, %xor3A_65 : vector<16xi32>
      %gather3A_67 = tpu.vector_load_idx %arg6[%xor3A_66] : memref<16xf32, #tpu.memory_space<vmem>>[vector<16xi32>], vector<16xf32>,
      %max3A_68 = arith.maximumf %max3A_61, %gather3A_67 : vector<16xf32>
      %eq3A_69 = arith.cmpf oeq, %get3A_35, %max3A_68 : vector<16xf32>
      %add3A = arith.constant 0 : i32
      %add3A_70 = vector.broadcast %add3A : i32 to vector<16xi32>
      %add3A_71 = arith.addi %iota3A, %add3A_70 : vector<16xi32>
      %select_n3A = arith.select %eq3A_69, %add3A_71, %broadcast_in_dim3A_0 : vector<16xi1>, vector<16xi32>
      %min3A = arith.minsi %broadcast_in_dim3A_0, %select_n3A : vector<16xi32>
      %eq3A_72 = arith.cmpf oeq, %get3A_37, %max3A_68 : vector<16xf32>
      %add3A_73 = arith.constant 16 : i32
      %add3A_74 = vector.broadcast %add3A_73 : i32 to vector<16xi32>
      %add3A_75 = arith.addi %iota3A, %add3A_74 : vector<16xi32>
      %select_n3A_76 = arith.select %eq3A_72, %add3A_75, %broadcast_in_dim3A_0 : vector<16xi1>, vector<16xi32>
      %min3A_77 = arith.minsi %min3A, %select_n3A_76 : vector<16xi32>
      %eq3A_78 = arith.cmpf oeq, %get3A_39, %max3A_68 : vector<16xf32>
      %add3A_79 = arith.constant 32 : i32
      %add3A_80 = vector.broadcast %add3A_79 : i32 to vector<16xi32>
      %add3A_81 = arith.addi %iota3A, %add3A_80 : vector<16xi32>
      %select_n3A_82 = arith.select %eq3A_78, %add3A_81, %broadcast_in_dim3A_0 : vector<16xi1>, vector<16xi32>
      %min3A_83 = arith.minsi %min3A_77, %select_n3A_82 : vector<16xi32>
      %eq3A_84 = arith.cmpf oeq, %get3A_41, %max3A_68 : vector<16xf32>
      %add3A_85 = arith.constant 48 : i32
      %add3A_86 = vector.broadcast %add3A_85 : i32 to vector<16xi32>
      %add3A_87 = arith.addi %iota3A, %add3A_86 : vector<16xi32>
      %select_n3A_88 = arith.select %eq3A_84, %add3A_87, %broadcast_in_dim3A_0 : vector<16xi1>, vector<16xi32>
      %min3A_89 = arith.minsi %min3A_83, %select_n3A_88 : vector<16xi32>
      %swap3A_90 = arith.constant 0 : index
      %swap3A_91 = tpu.vector_load %arg7[%swap3A_90] {strides = array<i32>} : memref<16xi32, #tpu.memory_space<vmem>>, vector<16xi32>,
      tpu.vector_store %arg7[%swap3A_90], %min3A_89 {strides = array<i32>} : memref<16xi32, #tpu.memory_space<vmem>>, vector<16xi32>,
      %xor3A_92 = arith.constant 8 : i32
      %xor3A_93 = vector.broadcast %xor3A_92 : i32 to vector<16xi32>
      %xor3A_94 = arith.xori %iota3A, %xor3A_93 : vector<16xi32>
      %gather3A_95 = tpu.vector_load_idx %arg7[%xor3A_94] : memref<16xi32, #tpu.memory_space<vmem>>[vector<16xi32>], vector<16xi32>,
      %min3A_96 = arith.minsi %min3A_89, %gather3A_95 : vector<16xi32>
      %swap3A_97 = arith.constant 0 : index
      %swap3A_98 = tpu.vector_load %arg7[%swap3A_97] {strides = array<i32>} : memref<16xi32, #tpu.memory_space<vmem>>, vector<16xi32>,
      tpu.vector_store %arg7[%swap3A_97], %min3A_96 {strides = array<i32>} : memref<16xi32, #tpu.memory_space<vmem>>, vector<16xi32>,
      %xor3A_99 = arith.constant 4 : i32
      %xor3A_100 = vector.broadcast %xor3A_99 : i32 to vector<16xi32>
      %xor3A_101 = arith.xori %iota3A, %xor3A_100 : vector<16xi32>
      %gather3A_102 = tpu.vector_load_idx %arg7[%xor3A_101] : memref<16xi32, #tpu.memory_space<vmem>>[vector<16xi32>], vector<16xi32>,
      %min3A_103 = arith.minsi %min3A_96, %gather3A_102 : vector<16xi32>
      %swap3A_104 = arith.constant 0 : index
      %swap3A_105 = tpu.vector_load %arg7[%swap3A_104] {strides = array<i32>} : memref<16xi32, #tpu.memory_space<vmem>>, vector<16xi32>,
      tpu.vector_store %arg7[%swap3A_104], %min3A_103 {strides = array<i32>} : memref<16xi32, #tpu.memory_space<vmem>>, vector<16xi32>,
      %xor3A_106 = arith.constant 2 : i32
      %xor3A_107 = vector.broadcast %xor3A_106 : i32 to vector<16xi32>
      %xor3A_108 = arith.xori %iota3A, %xor3A_107 : vector<16xi32>
      %gather3A_109 = tpu.vector_load_idx %arg7[%xor3A_108] : memref<16xi32, #tpu.memory_space<vmem>>[vector<16xi32>], vector<16xi32>,
      %min3A_110 = arith.minsi %min3A_103, %gather3A_109 : vector<16xi32>
      %swap3A_111 = arith.constant 0 : index
      %swap3A_112 = tpu.vector_load %arg7[%swap3A_111] {strides = array<i32>} : memref<16xi32, #tpu.memory_space<vmem>>, vector<16xi32>,
      tpu.vector_store %arg7[%swap3A_111], %min3A_110 {strides = array<i32>} : memref<16xi32, #tpu.memory_space<vmem>>, vector<16xi32>,
      %xor3A_113 = arith.constant 1 : i32
      %xor3A_114 = vector.broadcast %xor3A_113 : i32 to vector<16xi32>
      %xor3A_115 = arith.xori %iota3A, %xor3A_114 : vector<16xi32>
      %gather3A_116 = tpu.vector_load_idx %arg7[%xor3A_115] : memref<16xi32, #tpu.memory_space<vmem>>[vector<16xi32>], vector<16xi32>,
      %min3A_117 = arith.minsi %min3A_110, %gather3A_116 : vector<16xi32>
      %neg3A = arith.constant 0.000000e+00 : f32
      %neg3A_118 = arith.subf %neg3A, %cond3A_30 : f32
      %add3A_119 = arith.constant 0 : i32
      %add3A_120 = vector.broadcast %add3A_119 : i32 to vector<16xi32>
      %add3A_121 = arith.addi %iota3A, %add3A_120 : vector<16xi32>
      %eq3A_122 = arith.cmpi eq, %add3A_121, %min3A_117 : vector<16xi32>
      %broadcast_in_dim3A_123 = vector.broadcast %neg3A_118 : f32 to vector<16xf32>
      %select_n3A_124 = arith.select %eq3A_122, %broadcast_in_dim3A_123, %get3A_35 : vector<16xi1>, vector<16xf32>
      %add3A_125 = arith.constant 16 : i32
      %add3A_126 = vector.broadcast %add3A_125 : i32 to vector<16xi32>
      %add3A_127 = arith.addi %iota3A, %add3A_126 : vector<16xi32>
      %eq3A_128 = arith.cmpi eq, %add3A_127, %min3A_117 : vector<16xi32>
      %broadcast_in_dim3A_129 = vector.broadcast %neg3A_118 : f32 to vector<16xf32>
      %select_n3A_130 = arith.select %eq3A_128, %broadcast_in_dim3A_129, %get3A_37 : vector<16xi1>, vector<16xf32>
      %add3A_131 = arith.constant 32 : i32
      %add3A_132 = vector.broadcast %add3A_131 : i32 to vector<16xi32>
      %add3A_133 = arith.addi %iota3A, %add3A_132 : vector<16xi32>
      %eq3A_134 = arith.cmpi eq, %add3A_133, %min3A_117 : vector<16xi32>
      %broadcast_in_dim3A_135 = vector.broadcast %neg3A_118 : f32 to vector<16xf32>
      %select_n3A_136 = arith.select %eq3A_134, %broadcast_in_dim3A_135, %get3A_39 : vector<16xi1>, vector<16xf32>
      %add3A_137 = arith.constant 48 : i32
      %add3A_138 = vector.broadcast %add3A_137 : i32 to vector<16xi32>
      %add3A_139 = arith.addi %iota3A, %add3A_138 : vector<16xi32>
      %eq3A_140 = arith.cmpi eq, %add3A_139, %min3A_117 : vector<16xi32>
      %broadcast_in_dim3A_141 = vector.broadcast %neg3A_118 : f32 to vector<16xf32>
      %select_n3A_142 = arith.select %eq3A_140, %broadcast_in_dim3A_141, %get3A_41 : vector<16xi1>, vector<16xf32>
      %eq3A_143 = arith.constant 0 : i32
      %eq3A_144 = vector.broadcast %eq3A_143 : i32 to vector<16xi32>
      %eq3A_145 = arith.cmpi eq, %iota3A, %eq3A_144 : vector<16xi32>
      %select_n3A_146 = arith.select %eq3A_145, %min3A_117, %broadcast_in_dim3A_34 : vector<16xi1>, vector<16xi32>
      %max3A_147 = arith.maximumf %select_n3A_124, %select_n3A_130 : vector<16xf32>
      %max3A_148 = arith.maximumf %select_n3A_136, %select_n3A_142 : vector<16xf32>
      %max3A_149 = arith.maximumf %max3A_147, %max3A_148 : vector<16xf32>
      %swap3A_150 = arith.constant 0 : index
      %swap3A_151 = tpu.vector_load %arg6[%swap3A_150] {strides = array<i32>} : memref<16xf32, #tpu.memory_space<vmem>>, vector<16xf32>,
      tpu.vector_store %arg6[%swap3A_150], %max3A_149 {strides = array<i32>} : memref<16xf32, #tpu.memory_space<vmem>>, vector<16xf32>,
      %xor3A_152 = arith.constant 8 : i32
      %xor3A_153 = vector.broadcast %xor3A_152 : i32 to vector<16xi32>
      %xor3A_154 = arith.xori %iota3A, %xor3A_153 : vector<16xi32>
      %gather3A_155 = tpu.vector_load_idx %arg6[%xor3A_154] : memref<16xf32, #tpu.memory_space<vmem>>[vector<16xi32>], vector<16xf32>,
      %max3A_156 = arith.maximumf %max3A_149, %gather3A_155 : vector<16xf32>
      %swap3A_157 = arith.constant 0 : index
      %swap3A_158 = tpu.vector_load %arg6[%swap3A_157] {strides = array<i32>} : memref<16xf32, #tpu.memory_space<vmem>>, vector<16xf32>,
      tpu.vector_store %arg6[%swap3A_157], %max3A_156 {strides = array<i32>} : memref<16xf32, #tpu.memory_space<vmem>>, vector<16xf32>,
      %xor3A_159 = arith.constant 4 : i32
      %xor3A_160 = vector.broadcast %xor3A_159 : i32 to vector<16xi32>
      %xor3A_161 = arith.xori %iota3A, %xor3A_160 : vector<16xi32>
      %gather3A_162 = tpu.vector_load_idx %arg6[%xor3A_161] : memref<16xf32, #tpu.memory_space<vmem>>[vector<16xi32>], vector<16xf32>,
      %max3A_163 = arith.maximumf %max3A_156, %gather3A_162 : vector<16xf32>
      %swap3A_164 = arith.constant 0 : index
      %swap3A_165 = tpu.vector_load %arg6[%swap3A_164] {strides = array<i32>} : memref<16xf32, #tpu.memory_space<vmem>>, vector<16xf32>,
      tpu.vector_store %arg6[%swap3A_164], %max3A_163 {strides = array<i32>} : memref<16xf32, #tpu.memory_space<vmem>>, vector<16xf32>,
      %xor3A_166 = arith.constant 2 : i32
      %xor3A_167 = vector.broadcast %xor3A_166 : i32 to vector<16xi32>
      %xor3A_168 = arith.xori %iota3A, %xor3A_167 : vector<16xi32>
      %gather3A_169 = tpu.vector_load_idx %arg6[%xor3A_168] : memref<16xf32, #tpu.memory_space<vmem>>[vector<16xi32>], vector<16xf32>,
      %max3A_170 = arith.maximumf %max3A_163, %gather3A_169 : vector<16xf32>
      %swap3A_171 = arith.constant 0 : index
      %swap3A_172 = tpu.vector_load %arg6[%swap3A_171] {strides = array<i32>} : memref<16xf32, #tpu.memory_space<vmem>>, vector<16xf32>,
      tpu.vector_store %arg6[%swap3A_171], %max3A_170 {strides = array<i32>} : memref<16xf32, #tpu.memory_space<vmem>>, vector<16xf32>,
      %xor3A_173 = arith.constant 1 : i32
      %xor3A_174 = vector.broadcast %xor3A_173 : i32 to vector<16xi32>
      %xor3A_175 = arith.xori %iota3A, %xor3A_174 : vector<16xi32>
      %gather3A_176 = tpu.vector_load_idx %arg6[%xor3A_175] : memref<16xf32, #tpu.memory_space<vmem>>[vector<16xi32>], vector<16xf32>,
      %max3A_177 = arith.maximumf %max3A_170, %gather3A_176 : vector<16xf32>
      %eq3A_178 = arith.cmpf oeq, %select_n3A_124, %max3A_177 : vector<16xf32>
      %add3A_179 = arith.constant 0 : i32
      %add3A_180 = vector.broadcast %add3A_179 : i32 to vector<16xi32>
      %add3A_181 = arith.addi %iota3A, %add3A_180 : vector<16xi32>
      %select_n3A_182 = arith.select %eq3A_178, %add3A_181, %broadcast_in_dim3A_0 : vector<16xi1>, vector<16xi32>
      %min3A_183 = arith.minsi %broadcast_in_dim3A_0, %select_n3A_182 : vector<16xi32>
      %eq3A_184 = arith.cmpf oeq, %select_n3A_130, %max3A_177 : vector<16xf32>
      %add3A_185 = arith.constant 16 : i32
      %add3A_186 = vector.broadcast %add3A_185 : i32 to vector<16xi32>
      %add3A_187 = arith.addi %iota3A, %add3A_186 : vector<16xi32>
      %select_n3A_188 = arith.select %eq3A_184, %add3A_187, %broadcast_in_dim3A_0 : vector<16xi1>, vector<16xi32>
      %min3A_189 = arith.minsi %min3A_183, %select_n3A_188 : vector<16xi32>
      %eq3A_190 = arith.cmpf oeq, %select_n3A_136, %max3A_177 : vector<16xf32>
      %add3A_191 = arith.constant 32 : i32
      %add3A_192 = vector.broadcast %add3A_191 : i32 to vector<16xi32>
      %add3A_193 = arith.addi %iota3A, %add3A_192 : vector<16xi32>
      %select_n3A_194 = arith.select %eq3A_190, %add3A_193, %broadcast_in_dim3A_0 : vector<16xi1>, vector<16xi32>
      %min3A_195 = arith.minsi %min3A_189, %select_n3A_194 : vector<16xi32>
      %eq3A_196 = arith.cmpf oeq, %select_n3A_142, %max3A_177 : vector<16xf32>
      %add3A_197 = arith.constant 48 : i32
      %add3A_198 = vector.broadcast %add3A_197 : i32 to vector<16xi32>
      %add3A_199 = arith.addi %iota3A, %add3A_198 : vector<16xi32>
      %select_n3A_200 = arith.select %eq3A_196, %add3A_199, %broadcast_in_dim3A_0 : vector<16xi1>, vector<16xi32>
      %min3A_201 = arith.minsi %min3A_195, %select_n3A_200 : vector<16xi32>
      %swap3A_202 = arith.constant 0 : index
      %swap3A_203 = tpu.vector_load %arg7[%swap3A_202] {strides = array<i32>} : memref<16xi32, #tpu.memory_space<vmem>>, vector<16xi32>,
      tpu.vector_store %arg7[%swap3A_202], %min3A_201 {strides = array<i32>} : memref<16xi32, #tpu.memory_space<vmem>>, vector<16xi32>,
      %xor3A_204 = arith.constant 8 : i32
      %xor3A_205 = vector.broadcast %xor3A_204 : i32 to vector<16xi32>
      %xor3A_206 = arith.xori %iota3A, %xor3A_205 : vector<16xi32>
      %gather3A_207 = tpu.vector_load_idx %arg7[%xor3A_206] : memref<16xi32, #tpu.memory_space<vmem>>[vector<16xi32>], vector<16xi32>,
      %min3A_208 = arith.minsi %min3A_201, %gather3A_207 : vector<16xi32>
      %swap3A_209 = arith.constant 0 : index
      %swap3A_210 = tpu.vector_load %arg7[%swap3A_209] {strides = array<i32>} : memref<16xi32, #tpu.memory_space<vmem>>, vector<16xi32>,
      tpu.vector_store %arg7[%swap3A_209], %min3A_208 {strides = array<i32>} : memref<16xi32, #tpu.memory_space<vmem>>, vector<16xi32>,
      %xor3A_211 = arith.constant 4 : i32
      %xor3A_212 = vector.broadcast %xor3A_211 : i32 to vector<16xi32>
      %xor3A_213 = arith.xori %iota3A, %xor3A_212 : vector<16xi32>
      %gather3A_214 = tpu.vector_load_idx %arg7[%xor3A_213] : memref<16xi32, #tpu.memory_space<vmem>>[vector<16xi32>], vector<16xi32>,
      %min3A_215 = arith.minsi %min3A_208, %gather3A_214 : vector<16xi32>
      %swap3A_216 = arith.constant 0 : index
      %swap3A_217 = tpu.vector_load %arg7[%swap3A_216] {strides = array<i32>} : memref<16xi32, #tpu.memory_space<vmem>>, vector<16xi32>,
      tpu.vector_store %arg7[%swap3A_216], %min3A_215 {strides = array<i32>} : memref<16xi32, #tpu.memory_space<vmem>>, vector<16xi32>,
      %xor3A_218 = arith.constant 2 : i32
      %xor3A_219 = vector.broadcast %xor3A_218 : i32 to vector<16xi32>
      %xor3A_220 = arith.xori %iota3A, %xor3A_219 : vector<16xi32>
      %gather3A_221 = tpu.vector_load_idx %arg7[%xor3A_220] : memref<16xi32, #tpu.memory_space<vmem>>[vector<16xi32>], vector<16xi32>,
      %min3A_222 = arith.minsi %min3A_215, %gather3A_221 : vector<16xi32>
      %swap3A_223 = arith.constant 0 : index
      %swap3A_224 = tpu.vector_load %arg7[%swap3A_223] {strides = array<i32>} : memref<16xi32, #tpu.memory_space<vmem>>, vector<16xi32>,
      tpu.vector_store %arg7[%swap3A_223], %min3A_222 {strides = array<i32>} : memref<16xi32, #tpu.memory_space<vmem>>, vector<16xi32>,
      %xor3A_225 = arith.constant 1 : i32
      %xor3A_226 = vector.broadcast %xor3A_225 : i32 to vector<16xi32>
      %xor3A_227 = arith.xori %iota3A, %xor3A_226 : vector<16xi32>
      %gather3A_228 = tpu.vector_load_idx %arg7[%xor3A_227] : memref<16xi32, #tpu.memory_space<vmem>>[vector<16xi32>], vector<16xi32>,
      %min3A_229 = arith.minsi %min3A_222, %gather3A_228 : vector<16xi32>
      %neg3A_230 = arith.constant 0.000000e+00 : f32
      %neg3A_231 = arith.subf %neg3A_230, %cond3A_30 : f32
      %add3A_232 = arith.constant 0 : i32
      %add3A_233 = vector.broadcast %add3A_232 : i32 to vector<16xi32>
      %add3A_234 = arith.addi %iota3A, %add3A_233 : vector<16xi32>
      %eq3A_235 = arith.cmpi eq, %add3A_234, %min3A_229 : vector<16xi32>
      %broadcast_in_dim3A_236 = vector.broadcast %neg3A_231 : f32 to vector<16xf32>
      %select_n3A_237 = arith.select %eq3A_235, %broadcast_in_dim3A_236, %select_n3A_124 : vector<16xi1>, vector<16xf32>
      %add3A_238 = arith.constant 16 : i32
      %add3A_239 = vector.broadcast %add3A_238 : i32 to vector<16xi32>
      %add3A_240 = arith.addi %iota3A, %add3A_239 : vector<16xi32>
      %eq3A_241 = arith.cmpi eq, %add3A_240, %min3A_229 : vector<16xi32>
      %broadcast_in_dim3A_242 = vector.broadcast %neg3A_231 : f32 to vector<16xf32>
      %select_n3A_243 = arith.select %eq3A_241, %broadcast_in_dim3A_242, %select_n3A_130 : vector<16xi1>, vector<16xf32>
      %add3A_244 = arith.constant 32 : i32
      %add3A_245 = vector.broadcast %add3A_244 : i32 to vector<16xi32>
      %add3A_246 = arith.addi %iota3A, %add3A_245 : vector<16xi32>
      %eq3A_247 = arith.cmpi eq, %add3A_246, %min3A_229 : vector<16xi32>
      %broadcast_in_dim3A_248 = vector.broadcast %neg3A_231 : f32 to vector<16xf32>
      %select_n3A_249 = arith.select %eq3A_247, %broadcast_in_dim3A_248, %select_n3A_136 : vector<16xi1>, vector<16xf32>
      %add3A_250 = arith.constant 48 : i32
      %add3A_251 = vector.broadcast %add3A_250 : i32 to vector<16xi32>
      %add3A_252 = arith.addi %iota3A, %add3A_251 : vector<16xi32>
      %eq3A_253 = arith.cmpi eq, %add3A_252, %min3A_229 : vector<16xi32>
      %broadcast_in_dim3A_254 = vector.broadcast %neg3A_231 : f32 to vector<16xf32>
      %select_n3A_255 = arith.select %eq3A_253, %broadcast_in_dim3A_254, %select_n3A_142 : vector<16xi1>, vector<16xf32>
      %eq3A_256 = arith.constant 1 : i32
      %eq3A_257 = vector.broadcast %eq3A_256 : i32 to vector<16xi32>
      %eq3A_258 = arith.cmpi eq, %iota3A, %eq3A_257 : vector<16xi32>
      %select_n3A_259 = arith.select %eq3A_258, %min3A_229, %select_n3A_146 : vector<16xi1>, vector<16xi32>
      %max3A_260 = arith.maximumf %select_n3A_237, %select_n3A_243 : vector<16xf32>
      %max3A_261 = arith.maximumf %select_n3A_249, %select_n3A_255 : vector<16xf32>
      %max3A_262 = arith.maximumf %max3A_260, %max3A_261 : vector<16xf32>
      %swap3A_263 = arith.constant 0 : index
      %swap3A_264 = tpu.vector_load %arg6[%swap3A_263] {strides = array<i32>} : memref<16xf32, #tpu.memory_space<vmem>>, vector<16xf32>,
      tpu.vector_store %arg6[%swap3A_263], %max3A_262 {strides = array<i32>} : memref<16xf32, #tpu.memory_space<vmem>>, vector<16xf32>,
      %xor3A_265 = arith.constant 8 : i32
      %xor3A_266 = vector.broadcast %xor3A_265 : i32 to vector<16xi32>
      %xor3A_267 = arith.xori %iota3A, %xor3A_266 : vector<16xi32>
      %gather3A_268 = tpu.vector_load_idx %arg6[%xor3A_267] : memref<16xf32, #tpu.memory_space<vmem>>[vector<16xi32>], vector<16xf32>,
      %max3A_269 = arith.maximumf %max3A_262, %gather3A_268 : vector<16xf32>
      %swap3A_270 = arith.constant 0 : index
      %swap3A_271 = tpu.vector_load %arg6[%swap3A_270] {strides = array<i32>} : memref<16xf32, #tpu.memory_space<vmem>>, vector<16xf32>,
      tpu.vector_store %arg6[%swap3A_270], %max3A_269 {strides = array<i32>} : memref<16xf32, #tpu.memory_space<vmem>>, vector<16xf32>,
      %xor3A_272 = arith.constant 4 : i32
      %xor3A_273 = vector.broadcast %xor3A_272 : i32 to vector<16xi32>
      %xor3A_274 = arith.xori %iota3A, %xor3A_273 : vector<16xi32>
      %gather3A_275 = tpu.vector_load_idx %arg6[%xor3A_274] : memref<16xf32, #tpu.memory_space<vmem>>[vector<16xi32>], vector<16xf32>,
      %max3A_276 = arith.maximumf %max3A_269, %gather3A_275 : vector<16xf32>
      %swap3A_277 = arith.constant 0 : index
      %swap3A_278 = tpu.vector_load %arg6[%swap3A_277] {strides = array<i32>} : memref<16xf32, #tpu.memory_space<vmem>>, vector<16xf32>,
      tpu.vector_store %arg6[%swap3A_277], %max3A_276 {strides = array<i32>} : memref<16xf32, #tpu.memory_space<vmem>>, vector<16xf32>,
      %xor3A_279 = arith.constant 2 : i32
      %xor3A_280 = vector.broadcast %xor3A_279 : i32 to vector<16xi32>
      %xor3A_281 = arith.xori %iota3A, %xor3A_280 : vector<16xi32>
      %gather3A_282 = tpu.vector_load_idx %arg6[%xor3A_281] : memref<16xf32, #tpu.memory_space<vmem>>[vector<16xi32>], vector<16xf32>,
      %max3A_283 = arith.maximumf %max3A_276, %gather3A_282 : vector<16xf32>
      %swap3A_284 = arith.constant 0 : index
      %swap3A_285 = tpu.vector_load %arg6[%swap3A_284] {strides = array<i32>} : memref<16xf32, #tpu.memory_space<vmem>>, vector<16xf32>,
      tpu.vector_store %arg6[%swap3A_284], %max3A_283 {strides = array<i32>} : memref<16xf32, #tpu.memory_space<vmem>>, vector<16xf32>,
      %xor3A_286 = arith.constant 1 : i32
      %xor3A_287 = vector.broadcast %xor3A_286 : i32 to vector<16xi32>
      %xor3A_288 = arith.xori %iota3A, %xor3A_287 : vector<16xi32>
      %gather3A_289 = tpu.vector_load_idx %arg6[%xor3A_288] : memref<16xf32, #tpu.memory_space<vmem>>[vector<16xi32>], vector<16xf32>,
      %max3A_290 = arith.maximumf %max3A_283, %gather3A_289 : vector<16xf32>
      %eq3A_291 = arith.cmpf oeq, %select_n3A_237, %max3A_290 : vector<16xf32>
      %add3A_292 = arith.constant 0 : i32
      %add3A_293 = vector.broadcast %add3A_292 : i32 to vector<16xi32>
      %add3A_294 = arith.addi %iota3A, %add3A_293 : vector<16xi32>
      %select_n3A_295 = arith.select %eq3A_291, %add3A_294, %broadcast_in_dim3A_0 : vector<16xi1>, vector<16xi32>
      %min3A_296 = arith.minsi %broadcast_in_dim3A_0, %select_n3A_295 : vector<16xi32>
      %eq3A_297 = arith.cmpf oeq, %select_n3A_243, %max3A_290 : vector<16xf32>
      %add3A_298 = arith.constant 16 : i32
      %add3A_299 = vector.broadcast %add3A_298 : i32 to vector<16xi32>
      %add3A_300 = arith.addi %iota3A, %add3A_299 : vector<16xi32>
      %select_n3A_301 = arith.select %eq3A_297, %add3A_300, %broadcast_in_dim3A_0 : vector<16xi1>, vector<16xi32>
      %min3A_302 = arith.minsi %min3A_296, %select_n3A_301 : vector<16xi32>
      %eq3A_303 = arith.cmpf oeq, %select_n3A_249, %max3A_290 : vector<16xf32>
      %add3A_304 = arith.constant 32 : i32
      %add3A_305 = vector.broadcast %add3A_304 : i32 to vector<16xi32>
      %add3A_306 = arith.addi %iota3A, %add3A_305 : vector<16xi32>
      %select_n3A_307 = arith.select %eq3A_303, %add3A_306, %broadcast_in_dim3A_0 : vector<16xi1>, vector<16xi32>
      %min3A_308 = arith.minsi %min3A_302, %select_n3A_307 : vector<16xi32>
      %eq3A_309 = arith.cmpf oeq, %select_n3A_255, %max3A_290 : vector<16xf32>
      %add3A_310 = arith.constant 48 : i32
      %add3A_311 = vector.broadcast %add3A_310 : i32 to vector<16xi32>
      %add3A_312 = arith.addi %iota3A, %add3A_311 : vector<16xi32>
      %select_n3A_313 = arith.select %eq3A_309, %add3A_312, %broadcast_in_dim3A_0 : vector<16xi1>, vector<16xi32>
      %min3A_314 = arith.minsi %min3A_308, %select_n3A_313 : vector<16xi32>
      %swap3A_315 = arith.constant 0 : index
      %swap3A_316 = tpu.vector_load %arg7[%swap3A_315] {strides = array<i32>} : memref<16xi32, #tpu.memory_space<vmem>>, vector<16xi32>,
      tpu.vector_store %arg7[%swap3A_315], %min3A_314 {strides = array<i32>} : memref<16xi32, #tpu.memory_space<vmem>>, vector<16xi32>,
      %xor3A_317 = arith.constant 8 : i32
      %xor3A_318 = vector.broadcast %xor3A_317 : i32 to vector<16xi32>
      %xor3A_319 = arith.xori %iota3A, %xor3A_318 : vector<16xi32>
      %gather3A_320 = tpu.vector_load_idx %arg7[%xor3A_319] : memref<16xi32, #tpu.memory_space<vmem>>[vector<16xi32>], vector<16xi32>,
      %min3A_321 = arith.minsi %min3A_314, %gather3A_320 : vector<16xi32>
      %swap3A_322 = arith.constant 0 : index
      %swap3A_323 = tpu.vector_load %arg7[%swap3A_322] {strides = array<i32>} : memref<16xi32, #tpu.memory_space<vmem>>, vector<16xi32>,
      tpu.vector_store %arg7[%swap3A_322], %min3A_321 {strides = array<i32>} : memref<16xi32, #tpu.memory_space<vmem>>, vector<16xi32>,
      %xor3A_324 = arith.constant 4 : i32
      %xor3A_325 = vector.broadcast %xor3A_324 : i32 to vector<16xi32>
      %xor3A_326 = arith.xori %iota3A, %xor3A_325 : vector<16xi32>
      %gather3A_327 = tpu.vector_load_idx %arg7[%xor3A_326] : memref<16xi32, #tpu.memory_space<vmem>>[vector<16xi32>], vector<16xi32>,
      %min3A_328 = arith.minsi %min3A_321, %gather3A_327 : vector<16xi32>
      %swap3A_329 = arith.constant 0 : index
      %swap3A_330 = tpu.vector_load %arg7[%swap3A_329] {strides = array<i32>} : memref<16xi32, #tpu.memory_space<vmem>>, vector<16xi32>,
      tpu.vector_store %arg7[%swap3A_329], %min3A_328 {strides = array<i32>} : memref<16xi32, #tpu.memory_space<vmem>>, vector<16xi32>,
      %xor3A_331 = arith.constant 2 : i32
      %xor3A_332 = vector.broadcast %xor3A_331 : i32 to vector<16xi32>
      %xor3A_333 = arith.xori %iota3A, %xor3A_332 : vector<16xi32>
      %gather3A_334 = tpu.vector_load_idx %arg7[%xor3A_333] : memref<16xi32, #tpu.memory_space<vmem>>[vector<16xi32>], vector<16xi32>,
      %min3A_335 = arith.minsi %min3A_328, %gather3A_334 : vector<16xi32>
      %swap3A_336 = arith.constant 0 : index
      %swap3A_337 = tpu.vector_load %arg7[%swap3A_336] {strides = array<i32>} : memref<16xi32, #tpu.memory_space<vmem>>, vector<16xi32>,
      tpu.vector_store %arg7[%swap3A_336], %min3A_335 {strides = array<i32>} : memref<16xi32, #tpu.memory_space<vmem>>, vector<16xi32>,
      %xor3A_338 = arith.constant 1 : i32
      %xor3A_339 = vector.broadcast %xor3A_338 : i32 to vector<16xi32>
      %xor3A_340 = arith.xori %iota3A, %xor3A_339 : vector<16xi32>
      %gather3A_341 = tpu.vector_load_idx %arg7[%xor3A_340] : memref<16xi32, #tpu.memory_space<vmem>>[vector<16xi32>], vector<16xi32>,
      %min3A_342 = arith.minsi %min3A_335, %gather3A_341 : vector<16xi32>
      %neg3A_343 = arith.constant 0.000000e+00 : f32
      %neg3A_344 = arith.subf %neg3A_343, %cond3A_30 : f32
      %add3A_345 = arith.constant 0 : i32
      %add3A_346 = vector.broadcast %add3A_345 : i32 to vector<16xi32>
      %add3A_347 = arith.addi %iota3A, %add3A_346 : vector<16xi32>
      %eq3A_348 = arith.cmpi eq, %add3A_347, %min3A_342 : vector<16xi32>
      %broadcast_in_dim3A_349 = vector.broadcast %neg3A_344 : f32 to vector<16xf32>
      %select_n3A_350 = arith.select %eq3A_348, %broadcast_in_dim3A_349, %select_n3A_237 : vector<16xi1>, vector<16xf32>
      %add3A_351 = arith.constant 16 : i32
      %add3A_352 = vector.broadcast %add3A_351 : i32 to vector<16xi32>
      %add3A_353 = arith.addi %iota3A, %add3A_352 : vector<16xi32>
      %eq3A_354 = arith.cmpi eq, %add3A_353, %min3A_342 : vector<16xi32>
      %broadcast_in_dim3A_355 = vector.broadcast %neg3A_344 : f32 to vector<16xf32>
      %select_n3A_356 = arith.select %eq3A_354, %broadcast_in_dim3A_355, %select_n3A_243 : vector<16xi1>, vector<16xf32>
      %add3A_357 = arith.constant 32 : i32
      %add3A_358 = vector.broadcast %add3A_357 : i32 to vector<16xi32>
      %add3A_359 = arith.addi %iota3A, %add3A_358 : vector<16xi32>
      %eq3A_360 = arith.cmpi eq, %add3A_359, %min3A_342 : vector<16xi32>
      %broadcast_in_dim3A_361 = vector.broadcast %neg3A_344 : f32 to vector<16xf32>
      %select_n3A_362 = arith.select %eq3A_360, %broadcast_in_dim3A_361, %select_n3A_249 : vector<16xi1>, vector<16xf32>
      %add3A_363 = arith.constant 48 : i32
      %add3A_364 = vector.broadcast %add3A_363 : i32 to vector<16xi32>
      %add3A_365 = arith.addi %iota3A, %add3A_364 : vector<16xi32>
      %eq3A_366 = arith.cmpi eq, %add3A_365, %min3A_342 : vector<16xi32>
      %broadcast_in_dim3A_367 = vector.broadcast %neg3A_344 : f32 to vector<16xf32>
      %select_n3A_368 = arith.select %eq3A_366, %broadcast_in_dim3A_367, %select_n3A_255 : vector<16xi1>, vector<16xf32>
      %eq3A_369 = arith.constant 2 : i32
      %eq3A_370 = vector.broadcast %eq3A_369 : i32 to vector<16xi32>
      %eq3A_371 = arith.cmpi eq, %iota3A, %eq3A_370 : vector<16xi32>
      %select_n3A_372 = arith.select %eq3A_371, %min3A_342, %select_n3A_259 : vector<16xi1>, vector<16xi32>
      %max3A_373 = arith.maximumf %select_n3A_350, %select_n3A_356 : vector<16xf32>
      %max3A_374 = arith.maximumf %select_n3A_362, %select_n3A_368 : vector<16xf32>
      %max3A_375 = arith.maximumf %max3A_373, %max3A_374 : vector<16xf32>
      %swap3A_376 = arith.constant 0 : index
      %swap3A_377 = tpu.vector_load %arg6[%swap3A_376] {strides = array<i32>} : memref<16xf32, #tpu.memory_space<vmem>>, vector<16xf32>,
      tpu.vector_store %arg6[%swap3A_376], %max3A_375 {strides = array<i32>} : memref<16xf32, #tpu.memory_space<vmem>>, vector<16xf32>,
      %xor3A_378 = arith.constant 8 : i32
      %xor3A_379 = vector.broadcast %xor3A_378 : i32 to vector<16xi32>
      %xor3A_380 = arith.xori %iota3A, %xor3A_379 : vector<16xi32>
      %gather3A_381 = tpu.vector_load_idx %arg6[%xor3A_380] : memref<16xf32, #tpu.memory_space<vmem>>[vector<16xi32>], vector<16xf32>,
      %max3A_382 = arith.maximumf %max3A_375, %gather3A_381 : vector<16xf32>
      %swap3A_383 = arith.constant 0 : index
      %swap3A_384 = tpu.vector_load %arg6[%swap3A_383] {strides = array<i32>} : memref<16xf32, #tpu.memory_space<vmem>>, vector<16xf32>,
      tpu.vector_store %arg6[%swap3A_383], %max3A_382 {strides = array<i32>} : memref<16xf32, #tpu.memory_space<vmem>>, vector<16xf32>,
      %xor3A_385 = arith.constant 4 : i32
      %xor3A_386 = vector.broadcast %xor3A_385 : i32 to vector<16xi32>
      %xor3A_387 = arith.xori %iota3A, %xor3A_386 : vector<16xi32>
      %gather3A_388 = tpu.vector_load_idx %arg6[%xor3A_387] : memref<16xf32, #tpu.memory_space<vmem>>[vector<16xi32>], vector<16xf32>,
      %max3A_389 = arith.maximumf %max3A_382, %gather3A_388 : vector<16xf32>
      %swap3A_390 = arith.constant 0 : index
      %swap3A_391 = tpu.vector_load %arg6[%swap3A_390] {strides = array<i32>} : memref<16xf32, #tpu.memory_space<vmem>>, vector<16xf32>,
      tpu.vector_store %arg6[%swap3A_390], %max3A_389 {strides = array<i32>} : memref<16xf32, #tpu.memory_space<vmem>>, vector<16xf32>,
      %xor3A_392 = arith.constant 2 : i32
      %xor3A_393 = vector.broadcast %xor3A_392 : i32 to vector<16xi32>
      %xor3A_394 = arith.xori %iota3A, %xor3A_393 : vector<16xi32>
      %gather3A_395 = tpu.vector_load_idx %arg6[%xor3A_394] : memref<16xf32, #tpu.memory_space<vmem>>[vector<16xi32>], vector<16xf32>,
      %max3A_396 = arith.maximumf %max3A_389, %gather3A_395 : vector<16xf32>
      %swap3A_397 = arith.constant 0 : index
      %swap3A_398 = tpu.vector_load %arg6[%swap3A_397] {strides = array<i32>} : memref<16xf32, #tpu.memory_space<vmem>>, vector<16xf32>,
      tpu.vector_store %arg6[%swap3A_397], %max3A_396 {strides = array<i32>} : memref<16xf32, #tpu.memory_space<vmem>>, vector<16xf32>,
      %xor3A_399 = arith.constant 1 : i32
      %xor3A_400 = vector.broadcast %xor3A_399 : i32 to vector<16xi32>
      %xor3A_401 = arith.xori %iota3A, %xor3A_400 : vector<16xi32>
      %gather3A_402 = tpu.vector_load_idx %arg6[%xor3A_401] : memref<16xf32, #tpu.memory_space<vmem>>[vector<16xi32>], vector<16xf32>,
      %max3A_403 = arith.maximumf %max3A_396, %gather3A_402 : vector<16xf32>
      %eq3A_404 = arith.cmpf oeq, %select_n3A_350, %max3A_403 : vector<16xf32>
      %add3A_405 = arith.constant 0 : i32
      %add3A_406 = vector.broadcast %add3A_405 : i32 to vector<16xi32>
      %add3A_407 = arith.addi %iota3A, %add3A_406 : vector<16xi32>
      %select_n3A_408 = arith.select %eq3A_404, %add3A_407, %broadcast_in_dim3A_0 : vector<16xi1>, vector<16xi32>
      %min3A_409 = arith.minsi %broadcast_in_dim3A_0, %select_n3A_408 : vector<16xi32>
      %eq3A_410 = arith.cmpf oeq, %select_n3A_356, %max3A_403 : vector<16xf32>
      %add3A_411 = arith.constant 16 : i32
      %add3A_412 = vector.broadcast %add3A_411 : i32 to vector<16xi32>
      %add3A_413 = arith.addi %iota3A, %add3A_412 : vector<16xi32>
      %select_n3A_414 = arith.select %eq3A_410, %add3A_413, %broadcast_in_dim3A_0 : vector<16xi1>, vector<16xi32>
      %min3A_415 = arith.minsi %min3A_409, %select_n3A_414 : vector<16xi32>
      %eq3A_416 = arith.cmpf oeq, %select_n3A_362, %max3A_403 : vector<16xf32>
      %add3A_417 = arith.constant 32 : i32
      %add3A_418 = vector.broadcast %add3A_417 : i32 to vector<16xi32>
      %add3A_419 = arith.addi %iota3A, %add3A_418 : vector<16xi32>
      %select_n3A_420 = arith.select %eq3A_416, %add3A_419, %broadcast_in_dim3A_0 : vector<16xi1>, vector<16xi32>
      %min3A_421 = arith.minsi %min3A_415, %select_n3A_420 : vector<16xi32>
      %eq3A_422 = arith.cmpf oeq, %select_n3A_368, %max3A_403 : vector<16xf32>
      %add3A_423 = arith.constant 48 : i32
      %add3A_424 = vector.broadcast %add3A_423 : i32 to vector<16xi32>
      %add3A_425 = arith.addi %iota3A, %add3A_424 : vector<16xi32>
      %select_n3A_426 = arith.select %eq3A_422, %add3A_425, %broadcast_in_dim3A_0 : vector<16xi1>, vector<16xi32>
      %min3A_427 = arith.minsi %min3A_421, %select_n3A_426 : vector<16xi32>
      %swap3A_428 = arith.constant 0 : index
      %swap3A_429 = tpu.vector_load %arg7[%swap3A_428] {strides = array<i32>} : memref<16xi32, #tpu.memory_space<vmem>>, vector<16xi32>,
      tpu.vector_store %arg7[%swap3A_428], %min3A_427 {strides = array<i32>} : memref<16xi32, #tpu.memory_space<vmem>>, vector<16xi32>,
      %xor3A_430 = arith.constant 8 : i32
      %xor3A_431 = vector.broadcast %xor3A_430 : i32 to vector<16xi32>
      %xor3A_432 = arith.xori %iota3A, %xor3A_431 : vector<16xi32>
      %gather3A_433 = tpu.vector_load_idx %arg7[%xor3A_432] : memref<16xi32, #tpu.memory_space<vmem>>[vector<16xi32>], vector<16xi32>,
      %min3A_434 = arith.minsi %min3A_427, %gather3A_433 : vector<16xi32>
      %swap3A_435 = arith.constant 0 : index
      %swap3A_436 = tpu.vector_load %arg7[%swap3A_435] {strides = array<i32>} : memref<16xi32, #tpu.memory_space<vmem>>, vector<16xi32>,
      tpu.vector_store %arg7[%swap3A_435], %min3A_434 {strides = array<i32>} : memref<16xi32, #tpu.memory_space<vmem>>, vector<16xi32>,
      %xor3A_437 = arith.constant 4 : i32
      %xor3A_438 = vector.broadcast %xor3A_437 : i32 to vector<16xi32>
      %xor3A_439 = arith.xori %iota3A, %xor3A_438 : vector<16xi32>
      %gather3A_440 = tpu.vector_load_idx %arg7[%xor3A_439] : memref<16xi32, #tpu.memory_space<vmem>>[vector<16xi32>], vector<16xi32>,
      %min3A_441 = arith.minsi %min3A_434, %gather3A_440 : vector<16xi32>
      %swap3A_442 = arith.constant 0 : index
      %swap3A_443 = tpu.vector_load %arg7[%swap3A_442] {strides = array<i32>} : memref<16xi32, #tpu.memory_space<vmem>>, vector<16xi32>,
      tpu.vector_store %arg7[%swap3A_442], %min3A_441 {strides = array<i32>} : memref<16xi32, #tpu.memory_space<vmem>>, vector<16xi32>,
      %xor3A_444 = arith.constant 2 : i32
      %xor3A_445 = vector.broadcast %xor3A_444 : i32 to vector<16xi32>
      %xor3A_446 = arith.xori %iota3A, %xor3A_445 : vector<16xi32>
      %gather3A_447 = tpu.vector_load_idx %arg7[%xor3A_446] : memref<16xi32, #tpu.memory_space<vmem>>[vector<16xi32>], vector<16xi32>,
      %min3A_448 = arith.minsi %min3A_441, %gather3A_447 : vector<16xi32>
      %swap3A_449 = arith.constant 0 : index
      %swap3A_450 = tpu.vector_load %arg7[%swap3A_449] {strides = array<i32>} : memref<16xi32, #tpu.memory_space<vmem>>, vector<16xi32>,
      tpu.vector_store %arg7[%swap3A_449], %min3A_448 {strides = array<i32>} : memref<16xi32, #tpu.memory_space<vmem>>, vector<16xi32>,
      %xor3A_451 = arith.constant 1 : i32
      %xor3A_452 = vector.broadcast %xor3A_451 : i32 to vector<16xi32>
      %xor3A_453 = arith.xori %iota3A, %xor3A_452 : vector<16xi32>
      %gather3A_454 = tpu.vector_load_idx %arg7[%xor3A_453] : memref<16xi32, #tpu.memory_space<vmem>>[vector<16xi32>], vector<16xi32>,
      %min3A_455 = arith.minsi %min3A_448, %gather3A_454 : vector<16xi32>
      %neg3A_456 = arith.constant 0.000000e+00 : f32
      %neg3A_457 = arith.subf %neg3A_456, %cond3A_30 : f32
      %add3A_458 = arith.constant 0 : i32
      %add3A_459 = vector.broadcast %add3A_458 : i32 to vector<16xi32>
      %add3A_460 = arith.addi %iota3A, %add3A_459 : vector<16xi32>
      %eq3A_461 = arith.cmpi eq, %add3A_460, %min3A_455 : vector<16xi32>
      %broadcast_in_dim3A_462 = vector.broadcast %neg3A_457 : f32 to vector<16xf32>
      %select_n3A_463 = arith.select %eq3A_461, %broadcast_in_dim3A_462, %select_n3A_350 : vector<16xi1>, vector<16xf32>
      %add3A_464 = arith.constant 16 : i32
      %add3A_465 = vector.broadcast %add3A_464 : i32 to vector<16xi32>
      %add3A_466 = arith.addi %iota3A, %add3A_465 : vector<16xi32>
      %eq3A_467 = arith.cmpi eq, %add3A_466, %min3A_455 : vector<16xi32>
      %broadcast_in_dim3A_468 = vector.broadcast %neg3A_457 : f32 to vector<16xf32>
      %select_n3A_469 = arith.select %eq3A_467, %broadcast_in_dim3A_468, %select_n3A_356 : vector<16xi1>, vector<16xf32>
      %add3A_470 = arith.constant 32 : i32
      %add3A_471 = vector.broadcast %add3A_470 : i32 to vector<16xi32>
      %add3A_472 = arith.addi %iota3A, %add3A_471 : vector<16xi32>
      %eq3A_473 = arith.cmpi eq, %add3A_472, %min3A_455 : vector<16xi32>
      %broadcast_in_dim3A_474 = vector.broadcast %neg3A_457 : f32 to vector<16xf32>
      %select_n3A_475 = arith.select %eq3A_473, %broadcast_in_dim3A_474, %select_n3A_362 : vector<16xi1>, vector<16xf32>
      %add3A_476 = arith.constant 48 : i32
      %add3A_477 = vector.broadcast %add3A_476 : i32 to vector<16xi32>
      %add3A_478 = arith.addi %iota3A, %add3A_477 : vector<16xi32>
      %eq3A_479 = arith.cmpi eq, %add3A_478, %min3A_455 : vector<16xi32>
      %broadcast_in_dim3A_480 = vector.broadcast %neg3A_457 : f32 to vector<16xf32>
      %select_n3A_481 = arith.select %eq3A_479, %broadcast_in_dim3A_480, %select_n3A_368 : vector<16xi1>, vector<16xf32>
      %eq3A_482 = arith.constant 3 : i32
      %eq3A_483 = vector.broadcast %eq3A_482 : i32 to vector<16xi32>
      %eq3A_484 = arith.cmpi eq, %iota3A, %eq3A_483 : vector<16xi32>
      %select_n3A_485 = arith.select %eq3A_484, %min3A_455, %select_n3A_372 : vector<16xi1>, vector<16xi32>
      %swap3A_486 = arith.constant 0 : index
      %swap3A_487 = tpu.vector_load %arg5[%swap3A_486] {strides = array<i32>} : memref<16xi32, #tpu.memory_space<vmem>>, vector<16xi32>,
      tpu.vector_store %arg5[%swap3A_486], %select_n3A_485 {strides = array<i32>} : memref<16xi32, #tpu.memory_space<vmem>>, vector<16xi32>,
      %get3A_488 = arith.constant 0 : index
      %get3A_489 = tpu.vector_load %arg4[%get3A_488] {strides = array<i32>} : memref<64xf32, #tpu.memory_space<vmem>>, vector<16xf32>,
      %get3A_490 = arith.constant 16 : index
      %get3A_491 = tpu.vector_load %arg4[%get3A_490] {strides = array<i32>} : memref<64xf32, #tpu.memory_space<vmem>>, vector<16xf32>,
      %get3A_492 = arith.constant 32 : index
      %get3A_493 = tpu.vector_load %arg4[%get3A_492] {strides = array<i32>} : memref<64xf32, #tpu.memory_space<vmem>>, vector<16xf32>,
      %get3A_494 = arith.constant 48 : index
      %get3A_495 = tpu.vector_load %arg4[%get3A_494] {strides = array<i32>} : memref<64xf32, #tpu.memory_space<vmem>>, vector<16xf32>,
      %min3A_496 = arith.minimumf %get3A_489, %get3A_491 : vector<16xf32>
      %min3A_497 = arith.minimumf %get3A_493, %get3A_495 : vector<16xf32>
      %min3A_498 = arith.minimumf %min3A_496, %min3A_497 : vector<16xf32>
      %neg3A_499 = arith.constant 0.000000e+00 : f32
      %neg3A_500 = vector.broadcast %neg3A_499 : f32 to vector<16xf32>
      %neg3A_501 = arith.subf %neg3A_500, %min3A_498 : vector<16xf32>
      %swap3A_502 = arith.constant 0 : index
      %swap3A_503 = tpu.vector_load %arg6[%swap3A_502] {strides = array<i32>} : memref<16xf32, #tpu.memory_space<vmem>>, vector<16xf32>,
      tpu.vector_store %arg6[%swap3A_502], %neg3A_501 {strides = array<i32>} : memref<16xf32, #tpu.memory_space<vmem>>, vector<16xf32>,
      %xor3A_504 = arith.constant 8 : i32
      %xor3A_505 = vector.broadcast %xor3A_504 : i32 to vector<16xi32>
      %xor3A_506 = arith.xori %iota3A, %xor3A_505 : vector<16xi32>
      %gather3A_507 = tpu.vector_load_idx %arg6[%xor3A_506] : memref<16xf32, #tpu.memory_space<vmem>>[vector<16xi32>], vector<16xf32>,
      %max3A_508 = arith.maximumf %neg3A_501, %gather3A_507 : vector<16xf32>
      %swap3A_509 = arith.constant 0 : index
      %swap3A_510 = tpu.vector_load %arg6[%swap3A_509] {strides = array<i32>} : memref<16xf32, #tpu.memory_space<vmem>>, vector<16xf32>,
      tpu.vector_store %arg6[%swap3A_509], %max3A_508 {strides = array<i32>} : memref<16xf32, #tpu.memory_space<vmem>>, vector<16xf32>,
      %xor3A_511 = arith.constant 4 : i32
      %xor3A_512 = vector.broadcast %xor3A_511 : i32 to vector<16xi32>
      %xor3A_513 = arith.xori %iota3A, %xor3A_512 : vector<16xi32>
      %gather3A_514 = tpu.vector_load_idx %arg6[%xor3A_513] : memref<16xf32, #tpu.memory_space<vmem>>[vector<16xi32>], vector<16xf32>,
      %max3A_515 = arith.maximumf %max3A_508, %gather3A_514 : vector<16xf32>
      %swap3A_516 = arith.constant 0 : index
      %swap3A_517 = tpu.vector_load %arg6[%swap3A_516] {strides = array<i32>} : memref<16xf32, #tpu.memory_space<vmem>>, vector<16xf32>,
      tpu.vector_store %arg6[%swap3A_516], %max3A_515 {strides = array<i32>} : memref<16xf32, #tpu.memory_space<vmem>>, vector<16xf32>,
      %xor3A_518 = arith.constant 2 : i32
      %xor3A_519 = vector.broadcast %xor3A_518 : i32 to vector<16xi32>
      %xor3A_520 = arith.xori %iota3A, %xor3A_519 : vector<16xi32>
      %gather3A_521 = tpu.vector_load_idx %arg6[%xor3A_520] : memref<16xf32, #tpu.memory_space<vmem>>[vector<16xi32>], vector<16xf32>,
      %max3A_522 = arith.maximumf %max3A_515, %gather3A_521 : vector<16xf32>
      %swap3A_523 = arith.constant 0 : index
      %swap3A_524 = tpu.vector_load %arg6[%swap3A_523] {strides = array<i32>} : memref<16xf32, #tpu.memory_space<vmem>>, vector<16xf32>,
      tpu.vector_store %arg6[%swap3A_523], %max3A_522 {strides = array<i32>} : memref<16xf32, #tpu.memory_space<vmem>>, vector<16xf32>,
      %xor3A_525 = arith.constant 1 : i32
      %xor3A_526 = vector.broadcast %xor3A_525 : i32 to vector<16xi32>
      %xor3A_527 = arith.xori %iota3A, %xor3A_526 : vector<16xi32>
      %gather3A_528 = tpu.vector_load_idx %arg6[%xor3A_527] : memref<16xf32, #tpu.memory_space<vmem>>[vector<16xi32>], vector<16xf32>,
      %max3A_529 = arith.maximumf %max3A_522, %gather3A_528 : vector<16xf32>
      %neg3A_530 = arith.constant 0.000000e+00 : f32
      %neg3A_531 = vector.broadcast %neg3A_530 : f32 to vector<16xf32>
      %neg3A_532 = arith.subf %neg3A_531, %max3A_529 : vector<16xf32>
      %eq3A_533 = arith.cmpf oeq, %get3A_489, %neg3A_532 : vector<16xf32>
      %add3A_534 = arith.constant 0 : i32
      %add3A_535 = vector.broadcast %add3A_534 : i32 to vector<16xi32>
      %add3A_536 = arith.addi %iota3A, %add3A_535 : vector<16xi32>
      %select_n3A_537 = arith.select %eq3A_533, %add3A_536, %broadcast_in_dim3A_0 : vector<16xi1>, vector<16xi32>
      %min3A_538 = arith.minsi %broadcast_in_dim3A_0, %select_n3A_537 : vector<16xi32>
      %eq3A_539 = arith.cmpf oeq, %get3A_491, %neg3A_532 : vector<16xf32>
      %add3A_540 = arith.constant 16 : i32
      %add3A_541 = vector.broadcast %add3A_540 : i32 to vector<16xi32>
      %add3A_542 = arith.addi %iota3A, %add3A_541 : vector<16xi32>
      %select_n3A_543 = arith.select %eq3A_539, %add3A_542, %broadcast_in_dim3A_0 : vector<16xi1>, vector<16xi32>
      %min3A_544 = arith.minsi %min3A_538, %select_n3A_543 : vector<16xi32>
      %eq3A_545 = arith.cmpf oeq, %get3A_493, %neg3A_532 : vector<16xf32>
      %add3A_546 = arith.constant 32 : i32
      %add3A_547 = vector.broadcast %add3A_546 : i32 to vector<16xi32>
      %add3A_548 = arith.addi %iota3A, %add3A_547 : vector<16xi32>
      %select_n3A_549 = arith.select %eq3A_545, %add3A_548, %broadcast_in_dim3A_0 : vector<16xi1>, vector<16xi32>
      %min3A_550 = arith.minsi %min3A_544, %select_n3A_549 : vector<16xi32>
      %eq3A_551 = arith.cmpf oeq, %get3A_495, %neg3A_532 : vector<16xf32>
      %add3A_552 = arith.constant 48 : i32
      %add3A_553 = vector.broadcast %add3A_552 : i32 to vector<16xi32>
      %add3A_554 = arith.addi %iota3A, %add3A_553 : vector<16xi32>
      %select_n3A_555 = arith.select %eq3A_551, %add3A_554, %broadcast_in_dim3A_0 : vector<16xi1>, vector<16xi32>
      %min3A_556 = arith.minsi %min3A_550, %select_n3A_555 : vector<16xi32>
      %swap3A_557 = arith.constant 0 : index
      %swap3A_558 = tpu.vector_load %arg7[%swap3A_557] {strides = array<i32>} : memref<16xi32, #tpu.memory_space<vmem>>, vector<16xi32>,
      tpu.vector_store %arg7[%swap3A_557], %min3A_556 {strides = array<i32>} : memref<16xi32, #tpu.memory_space<vmem>>, vector<16xi32>,
      %xor3A_559 = arith.constant 8 : i32
      %xor3A_560 = vector.broadcast %xor3A_559 : i32 to vector<16xi32>
      %xor3A_561 = arith.xori %iota3A, %xor3A_560 : vector<16xi32>
      %gather3A_562 = tpu.vector_load_idx %arg7[%xor3A_561] : memref<16xi32, #tpu.memory_space<vmem>>[vector<16xi32>], vector<16xi32>,
      %min3A_563 = arith.minsi %min3A_556, %gather3A_562 : vector<16xi32>
      %swap3A_564 = arith.constant 0 : index
      %swap3A_565 = tpu.vector_load %arg7[%swap3A_564] {strides = array<i32>} : memref<16xi32, #tpu.memory_space<vmem>>, vector<16xi32>,
      tpu.vector_store %arg7[%swap3A_564], %min3A_563 {strides = array<i32>} : memref<16xi32, #tpu.memory_space<vmem>>, vector<16xi32>,
      %xor3A_566 = arith.constant 4 : i32
      %xor3A_567 = vector.broadcast %xor3A_566 : i32 to vector<16xi32>
      %xor3A_568 = arith.xori %iota3A, %xor3A_567 : vector<16xi32>
      %gather3A_569 = tpu.vector_load_idx %arg7[%xor3A_568] : memref<16xi32, #tpu.memory_space<vmem>>[vector<16xi32>], vector<16xi32>,
      %min3A_570 = arith.minsi %min3A_563, %gather3A_569 : vector<16xi32>
      %swap3A_571 = arith.constant 0 : index
      %swap3A_572 = tpu.vector_load %arg7[%swap3A_571] {strides = array<i32>} : memref<16xi32, #tpu.memory_space<vmem>>, vector<16xi32>,
      tpu.vector_store %arg7[%swap3A_571], %min3A_570 {strides = array<i32>} : memref<16xi32, #tpu.memory_space<vmem>>, vector<16xi32>,
      %xor3A_573 = arith.constant 2 : i32
      %xor3A_574 = vector.broadcast %xor3A_573 : i32 to vector<16xi32>
      %xor3A_575 = arith.xori %iota3A, %xor3A_574 : vector<16xi32>
      %gather3A_576 = tpu.vector_load_idx %arg7[%xor3A_575] : memref<16xi32, #tpu.memory_space<vmem>>[vector<16xi32>], vector<16xi32>,
      %min3A_577 = arith.minsi %min3A_570, %gather3A_576 : vector<16xi32>
      %swap3A_578 = arith.constant 0 : index
      %swap3A_579 = tpu.vector_load %arg7[%swap3A_578] {strides = array<i32>} : memref<16xi32, #tpu.memory_space<vmem>>, vector<16xi32>,
      tpu.vector_store %arg7[%swap3A_578], %min3A_577 {strides = array<i32>} : memref<16xi32, #tpu.memory_space<vmem>>, vector<16xi32>,
      %xor3A_580 = arith.constant 1 : i32
      %xor3A_581 = vector.broadcast %xor3A_580 : i32 to vector<16xi32>
      %xor3A_582 = arith.xori %iota3A, %xor3A_581 : vector<16xi32>
      %gather3A_583 = tpu.vector_load_idx %arg7[%xor3A_582] : memref<16xi32, #tpu.memory_space<vmem>>[vector<16xi32>], vector<16xi32>,
      %min3A_584 = arith.minsi %min3A_577, %gather3A_583 : vector<16xi32>
      %add3A_585 = arith.constant 0 : i32
      %add3A_586 = vector.broadcast %add3A_585 : i32 to vector<16xi32>
      %add3A_587 = arith.addi %iota3A, %add3A_586 : vector<16xi32>
      %eq3A_588 = arith.cmpi eq, %add3A_587, %min3A_584 : vector<16xi32>
      %broadcast_in_dim3A_589 = vector.broadcast %cond3A_30 : f32 to vector<16xf32>
      %select_n3A_590 = arith.select %eq3A_588, %broadcast_in_dim3A_589, %get3A_489 : vector<16xi1>, vector<16xf32>
      %add3A_591 = arith.constant 16 : i32
      %add3A_592 = vector.broadcast %add3A_591 : i32 to vector<16xi32>
      %add3A_593 = arith.addi %iota3A, %add3A_592 : vector<16xi32>
      %eq3A_594 = arith.cmpi eq, %add3A_593, %min3A_584 : vector<16xi32>
      %broadcast_in_dim3A_595 = vector.broadcast %cond3A_30 : f32 to vector<16xf32>
      %select_n3A_596 = arith.select %eq3A_594, %broadcast_in_dim3A_595, %get3A_491 : vector<16xi1>, vector<16xf32>
      %add3A_597 = arith.constant 32 : i32
      %add3A_598 = vector.broadcast %add3A_597 : i32 to vector<16xi32>
      %add3A_599 = arith.addi %iota3A, %add3A_598 : vector<16xi32>
      %eq3A_600 = arith.cmpi eq, %add3A_599, %min3A_584 : vector<16xi32>
      %broadcast_in_dim3A_601 = vector.broadcast %cond3A_30 : f32 to vector<16xf32>
      %select_n3A_602 = arith.select %eq3A_600, %broadcast_in_dim3A_601, %get3A_493 : vector<16xi1>, vector<16xf32>
      %add3A_603 = arith.constant 48 : i32
      %add3A_604 = vector.broadcast %add3A_603 : i32 to vector<16xi32>
      %add3A_605 = arith.addi %iota3A, %add3A_604 : vector<16xi32>
      %eq3A_606 = arith.cmpi eq, %add3A_605, %min3A_584 : vector<16xi32>
      %broadcast_in_dim3A_607 = vector.broadcast %cond3A_30 : f32 to vector<16xf32>
      %select_n3A_608 = arith.select %eq3A_606, %broadcast_in_dim3A_607, %get3A_495 : vector<16xi1>, vector<16xf32>
      %eq3A_609 = arith.constant 4 : i32
      %eq3A_610 = vector.broadcast %eq3A_609 : i32 to vector<16xi32>
      %eq3A_611 = arith.cmpi eq, %iota3A, %eq3A_610 : vector<16xi32>
      %select_n3A_612 = arith.select %eq3A_611, %min3A_584, %select_n3A_485 : vector<16xi1>, vector<16xi32>
      %min3A_613 = arith.minimumf %select_n3A_590, %select_n3A_596 : vector<16xf32>
      %min3A_614 = arith.minimumf %select_n3A_602, %select_n3A_608 : vector<16xf32>
      %min3A_615 = arith.minimumf %min3A_613, %min3A_614 : vector<16xf32>
      %neg3A_616 = arith.constant 0.000000e+00 : f32
      %neg3A_617 = vector.broadcast %neg3A_616 : f32 to vector<16xf32>
      %neg3A_618 = arith.subf %neg3A_617, %min3A_615 : vector<16xf32>
      %swap3A_619 = arith.constant 0 : index
      %swap3A_620 = tpu.vector_load %arg6[%swap3A_619] {strides = array<i32>} : memref<16xf32, #tpu.memory_space<vmem>>, vector<16xf32>,
      tpu.vector_store %arg6[%swap3A_619], %neg3A_618 {strides = array<i32>} : memref<16xf32, #tpu.memory_space<vmem>>, vector<16xf32>,
      %xor3A_621 = arith.constant 8 : i32
      %xor3A_622 = vector.broadcast %xor3A_621 : i32 to vector<16xi32>
      %xor3A_623 = arith.xori %iota3A, %xor3A_622 : vector<16xi32>
      %gather3A_624 = tpu.vector_load_idx %arg6[%xor3A_623] : memref<16xf32, #tpu.memory_space<vmem>>[vector<16xi32>], vector<16xf32>,
      %max3A_625 = arith.maximumf %neg3A_618, %gather3A_624 : vector<16xf32>
      %swap3A_626 = arith.constant 0 : index
      %swap3A_627 = tpu.vector_load %arg6[%swap3A_626] {strides = array<i32>} : memref<16xf32, #tpu.memory_space<vmem>>, vector<16xf32>,
      tpu.vector_store %arg6[%swap3A_626], %max3A_625 {strides = array<i32>} : memref<16xf32, #tpu.memory_space<vmem>>, vector<16xf32>,
      %xor3A_628 = arith.constant 4 : i32
      %xor3A_629 = vector.broadcast %xor3A_628 : i32 to vector<16xi32>
      %xor3A_630 = arith.xori %iota3A, %xor3A_629 : vector<16xi32>
      %gather3A_631 = tpu.vector_load_idx %arg6[%xor3A_630] : memref<16xf32, #tpu.memory_space<vmem>>[vector<16xi32>], vector<16xf32>,
      %max3A_632 = arith.maximumf %max3A_625, %gather3A_631 : vector<16xf32>
      %swap3A_633 = arith.constant 0 : index
      %swap3A_634 = tpu.vector_load %arg6[%swap3A_633] {strides = array<i32>} : memref<16xf32, #tpu.memory_space<vmem>>, vector<16xf32>,
      tpu.vector_store %arg6[%swap3A_633], %max3A_632 {strides = array<i32>} : memref<16xf32, #tpu.memory_space<vmem>>, vector<16xf32>,
      %xor3A_635 = arith.constant 2 : i32
      %xor3A_636 = vector.broadcast %xor3A_635 : i32 to vector<16xi32>
      %xor3A_637 = arith.xori %iota3A, %xor3A_636 : vector<16xi32>
      %gather3A_638 = tpu.vector_load_idx %arg6[%xor3A_637] : memref<16xf32, #tpu.memory_space<vmem>>[vector<16xi32>], vector<16xf32>,
      %max3A_639 = arith.maximumf %max3A_632, %gather3A_638 : vector<16xf32>
      %swap3A_640 = arith.constant 0 : index
      %swap3A_641 = tpu.vector_load %arg6[%swap3A_640] {strides = array<i32>} : memref<16xf32, #tpu.memory_space<vmem>>, vector<16xf32>,
      tpu.vector_store %arg6[%swap3A_640], %max3A_639 {strides = array<i32>} : memref<16xf32, #tpu.memory_space<vmem>>, vector<16xf32>,
      %xor3A_642 = arith.constant 1 : i32
      %xor3A_643 = vector.broadcast %xor3A_642 : i32 to vector<16xi32>
      %xor3A_644 = arith.xori %iota3A, %xor3A_643 : vector<16xi32>
      %gather3A_645 = tpu.vector_load_idx %arg6[%xor3A_644] : memref<16xf32, #tpu.memory_space<vmem>>[vector<16xi32>], vector<16xf32>,
      %max3A_646 = arith.maximumf %max3A_639, %gather3A_645 : vector<16xf32>
      %neg3A_647 = arith.constant 0.000000e+00 : f32
      %neg3A_648 = vector.broadcast %neg3A_647 : f32 to vector<16xf32>
      %neg3A_649 = arith.subf %neg3A_648, %max3A_646 : vector<16xf32>
      %eq3A_650 = arith.cmpf oeq, %select_n3A_590, %neg3A_649 : vector<16xf32>
      %add3A_651 = arith.constant 0 : i32
      %add3A_652 = vector.broadcast %add3A_651 : i32 to vector<16xi32>
      %add3A_653 = arith.addi %iota3A, %add3A_652 : vector<16xi32>
      %select_n3A_654 = arith.select %eq3A_650, %add3A_653, %broadcast_in_dim3A_0 : vector<16xi1>, vector<16xi32>
      %min3A_655 = arith.minsi %broadcast_in_dim3A_0, %select_n3A_654 : vector<16xi32>
      %eq3A_656 = arith.cmpf oeq, %select_n3A_596, %neg3A_649 : vector<16xf32>
      %add3A_657 = arith.constant 16 : i32
      %add3A_658 = vector.broadcast %add3A_657 : i32 to vector<16xi32>
      %add3A_659 = arith.addi %iota3A, %add3A_658 : vector<16xi32>
      %select_n3A_660 = arith.select %eq3A_656, %add3A_659, %broadcast_in_dim3A_0 : vector<16xi1>, vector<16xi32>
      %min3A_661 = arith.minsi %min3A_655, %select_n3A_660 : vector<16xi32>
      %eq3A_662 = arith.cmpf oeq, %select_n3A_602, %neg3A_649 : vector<16xf32>
      %add3A_663 = arith.constant 32 : i32
      %add3A_664 = vector.broadcast %add3A_663 : i32 to vector<16xi32>
      %add3A_665 = arith.addi %iota3A, %add3A_664 : vector<16xi32>
      %select_n3A_666 = arith.select %eq3A_662, %add3A_665, %broadcast_in_dim3A_0 : vector<16xi1>, vector<16xi32>
      %min3A_667 = arith.minsi %min3A_661, %select_n3A_666 : vector<16xi32>
      %eq3A_668 = arith.cmpf oeq, %select_n3A_608, %neg3A_649 : vector<16xf32>
      %add3A_669 = arith.constant 48 : i32
      %add3A_670 = vector.broadcast %add3A_669 : i32 to vector<16xi32>
      %add3A_671 = arith.addi %iota3A, %add3A_670 : vector<16xi32>
      %select_n3A_672 = arith.select %eq3A_668, %add3A_671, %broadcast_in_dim3A_0 : vector<16xi1>, vector<16xi32>
      %min3A_673 = arith.minsi %min3A_667, %select_n3A_672 : vector<16xi32>
      %swap3A_674 = arith.constant 0 : index
      %swap3A_675 = tpu.vector_load %arg7[%swap3A_674] {strides = array<i32>} : memref<16xi32, #tpu.memory_space<vmem>>, vector<16xi32>,
      tpu.vector_store %arg7[%swap3A_674], %min3A_673 {strides = array<i32>} : memref<16xi32, #tpu.memory_space<vmem>>, vector<16xi32>,
      %xor3A_676 = arith.constant 8 : i32
      %xor3A_677 = vector.broadcast %xor3A_676 : i32 to vector<16xi32>
      %xor3A_678 = arith.xori %iota3A, %xor3A_677 : vector<16xi32>
      %gather3A_679 = tpu.vector_load_idx %arg7[%xor3A_678] : memref<16xi32, #tpu.memory_space<vmem>>[vector<16xi32>], vector<16xi32>,
      %min3A_680 = arith.minsi %min3A_673, %gather3A_679 : vector<16xi32>
      %swap3A_681 = arith.constant 0 : index
      %swap3A_682 = tpu.vector_load %arg7[%swap3A_681] {strides = array<i32>} : memref<16xi32, #tpu.memory_space<vmem>>, vector<16xi32>,
      tpu.vector_store %arg7[%swap3A_681], %min3A_680 {strides = array<i32>} : memref<16xi32, #tpu.memory_space<vmem>>, vector<16xi32>,
      %xor3A_683 = arith.constant 4 : i32
      %xor3A_684 = vector.broadcast %xor3A_683 : i32 to vector<16xi32>
      %xor3A_685 = arith.xori %iota3A, %xor3A_684 : vector<16xi32>
      %gather3A_686 = tpu.vector_load_idx %arg7[%xor3A_685] : memref<16xi32, #tpu.memory_space<vmem>>[vector<16xi32>], vector<16xi32>,
      %min3A_687 = arith.minsi %min3A_680, %gather3A_686 : vector<16xi32>
      %swap3A_688 = arith.constant 0 : index
      %swap3A_689 = tpu.vector_load %arg7[%swap3A_688] {strides = array<i32>} : memref<16xi32, #tpu.memory_space<vmem>>, vector<16xi32>,
      tpu.vector_store %arg7[%swap3A_688], %min3A_687 {strides = array<i32>} : memref<16xi32, #tpu.memory_space<vmem>>, vector<16xi32>,
      %xor3A_690 = arith.constant 2 : i32
      %xor3A_691 = vector.broadcast %xor3A_690 : i32 to vector<16xi32>
      %xor3A_692 = arith.xori %iota3A, %xor3A_691 : vector<16xi32>
      %gather3A_693 = tpu.vector_load_idx %arg7[%xor3A_692] : memref<16xi32, #tpu.memory_space<vmem>>[vector<16xi32>], vector<16xi32>,
      %min3A_694 = arith.minsi %min3A_687, %gather3A_693 : vector<16xi32>
      %swap3A_695 = arith.constant 0 : index
      %swap3A_696 = tpu.vector_load %arg7[%swap3A_695] {strides = array<i32>} : memref<16xi32, #tpu.memory_space<vmem>>, vector<16xi32>,
      tpu.vector_store %arg7[%swap3A_695], %min3A_694 {strides = array<i32>} : memref<16xi32, #tpu.memory_space<vmem>>, vector<16xi32>,
      %xor3A_697 = arith.constant 1 : i32
      %xor3A_698 = vector.broadcast %xor3A_697 : i32 to vector<16xi32>
      %xor3A_699 = arith.xori %iota3A, %xor3A_698 : vector<16xi32>
      %gather3A_700 = tpu.vector_load_idx %arg7[%xor3A_699] : memref<16xi32, #tpu.memory_space<vmem>>[vector<16xi32>], vector<16xi32>,
      %min3A_701 = arith.minsi %min3A_694, %gather3A_700 : vector<16xi32>
      %add3A_702 = arith.constant 0 : i32
      %add3A_703 = vector.broadcast %add3A_702 : i32 to vector<16xi32>
      %add3A_704 = arith.addi %iota3A, %add3A_703 : vector<16xi32>
      %eq3A_705 = arith.cmpi eq, %add3A_704, %min3A_701 : vector<16xi32>
      %broadcast_in_dim3A_706 = vector.broadcast %cond3A_30 : f32 to vector<16xf32>
      %select_n3A_707 = arith.select %eq3A_705, %broadcast_in_dim3A_706, %select_n3A_590 : vector<16xi1>, vector<16xf32>
      %add3A_708 = arith.constant 16 : i32
      %add3A_709 = vector.broadcast %add3A_708 : i32 to vector<16xi32>
      %add3A_710 = arith.addi %iota3A, %add3A_709 : vector<16xi32>
      %eq3A_711 = arith.cmpi eq, %add3A_710, %min3A_701 : vector<16xi32>
      %broadcast_in_dim3A_712 = vector.broadcast %cond3A_30 : f32 to vector<16xf32>
      %select_n3A_713 = arith.select %eq3A_711, %broadcast_in_dim3A_712, %select_n3A_596 : vector<16xi1>, vector<16xf32>
      %add3A_714 = arith.constant 32 : i32
      %add3A_715 = vector.broadcast %add3A_714 : i32 to vector<16xi32>
      %add3A_716 = arith.addi %iota3A, %add3A_715 : vector<16xi32>
      %eq3A_717 = arith.cmpi eq, %add3A_716, %min3A_701 : vector<16xi32>
      %broadcast_in_dim3A_718 = vector.broadcast %cond3A_30 : f32 to vector<16xf32>
      %select_n3A_719 = arith.select %eq3A_717, %broadcast_in_dim3A_718, %select_n3A_602 : vector<16xi1>, vector<16xf32>
      %add3A_720 = arith.constant 48 : i32
      %add3A_721 = vector.broadcast %add3A_720 : i32 to vector<16xi32>
      %add3A_722 = arith.addi %iota3A, %add3A_721 : vector<16xi32>
      %eq3A_723 = arith.cmpi eq, %add3A_722, %min3A_701 : vector<16xi32>
      %broadcast_in_dim3A_724 = vector.broadcast %cond3A_30 : f32 to vector<16xf32>
      %select_n3A_725 = arith.select %eq3A_723, %broadcast_in_dim3A_724, %select_n3A_608 : vector<16xi1>, vector<16xf32>
      %eq3A_726 = arith.constant 5 : i32
      %eq3A_727 = vector.broadcast %eq3A_726 : i32 to vector<16xi32>
      %eq3A_728 = arith.cmpi eq, %iota3A, %eq3A_727 : vector<16xi32>
      %select_n3A_729 = arith.select %eq3A_728, %min3A_701, %select_n3A_612 : vector<16xi1>, vector<16xi32>
      %min3A_730 = arith.minimumf %select_n3A_707, %select_n3A_713 : vector<16xf32>
      %min3A_731 = arith.minimumf %select_n3A_719, %select_n3A_725 : vector<16xf32>
      %min3A_732 = arith.minimumf %min3A_730, %min3A_731 : vector<16xf32>
      %neg3A_733 = arith.constant 0.000000e+00 : f32
      %neg3A_734 = vector.broadcast %neg3A_733 : f32 to vector<16xf32>
      %neg3A_735 = arith.subf %neg3A_734, %min3A_732 : vector<16xf32>
      %swap3A_736 = arith.constant 0 : index
      %swap3A_737 = tpu.vector_load %arg6[%swap3A_736] {strides = array<i32>} : memref<16xf32, #tpu.memory_space<vmem>>, vector<16xf32>,
      tpu.vector_store %arg6[%swap3A_736], %neg3A_735 {strides = array<i32>} : memref<16xf32, #tpu.memory_space<vmem>>, vector<16xf32>,
      %xor3A_738 = arith.constant 8 : i32
      %xor3A_739 = vector.broadcast %xor3A_738 : i32 to vector<16xi32>
      %xor3A_740 = arith.xori %iota3A, %xor3A_739 : vector<16xi32>
      %gather3A_741 = tpu.vector_load_idx %arg6[%xor3A_740] : memref<16xf32, #tpu.memory_space<vmem>>[vector<16xi32>], vector<16xf32>,
      %max3A_742 = arith.maximumf %neg3A_735, %gather3A_741 : vector<16xf32>
      %swap3A_743 = arith.constant 0 : index
      %swap3A_744 = tpu.vector_load %arg6[%swap3A_743] {strides = array<i32>} : memref<16xf32, #tpu.memory_space<vmem>>, vector<16xf32>,
      tpu.vector_store %arg6[%swap3A_743], %max3A_742 {strides = array<i32>} : memref<16xf32, #tpu.memory_space<vmem>>, vector<16xf32>,
      %xor3A_745 = arith.constant 4 : i32
      %xor3A_746 = vector.broadcast %xor3A_745 : i32 to vector<16xi32>
      %xor3A_747 = arith.xori %iota3A, %xor3A_746 : vector<16xi32>
      %gather3A_748 = tpu.vector_load_idx %arg6[%xor3A_747] : memref<16xf32, #tpu.memory_space<vmem>>[vector<16xi32>], vector<16xf32>,
      %max3A_749 = arith.maximumf %max3A_742, %gather3A_748 : vector<16xf32>
      %swap3A_750 = arith.constant 0 : index
      %swap3A_751 = tpu.vector_load %arg6[%swap3A_750] {strides = array<i32>} : memref<16xf32, #tpu.memory_space<vmem>>, vector<16xf32>,
      tpu.vector_store %arg6[%swap3A_750], %max3A_749 {strides = array<i32>} : memref<16xf32, #tpu.memory_space<vmem>>, vector<16xf32>,
      %xor3A_752 = arith.constant 2 : i32
      %xor3A_753 = vector.broadcast %xor3A_752 : i32 to vector<16xi32>
      %xor3A_754 = arith.xori %iota3A, %xor3A_753 : vector<16xi32>
      %gather3A_755 = tpu.vector_load_idx %arg6[%xor3A_754] : memref<16xf32, #tpu.memory_space<vmem>>[vector<16xi32>], vector<16xf32>,
      %max3A_756 = arith.maximumf %max3A_749, %gather3A_755 : vector<16xf32>
      %swap3A_757 = arith.constant 0 : index
      %swap3A_758 = tpu.vector_load %arg6[%swap3A_757] {strides = array<i32>} : memref<16xf32, #tpu.memory_space<vmem>>, vector<16xf32>,
      tpu.vector_store %arg6[%swap3A_757], %max3A_756 {strides = array<i32>} : memref<16xf32, #tpu.memory_space<vmem>>, vector<16xf32>,
      %xor3A_759 = arith.constant 1 : i32
      %xor3A_760 = vector.broadcast %xor3A_759 : i32 to vector<16xi32>
      %xor3A_761 = arith.xori %iota3A, %xor3A_760 : vector<16xi32>
      %gather3A_762 = tpu.vector_load_idx %arg6[%xor3A_761] : memref<16xf32, #tpu.memory_space<vmem>>[vector<16xi32>], vector<16xf32>,
      %max3A_763 = arith.maximumf %max3A_756, %gather3A_762 : vector<16xf32>
      %neg3A_764 = arith.constant 0.000000e+00 : f32
      %neg3A_765 = vector.broadcast %neg3A_764 : f32 to vector<16xf32>
      %neg3A_766 = arith.subf %neg3A_765, %max3A_763 : vector<16xf32>
      %eq3A_767 = arith.cmpf oeq, %select_n3A_707, %neg3A_766 : vector<16xf32>
      %add3A_768 = arith.constant 0 : i32
      %add3A_769 = vector.broadcast %add3A_768 : i32 to vector<16xi32>
      %add3A_770 = arith.addi %iota3A, %add3A_769 : vector<16xi32>
      %select_n3A_771 = arith.select %eq3A_767, %add3A_770, %broadcast_in_dim3A_0 : vector<16xi1>, vector<16xi32>
      %min3A_772 = arith.minsi %broadcast_in_dim3A_0, %select_n3A_771 : vector<16xi32>
      %eq3A_773 = arith.cmpf oeq, %select_n3A_713, %neg3A_766 : vector<16xf32>
      %add3A_774 = arith.constant 16 : i32
      %add3A_775 = vector.broadcast %add3A_774 : i32 to vector<16xi32>
      %add3A_776 = arith.addi %iota3A, %add3A_775 : vector<16xi32>
      %select_n3A_777 = arith.select %eq3A_773, %add3A_776, %broadcast_in_dim3A_0 : vector<16xi1>, vector<16xi32>
      %min3A_778 = arith.minsi %min3A_772, %select_n3A_777 : vector<16xi32>
      %eq3A_779 = arith.cmpf oeq, %select_n3A_719, %neg3A_766 : vector<16xf32>
      %add3A_780 = arith.constant 32 : i32
      %add3A_781 = vector.broadcast %add3A_780 : i32 to vector<16xi32>
      %add3A_782 = arith.addi %iota3A, %add3A_781 : vector<16xi32>
      %select_n3A_783 = arith.select %eq3A_779, %add3A_782, %broadcast_in_dim3A_0 : vector<16xi1>, vector<16xi32>
      %min3A_784 = arith.minsi %min3A_778, %select_n3A_783 : vector<16xi32>
      %eq3A_785 = arith.cmpf oeq, %select_n3A_725, %neg3A_766 : vector<16xf32>
      %add3A_786 = arith.constant 48 : i32
      %add3A_787 = vector.broadcast %add3A_786 : i32 to vector<16xi32>
      %add3A_788 = arith.addi %iota3A, %add3A_787 : vector<16xi32>
      %select_n3A_789 = arith.select %eq3A_785, %add3A_788, %broadcast_in_dim3A_0 : vector<16xi1>, vector<16xi32>
      %min3A_790 = arith.minsi %min3A_784, %select_n3A_789 : vector<16xi32>
      %swap3A_791 = arith.constant 0 : index
      %swap3A_792 = tpu.vector_load %arg7[%swap3A_791] {strides = array<i32>} : memref<16xi32, #tpu.memory_space<vmem>>, vector<16xi32>,
      tpu.vector_store %arg7[%swap3A_791], %min3A_790 {strides = array<i32>} : memref<16xi32, #tpu.memory_space<vmem>>, vector<16xi32>,
      %xor3A_793 = arith.constant 8 : i32
      %xor3A_794 = vector.broadcast %xor3A_793 : i32 to vector<16xi32>
      %xor3A_795 = arith.xori %iota3A, %xor3A_794 : vector<16xi32>
      %gather3A_796 = tpu.vector_load_idx %arg7[%xor3A_795] : memref<16xi32, #tpu.memory_space<vmem>>[vector<16xi32>], vector<16xi32>,
      %min3A_797 = arith.minsi %min3A_790, %gather3A_796 : vector<16xi32>
      %swap3A_798 = arith.constant 0 : index
      %swap3A_799 = tpu.vector_load %arg7[%swap3A_798] {strides = array<i32>} : memref<16xi32, #tpu.memory_space<vmem>>, vector<16xi32>,
      tpu.vector_store %arg7[%swap3A_798], %min3A_797 {strides = array<i32>} : memref<16xi32, #tpu.memory_space<vmem>>, vector<16xi32>,
      %xor3A_800 = arith.constant 4 : i32
      %xor3A_801 = vector.broadcast %xor3A_800 : i32 to vector<16xi32>
      %xor3A_802 = arith.xori %iota3A, %xor3A_801 : vector<16xi32>
      %gather3A_803 = tpu.vector_load_idx %arg7[%xor3A_802] : memref<16xi32, #tpu.memory_space<vmem>>[vector<16xi32>], vector<16xi32>,
      %min3A_804 = arith.minsi %min3A_797, %gather3A_803 : vector<16xi32>
      %swap3A_805 = arith.constant 0 : index
      %swap3A_806 = tpu.vector_load %arg7[%swap3A_805] {strides = array<i32>} : memref<16xi32, #tpu.memory_space<vmem>>, vector<16xi32>,
      tpu.vector_store %arg7[%swap3A_805], %min3A_804 {strides = array<i32>} : memref<16xi32, #tpu.memory_space<vmem>>, vector<16xi32>,
      %xor3A_807 = arith.constant 2 : i32
      %xor3A_808 = vector.broadcast %xor3A_807 : i32 to vector<16xi32>
      %xor3A_809 = arith.xori %iota3A, %xor3A_808 : vector<16xi32>
      %gather3A_810 = tpu.vector_load_idx %arg7[%xor3A_809] : memref<16xi32, #tpu.memory_space<vmem>>[vector<16xi32>], vector<16xi32>,
      %min3A_811 = arith.minsi %min3A_804, %gather3A_810 : vector<16xi32>
      %swap3A_812 = arith.constant 0 : index
      %swap3A_813 = tpu.vector_load %arg7[%swap3A_812] {strides = array<i32>} : memref<16xi32, #tpu.memory_space<vmem>>, vector<16xi32>,
      tpu.vector_store %arg7[%swap3A_812], %min3A_811 {strides = array<i32>} : memref<16xi32, #tpu.memory_space<vmem>>, vector<16xi32>,
      %xor3A_814 = arith.constant 1 : i32
      %xor3A_815 = vector.broadcast %xor3A_814 : i32 to vector<16xi32>
      %xor3A_816 = arith.xori %iota3A, %xor3A_815 : vector<16xi32>
      %gather3A_817 = tpu.vector_load_idx %arg7[%xor3A_816] : memref<16xi32, #tpu.memory_space<vmem>>[vector<16xi32>], vector<16xi32>,
      %min3A_818 = arith.minsi %min3A_811, %gather3A_817 : vector<16xi32>
      %add3A_819 = arith.constant 0 : i32
      %add3A_820 = vector.broadcast %add3A_819 : i32 to vector<16xi32>
      %add3A_821 = arith.addi %iota3A, %add3A_820 : vector<16xi32>
      %eq3A_822 = arith.cmpi eq, %add3A_821, %min3A_818 : vector<16xi32>
      %broadcast_in_dim3A_823 = vector.broadcast %cond3A_30 : f32 to vector<16xf32>
      %select_n3A_824 = arith.select %eq3A_822, %broadcast_in_dim3A_823, %select_n3A_707 : vector<16xi1>, vector<16xf32>
      %add3A_825 = arith.constant 16 : i32
      %add3A_826 = vector.broadcast %add3A_825 : i32 to vector<16xi32>
      %add3A_827 = arith.addi %iota3A, %add3A_826 : vector<16xi32>
      %eq3A_828 = arith.cmpi eq, %add3A_827, %min3A_818 : vector<16xi32>
      %broadcast_in_dim3A_829 = vector.broadcast %cond3A_30 : f32 to vector<16xf32>
      %select_n3A_830 = arith.select %eq3A_828, %broadcast_in_dim3A_829, %select_n3A_713 : vector<16xi1>, vector<16xf32>
      %add3A_831 = arith.constant 32 : i32
      %add3A_832 = vector.broadcast %add3A_831 : i32 to vector<16xi32>
      %add3A_833 = arith.addi %iota3A, %add3A_832 : vector<16xi32>
      %eq3A_834 = arith.cmpi eq, %add3A_833, %min3A_818 : vector<16xi32>
      %broadcast_in_dim3A_835 = vector.broadcast %cond3A_30 : f32 to vector<16xf32>
      %select_n3A_836 = arith.select %eq3A_834, %broadcast_in_dim3A_835, %select_n3A_719 : vector<16xi1>, vector<16xf32>
      %add3A_837 = arith.constant 48 : i32
      %add3A_838 = vector.broadcast %add3A_837 : i32 to vector<16xi32>
      %add3A_839 = arith.addi %iota3A, %add3A_838 : vector<16xi32>
      %eq3A_840 = arith.cmpi eq, %add3A_839, %min3A_818 : vector<16xi32>
      %broadcast_in_dim3A_841 = vector.broadcast %cond3A_30 : f32 to vector<16xf32>
      %select_n3A_842 = arith.select %eq3A_840, %broadcast_in_dim3A_841, %select_n3A_725 : vector<16xi1>, vector<16xf32>
      %eq3A_843 = arith.constant 6 : i32
      %eq3A_844 = vector.broadcast %eq3A_843 : i32 to vector<16xi32>
      %eq3A_845 = arith.cmpi eq, %iota3A, %eq3A_844 : vector<16xi32>
      %select_n3A_846 = arith.select %eq3A_845, %min3A_818, %select_n3A_729 : vector<16xi1>, vector<16xi32>
      %min3A_847 = arith.minimumf %select_n3A_824, %select_n3A_830 : vector<16xf32>
      %min3A_848 = arith.minimumf %select_n3A_836, %select_n3A_842 : vector<16xf32>
      %min3A_849 = arith.minimumf %min3A_847, %min3A_848 : vector<16xf32>
      %neg3A_850 = arith.constant 0.000000e+00 : f32
      %neg3A_851 = vector.broadcast %neg3A_850 : f32 to vector<16xf32>
      %neg3A_852 = arith.subf %neg3A_851, %min3A_849 : vector<16xf32>
      %swap3A_853 = arith.constant 0 : index
      %swap3A_854 = tpu.vector_load %arg6[%swap3A_853] {strides = array<i32>} : memref<16xf32, #tpu.memory_space<vmem>>, vector<16xf32>,
      tpu.vector_store %arg6[%swap3A_853], %neg3A_852 {strides = array<i32>} : memref<16xf32, #tpu.memory_space<vmem>>, vector<16xf32>,
      %xor3A_855 = arith.constant 8 : i32
      %xor3A_856 = vector.broadcast %xor3A_855 : i32 to vector<16xi32>
      %xor3A_857 = arith.xori %iota3A, %xor3A_856 : vector<16xi32>
      %gather3A_858 = tpu.vector_load_idx %arg6[%xor3A_857] : memref<16xf32, #tpu.memory_space<vmem>>[vector<16xi32>], vector<16xf32>,
      %max3A_859 = arith.maximumf %neg3A_852, %gather3A_858 : vector<16xf32>
      %swap3A_860 = arith.constant 0 : index
      %swap3A_861 = tpu.vector_load %arg6[%swap3A_860] {strides = array<i32>} : memref<16xf32, #tpu.memory_space<vmem>>, vector<16xf32>,
      tpu.vector_store %arg6[%swap3A_860], %max3A_859 {strides = array<i32>} : memref<16xf32, #tpu.memory_space<vmem>>, vector<16xf32>,
      %xor3A_862 = arith.constant 4 : i32
      %xor3A_863 = vector.broadcast %xor3A_862 : i32 to vector<16xi32>
      %xor3A_864 = arith.xori %iota3A, %xor3A_863 : vector<16xi32>
      %gather3A_865 = tpu.vector_load_idx %arg6[%xor3A_864] : memref<16xf32, #tpu.memory_space<vmem>>[vector<16xi32>], vector<16xf32>,
      %max3A_866 = arith.maximumf %max3A_859, %gather3A_865 : vector<16xf32>
      %swap3A_867 = arith.constant 0 : index
      %swap3A_868 = tpu.vector_load %arg6[%swap3A_867] {strides = array<i32>} : memref<16xf32, #tpu.memory_space<vmem>>, vector<16xf32>,
      tpu.vector_store %arg6[%swap3A_867], %max3A_866 {strides = array<i32>} : memref<16xf32, #tpu.memory_space<vmem>>, vector<16xf32>,
      %xor3A_869 = arith.constant 2 : i32
      %xor3A_870 = vector.broadcast %xor3A_869 : i32 to vector<16xi32>
      %xor3A_871 = arith.xori %iota3A, %xor3A_870 : vector<16xi32>
      %gather3A_872 = tpu.vector_load_idx %arg6[%xor3A_871] : memref<16xf32, #tpu.memory_space<vmem>>[vector<16xi32>], vector<16xf32>,
      %max3A_873 = arith.maximumf %max3A_866, %gather3A_872 : vector<16xf32>
      %swap3A_874 = arith.constant 0 : index
      %swap3A_875 = tpu.vector_load %arg6[%swap3A_874] {strides = array<i32>} : memref<16xf32, #tpu.memory_space<vmem>>, vector<16xf32>,
      tpu.vector_store %arg6[%swap3A_874], %max3A_873 {strides = array<i32>} : memref<16xf32, #tpu.memory_space<vmem>>, vector<16xf32>,
      %xor3A_876 = arith.constant 1 : i32
      %xor3A_877 = vector.broadcast %xor3A_876 : i32 to vector<16xi32>
      %xor3A_878 = arith.xori %iota3A, %xor3A_877 : vector<16xi32>
      %gather3A_879 = tpu.vector_load_idx %arg6[%xor3A_878] : memref<16xf32, #tpu.memory_space<vmem>>[vector<16xi32>], vector<16xf32>,
      %max3A_880 = arith.maximumf %max3A_873, %gather3A_879 : vector<16xf32>
      %neg3A_881 = arith.constant 0.000000e+00 : f32
      %neg3A_882 = vector.broadcast %neg3A_881 : f32 to vector<16xf32>
      %neg3A_883 = arith.subf %neg3A_882, %max3A_880 : vector<16xf32>
      %eq3A_884 = arith.cmpf oeq, %select_n3A_824, %neg3A_883 : vector<16xf32>
      %add3A_885 = arith.constant 0 : i32
      %add3A_886 = vector.broadcast %add3A_885 : i32 to vector<16xi32>
      %add3A_887 = arith.addi %iota3A, %add3A_886 : vector<16xi32>
      %select_n3A_888 = arith.select %eq3A_884, %add3A_887, %broadcast_in_dim3A_0 : vector<16xi1>, vector<16xi32>
      %min3A_889 = arith.minsi %broadcast_in_dim3A_0, %select_n3A_888 : vector<16xi32>
      %eq3A_890 = arith.cmpf oeq, %select_n3A_830, %neg3A_883 : vector<16xf32>
      %add3A_891 = arith.constant 16 : i32
      %add3A_892 = vector.broadcast %add3A_891 : i32 to vector<16xi32>
      %add3A_893 = arith.addi %iota3A, %add3A_892 : vector<16xi32>
      %select_n3A_894 = arith.select %eq3A_890, %add3A_893, %broadcast_in_dim3A_0 : vector<16xi1>, vector<16xi32>
      %min3A_895 = arith.minsi %min3A_889, %select_n3A_894 : vector<16xi32>
      %eq3A_896 = arith.cmpf oeq, %select_n3A_836, %neg3A_883 : vector<16xf32>
      %add3A_897 = arith.constant 32 : i32
      %add3A_898 = vector.broadcast %add3A_897 : i32 to vector<16xi32>
      %add3A_899 = arith.addi %iota3A, %add3A_898 : vector<16xi32>
      %select_n3A_900 = arith.select %eq3A_896, %add3A_899, %broadcast_in_dim3A_0 : vector<16xi1>, vector<16xi32>
      %min3A_901 = arith.minsi %min3A_895, %select_n3A_900 : vector<16xi32>
      %eq3A_902 = arith.cmpf oeq, %select_n3A_842, %neg3A_883 : vector<16xf32>
      %add3A_903 = arith.constant 48 : i32
      %add3A_904 = vector.broadcast %add3A_903 : i32 to vector<16xi32>
      %add3A_905 = arith.addi %iota3A, %add3A_904 : vector<16xi32>
      %select_n3A_906 = arith.select %eq3A_902, %add3A_905, %broadcast_in_dim3A_0 : vector<16xi1>, vector<16xi32>
      %min3A_907 = arith.minsi %min3A_901, %select_n3A_906 : vector<16xi32>
      %swap3A_908 = arith.constant 0 : index
      %swap3A_909 = tpu.vector_load %arg7[%swap3A_908] {strides = array<i32>} : memref<16xi32, #tpu.memory_space<vmem>>, vector<16xi32>,
      tpu.vector_store %arg7[%swap3A_908], %min3A_907 {strides = array<i32>} : memref<16xi32, #tpu.memory_space<vmem>>, vector<16xi32>,
      %xor3A_910 = arith.constant 8 : i32
      %xor3A_911 = vector.broadcast %xor3A_910 : i32 to vector<16xi32>
      %xor3A_912 = arith.xori %iota3A, %xor3A_911 : vector<16xi32>
      %gather3A_913 = tpu.vector_load_idx %arg7[%xor3A_912] : memref<16xi32, #tpu.memory_space<vmem>>[vector<16xi32>], vector<16xi32>,
      %min3A_914 = arith.minsi %min3A_907, %gather3A_913 : vector<16xi32>
      %swap3A_915 = arith.constant 0 : index
      %swap3A_916 = tpu.vector_load %arg7[%swap3A_915] {strides = array<i32>} : memref<16xi32, #tpu.memory_space<vmem>>, vector<16xi32>,
      tpu.vector_store %arg7[%swap3A_915], %min3A_914 {strides = array<i32>} : memref<16xi32, #tpu.memory_space<vmem>>, vector<16xi32>,
      %xor3A_917 = arith.constant 4 : i32
      %xor3A_918 = vector.broadcast %xor3A_917 : i32 to vector<16xi32>
      %xor3A_919 = arith.xori %iota3A, %xor3A_918 : vector<16xi32>
      %gather3A_920 = tpu.vector_load_idx %arg7[%xor3A_919] : memref<16xi32, #tpu.memory_space<vmem>>[vector<16xi32>], vector<16xi32>,
      %min3A_921 = arith.minsi %min3A_914, %gather3A_920 : vector<16xi32>
      %swap3A_922 = arith.constant 0 : index
      %swap3A_923 = tpu.vector_load %arg7[%swap3A_922] {strides = array<i32>} : memref<16xi32, #tpu.memory_space<vmem>>, vector<16xi32>,
      tpu.vector_store %arg7[%swap3A_922], %min3A_921 {strides = array<i32>} : memref<16xi32, #tpu.memory_space<vmem>>, vector<16xi32>,
      %xor3A_924 = arith.constant 2 : i32
      %xor3A_925 = vector.broadcast %xor3A_924 : i32 to vector<16xi32>
      %xor3A_926 = arith.xori %iota3A, %xor3A_925 : vector<16xi32>
      %gather3A_927 = tpu.vector_load_idx %arg7[%xor3A_926] : memref<16xi32, #tpu.memory_space<vmem>>[vector<16xi32>], vector<16xi32>,
      %min3A_928 = arith.minsi %min3A_921, %gather3A_927 : vector<16xi32>
      %swap3A_929 = arith.constant 0 : index
      %swap3A_930 = tpu.vector_load %arg7[%swap3A_929] {strides = array<i32>} : memref<16xi32, #tpu.memory_space<vmem>>, vector<16xi32>,
      tpu.vector_store %arg7[%swap3A_929], %min3A_928 {strides = array<i32>} : memref<16xi32, #tpu.memory_space<vmem>>, vector<16xi32>,
      %xor3A_931 = arith.constant 1 : i32
      %xor3A_932 = vector.broadcast %xor3A_931 : i32 to vector<16xi32>
      %xor3A_933 = arith.xori %iota3A, %xor3A_932 : vector<16xi32>
      %gather3A_934 = tpu.vector_load_idx %arg7[%xor3A_933] : memref<16xi32, #tpu.memory_space<vmem>>[vector<16xi32>], vector<16xi32>,
      %min3A_935 = arith.minsi %min3A_928, %gather3A_934 : vector<16xi32>
      %add3A_936 = arith.constant 0 : i32
      %add3A_937 = vector.broadcast %add3A_936 : i32 to vector<16xi32>
      %add3A_938 = arith.addi %iota3A, %add3A_937 : vector<16xi32>
      %eq3A_939 = arith.cmpi eq, %add3A_938, %min3A_935 : vector<16xi32>
      %broadcast_in_dim3A_940 = vector.broadcast %cond3A_30 : f32 to vector<16xf32>
      %select_n3A_941 = arith.select %eq3A_939, %broadcast_in_dim3A_940, %select_n3A_824 : vector<16xi1>, vector<16xf32>
      %add3A_942 = arith.constant 16 : i32
      %add3A_943 = vector.broadcast %add3A_942 : i32 to vector<16xi32>
      %add3A_944 = arith.addi %iota3A, %add3A_943 : vector<16xi32>
      %eq3A_945 = arith.cmpi eq, %add3A_944, %min3A_935 : vector<16xi32>
      %broadcast_in_dim3A_946 = vector.broadcast %cond3A_30 : f32 to vector<16xf32>
      %select_n3A_947 = arith.select %eq3A_945, %broadcast_in_dim3A_946, %select_n3A_830 : vector<16xi1>, vector<16xf32>
      %add3A_948 = arith.constant 32 : i32
      %add3A_949 = vector.broadcast %add3A_948 : i32 to vector<16xi32>
      %add3A_950 = arith.addi %iota3A, %add3A_949 : vector<16xi32>
      %eq3A_951 = arith.cmpi eq, %add3A_950, %min3A_935 : vector<16xi32>
      %broadcast_in_dim3A_952 = vector.broadcast %cond3A_30 : f32 to vector<16xf32>
      %select_n3A_953 = arith.select %eq3A_951, %broadcast_in_dim3A_952, %select_n3A_836 : vector<16xi1>, vector<16xf32>
      %add3A_954 = arith.constant 48 : i32
      %add3A_955 = vector.broadcast %add3A_954 : i32 to vector<16xi32>
      %add3A_956 = arith.addi %iota3A, %add3A_955 : vector<16xi32>
      %eq3A_957 = arith.cmpi eq, %add3A_956, %min3A_935 : vector<16xi32>
      %broadcast_in_dim3A_958 = vector.broadcast %cond3A_30 : f32 to vector<16xf32>
      %select_n3A_959 = arith.select %eq3A_957, %broadcast_in_dim3A_958, %select_n3A_842 : vector<16xi1>, vector<16xf32>
      %eq3A_960 = arith.constant 7 : i32
      %eq3A_961 = vector.broadcast %eq3A_960 : i32 to vector<16xi32>
      %eq3A_962 = arith.cmpi eq, %iota3A, %eq3A_961 : vector<16xi32>
      %select_n3A_963 = arith.select %eq3A_962, %min3A_935, %select_n3A_846 : vector<16xi1>, vector<16xi32>
      %swap3A_964 = arith.constant 0 : index
      %swap3A_965 = tpu.vector_load %arg5[%swap3A_964] {strides = array<i32>} : memref<16xi32, #tpu.memory_space<vmem>>, vector<16xi32>,
      tpu.vector_store %arg5[%swap3A_964], %select_n3A_963 {strides = array<i32>} : memref<16xi32, #tpu.memory_space<vmem>>, vector<16xi32>,
      %run_scoped3A_966 = arith.constant 3 : i32
      "tpu.region"() ({
        %run_scoped3A_967 = tpu.sem_alloc : memref<!tpu.dma_semaphore, #tpu.memory_space<semaphore_mem>>
        %dma_start3A = arith.constant 0 : i32
        %dma_start3A_968 = tpu.memref_slice %arg3[%run_scoped3A_966, %dma_start3A] : memref<4x16xi32, #tpu.memory_space<hbm>> -> memref<1x16xi32, #tpu.memory_space<hbm>>
        %dma_start3A_969 = tpu.memref_squeeze %dma_start3A_968 : memref<1x16xi32, #tpu.memory_space<hbm>> -> memref<16xi32, #tpu.memory_space<hbm>>
        %dma_start3A_970 = arith.constant 0 : i32
        %dma_start3A_971 = tpu.memref_slice %arg3[%run_scoped3A_966, %dma_start3A_970] : memref<4x16xi32, #tpu.memory_space<hbm>> -> memref<1x16xi32, #tpu.memory_space<hbm>>
        %dma_start3A_972 = tpu.memref_squeeze %dma_start3A_971 : memref<1x16xi32, #tpu.memory_space<hbm>> -> memref<16xi32, #tpu.memory_space<hbm>>
        tpu.enqueue_dma source(%arg5 : memref<16xi32, #tpu.memory_space<vmem>>) target(%dma_start3A_972 : memref<16xi32, #tpu.memory_space<hbm>>) target_semaphore(%run_scoped3A_967 : memref<!tpu.dma_semaphore, #tpu.memory_space<semaphore_mem>>)
        %dma_wait3A = arith.constant 0 : i32
        %dma_wait3A_973 = tpu.memref_slice %arg3[%run_scoped3A_966, %dma_wait3A] : memref<4x16xi32, #tpu.memory_space<hbm>> -> memref<1x16xi32, #tpu.memory_space<hbm>>
        %dma_wait3A_974 = tpu.memref_squeeze %dma_wait3A_973 : memref<1x16xi32, #tpu.memory_space<hbm>> -> memref<16xi32, #tpu.memory_space<hbm>>
        %dma_wait3A_975 = arith.constant 0 : i32
        %dma_wait3A_976 = tpu.memref_slice %arg3[%run_scoped3A_966, %dma_wait3A_975] : memref<4x16xi32, #tpu.memory_space<hbm>> -> memref<1x16xi32, #tpu.memory_space<hbm>>
        %dma_wait3A_977 = tpu.memref_squeeze %dma_wait3A_976 : memref<1x16xi32, #tpu.memory_space<hbm>> -> memref<16xi32, #tpu.memory_space<hbm>>
        tpu.wait_dma2 semaphore(%run_scoped3A_967 : memref<!tpu.dma_semaphore, #tpu.memory_space<semaphore_mem>>) src(%arg5 : memref<16xi32, #tpu.memory_space<vmem>>) dst(%dma_wait3A_977 : memref<16xi32, #tpu.memory_space<hbm>>)
        tpu.yield
      }) : () -> ()
    } else {
    }
    return
  }
}

module attributes {stable_mosaic.version = 14 : i64} {
  func.func @_sum_body(%arg0: i32, %arg1: i32, %arg2: memref<1x3x16x224x224xf32, #tpu.memory_space<vmem>>, %arg3: memref<1x3xf32, #tpu.memory_space<smem>>, %arg4: memref<1xf32, #tpu.memory_space<smem>>, %arg5: memref<1x4x16xf32, #tpu.memory_space<vmem>>) attributes {dimension_semantics = [#tpu.dimension_semantics<arbitrary>, #tpu.dimension_semantics<arbitrary>], iteration_bounds = array<i64: 4, 4>, scalar_prefetch = 0 : i64, scratch_operands = 0 : i64, tpu.core_type = #tpu.core_type<tc>, window_params = [{transform_indices = @transform_0, window_bounds = array<i64: 1, 3, 16, 224, 224>}, {transform_indices = @transform_1, window_bounds = array<i64: 1, 3>}, {transform_indices = @transform_2, window_bounds = array<i64: 1>}, {transform_indices = @transform_3, window_bounds = array<i64: 1, 4, 16>}]} {
    %get3A = arith.constant 0 : index
    %get3A_0 = arith.constant 0 : index
    %get3A_1 = memref.load %arg3[%get3A, %get3A_0] : memref<1x3xf32, #tpu.memory_space<smem>>
    %get3A_2 = arith.constant 0 : index
    %get3A_3 = arith.constant 1 : index
    %get3A_4 = memref.load %arg3[%get3A_2, %get3A_3] : memref<1x3xf32, #tpu.memory_space<smem>>
    %get3A_5 = arith.constant 0 : index
    %get3A_6 = arith.constant 2 : index
    %get3A_7 = memref.load %arg3[%get3A_5, %get3A_6] : memref<1x3xf32, #tpu.memory_space<smem>>
    %get3A_8 = arith.constant 0 : index
    %get3A_9 = memref.load %arg4[%get3A_8] : memref<1xf32, #tpu.memory_space<smem>>
    %get3A_10 = arith.constant 0 : index
    %get3A_11 = arith.constant 0 : index
    %get3A_12 = arith.constant 0 : index
    %get3A_13 = arith.constant 0 : index
    %get3A_14 = arith.constant 0 : index
    %get3A_15 = vector.load %arg2[%get3A_10, %get3A_11, %get3A_12, %get3A_13, %get3A_14] : memref<1x3x16x224x224xf32, #tpu.memory_space<vmem>>, vector<1x1x16x224x224xf32>
    %get3A_16 = vector.shape_cast %get3A_15 : vector<1x1x16x224x224xf32> to vector<16x224x224xf32>
    %get3A_17 = arith.constant 0 : index
    %get3A_18 = arith.constant 1 : index
    %get3A_19 = arith.constant 0 : index
    %get3A_20 = arith.constant 0 : index
    %get3A_21 = arith.constant 0 : index
    %get3A_22 = vector.load %arg2[%get3A_17, %get3A_18, %get3A_19, %get3A_20, %get3A_21] : memref<1x3x16x224x224xf32, #tpu.memory_space<vmem>>, vector<1x1x16x224x224xf32>
    %get3A_23 = vector.shape_cast %get3A_22 : vector<1x1x16x224x224xf32> to vector<16x224x224xf32>
    %get3A_24 = arith.constant 0 : index
    %get3A_25 = arith.constant 2 : index
    %get3A_26 = arith.constant 0 : index
    %get3A_27 = arith.constant 0 : index
    %get3A_28 = arith.constant 0 : index
    %get3A_29 = vector.load %arg2[%get3A_24, %get3A_25, %get3A_26, %get3A_27, %get3A_28] : memref<1x3x16x224x224xf32, #tpu.memory_space<vmem>>, vector<1x1x16x224x224xf32>
    %get3A_30 = vector.shape_cast %get3A_29 : vector<1x1x16x224x224xf32> to vector<16x224x224xf32>
    %convert_element_type3A = arith.truncf %get3A_16 : vector<16x224x224xf32> to vector<16x224x224xbf16>
    %convert_element_type3A_31 = arith.extf %convert_element_type3A : vector<16x224x224xbf16> to vector<16x224x224xf32>
    %mul3A = vector.broadcast %get3A_1 : f32 to vector<16x224x224xf32>
    %mul3A_32 = arith.mulf %convert_element_type3A_31, %mul3A : vector<16x224x224xf32>
    %convert_element_type3A_33 = arith.truncf %get3A_23 : vector<16x224x224xf32> to vector<16x224x224xbf16>
    %convert_element_type3A_34 = arith.extf %convert_element_type3A_33 : vector<16x224x224xbf16> to vector<16x224x224xf32>
    %mul3A_35 = vector.broadcast %get3A_4 : f32 to vector<16x224x224xf32>
    %mul3A_36 = arith.mulf %convert_element_type3A_34, %mul3A_35 : vector<16x224x224xf32>
    %add3A = arith.addf %mul3A_32, %mul3A_36 : vector<16x224x224xf32>
    %convert_element_type3A_37 = arith.truncf %get3A_30 : vector<16x224x224xf32> to vector<16x224x224xbf16>
    %convert_element_type3A_38 = arith.extf %convert_element_type3A_37 : vector<16x224x224xbf16> to vector<16x224x224xf32>
    %mul3A_39 = vector.broadcast %get3A_7 : f32 to vector<16x224x224xf32>
    %mul3A_40 = arith.mulf %convert_element_type3A_38, %mul3A_39 : vector<16x224x224xf32>
    %add3A_41 = arith.addf %add3A, %mul3A_40 : vector<16x224x224xf32>
    %add3A_42 = vector.broadcast %get3A_9 : f32 to vector<16x224x224xf32>
    %add3A_43 = arith.addf %add3A_41, %add3A_42 : vector<16x224x224xf32>
    %max3A = arith.constant 0.000000e+00 : f32
    %max3A_44 = vector.broadcast %max3A : f32 to vector<16x224x224xf32>
    %max3A_45 = arith.maximumf %add3A_43, %max3A_44 : vector<16x224x224xf32>
    %reduce_sum3A = arith.constant dense<0.000000e+00> : vector<16xf32>
    %reduce_sum3A_46 = vector.multi_reduction <add>, %max3A_45, %reduce_sum3A [1, 2] : vector<16x224x224xf32> to vector<16xf32>
    %iota3A = tpu.iota {dimensions = array<i32: 1>} : vector<1x4x16xi32>
    %broadcast_in_dim3A = vector.shape_cast %reduce_sum3A_46 : vector<16xf32> to vector<1x1x16xf32>
    %broadcast_in_dim3A_47 = vector.shape_cast %broadcast_in_dim3A : vector<1x1x16xf32> to vector<1x1x16xf32>
    %broadcast_in_dim3A_48 = vector.broadcast %broadcast_in_dim3A_47 : vector<1x1x16xf32> to vector<1x4x16xf32>
    %eq3A = vector.broadcast %arg1 : i32 to vector<1x4x16xi32>
    %eq3A_49 = arith.cmpi eq, %iota3A, %eq3A : vector<1x4x16xi32>
    %get3A_50 = arith.constant 0 : index
    %get3A_51 = arith.constant 0 : index
    %get3A_52 = arith.constant 0 : index
    %get3A_53 = vector.load %arg5[%get3A_50, %get3A_51, %get3A_52] : memref<1x4x16xf32, #tpu.memory_space<vmem>>, vector<1x4x16xf32>
    %select_n3A = arith.select %eq3A_49, %broadcast_in_dim3A_48, %get3A_53 : vector<1x4x16xi1>, vector<1x4x16xf32>
    %swap3A = arith.constant 0 : index
    %swap3A_54 = arith.constant 0 : index
    %swap3A_55 = arith.constant 0 : index
    %swap3A_56 = vector.load %arg5[%swap3A, %swap3A_54, %swap3A_55] : memref<1x4x16xf32, #tpu.memory_space<vmem>>, vector<1x4x16xf32>
    tpu.vector_store %arg5[%swap3A, %swap3A_54, %swap3A_55], %select_n3A {strides = array<i32>} : memref<1x4x16xf32, #tpu.memory_space<vmem>>, vector<1x4x16xf32>,
    return
  }
  func.func @transform_0(%arg0: i32, %arg1: i32) -> (i32, i32, i32, i32, i32) {
    %c0_i32 = arith.constant 0 : i32
    %c0_i32_0 = arith.constant 0 : i32
    %c0_i32_1 = arith.constant 0 : i32
    %c0_i32_2 = arith.constant 0 : i32
    return %arg0, %c0_i32, %arg1, %c0_i32_0, %c0_i32_1 : i32, i32, i32, i32, i32
  }
  func.func @transform_1(%arg0: i32, %arg1: i32) -> (i32, i32) {
    %c0_i32 = arith.constant 0 : i32
    %c0_i32_0 = arith.constant 0 : i32
    %c0_i32_1 = arith.constant 0 : i32
    return %c0_i32, %c0_i32_0 : i32, i32
  }
  func.func @transform_2(%arg0: i32, %arg1: i32) -> i32 {
    %c0_i32 = arith.constant 0 : i32
    %c0_i32_0 = arith.constant 0 : i32
    return %c0_i32 : i32
  }
  func.func @transform_3(%arg0: i32, %arg1: i32) -> (i32, i32, i32) {
    %c0_i32 = arith.constant 0 : i32
    %c0_i32_0 = arith.constant 0 : i32
    %c0_i32_1 = arith.constant 0 : i32
    return %arg0, %c0_i32, %c0_i32_0 : i32, i32, i32
  }
}

module attributes {stable_mosaic.version = 14 : i64} {
  func.func @_score_body(%arg0: memref<4x64xf32, #tpu.memory_space<vmem>>, %arg1: memref<32x64xbf16, #tpu.memory_space<vmem>>, %arg2: memref<32xf32, #tpu.memory_space<vmem>>, %arg3: memref<64x32xbf16, #tpu.memory_space<vmem>>, %arg4: memref<64xf32, #tpu.memory_space<vmem>>, %arg5: memref<4x64xf32, #tpu.memory_space<vmem>>) attributes {dimension_semantics = [], scalar_prefetch = 0 : i64, scratch_operands = 0 : i64, tpu.core_type = #tpu.core_type<tc>} {
    %get3A = arith.constant 0 : index
    %get3A_0 = arith.constant 0 : index
    %get3A_1 = vector.load %arg0[%get3A, %get3A_0] : memref<4x64xf32, #tpu.memory_space<vmem>>, vector<4x64xf32>
    %mul3A = arith.constant 1.99298465E-5 : f32
    %mul3A_2 = vector.broadcast %mul3A : f32 to vector<4x64xf32>
    %mul3A_3 = arith.mulf %get3A_1, %mul3A_2 : vector<4x64xf32>
    %convert_element_type3A = arith.truncf %mul3A_3 : vector<4x64xf32> to vector<4x64xbf16>
    %get3A_4 = arith.constant 0 : index
    %get3A_5 = arith.constant 0 : index
    %get3A_6 = vector.load %arg1[%get3A_4, %get3A_5] : memref<32x64xbf16, #tpu.memory_space<vmem>>, vector<32x64xbf16>
    %dot_general3A = arith.constant dense<0.000000e+00> : vector<4x32xf32>
    %dot_general3A_7 = tpu.matmul %convert_element_type3A, %get3A_6, %dot_general3A {dimension_numbers = #tpu.dot_dimension_numbers<[1], [1], [0], [0], [0, 0, 1, 0], [], []>, transpose_lhs_hint = false} : vector<4x64xbf16>, vector<32x64xbf16>, vector<4x32xf32> -> vector<4x32xf32>
    %get3A_8 = arith.constant 0 : index
    %get3A_9 = vector.load %arg2[%get3A_8] : memref<32xf32, #tpu.memory_space<vmem>>, vector<32xf32>
    %broadcast_in_dim3A = vector.shape_cast %get3A_9 : vector<32xf32> to vector<1x32xf32>
    %add3A = vector.broadcast %broadcast_in_dim3A : vector<1x32xf32> to vector<4x32xf32>
    %add3A_10 = arith.addf %dot_general3A_7, %add3A : vector<4x32xf32>
    %max3A = arith.constant 0.000000e+00 : f32
    %max3A_11 = vector.broadcast %max3A : f32 to vector<4x32xf32>
    %max3A_12 = arith.maximumf %add3A_10, %max3A_11 : vector<4x32xf32>
    %convert_element_type3A_13 = arith.truncf %max3A_12 : vector<4x32xf32> to vector<4x32xbf16>
    %get3A_14 = arith.constant 0 : index
    %get3A_15 = arith.constant 0 : index
    %get3A_16 = vector.load %arg3[%get3A_14, %get3A_15] : memref<64x32xbf16, #tpu.memory_space<vmem>>, vector<64x32xbf16>
    %dot_general3A_17 = arith.constant dense<0.000000e+00> : vector<4x64xf32>
    %dot_general3A_18 = tpu.matmul %convert_element_type3A_13, %get3A_16, %dot_general3A_17 {dimension_numbers = #tpu.dot_dimension_numbers<[1], [1], [0], [0], [0, 0, 1, 0], [], []>, transpose_lhs_hint = false} : vector<4x32xbf16>, vector<64x32xbf16>, vector<4x64xf32> -> vector<4x64xf32>
    %get3A_19 = arith.constant 0 : index
    %get3A_20 = vector.load %arg4[%get3A_19] : memref<64xf32, #tpu.memory_space<vmem>>, vector<64xf32>
    %broadcast_in_dim3A_21 = vector.shape_cast %get3A_20 : vector<64xf32> to vector<1x64xf32>
    %add3A_22 = vector.broadcast %broadcast_in_dim3A_21 : vector<1x64xf32> to vector<4x64xf32>
    %add3A_23 = arith.addf %dot_general3A_18, %add3A_22 : vector<4x64xf32>
    %neg3A = arith.constant 0.000000e+00 : f32
    %neg3A_24 = vector.broadcast %neg3A : f32 to vector<4x64xf32>
    %neg3A_25 = arith.subf %neg3A_24, %add3A_23 : vector<4x64xf32>
    %exp3A = math.exp %neg3A_25 : vector<4x64xf32>
    %add3A_26 = arith.constant 1.000000e+00 : f32
    %add3A_27 = vector.broadcast %add3A_26 : f32 to vector<4x64xf32>
    %add3A_28 = arith.addf %add3A_27, %exp3A : vector<4x64xf32>
    %div3A = arith.constant 1.000000e+00 : f32
    %div3A_29 = vector.broadcast %div3A : f32 to vector<4x64xf32>
    %div3A_30 = arith.divf %div3A_29, %add3A_28 : vector<4x64xf32>
    %swap3A = arith.constant 0 : index
    %swap3A_31 = arith.constant 0 : index
    %swap3A_32 = vector.load %arg5[%swap3A, %swap3A_31] : memref<4x64xf32, #tpu.memory_space<vmem>>, vector<4x64xf32>
    tpu.vector_store %arg5[%swap3A, %swap3A_31], %div3A_30 {strides = array<i32>} : memref<4x64xf32, #tpu.memory_space<vmem>>, vector<4x64xf32>,
    return
  }
}

module attributes {stable_mosaic.version = 14 : i64} {
  func.func @_gather_body(%arg0: i32, %arg1: i32, %arg2: memref<32xi32, #tpu.memory_space<smem>>, %arg3: memref<1x3x1x224x224xf32, #tpu.memory_space<vmem>>, %arg4: memref<1x3xf32, #tpu.memory_space<smem>>, %arg5: memref<1xf32, #tpu.memory_space<smem>>, %arg6: memref<1x1x1x224x224xf32, #tpu.memory_space<vmem>>) attributes {dimension_semantics = [#tpu.dimension_semantics<arbitrary>, #tpu.dimension_semantics<arbitrary>], iteration_bounds = array<i64: 4, 8>, scalar_prefetch = 1 : i64, scratch_operands = 0 : i64, tpu.core_type = #tpu.core_type<tc>, window_params = [{transform_indices = @transform_0, window_bounds = array<i64: 1, 3, 1, 224, 224>}, {transform_indices = @transform_1, window_bounds = array<i64: 1, 3>}, {transform_indices = @transform_2, window_bounds = array<i64: 1>}, {transform_indices = @transform_3, window_bounds = array<i64: 1, 1, 1, 224, 224>}]} {
    %get3A = arith.constant 0 : index
    %get3A_0 = arith.constant 0 : index
    %get3A_1 = memref.load %arg4[%get3A, %get3A_0] : memref<1x3xf32, #tpu.memory_space<smem>>
    %get3A_2 = arith.constant 0 : index
    %get3A_3 = arith.constant 1 : index
    %get3A_4 = memref.load %arg4[%get3A_2, %get3A_3] : memref<1x3xf32, #tpu.memory_space<smem>>
    %get3A_5 = arith.constant 0 : index
    %get3A_6 = arith.constant 2 : index
    %get3A_7 = memref.load %arg4[%get3A_5, %get3A_6] : memref<1x3xf32, #tpu.memory_space<smem>>
    %get3A_8 = arith.constant 0 : index
    %get3A_9 = memref.load %arg5[%get3A_8] : memref<1xf32, #tpu.memory_space<smem>>
    %get3A_10 = arith.constant 0 : index
    %get3A_11 = arith.constant 0 : index
    %get3A_12 = arith.constant 0 : index
    %get3A_13 = arith.constant 0 : index
    %get3A_14 = arith.constant 0 : index
    %get3A_15 = vector.load %arg3[%get3A_10, %get3A_11, %get3A_12, %get3A_13, %get3A_14] : memref<1x3x1x224x224xf32, #tpu.memory_space<vmem>>, vector<1x1x1x224x224xf32>
    %get3A_16 = vector.shape_cast %get3A_15 : vector<1x1x1x224x224xf32> to vector<224x224xf32>
    %get3A_17 = arith.constant 0 : index
    %get3A_18 = arith.constant 1 : index
    %get3A_19 = arith.constant 0 : index
    %get3A_20 = arith.constant 0 : index
    %get3A_21 = arith.constant 0 : index
    %get3A_22 = vector.load %arg3[%get3A_17, %get3A_18, %get3A_19, %get3A_20, %get3A_21] : memref<1x3x1x224x224xf32, #tpu.memory_space<vmem>>, vector<1x1x1x224x224xf32>
    %get3A_23 = vector.shape_cast %get3A_22 : vector<1x1x1x224x224xf32> to vector<224x224xf32>
    %get3A_24 = arith.constant 0 : index
    %get3A_25 = arith.constant 2 : index
    %get3A_26 = arith.constant 0 : index
    %get3A_27 = arith.constant 0 : index
    %get3A_28 = arith.constant 0 : index
    %get3A_29 = vector.load %arg3[%get3A_24, %get3A_25, %get3A_26, %get3A_27, %get3A_28] : memref<1x3x1x224x224xf32, #tpu.memory_space<vmem>>, vector<1x1x1x224x224xf32>
    %get3A_30 = vector.shape_cast %get3A_29 : vector<1x1x1x224x224xf32> to vector<224x224xf32>
    %convert_element_type3A = arith.truncf %get3A_16 : vector<224x224xf32> to vector<224x224xbf16>
    %convert_element_type3A_31 = arith.extf %convert_element_type3A : vector<224x224xbf16> to vector<224x224xf32>
    %mul3A = vector.broadcast %get3A_1 : f32 to vector<224x224xf32>
    %mul3A_32 = arith.mulf %convert_element_type3A_31, %mul3A : vector<224x224xf32>
    %convert_element_type3A_33 = arith.truncf %get3A_23 : vector<224x224xf32> to vector<224x224xbf16>
    %convert_element_type3A_34 = arith.extf %convert_element_type3A_33 : vector<224x224xbf16> to vector<224x224xf32>
    %mul3A_35 = vector.broadcast %get3A_4 : f32 to vector<224x224xf32>
    %mul3A_36 = arith.mulf %convert_element_type3A_34, %mul3A_35 : vector<224x224xf32>
    %add3A = arith.addf %mul3A_32, %mul3A_36 : vector<224x224xf32>
    %convert_element_type3A_37 = arith.truncf %get3A_30 : vector<224x224xf32> to vector<224x224xbf16>
    %convert_element_type3A_38 = arith.extf %convert_element_type3A_37 : vector<224x224xbf16> to vector<224x224xf32>
    %mul3A_39 = vector.broadcast %get3A_7 : f32 to vector<224x224xf32>
    %mul3A_40 = arith.mulf %convert_element_type3A_38, %mul3A_39 : vector<224x224xf32>
    %add3A_41 = arith.addf %add3A, %mul3A_40 : vector<224x224xf32>
    %add3A_42 = vector.broadcast %get3A_9 : f32 to vector<224x224xf32>
    %add3A_43 = arith.addf %add3A_41, %add3A_42 : vector<224x224xf32>
    %max3A = arith.constant 0.000000e+00 : f32
    %max3A_44 = vector.broadcast %max3A : f32 to vector<224x224xf32>
    %max3A_45 = arith.maximumf %add3A_43, %max3A_44 : vector<224x224xf32>
    %swap3A = arith.constant 0 : index
    %swap3A_46 = arith.constant 0 : index
    %swap3A_47 = arith.constant 0 : index
    %swap3A_48 = arith.constant 0 : index
    %swap3A_49 = arith.constant 0 : index
    %swap3A_50 = vector.load %arg6[%swap3A, %swap3A_46, %swap3A_47, %swap3A_48, %swap3A_49] : memref<1x1x1x224x224xf32, #tpu.memory_space<vmem>>, vector<1x1x1x224x224xf32>
    %swap3A_51 = vector.shape_cast %swap3A_50 : vector<1x1x1x224x224xf32> to vector<224x224xf32>
    %swap3A_52 = vector.shape_cast %max3A_45 : vector<224x224xf32> to vector<1x1x1x224x224xf32>
    tpu.vector_store %arg6[%swap3A, %swap3A_46, %swap3A_47, %swap3A_48, %swap3A_49], %swap3A_52 {strides = array<i32>} : memref<1x1x1x224x224xf32, #tpu.memory_space<vmem>>, vector<1x1x1x224x224xf32>,
    return
  }
  func.func @transform_0(%arg0: i32, %arg1: i32, %arg2: memref<32xi32, #tpu.memory_space<smem>>) -> (i32, i32, i32, i32, i32) {
    %mul3A = arith.constant 8 : i32
    %mul3A_0 = arith.muli %arg0, %mul3A : i32
    %add3A = arith.addi %mul3A_0, %arg1 : i32
    %get3A = arith.index_cast %add3A : i32 to index
    %get3A_1 = memref.load %arg2[%get3A] : memref<32xi32, #tpu.memory_space<smem>>
    %c0_i32 = arith.constant 0 : i32
    %c0_i32_2 = arith.constant 0 : i32
    %c0_i32_3 = arith.constant 0 : i32
    %c0_i32_4 = arith.constant 0 : i32
    return %arg0, %c0_i32, %get3A_1, %c0_i32_2, %c0_i32_3 : i32, i32, i32, i32, i32
  }
  func.func @transform_1(%arg0: i32, %arg1: i32, %arg2: memref<32xi32, #tpu.memory_space<smem>>) -> (i32, i32) {
    %c0_i32 = arith.constant 0 : i32
    %c0_i32_0 = arith.constant 0 : i32
    %c0_i32_1 = arith.constant 0 : i32
    return %c0_i32, %c0_i32_0 : i32, i32
  }
  func.func @transform_2(%arg0: i32, %arg1: i32, %arg2: memref<32xi32, #tpu.memory_space<smem>>) -> i32 {
    %c0_i32 = arith.constant 0 : i32
    %c0_i32_0 = arith.constant 0 : i32
    return %c0_i32 : i32
  }
  func.func @transform_3(%arg0: i32, %arg1: i32, %arg2: memref<32xi32, #tpu.memory_space<smem>>) -> (i32, i32, i32, i32, i32) {
    %c0_i32 = arith.constant 0 : i32
    %c0_i32_0 = arith.constant 0 : i32
    %c0_i32_1 = arith.constant 0 : i32
    %c0_i32_2 = arith.constant 0 : i32
    return %arg0, %c0_i32, %arg1, %c0_i32_0, %c0_i32_1 : i32, i32, i32, i32, i32
  }
}

</mosaic_0001>

<sc_bundles>
// kernel: kernel.6.cloned.1.call-start
scs
__scs_entry_jumppad:
0x0: {  	(pc) =	sbr.rel $0x88, $3  }
0x1: {  	(tag) =	ssettag $0x0;
	lr =	simm.s32 $0x1  }
0x2: {  	[smem:$0x3F9A] =	sst lr;
	_ =	strace $0xD0000000  }
0x3: {  	_ = 	snop  }
0x4: {  	_ = 	snop  }
0x5: {  	_ = 	snop  }
0x6: {  	_ = 	snop  }
0x7: {  	_ = 	snop  }
__scs_overlays_trampoline_lowered:
0x8: {  	[smem:$0x3FA9] =	sst s0  }
0x9: {  	[smem:$0x3FAA] =	sst s1  }
0xa: {  	[smem:$0x3FAB] =	sst s2  }
0xb: {  	[smem:$0x3FAC] =	sst s3  }
0xc: {  	[smem:$0x3FAD] =	sst s4  }
0xd: {  	[smem:$0x3FAE] =	sst s5  }
0xe: {  	[smem:$0x3FAF] =	sst s6  }
0xf: {  	[smem:$0x3FB0] =	sst s7  }
0x10: {  	[smem:$0x3FB1] =	sst s8  }
0x11: {  	[smem:$0x3FB2] =	sst s9;
	s0 =	simm.s32 @!p0 $0x0  }
0x12: {  	s1 =	sld [smem:$0x3F98];
	s0 =	simm.s32 @p0 $0x1  }
0x13: {  	[smem:$0x3FB3] =	sst s0;
	s0 =	simm.s32 @!p1 $0x0  }
0x14: {  	s2 =	sld [smem:$0x3F97];
	s0 =	simm.s32 @p1 $0x1  }
0x15: {  	[smem:$0x3FB4] =	sst s0;
	s0 =	simm.s32 @!p2 $0x0  }
0x16: {  	s3 =	sld [smem:$0x3FDB];
	s0 =	simm.s32 @p2 $0x1  }
0x17: {  	s4 =	simm.s32 $0x1BF5;
	[smem:$0x3FB6] =	sst s0  }
0x18: {  	s0 =	sld [smem:$0x3F99];
	_ =	swait.ge [sflag:s4], $0x0  }
0x19: {  	s7 =	sld [smem:$0x3F9A]  }
0x1a: {  	s8 =	sadd.s32 $0xFFFFE003, lr  }
0x1b: {  	s9 =	sadd.s32 $0xFFFFFEF7, lr;
	s5 =	simm.s32 $0xFFFFFFFF;
	p2 =	slt.u32 s8, $0xFFFFF086  }
0x1c: {  	p1 =	slt.u32 s9, $0xF7A;
	s5 =	simm.s32 @!p2 $0x0  }
0x1d: {  	s5 =	simm.s32 @p1 $0x1;
	p0 =	seq.s32 s7, s2  }
0x1e: {  	s7 =	smul.u32 @!p0 $0xF7A, s2;
	p2 =	seq.s32 @!p0 s5, $0x0  }
0x1f: {  	s9 =	smul.u32 $0xF7A, s1;
	s8 =	simm.s32 @!p0 $0x1BF5;
	p2 =	por !p2, p0  }
0x20: {  	[sflag:s8] =	ssyncset.s32 @!p0 $0xFFFFF086;
	s6 =	sadd.s32 @!p0 s3, s7;
	s7 =	simm.s32 @!p0 $0x108  }
0x21: {  	s3 =	sadd.s32 s3, s9;
	s6 =	sadd.s32 @!p0 $0x88, s6;
	s7 =	simm.s32 @p2 $0x1082  }
0x22: {  	[simem:s7], [sflag:s8] =	dma.local @!p0 [hbm:s6], $0xF7A  }
0x23: {  	s9 =	sor.u32 $0xD0000000, s2;
	s6 =	simm.s32 $0x108;
	_ =	swait.ge @!p0 [sflag:s8], $0x0  }
0x24: {  	s3 =	sadd.s32 $0x88, s3;
	s6 =	simm.s32 @!p1 $0x1082;
	[sflag:s4] =	ssyncset.s32 $0xFFFFF086  }
0x25: {  	[simem:s6], [sflag:s4] =	dma.local [hbm:s3], $0xF7A  }
0x26: {  	[smem:$0x3F9A] =	sst s1;
	(tag) =	ssettag s2;
	_ =	strace s9  }
0x27: {  	s1 =	sld [smem:$0x3FAA]  }
0x28: {  	s2 =	sld [smem:$0x3FAB]  }
0x29: {  	s4 =	sld [smem:$0x3FAD]  }
0x2a: {  	p0 =	seq.s32 s5, $0x0;
	s5 =	sld [smem:$0x3FAE]  }
0x2b: {  	s6 =	sld [smem:$0x3FAF]  }
0x2c: {  	s7 =	sld [smem:$0x3FB0]  }
0x2d: {  	s3 =	simm.s32 $0x108;
	s8 =	sld [smem:$0x3FB1]  }
0x2e: {  	s3 =	simm.s32 @!p0 $0x1082;
	s9 =	sld [smem:$0x3FB2]  }
0x2f: {  	lr =	sadd.s32 s0, s3;
	s0 =	sld [smem:$0x3FA9]  }
0x30: {  	s3 =	sld [smem:$0x3FAC]  }
0x31: {  	[smem:$0x3FB5] =	sst s10  }
0x32: {  	s10 =	sld [smem:$0x3FB3];
	_ =	sdelay $0x3  }
0x33: {  	p0 =	seq.s32 s10, $0x1;
	s10 =	sld [smem:$0x3FB5];
	_ =	sdelay $0x3  }
0x34: {  	[smem:$0x3FB5] =	sst s10  }
0x35: {  	s10 =	sld [smem:$0x3FB4];
	_ =	sdelay $0x3  }
0x36: {  	p1 =	seq.s32 s10, $0x1;
	s10 =	sld [smem:$0x3FB5];
	_ =	sdelay $0x3  }
0x37: {  	[smem:$0x3FB5] =	sst s10  }
0x38: {  	s10 =	sld [smem:$0x3FB6]  }
0x39: {  	_ = 	snop;
	(pc) =	sbr.ind lr, $3  }
0x3a: {  	_ = 	snop  }
0x3b: {  	_ = 	snop  }
0x3c: {  	p2 =	seq.s32 s10, $0x1;
	s10 =	sld [smem:$0x3FB5]  }
0x3d: {  	_ =	shalt  }
0x3e: {  	_ =	shalt  }
0x3f: {  	_ =	shalt  }
0x40: {  	_ =	shalt  }
0x41: {  	_ =	shalt  }
0x42: {  	_ =	shalt  }
0x43: {  	_ =	shalt  }
0x44: {  	_ =	shalt  }
0x45: {  	_ =	shalt  }
0x46: {  	_ =	shalt  }
0x47: {  	_ =	shalt  }
0x48: {  	_ =	shalt  }
0x49: {  	_ =	shalt  }
0x4a: {  	_ =	shalt  }
0x4b: {  	_ =	shalt  }
0x4c: {  	_ =	shalt  }
0x4d: {  	_ =	shalt  }
0x4e: {  	_ =	shalt  }
0x4f: {  	_ =	shalt  }
0x50: {  	_ =	shalt  }
0x51: {  	_ =	shalt  }
0x52: {  	_ =	shalt  }
0x53: {  	_ =	shalt  }
0x54: {  	_ =	shalt  }
0x55: {  	_ =	shalt  }
0x56: {  	_ =	shalt  }
0x57: {  	_ =	shalt  }
0x58: {  	_ =	shalt  }
0x59: {  	_ =	shalt  }
0x5a: {  	_ =	shalt  }
0x5b: {  	_ =	shalt  }
0x5c: {  	_ =	shalt  }
0x5d: {  	_ =	shalt  }
0x5e: {  	_ =	shalt  }
0x5f: {  	_ =	shalt  }
0x60: {  	_ =	shalt  }
0x61: {  	_ =	shalt  }
0x62: {  	_ =	shalt  }
0x63: {  	_ =	shalt  }
0x64: {  	_ =	shalt  }
0x65: {  	_ =	shalt  }
0x66: {  	_ =	shalt  }
0x67: {  	_ =	shalt  }
0x68: {  	_ =	shalt  }
0x69: {  	_ =	shalt  }
0x6a: {  	_ =	shalt  }
0x6b: {  	_ =	shalt  }
0x6c: {  	_ =	shalt  }
0x6d: {  	_ =	shalt  }
0x6e: {  	_ =	shalt  }
0x6f: {  	_ =	shalt  }
0x70: {  	_ =	shalt  }
0x71: {  	_ =	shalt  }
0x72: {  	_ =	shalt  }
0x73: {  	_ =	shalt  }
0x74: {  	_ =	shalt  }
0x75: {  	_ =	shalt  }
0x76: {  	_ =	shalt  }
0x77: {  	_ =	shalt  }
0x78: {  	_ =	shalt  }
0x79: {  	_ =	shalt  }
0x7a: {  	_ =	shalt  }
0x7b: {  	_ =	shalt  }
0x7c: {  	_ =	shalt  }
0x7d: {  	_ =	shalt  }
0x7e: {  	_ =	shalt  }
0x7f: {  	_ =	shalt  }
0x80: {  	_ =	shalt  }
0x81: {  	_ =	shalt  }
0x82: {  	_ =	shalt  }
0x83: {  	_ =	shalt  }
0x84: {  	_ =	shalt  }
0x85: {  	_ =	shalt  }
0x86: {  	_ =	shalt  }
0x87: {  	_ =	shalt  }
.Lfunc_end0:
.L_simem_size_0:
called_computation_lowered:
.L_overlay_start_0:
0x88: {  	s2 =	sld [smem:$0x3FD9]  }
0x89: {  	s3 =	sld [smem:$0x3FFE];
	_ =	sdelay $0x1  }
0x8a: {  	s1 =	srdreg.scid  }
0x8b: {  	s0 =	sand.u32 $0x1, s1  }
0x8c: {  	s17 =	sshll.u32 s0, $0xA;
	s2 =	sadd.s32 s3, s2  }
0x8d: {  	s2 =	sadd.s32 s2, s17  }
0x8e: {  	[smem:$0x3FC1] =	sst s2  }
0x8f: {  	_ = 	snop  }
0x90: {  	s2 =	sld [smem:$0x3FD0];
	(tm) =	ssettm $0x1  }
0x91: {  	s18 =	sld [smem:$0x3FFB];
	_ =	sdelay $0x3  }
0x92: {  	_ =	strace s18  }
0x93: {  	s3 =	sld [smem:$0x3FFC];
	_ =	sdelay $0x3  }
0x94: {  	_ =	strace s3  }
0x95: {  	s3 =	sld [smem:$0x3FFD];
	_ =	sdelay $0x3  }
0x96: {  	_ =	strace s3  }
0x97: {  	_ =	strace $0x8FFFFFFF  }
0x98: {  	s19 =	sld [smem:$0x3FDB];
	_ =	sdelay $0x1  }
0x99: {  	s4 =	simm.s32 $_scs_section_size  }
0x9a: {  	s5 =	simm.s32 $_size__tile_overlayer_lowered;
	s6 =	simm.s32 $_tile_overlayer_lowered  }
0x9b: {  	s22 =	simm.s32 $0x1BFF;
	s21 =	sshll.u32 s6, $0x1;
	s3 =	sadd.s32 s4, s19  }
0x9c: {  	s7 =	simm.s32 $0x0;
	s20 =	sshll.u32 s5, $0x1;
	s5 =	sadd.s32 s21, s3  }
0x9d: {  	[timem:s7], [sflag:s22] =	dma.local [hbm:s5], s20  }
0x9e: {  	_ =	swait.ge [sflag:s22], s20  }
0x9f: {  	s4 =	ssub.s32 $0x0, s20;
	[sflag:s22] =	ssyncset.done $0x0  }
0xa0: {  	[sflag:s22] =	ssyncadd.s32 s4;
	_ =	sdelay $0x1  }
0xa1: {  	s23 =	simm.s32 $0x1B8B  }
0xa2: {  	_ =	swait.ge [sflag:s23], $0x1  }
0xa3: {  	[sflag:s23] =	ssyncset.done $0x0  }
0xa4: {  	s25 =	simm.s32 $0x1B8E;
	s24 =	sld [smem:$0x3FFE];
	[sflag:s23] =	ssyncadd.s32 $0xFFFFFFFF  }
0xa5: {  	s26 =	simm.s32 $execute0_lowered;
	[smem:$0x3FD2] =	sst s25  }
0xa6: {  	s5 =	sshll.u32 s26, $0x1;
	_ =	strace $0x80000046;
	[dreg:$0x1] =	wrdreg $0xFFFFFFFF  }
0xa7: {  	s28 =	simm.s32 $_size_execute0_lowered;
	s3 =	sadd.s32 s3, s5;
	[dreg:$0x0] =	wrdreg $0x0  }
0xa8: {  	s5 =	sshll.u32 s28, $0x1;
	[dreg:$0x2] =	wrdreg s3  }
0xa9: {  	[dreg:$0x3] =	wrdreg s5  }
0xaa: {  	[dreg:$0x4] =	wrdreg $0xC0  }
0xab: {  	_ =	task [dreg:s7], $0x5FFFF  }
0xac: {  	[dreg:$0x1] =	wrdreg $0xFFFFFFFF  }
0xad: {  	[dreg:$0x0] =	wrdreg $0x60  }
0xae: {  	[dreg:$0x2] =	wrdreg s2  }
0xaf: {  	[dreg:$0x3] =	wrdreg s24  }
0xb0: {  	[dreg:$0x4] =	wrdreg $0x9  }
0xb1: {  	_ =	task.clear_ibuf [dreg:s7], $0x5FFFF;
	_ =	strace $0x90000046  }
0xb2: {  	s29 =	simm.s32 $0x9;
	_ =	strace $0x80000048  }
0xb3: {  	_ =	swait.ge [sflag:s29], $0x1  }
0xb4: {  	[sflag:s29] =	ssyncadd.s32 $0xFFFFFFFF  }
0xb5: {  	_ =	strace $0x90000048  }
0xb6: {  	_ =	sfence  }
0xb7: {  	s30 =	sld [smem:$0x0];
	_ =	sdelay $0x2  }
0xb8: {  	s31 =	sshll.u32 s1, $0xD;
	s1 =	sshrl.u32 s1, $0x2  }
0xb9: {  	s3 =	sand.u32 $0x4000, s31;
	s1 =	sadd.s32 s1, s30  }
0xba: {  	s0 =	sor.u32 s3, s0;
	s1 =	sshll.u32 s1, $0x11  }
0xbb: {  	s0 =	sor.u32 s1, s0  }
0xbc: {  	s0 =	sadd.s32 $0x8F2B, s0  }
0xbd: {  	[sflag:s0] =	ssyncadd.remote.s32 $0x1  }
0xbe: {  	_ =	sfence.sel $0xFFFF  }
0xbf: {  	[dreg:$0x0] =	wrdreg $0xFFFFFFFF;
	(pc) =	sbr.abs _section_cstart, $3  }
0xc0: {  	[dreg:$0x1] =	wrdreg $0xFFFFFFFF  }
0xc1: {  	_ =	task.clear_ibuf [dreg:s7], $0x2FFFF;
	_ =	strace $0x9FFFFFFF  }
0xc2: {  	(tm) =	ssettm $0x7FFFFFFF  }
0xc3: {  	_ =	shalt  }
tec
execute0_lowered:
.L_overlay_start_1:
0x0: {  	(tag) =	ssettag $0x1  }
0x1: {  	v0 =	vimm.s32 $0xFEDCBA98;
	v1 =	vimm.s32 $0x76543210  }
0x2: {  	v2 =	vimm.s32 $0xBA98FEDC;
	v3 =	vimm.s32 $0x32107654;
	v4 =	vimm.s32 $0xDCFE98BA  }
0x3: {  	v5 =	vimm.s32 $0x54761032;
	v6 =	vimm.s32 $0xEFCDAB89;
	v7 =	vimm.s32 $0x67452301  }
0x4: {  	s0 =	rddreg [dreg:$0x0];
	vm0 =	vmmov $0x1;
	vm1 =	vcmask $0x310;
	vm2 =	vcmask $0x710  }
0x5: {  	s3 =	rddreg [dreg:$0x1];
	s4 =	srdreg.scid;
	vm3 =	vcmask $0xB10;
	vm4 =	vcmask $0xF20;
	vm5 =	vcmask $0x1320  }
0x6: {  	s1 =	rddreg [dreg:$0x2];
	s2 =	simm.s32 $0x0;
	s8 =	simm.s32 $0x10;
	v0 =	vunpack.c.l.s4.s8 v0;
	v1 =	vunpack.c.l.s4.s8 v1;
	v2 =	vunpack.c.l.s4.s8 v2  }
0x7: {  	s10 =	simm.s32 $0x180;
	s11 =	simm.s32 $0x80;
	v3 =	vunpack.c.l.s4.s8 v3;
	v4 =	vunpack.c.l.s4.s8 v4;
	v5 =	vunpack.c.l.s4.s8 v5;
	s5 =	sand.u32 $0x1, s4  }
0x8: {  	v6 =	vunpack.c.l.s4.s8 v6;
	v7 =	vunpack.c.l.s4.s8 v7;
	[smem:$0x7FF] =	sst s2;
	s3 =	sadd.s32 $0xE00, s3;
	s4 =	stileid.u32;
	v0 =	vunpack.c.0.s8.s32 v0  }
0x9: {  	s6 =	ssub.s32 $0x2, s5;
	_ =	strace $0x80000047;
	p0 =	seq.s32 s5, $0x0;
	v2 =	vunpack.c.0.s8.s32 v2;
	v3 =	vunpack.c.0.s8.s32 v3;
	v4 =	vunpack.c.0.s8.s32 v4  }
0xa: {  	p1 =	seq.s32 s4, $0x1;
	s31 =	sadd.s32 $0xFFFFFFFF, s4;
	s9 =	sor.u32 s4, s5;
	v5 =	vunpack.c.0.s8.s32 v5;
	v6 =	vunpack.c.0.s8.s32 v6;
	v7 =	vunpack.c.0.s8.s32 v7  }
.Ltmp0:
0xb: {  	vm6 =	vcmask $0x1720;
	s7 =	sshrl.u32 s6, $0x1;
	v1 =	vunpack.c.0.s8.s32 v1;
	p2 =	slt.u32 s31, $0x3;
	v2 =	vcombine.low v3, v2;
	(pc) =	sbr.rel .LBB2_1-.Ltmp0, $4  }
0xc: {  	s8 =	simm.s32 @!p1 $0x20;
	p1 =	slt.u32 s31, $0x2;
	s6 =	ssub.s32 s6, s7;
	v0 =	vand.u32 $0xF, v0;
	v3 =	vcombine.low v5, v4;
	v4 =	vcombine.low v7, v6  }
0xd: {  	vm7 =	vcmask $0x1B20;
	p0 =	por !p0, !p2;
	s8 =	simm.s32 @!p1 $0x30;
	p1 =	sne.s32 s9, $0x0;
	v0 =	vcombine.low v0, v1;
	v1 =	vand.u32 $0xF, v2  }
0xe: {  	s9 =	simm.s32 $0x100;
	s5 =	smax.u32 s6, $0x1;
	p0 =	por !p0, !p0;
	v2 =	vand.u32 $0xF, v3;
	v3 =	vlaneseq.u32;
	v4 =	vand.u32 $0xF, v4  }
0xf: {  	s6 =	sadd.s32 s8, s3;
	s7 =	sadd.s32 s8, s0;
	s8 =	simm.s32 $0x1;
	v5 =	vor.u32 $0x30, v3;
	v6 =	vor.u32 $0x20, v3;
	v7 =	vor.u32 $0x10, v3  }
.LBB2_5:
0x10: {  	s5 =	sadd.s32 $0xFFFFFFFF, s5  }
0x11: {  	p2 =	sne.s32 s5, $0x0  }
.Ltmp1:
0x12: {  	_ = 	snop;
	(pc) =	sbr.rel @!p2 .LBB2_6-.Ltmp1, $1  }
0x13: {  	_ =	sdelay $0x3  }
.LBB2_1:
.Ltmp2:
0x14: {  	(pc) =	sbr.rel @p1 .LBB2_3-.Ltmp2, $1  }
0x15: {  	_ =	sdelay $0x3  }
0x16: {  	[tilespmem:s2], [sflag:$0x1] =	stream.linear.gather [hbm4b:s0+s2], $0x80, $0x38;
	[tilespmem:$0x200] =	vst v63  }
0x17: {  	_ =	swait.ge [sflag:s8], $0x80  }
0x18: {  	[sflag:s8] =	ssyncset.done $0x0  }
0x19: {  	[sflag:s8] =	ssyncadd.s32 $0xFFFFFF80  }
0x1a: {  	v9 =	vld [tilespmem:$0x0]  }
0x1b: {  	v10 =	vld [tilespmem:$0x10]  }
0x1c: {  	v11 =	vld [tilespmem:$0x20]  }
0x1d: {  	v12 =	vld [tilespmem:$0x30];
	_ =	sdelay $0x4  }
0x1e: {  	v8 =	vmax.f32 v9, v10;
	v13 =	vmax.f32 v11, v12  }
0x1f: {  	v8 =	vmax.f32 v8, v13  }
0x20: {  	[tilespmem:$0x100] =	vst v8  }
0x21: {  	v60 =	vld.idx.msk [tilespmem:v0+s9+$0x0], $0xffff;
	_ =	sdelay $0x4  }
0x22: {  	v8 =	vmax.f32 v8, v60  }
0x23: {  	[tilespmem:$0x100] =	vst v8  }
0x24: {  	v61 =	vld.idx.msk [tilespmem:v1+s9+$0x0], $0xffff;
	_ =	sdelay $0x4  }
0x25: {  	v8 =	vmax.f32 v8, v61  }
0x26: {  	[tilespmem:$0x100] =	vst v8  }
0x27: {  	v62 =	vld.idx.msk [tilespmem:v2+s9+$0x0], $0xffff;
	_ =	sdelay $0x4  }
0x28: {  	v8 =	vmax.f32 v8, v62  }
0x29: {  	[tilespmem:$0x100] =	vst v8  }
0x2a: {  	v63 =	vld.idx.msk [tilespmem:v4+s9+$0x0], $0xffff;
	_ =	sdelay $0x4  }
0x2b: {  	v8 =	vmax.f32 v8, v63  }
0x2c: {  	vm8 =	veq.f32 v12, v8  }
0x2d: {  	vm9 =	veq.f32 v11, v8;
	v16 =	vnsel vm8, $0x100, v5  }
0x2e: {  	vm8 =	veq.f32 v10, v8;
	v13 =	vsel vm9, v6, v16  }
0x2f: {  	vm12 =	veq.f32 v9, v8;
	v8 =	vsel vm8, v7, v13  }
0x30: {  	v8 =	vsel vm12, v3, v8  }
0x31: {  	[tilespmem:$0x180] =	vst v8  }
0x32: {  	v17 =	vld.idx.msk [tilespmem:v0+s10+$0x0], $0xffff;
	_ =	sdelay $0x4  }
0x33: {  	vm8 =	vlt.s32 v8, v17  }
0x34: {  	v8 =	vsel vm8, v8, v17  }
0x35: {  	[tilespmem:$0x180] =	vst v8  }
0x36: {  	v18 =	vld.idx.msk [tilespmem:v1+s10+$0x0], $0xffff;
	_ =	sdelay $0x4  }
0x37: {  	vm8 =	vlt.s32 v8, v18  }
0x38: {  	v8 =	vsel vm8, v8, v18  }
0x39: {  	[tilespmem:$0x180] =	vst v8  }
0x3a: {  	v19 =	vld.idx.msk [tilespmem:v2+s10+$0x0], $0xffff;
	_ =	sdelay $0x4  }
0x3b: {  	vm8 =	vlt.s32 v8, v19  }
0x3c: {  	v8 =	vsel vm8, v8, v19  }
0x3d: {  	[tilespmem:$0x180] =	vst v8  }
0x3e: {  	v20 =	vld.idx.msk [tilespmem:v4+s10+$0x0], $0xffff;
	_ =	sdelay $0x4  }
0x3f: {  	vm8 =	vlt.s32 v8, v20  }
0x40: {  	v8 =	vsel vm8, v8, v20  }
0x41: {  	vm8 =	veq.s32 v8, v3;
	vm13 =	veq.s32 v8, v6  }
0x42: {  	vm10 =	veq.s32 v8, v5;
	v9 =	vsel vm8, $0xFF800000, v9;
	vm8 =	veq.s32 v8, v7  }
0x43: {  	v11 =	vsel vm13, $0xFF800000, v11;
	v12 =	vsel vm10, $0xFF800000, v12;
	v10 =	vsel vm8, $0xFF800000, v10  }
0x44: {  	v14 =	vmax.f32 v11, v12;
	v21 =	vmax.f32 v9, v10  }
0x45: {  	v13 =	vmax.f32 v21, v14  }
0x46: {  	[tilespmem:$0x100] =	vst v13  }
0x47: {  	v22 =	vld.idx.msk [tilespmem:v0+s9+$0x0], $0xffff;
	_ =	sdelay $0x4  }
0x48: {  	v13 =	vmax.f32 v13, v22  }
0x49: {  	[tilespmem:$0x100] =	vst v13  }
0x4a: {  	v23 =	vld.idx.msk [tilespmem:v1+s9+$0x0], $0xffff;
	_ =	sdelay $0x4  }
0x4b: {  	v13 =	vmax.f32 v13, v23  }
0x4c: {  	[tilespmem:$0x100] =	vst v13  }
0x4d: {  	v24 =	vld.idx.msk [tilespmem:v2+s9+$0x0], $0xffff;
	_ =	sdelay $0x4  }
0x4e: {  	v13 =	vmax.f32 v13, v24  }
0x4f: {  	[tilespmem:$0x100] =	vst v13  }
0x50: {  	v25 =	vld.idx.msk [tilespmem:v4+s9+$0x0], $0xffff;
	_ =	sdelay $0x4  }
0x51: {  	v13 =	vmax.f32 v13, v25  }
0x52: {  	vm8 =	veq.f32 v12, v13  }
0x53: {  	vm9 =	veq.f32 v11, v13;
	v26 =	vnsel vm8, $0x100, v5  }
0x54: {  	vm8 =	veq.f32 v10, v13;
	v14 =	vsel vm9, v6, v26  }
0x55: {  	vm14 =	veq.f32 v9, v13;
	v27 =	vsel vm8, v7, v14  }
0x56: {  	v13 =	vsel vm14, v3, v27  }
0x57: {  	[tilespmem:$0x180] =	vst v13  }
0x58: {  	v28 =	vld.idx.msk [tilespmem:v0+s10+$0x0], $0xffff;
	_ =	sdelay $0x4  }
0x59: {  	vm8 =	vlt.s32 v13, v28  }
0x5a: {  	v13 =	vsel vm8, v13, v28  }
0x5b: {  	[tilespmem:$0x180] =	vst v13  }
0x5c: {  	v29 =	vld.idx.msk [tilespmem:v1+s10+$0x0], $0xffff;
	_ =	sdelay $0x4  }
0x5d: {  	vm8 =	vlt.s32 v13, v29  }
0x5e: {  	v13 =	vsel vm8, v13, v29  }
0x5f: {  	[tilespmem:$0x180] =	vst v13  }
0x60: {  	v30 =	vld.idx.msk [tilespmem:v2+s10+$0x0], $0xffff;
	_ =	sdelay $0x4  }
0x61: {  	vm8 =	vlt.s32 v13, v30  }
0x62: {  	v13 =	vsel vm8, v13, v30  }
0x63: {  	[tilespmem:$0x180] =	vst v13  }
0x64: {  	v31 =	vld.idx.msk [tilespmem:v4+s10+$0x0], $0xffff;
	_ =	sdelay $0x4  }
0x65: {  	vm8 =	vlt.s32 v13, v31  }
0x66: {  	v13 =	vsel vm8, v13, v31  }
0x67: {  	vm8 =	veq.s32 v13, v3;
	vm15 =	veq.s32 v13, v6  }
0x68: {  	vm12 =	veq.s32 v13, v5;
	v9 =	vsel vm8, $0xFF800000, v9;
	vm8 =	veq.s32 v13, v7  }
0x69: {  	v11 =	vsel vm15, $0xFF800000, v11;
	v12 =	vsel vm12, $0xFF800000, v12;
	v10 =	vsel vm8, $0xFF800000, v10  }
0x6a: {  	v15 =	vmax.f32 v11, v12;
	v32 =	vmax.f32 v9, v10  }
0x6b: {  	v14 =	vmax.f32 v32, v15  }
0x6c: {  	[tilespmem:$0x100] =	vst v14  }
0x6d: {  	v33 =	vld.idx.msk [tilespmem:v0+s9+$0x0], $0xffff;
	_ =	sdelay $0x4  }
0x6e: {  	v14 =	vmax.f32 v14, v33  }
0x6f: {  	[tilespmem:$0x100] =	vst v14  }
0x70: {  	v34 =	vld.idx.msk [tilespmem:v1+s9+$0x0], $0xffff;
	_ =	sdelay $0x4  }
0x71: {  	v14 =	vmax.f32 v14, v34  }
0x72: {  	[tilespmem:$0x100] =	vst v14  }
0x73: {  	v35 =	vld.idx.msk [tilespmem:v2+s9+$0x0], $0xffff;
	_ =	sdelay $0x4  }
0x74: {  	v14 =	vmax.f32 v14, v35  }
0x75: {  	[tilespmem:$0x100] =	vst v14  }
0x76: {  	v36 =	vld.idx.msk [tilespmem:v4+s9+$0x0], $0xffff;
	_ =	sdelay $0x4  }
0x77: {  	v14 =	vmax.f32 v14, v36  }
0x78: {  	vm8 =	veq.f32 v12, v14  }
0x79: {  	vm9 =	veq.f32 v11, v14;
	v37 =	vnsel vm8, $0x100, v5  }
0x7a: {  	vm8 =	veq.f32 v10, v14;
	v15 =	vsel vm9, v6, v37  }
0x7b: {  	vm13 =	veq.f32 v9, v14;
	v38 =	vsel vm8, v7, v15  }
0x7c: {  	v14 =	vsel vm13, v3, v38  }
0x7d: {  	[tilespmem:$0x180] =	vst v14  }
0x7e: {  	v39 =	vld.idx.msk [tilespmem:v0+s10+$0x0], $0xffff;
	_ =	sdelay $0x4  }
0x7f: {  	vm8 =	vlt.s32 v14, v39  }
0x80: {  	v14 =	vsel vm8, v14, v39  }
0x81: {  	[tilespmem:$0x180] =	vst v14  }
0x82: {  	v40 =	vld.idx.msk [tilespmem:v1+s10+$0x0], $0xffff;
	_ =	sdelay $0x4  }
0x83: {  	vm8 =	vlt.s32 v14, v40  }
0x84: {  	v14 =	vsel vm8, v14, v40  }
0x85: {  	[tilespmem:$0x180] =	vst v14  }
0x86: {  	v41 =	vld.idx.msk [tilespmem:v2+s10+$0x0], $0xffff;
	_ =	sdelay $0x4  }
0x87: {  	vm8 =	vlt.s32 v14, v41  }
0x88: {  	v14 =	vsel vm8, v14, v41  }
0x89: {  	[tilespmem:$0x180] =	vst v14  }
0x8a: {  	v42 =	vld.idx.msk [tilespmem:v4+s10+$0x0], $0xffff;
	_ =	sdelay $0x4  }
0x8b: {  	vm8 =	vlt.s32 v14, v42  }
0x8c: {  	v14 =	vsel vm8, v14, v42  }
0x8d: {  	vm8 =	veq.s32 v14, v3;
	vm14 =	veq.s32 v14, v6  }
0x8e: {  	vm15 =	veq.s32 v14, v5;
	v9 =	vsel vm8, $0xFF800000, v9;
	vm8 =	veq.s32 v14, v7  }
0x8f: {  	v11 =	vsel vm14, $0xFF800000, v11;
	v12 =	vsel vm15, $0xFF800000, v12;
	v10 =	vsel vm8, $0xFF800000, v10  }
0x90: {  	v16 =	vmax.f32 v11, v12;
	v43 =	vmax.f32 v9, v10  }
0x91: {  	v15 =	vmax.f32 v43, v16  }
0x92: {  	[tilespmem:$0x100] =	vst v15  }
0x93: {  	v44 =	vld.idx.msk [tilespmem:v0+s9+$0x0], $0xffff;
	_ =	sdelay $0x4  }
0x94: {  	v15 =	vmax.f32 v15, v44  }
0x95: {  	[tilespmem:$0x100] =	vst v15  }
0x96: {  	v45 =	vld.idx.msk [tilespmem:v1+s9+$0x0], $0xffff;
	_ =	sdelay $0x4  }
0x97: {  	v15 =	vmax.f32 v15, v45  }
0x98: {  	[tilespmem:$0x100] =	vst v15  }
0x99: {  	v46 =	vld.idx.msk [tilespmem:v2+s9+$0x0], $0xffff;
	_ =	sdelay $0x4  }
0x9a: {  	v15 =	vmax.f32 v15, v46  }
0x9b: {  	[tilespmem:$0x100] =	vst v15  }
0x9c: {  	v47 =	vld.idx.msk [tilespmem:v4+s9+$0x0], $0xffff;
	_ =	sdelay $0x4  }
0x9d: {  	v15 =	vmax.f32 v15, v47  }
0x9e: {  	vm8 =	veq.f32 v12, v15  }
0x9f: {  	vm9 =	veq.f32 v11, v15;
	v48 =	vnsel vm8, $0x100, v5  }
0xa0: {  	vm8 =	veq.f32 v10, v15;
	v49 =	vsel vm9, v6, v48  }
0xa1: {  	vm12 =	veq.f32 v9, v15;
	v50 =	vsel vm8, v7, v49  }
0xa2: {  	v9 =	vsel vm12, v3, v50  }
0xa3: {  	[tilespmem:$0x180] =	vst v9  }
0xa4: {  	v51 =	vld.idx.msk [tilespmem:v0+s10+$0x0], $0xffff;
	_ =	sdelay $0x4  }
0xa5: {  	vm8 =	vlt.s32 v9, v51  }
0xa6: {  	v9 =	vsel vm8, v9, v51  }
0xa7: {  	[tilespmem:$0x180] =	vst v9  }
0xa8: {  	v52 =	vld.idx.msk [tilespmem:v1+s10+$0x0], $0xffff;
	_ =	sdelay $0x4  }
0xa9: {  	vm8 =	vlt.s32 v9, v52  }
0xaa: {  	v9 =	vsel vm8, v9, v52  }
0xab: {  	[tilespmem:$0x180] =	vst v9  }
0xac: {  	v53 =	vld.idx.msk [tilespmem:v2+s10+$0x0], $0xffff;
	_ =	sdelay $0x2  }
0xad: {  	v55 =	vld [tilespmem:$0x0]  }
0xae: {  	v56 =	vld [tilespmem:$0x10]  }
0xaf: {  	v57 =	vld [tilespmem:$0x20];
	vm8 =	vlt.s32 v9, v53  }
0xb0: {  	v58 =	vld [tilespmem:$0x30];
	v9 =	vsel vm8, v9, v53  }
0xb1: {  	[tilespmem:$0x180] =	vst v9  }
0xb2: {  	v54 =	vld.idx.msk [tilespmem:v4+s10+$0x0], $0xffff;
	_ =	sdelay $0x2  }
0xb3: {  	v59 =	vmin.f32 v55, v56;
	v17 =	vmin.f32 v57, v58  }
0xb4: {  	v60 =	vmin.f32 v59, v17;
	v8 =	vnsel vm0, $0x0, v8  }
0xb5: {  	v61 =	vsub.f32 $0.0e+00, v60;
	v8 =	vsel vm1, v8, v13;
	vm8 =	vlt.s32 v9, v54  }
0xb6: {  	v8 =	vsel vm2, v8, v14;
	v9 =	vsel vm8, v9, v54  }
0xb7: {  	[tilespmem:$0x100] =	vst v61;
	v8 =	vsel vm3, v8, v9  }
0xb8: {  	[tilespmem:$0x80] =	vst v8  }
0xb9: {  	v62 =	vld.idx.msk [tilespmem:v0+s9+$0x0], $0xffff;
	_ =	sdelay $0x4  }
0xba: {  	v9 =	vmax.f32 v61, v62  }
0xbb: {  	[tilespmem:$0x100] =	vst v9  }
0xbc: {  	v63 =	vld.idx.msk [tilespmem:v1+s9+$0x0], $0xffff;
	_ =	sdelay $0x4  }
0xbd: {  	v9 =	vmax.f32 v9, v63  }
0xbe: {  	[tilespmem:$0x100] =	vst v9  }
0xbf: {  	v13 =	vld.idx.msk [tilespmem:v2+s9+$0x0], $0xffff;
	_ =	sdelay $0x4  }
0xc0: {  	v9 =	vmax.f32 v9, v13  }
0xc1: {  	[tilespmem:$0x100] =	vst v9  }
0xc2: {  	v14 =	vld.idx.msk [tilespmem:v4+s9+$0x0], $0xffff;
	_ =	sdelay $0x4  }
0xc3: {  	v9 =	vmax.f32 v9, v14  }
0xc4: {  	v9 =	vsub.f32 $0.0e+00, v9;
	_ =	sdelay $0x1  }
0xc5: {  	vm8 =	veq.f32 v58, v9  }
0xc6: {  	vm13 =	veq.f32 v57, v9;
	v17 =	vnsel vm8, $0x100, v5  }
0xc7: {  	vm8 =	veq.f32 v56, v9;
	v10 =	vsel vm13, v6, v17  }
0xc8: {  	vm14 =	veq.f32 v55, v9;
	v18 =	vsel vm8, v7, v10  }
0xc9: {  	v9 =	vsel vm14, v3, v18  }
0xca: {  	[tilespmem:$0x180] =	vst v9  }
0xcb: {  	v19 =	vld.idx.msk [tilespmem:v0+s10+$0x0], $0xffff;
	_ =	sdelay $0x4  }
0xcc: {  	vm8 =	vlt.s32 v9, v19  }
0xcd: {  	v9 =	vsel vm8, v9, v19  }
0xce: {  	[tilespmem:$0x180] =	vst v9  }
0xcf: {  	v20 =	vld.idx.msk [tilespmem:v1+s10+$0x0], $0xffff;
	_ =	sdelay $0x4  }
0xd0: {  	vm8 =	vlt.s32 v9, v20  }
0xd1: {  	v9 =	vsel vm8, v9, v20  }
0xd2: {  	[tilespmem:$0x180] =	vst v9  }
0xd3: {  	v21 =	vld.idx.msk [tilespmem:v2+s10+$0x0], $0xffff;
	_ =	sdelay $0x4  }
0xd4: {  	vm8 =	vlt.s32 v9, v21  }
0xd5: {  	v9 =	vsel vm8, v9, v21  }
0xd6: {  	[tilespmem:$0x180] =	vst v9  }
0xd7: {  	v22 =	vld.idx.msk [tilespmem:v4+s10+$0x0], $0xffff;
	_ =	sdelay $0x4  }
0xd8: {  	vm8 =	vlt.s32 v9, v22  }
0xd9: {  	v9 =	vsel vm8, v9, v22  }
0xda: {  	vm8 =	veq.s32 v9, v3;
	vm15 =	veq.s32 v9, v6  }
0xdb: {  	vm12 =	veq.s32 v9, v5;
	v23 =	vsel vm8, $0x7F800000, v55;
	vm8 =	veq.s32 v9, v7  }
0xdc: {  	v25 =	vsel vm15, $0x7F800000, v57;
	v26 =	vsel vm12, $0x7F800000, v58;
	v24 =	vsel vm8, $0x7F800000, v56  }
0xdd: {  	v15 =	vmin.f32 v25, v26;
	v27 =	vmin.f32 v23, v24  }
0xde: {  	v14 =	vmin.f32 v27, v15  }
0xdf: {  	v14 =	vsub.f32 $0.0e+00, v14;
	_ =	sdelay $0x1  }
0xe0: {  	[tilespmem:$0x100] =	vst v14  }
0xe1: {  	v28 =	vld.idx.msk [tilespmem:v0+s9+$0x0], $0xffff;
	_ =	sdelay $0x4  }
0xe2: {  	v14 =	vmax.f32 v14, v28  }
0xe3: {  	[tilespmem:$0x100] =	vst v14  }
0xe4: {  	v29 =	vld.idx.msk [tilespmem:v1+s9+$0x0], $0xffff;
	_ =	sdelay $0x4  }
0xe5: {  	v14 =	vmax.f32 v14, v29  }
0xe6: {  	[tilespmem:$0x100] =	vst v14  }
0xe7: {  	v30 =	vld.idx.msk [tilespmem:v2+s9+$0x0], $0xffff;
	_ =	sdelay $0x4  }
0xe8: {  	v14 =	vmax.f32 v14, v30  }
0xe9: {  	[tilespmem:$0x100] =	vst v14  }
0xea: {  	v31 =	vld.idx.msk [tilespmem:v4+s9+$0x0], $0xffff;
	_ =	sdelay $0x4  }
0xeb: {  	v14 =	vmax.f32 v14, v31  }
0xec: {  	v14 =	vsub.f32 $0.0e+00, v14;
	_ =	sdelay $0x1  }
0xed: {  	vm8 =	veq.f32 v26, v14  }
0xee: {  	vm9 =	veq.f32 v25, v14;
	v32 =	vnsel vm8, $0x100, v5  }
0xef: {  	vm8 =	veq.f32 v24, v14;
	v15 =	vsel vm9, v6, v32  }
0xf0: {  	vm13 =	veq.f32 v23, v14;
	v33 =	vsel vm8, v7, v15  }
0xf1: {  	v14 =	vsel vm13, v3, v33  }
0xf2: {  	[tilespmem:$0x180] =	vst v14  }
0xf3: {  	v34 =	vld.idx.msk [tilespmem:v0+s10+$0x0], $0xffff;
	_ =	sdelay $0x4  }
0xf4: {  	vm8 =	vlt.s32 v14, v34  }
0xf5: {  	v14 =	vsel vm8, v14, v34  }
0xf6: {  	[tilespmem:$0x180] =	vst v14  }
0xf7: {  	v35 =	vld.idx.msk [tilespmem:v1+s10+$0x0], $0xffff;
	_ =	sdelay $0x4  }
0xf8: {  	vm8 =	vlt.s32 v14, v35  }
0xf9: {  	v14 =	vsel vm8, v14, v35  }
0xfa: {  	[tilespmem:$0x180] =	vst v14  }
0xfb: {  	v36 =	vld.idx.msk [tilespmem:v2+s10+$0x0], $0xffff;
	_ =	sdelay $0x4  }
0xfc: {  	vm8 =	vlt.s32 v14, v36  }
0xfd: {  	v14 =	vsel vm8, v14, v36  }
0xfe: {  	[tilespmem:$0x180] =	vst v14  }
0xff: {  	v37 =	vld.idx.msk [tilespmem:v4+s10+$0x0], $0xffff;
	_ =	sdelay $0x4  }
0x100: {  	vm8 =	vlt.s32 v14, v37  }
0x101: {  	v14 =	vsel vm8, v14, v37  }
0x102: {  	vm8 =	veq.s32 v14, v3;
	vm14 =	veq.s32 v14, v6  }
0x103: {  	vm15 =	veq.s32 v14, v5;
	v10 =	vsel vm8, $0x7F800000, v23;
	vm8 =	veq.s32 v14, v7  }
0x104: {  	v12 =	vsel vm14, $0x7F800000, v25;
	v13 =	vsel vm15, $0x7F800000, v26;
	v11 =	vsel vm8, $0x7F800000, v24  }
0x105: {  	v39 =	vmin.f32 v12, v13;
	v38 =	vmin.f32 v10, v11  }
0x106: {  	v15 =	vmin.f32 v38, v39  }
0x107: {  	v15 =	vsub.f32 $0.0e+00, v15;
	_ =	sdelay $0x1  }
0x108: {  	[tilespmem:$0x100] =	vst v15  }
0x109: {  	v40 =	vld.idx.msk [tilespmem:v0+s9+$0x0], $0xffff;
	_ =	sdelay $0x4  }
0x10a: {  	v15 =	vmax.f32 v15, v40  }
0x10b: {  	[tilespmem:$0x100] =	vst v15  }
0x10c: {  	v41 =	vld.idx.msk [tilespmem:v1+s9+$0x0], $0xffff;
	_ =	sdelay $0x4  }
0x10d: {  	v15 =	vmax.f32 v15, v41  }
0x10e: {  	[tilespmem:$0x100] =	vst v15  }
0x10f: {  	v42 =	vld.idx.msk [tilespmem:v2+s9+$0x0], $0xffff;
	_ =	sdelay $0x4  }
0x110: {  	v15 =	vmax.f32 v15, v42  }
0x111: {  	[tilespmem:$0x100] =	vst v15  }
0x112: {  	v43 =	vld.idx.msk [tilespmem:v4+s9+$0x0], $0xffff;
	_ =	sdelay $0x4  }
0x113: {  	v15 =	vmax.f32 v15, v43  }
0x114: {  	v15 =	vsub.f32 $0.0e+00, v15;
	_ =	sdelay $0x1  }
0x115: {  	vm8 =	veq.f32 v13, v15  }
0x116: {  	vm9 =	veq.f32 v12, v15;
	v44 =	vnsel vm8, $0x100, v5  }
0x117: {  	vm8 =	veq.f32 v11, v15;
	v16 =	vsel vm9, v6, v44  }
0x118: {  	vm12 =	veq.f32 v10, v15;
	v45 =	vsel vm8, v7, v16  }
0x119: {  	v15 =	vsel vm12, v3, v45  }
0x11a: {  	[tilespmem:$0x180] =	vst v15  }
0x11b: {  	v46 =	vld.idx.msk [tilespmem:v0+s10+$0x0], $0xffff;
	_ =	sdelay $0x4  }
0x11c: {  	vm8 =	vlt.s32 v15, v46  }
0x11d: {  	v15 =	vsel vm8, v15, v46  }
0x11e: {  	[tilespmem:$0x180] =	vst v15  }
0x11f: {  	v47 =	vld.idx.msk [tilespmem:v1+s10+$0x0], $0xffff;
	_ =	sdelay $0x4  }
0x120: {  	vm8 =	vlt.s32 v15, v47  }
0x121: {  	v15 =	vsel vm8, v15, v47  }
0x122: {  	[tilespmem:$0x180] =	vst v15  }
0x123: {  	v48 =	vld.idx.msk [tilespmem:v2+s10+$0x0], $0xffff;
	_ =	sdelay $0x4  }
0x124: {  	vm8 =	vlt.s32 v15, v48  }
0x125: {  	v15 =	vsel vm8, v15, v48  }
0x126: {  	[tilespmem:$0x180] =	vst v15  }
0x127: {  	v49 =	vld.idx.msk [tilespmem:v4+s10+$0x0], $0xffff;
	_ =	sdelay $0x4  }
0x128: {  	vm8 =	vlt.s32 v15, v49  }
0x129: {  	v15 =	vsel vm8, v15, v49  }
0x12a: {  	vm8 =	veq.s32 v15, v3;
	vm13 =	veq.s32 v15, v6  }
0x12b: {  	vm14 =	veq.s32 v15, v5;
	v10 =	vsel vm8, $0x7F800000, v10;
	vm8 =	veq.s32 v15, v7  }
0x12c: {  	v12 =	vsel vm13, $0x7F800000, v12;
	v13 =	vsel vm14, $0x7F800000, v13;
	v11 =	vsel vm8, $0x7F800000, v11  }
0x12d: {  	v51 =	vmin.f32 v12, v13;
	v50 =	vmin.f32 v10, v11  }
0x12e: {  	v16 =	vmin.f32 v50, v51  }
0x12f: {  	v16 =	vsub.f32 $0.0e+00, v16;
	_ =	sdelay $0x1  }
0x130: {  	[tilespmem:$0x100] =	vst v16  }
0x131: {  	v52 =	vld.idx.msk [tilespmem:v0+s9+$0x0], $0xffff;
	_ =	sdelay $0x4  }
0x132: {  	v16 =	vmax.f32 v16, v52  }
0x133: {  	[tilespmem:$0x100] =	vst v16  }
0x134: {  	v53 =	vld.idx.msk [tilespmem:v1+s9+$0x0], $0xffff;
	_ =	sdelay $0x4  }
0x135: {  	v16 =	vmax.f32 v16, v53  }
0x136: {  	[tilespmem:$0x100] =	vst v16  }
0x137: {  	v54 =	vld.idx.msk [tilespmem:v2+s9+$0x0], $0xffff;
	_ =	sdelay $0x4  }
0x138: {  	v16 =	vmax.f32 v16, v54  }
0x139: {  	[tilespmem:$0x100] =	vst v16  }
0x13a: {  	v55 =	vld.idx.msk [tilespmem:v4+s9+$0x0], $0xffff;
	_ =	sdelay $0x4  }
0x13b: {  	v16 =	vmax.f32 v16, v55  }
0x13c: {  	v16 =	vsub.f32 $0.0e+00, v16;
	_ =	sdelay $0x1  }
0x13d: {  	vm8 =	veq.f32 v13, v16  }
0x13e: {  	vm9 =	veq.f32 v12, v16;
	v56 =	vnsel vm8, $0x100, v5  }
0x13f: {  	vm8 =	veq.f32 v11, v16;
	v57 =	vsel vm9, v6, v56  }
0x140: {  	vm15 =	veq.f32 v10, v16;
	v58 =	vsel vm8, v7, v57  }
0x141: {  	v10 =	vsel vm15, v3, v58  }
0x142: {  	[tilespmem:$0x180] =	vst v10  }
0x143: {  	v59 =	vld.idx.msk [tilespmem:v0+s10+$0x0], $0xffff;
	_ =	sdelay $0x4  }
0x144: {  	vm8 =	vlt.s32 v10, v59  }
0x145: {  	v10 =	vsel vm8, v10, v59  }
0x146: {  	[tilespmem:$0x180] =	vst v10  }
0x147: {  	v60 =	vld.idx.msk [tilespmem:v1+s10+$0x0], $0xffff;
	_ =	sdelay $0x4  }
0x148: {  	vm8 =	vlt.s32 v10, v60  }
0x149: {  	v10 =	vsel vm8, v10, v60  }
0x14a: {  	[tilespmem:$0x180] =	vst v10  }
0x14b: {  	v61 =	vld.idx.msk [tilespmem:v2+s10+$0x0], $0xffff;
	_ =	sdelay $0x4  }
0x14c: {  	vm8 =	vlt.s32 v10, v61  }
0x14d: {  	v10 =	vsel vm8, v10, v61  }
0x14e: {  	[tilespmem:$0x180] =	vst v10  }
0x14f: {  	v62 =	vld.idx.msk [tilespmem:v4+s10+$0x0], $0xffff;
	_ =	sdelay $0x3  }
0x150: {  	v8 =	vsel vm4, v8, v9  }
0x151: {  	v8 =	vsel vm5, v8, v14;
	vm8 =	vlt.s32 v10, v62  }
0x152: {  	v8 =	vsel vm6, v8, v15;
	v63 =	vsel vm8, v10, v62  }
0x153: {  	v8 =	vsel vm7, v8, v63  }
0x154: {  	[tilespmem:$0x80] =	vst v8  }
0x155: {  	[hbm4b:s3+s2] =	stream.linear.scatter [tilespmem:s11], [sflag:$0x1], $0x80, $0x38;
	[tilespmem:$0x200] =	vst v63  }
0x156: {  	_ =	swait.ge [sflag:s8], $0x80  }
0x157: {  	[sflag:s8] =	ssyncset.done $0x0  }
0x158: {  	[sflag:s8] =	ssyncadd.s32 $0xFFFFFF80  }
.LBB2_3:
.Ltmp3:
0x159: {  	(pc) =	sbr.rel @!p0 .LBB2_5-.Ltmp3, $1  }
0x15a: {  	_ =	sdelay $0x3  }
0x15b: {  	[tilespmem:s2], [sflag:$0x1] =	stream.linear.gather [hbm4b:s7+s2], $0x80, $0x38;
	[tilespmem:$0x200] =	vst v63  }
0x15c: {  	_ =	swait.ge [sflag:s8], $0x80  }
0x15d: {  	[sflag:s8] =	ssyncset.done $0x0  }
0x15e: {  	[sflag:s8] =	ssyncadd.s32 $0xFFFFFF80  }
0x15f: {  	v9 =	vld [tilespmem:$0x0]  }
0x160: {  	v10 =	vld [tilespmem:$0x10]  }
0x161: {  	v11 =	vld [tilespmem:$0x20]  }
0x162: {  	v12 =	vld [tilespmem:$0x30];
	_ =	sdelay $0x4  }
0x163: {  	v8 =	vmax.f32 v9, v10;
	v13 =	vmax.f32 v11, v12  }
0x164: {  	v8 =	vmax.f32 v8, v13  }
0x165: {  	[tilespmem:$0x100] =	vst v8  }
0x166: {  	v60 =	vld.idx.msk [tilespmem:v0+s9+$0x0], $0xffff;
	_ =	sdelay $0x4  }
0x167: {  	v8 =	vmax.f32 v8, v60  }
0x168: {  	[tilespmem:$0x100] =	vst v8  }
0x169: {  	v61 =	vld.idx.msk [tilespmem:v1+s9+$0x0], $0xffff;
	_ =	sdelay $0x4  }
0x16a: {  	v8 =	vmax.f32 v8, v61  }
0x16b: {  	[tilespmem:$0x100] =	vst v8  }
0x16c: {  	v62 =	vld.idx.msk [tilespmem:v2+s9+$0x0], $0xffff;
	_ =	sdelay $0x4  }
0x16d: {  	v8 =	vmax.f32 v8, v62  }
0x16e: {  	[tilespmem:$0x100] =	vst v8  }
0x16f: {  	v63 =	vld.idx.msk [tilespmem:v4+s9+$0x0], $0xffff;
	_ =	sdelay $0x4  }
0x170: {  	v8 =	vmax.f32 v8, v63  }
0x171: {  	vm8 =	veq.f32 v12, v8  }
0x172: {  	vm9 =	veq.f32 v11, v8;
	v16 =	vnsel vm8, $0x100, v5  }
0x173: {  	vm8 =	veq.f32 v10, v8;
	v13 =	vsel vm9, v6, v16  }
0x174: {  	vm12 =	veq.f32 v9, v8;
	v8 =	vsel vm8, v7, v13  }
0x175: {  	v8 =	vsel vm12, v3, v8  }
0x176: {  	[tilespmem:$0x180] =	vst v8  }
0x177: {  	v17 =	vld.idx.msk [tilespmem:v0+s10+$0x0], $0xffff;
	_ =	sdelay $0x4  }
0x178: {  	vm8 =	vlt.s32 v8, v17  }
0x179: {  	v8 =	vsel vm8, v8, v17  }
0x17a: {  	[tilespmem:$0x180] =	vst v8  }
0x17b: {  	v18 =	vld.idx.msk [tilespmem:v1+s10+$0x0], $0xffff;
	_ =	sdelay $0x4  }
0x17c: {  	vm8 =	vlt.s32 v8, v18  }
0x17d: {  	v8 =	vsel vm8, v8, v18  }
0x17e: {  	[tilespmem:$0x180] =	vst v8  }
0x17f: {  	v19 =	vld.idx.msk [tilespmem:v2+s10+$0x0], $0xffff;
	_ =	sdelay $0x4  }
0x180: {  	vm8 =	vlt.s32 v8, v19  }
0x181: {  	v8 =	vsel vm8, v8, v19  }
0x182: {  	[tilespmem:$0x180] =	vst v8  }
0x183: {  	v20 =	vld.idx.msk [tilespmem:v4+s10+$0x0], $0xffff;
	_ =	sdelay $0x4  }
0x184: {  	vm8 =	vlt.s32 v8, v20  }
0x185: {  	v8 =	vsel vm8, v8, v20  }
0x186: {  	vm8 =	veq.s32 v8, v3;
	vm13 =	veq.s32 v8, v6  }
0x187: {  	vm10 =	veq.s32 v8, v5;
	v9 =	vsel vm8, $0xFF800000, v9;
	vm8 =	veq.s32 v8, v7  }
0x188: {  	v11 =	vsel vm13, $0xFF800000, v11;
	v12 =	vsel vm10, $0xFF800000, v12;
	v10 =	vsel vm8, $0xFF800000, v10  }
0x189: {  	v14 =	vmax.f32 v11, v12;
	v21 =	vmax.f32 v9, v10  }
0x18a: {  	v13 =	vmax.f32 v21, v14  }
0x18b: {  	[tilespmem:$0x100] =	vst v13  }
0x18c: {  	v22 =	vld.idx.msk [tilespmem:v0+s9+$0x0], $0xffff;
	_ =	sdelay $0x4  }
0x18d: {  	v13 =	vmax.f32 v13, v22  }
0x18e: {  	[tilespmem:$0x100] =	vst v13  }
0x18f: {  	v23 =	vld.idx.msk [tilespmem:v1+s9+$0x0], $0xffff;
	_ =	sdelay $0x4  }
0x190: {  	v13 =	vmax.f32 v13, v23  }
0x191: {  	[tilespmem:$0x100] =	vst v13  }
0x192: {  	v24 =	vld.idx.msk [tilespmem:v2+s9+$0x0], $0xffff;
	_ =	sdelay $0x4  }
0x193: {  	v13 =	vmax.f32 v13, v24  }
0x194: {  	[tilespmem:$0x100] =	vst v13  }
0x195: {  	v25 =	vld.idx.msk [tilespmem:v4+s9+$0x0], $0xffff;
	_ =	sdelay $0x4  }
0x196: {  	v13 =	vmax.f32 v13, v25  }
0x197: {  	vm8 =	veq.f32 v12, v13  }
0x198: {  	vm9 =	veq.f32 v11, v13;
	v26 =	vnsel vm8, $0x100, v5  }
0x199: {  	vm8 =	veq.f32 v10, v13;
	v14 =	vsel vm9, v6, v26  }
0x19a: {  	vm14 =	veq.f32 v9, v13;
	v27 =	vsel vm8, v7, v14  }
0x19b: {  	v13 =	vsel vm14, v3, v27  }
0x19c: {  	[tilespmem:$0x180] =	vst v13  }
0x19d: {  	v28 =	vld.idx.msk [tilespmem:v0+s10+$0x0], $0xffff;
	_ =	sdelay $0x4  }
0x19e: {  	vm8 =	vlt.s32 v13, v28  }
0x19f: {  	v13 =	vsel vm8, v13, v28  }
0x1a0: {  	[tilespmem:$0x180] =	vst v13  }
0x1a1: {  	v29 =	vld.idx.msk [tilespmem:v1+s10+$0x0], $0xffff;
	_ =	sdelay $0x4  }
0x1a2: {  	vm8 =	vlt.s32 v13, v29  }
0x1a3: {  	v13 =	vsel vm8, v13, v29  }
0x1a4: {  	[tilespmem:$0x180] =	vst v13  }
0x1a5: {  	v30 =	vld.idx.msk [tilespmem:v2+s10+$0x0], $0xffff;
	_ =	sdelay $0x4  }
0x1a6: {  	vm8 =	vlt.s32 v13, v30  }
0x1a7: {  	v13 =	vsel vm8, v13, v30  }
0x1a8: {  	[tilespmem:$0x180] =	vst v13  }
0x1a9: {  	v31 =	vld.idx.msk [tilespmem:v4+s10+$0x0], $0xffff;
	_ =	sdelay $0x4  }
0x1aa: {  	vm8 =	vlt.s32 v13, v31  }
0x1ab: {  	v13 =	vsel vm8, v13, v31  }
0x1ac: {  	vm8 =	veq.s32 v13, v3;
	vm15 =	veq.s32 v13, v6  }
0x1ad: {  	vm12 =	veq.s32 v13, v5;
	v9 =	vsel vm8, $0xFF800000, v9;
	vm8 =	veq.s32 v13, v7  }
0x1ae: {  	v11 =	vsel vm15, $0xFF800000, v11;
	v12 =	vsel vm12, $0xFF800000, v12;
	v10 =	vsel vm8, $0xFF800000, v10  }
0x1af: {  	v15 =	vmax.f32 v11, v12;
	v32 =	vmax.f32 v9, v10  }
0x1b0: {  	v14 =	vmax.f32 v32, v15  }
0x1b1: {  	[tilespmem:$0x100] =	vst v14  }
0x1b2: {  	v33 =	vld.idx.msk [tilespmem:v0+s9+$0x0], $0xffff;
	_ =	sdelay $0x4  }
0x1b3: {  	v14 =	vmax.f32 v14, v33  }
0x1b4: {  	[tilespmem:$0x100] =	vst v14  }
0x1b5: {  	v34 =	vld.idx.msk [tilespmem:v1+s9+$0x0], $0xffff;
	_ =	sdelay $0x4  }
0x1b6: {  	v14 =	vmax.f32 v14, v34  }
0x1b7: {  	[tilespmem:$0x100] =	vst v14  }
0x1b8: {  	v35 =	vld.idx.msk [tilespmem:v2+s9+$0x0], $0xffff;
	_ =	sdelay $0x4  }
0x1b9: {  	v14 =	vmax.f32 v14, v35  }
0x1ba: {  	[tilespmem:$0x100] =	vst v14  }
0x1bb: {  	v36 =	vld.idx.msk [tilespmem:v4+s9+$0x0], $0xffff;
	_ =	sdelay $0x4  }
0x1bc: {  	v14 =	vmax.f32 v14, v36  }
0x1bd: {  	vm8 =	veq.f32 v12, v14  }
0x1be: {  	vm9 =	veq.f32 v11, v14;
	v37 =	vnsel vm8, $0x100, v5  }
0x1bf: {  	vm8 =	veq.f32 v10, v14;
	v15 =	vsel vm9, v6, v37  }
0x1c0: {  	vm13 =	veq.f32 v9, v14;
	v38 =	vsel vm8, v7, v15  }
0x1c1: {  	v14 =	vsel vm13, v3, v38  }
0x1c2: {  	[tilespmem:$0x180] =	vst v14  }
0x1c3: {  	v39 =	vld.idx.msk [tilespmem:v0+s10+$0x0], $0xffff;
	_ =	sdelay $0x4  }
0x1c4: {  	vm8 =	vlt.s32 v14, v39  }
0x1c5: {  	v14 =	vsel vm8, v14, v39  }
0x1c6: {  	[tilespmem:$0x180] =	vst v14  }
0x1c7: {  	v40 =	vld.idx.msk [tilespmem:v1+s10+$0x0], $0xffff;
	_ =	sdelay $0x4  }
0x1c8: {  	vm8 =	vlt.s32 v14, v40  }
0x1c9: {  	v14 =	vsel vm8, v14, v40  }
0x1ca: {  	[tilespmem:$0x180] =	vst v14  }
0x1cb: {  	v41 =	vld.idx.msk [tilespmem:v2+s10+$0x0], $0xffff;
	_ =	sdelay $0x4  }
0x1cc: {  	vm8 =	vlt.s32 v14, v41  }
0x1cd: {  	v14 =	vsel vm8, v14, v41  }
0x1ce: {  	[tilespmem:$0x180] =	vst v14  }
0x1cf: {  	v42 =	vld.idx.msk [tilespmem:v4+s10+$0x0], $0xffff;
	_ =	sdelay $0x4  }
0x1d0: {  	vm8 =	vlt.s32 v14, v42  }
0x1d1: {  	v14 =	vsel vm8, v14, v42  }
0x1d2: {  	vm8 =	veq.s32 v14, v3;
	vm14 =	veq.s32 v14, v6  }
0x1d3: {  	vm15 =	veq.s32 v14, v5;
	v9 =	vsel vm8, $0xFF800000, v9;
	vm8 =	veq.s32 v14, v7  }
0x1d4: {  	v11 =	vsel vm14, $0xFF800000, v11;
	v12 =	vsel vm15, $0xFF800000, v12;
	v10 =	vsel vm8, $0xFF800000, v10  }
0x1d5: {  	v16 =	vmax.f32 v11, v12;
	v43 =	vmax.f32 v9, v10  }
0x1d6: {  	v15 =	vmax.f32 v43, v16  }
0x1d7: {  	[tilespmem:$0x100] =	vst v15  }
0x1d8: {  	v44 =	vld.idx.msk [tilespmem:v0+s9+$0x0], $0xffff;
	_ =	sdelay $0x4  }
0x1d9: {  	v15 =	vmax.f32 v15, v44  }
0x1da: {  	[tilespmem:$0x100] =	vst v15  }
0x1db: {  	v45 =	vld.idx.msk [tilespmem:v1+s9+$0x0], $0xffff;
	_ =	sdelay $0x4  }
0x1dc: {  	v15 =	vmax.f32 v15, v45  }
0x1dd: {  	[tilespmem:$0x100] =	vst v15  }
0x1de: {  	v46 =	vld.idx.msk [tilespmem:v2+s9+$0x0], $0xffff;
	_ =	sdelay $0x4  }
0x1df: {  	v15 =	vmax.f32 v15, v46  }
0x1e0: {  	[tilespmem:$0x100] =	vst v15  }
0x1e1: {  	v47 =	vld.idx.msk [tilespmem:v4+s9+$0x0], $0xffff;
	_ =	sdelay $0x4  }
0x1e2: {  	v15 =	vmax.f32 v15, v47  }
0x1e3: {  	vm8 =	veq.f32 v12, v15  }
0x1e4: {  	vm9 =	veq.f32 v11, v15;
	v48 =	vnsel vm8, $0x100, v5  }
0x1e5: {  	vm8 =	veq.f32 v10, v15;
	v49 =	vsel vm9, v6, v48  }
0x1e6: {  	vm12 =	veq.f32 v9, v15;
	v50 =	vsel vm8, v7, v49  }
0x1e7: {  	v9 =	vsel vm12, v3, v50  }
0x1e8: {  	[tilespmem:$0x180] =	vst v9  }
0x1e9: {  	v51 =	vld.idx.msk [tilespmem:v0+s10+$0x0], $0xffff;
	_ =	sdelay $0x4  }
0x1ea: {  	vm8 =	vlt.s32 v9, v51  }
0x1eb: {  	v9 =	vsel vm8, v9, v51  }
0x1ec: {  	[tilespmem:$0x180] =	vst v9  }
0x1ed: {  	v52 =	vld.idx.msk [tilespmem:v1+s10+$0x0], $0xffff;
	_ =	sdelay $0x4  }
0x1ee: {  	vm8 =	vlt.s32 v9, v52  }
0x1ef: {  	v9 =	vsel vm8, v9, v52  }
0x1f0: {  	[tilespmem:$0x180] =	vst v9  }
0x1f1: {  	v53 =	vld.idx.msk [tilespmem:v2+s10+$0x0], $0xffff;
	_ =	sdelay $0x2  }
0x1f2: {  	v55 =	vld [tilespmem:$0x0]  }
0x1f3: {  	v56 =	vld [tilespmem:$0x10]  }
0x1f4: {  	v57 =	vld [tilespmem:$0x20];
	vm8 =	vlt.s32 v9, v53  }
0x1f5: {  	v58 =	vld [tilespmem:$0x30];
	v9 =	vsel vm8, v9, v53  }
0x1f6: {  	[tilespmem:$0x180] =	vst v9  }
0x1f7: {  	v54 =	vld.idx.msk [tilespmem:v4+s10+$0x0], $0xffff;
	_ =	sdelay $0x2  }
0x1f8: {  	v59 =	vmin.f32 v55, v56;
	v17 =	vmin.f32 v57, v58  }
0x1f9: {  	v60 =	vmin.f32 v59, v17;
	v8 =	vnsel vm0, $0x0, v8  }
0x1fa: {  	v61 =	vsub.f32 $0.0e+00, v60;
	v8 =	vsel vm1, v8, v13;
	vm8 =	vlt.s32 v9, v54  }
0x1fb: {  	v8 =	vsel vm2, v8, v14;
	v9 =	vsel vm8, v9, v54  }
0x1fc: {  	[tilespmem:$0x100] =	vst v61;
	v8 =	vsel vm3, v8, v9  }
0x1fd: {  	[tilespmem:$0x80] =	vst v8  }
0x1fe: {  	v62 =	vld.idx.msk [tilespmem:v0+s9+$0x0], $0xffff;
	_ =	sdelay $0x4  }
0x1ff: {  	v9 =	vmax.f32 v61, v62  }
0x200: {  	[tilespmem:$0x100] =	vst v9  }
0x201: {  	v63 =	vld.idx.msk [tilespmem:v1+s9+$0x0], $0xffff;
	_ =	sdelay $0x4  }
0x202: {  	v9 =	vmax.f32 v9, v63  }
0x203: {  	[tilespmem:$0x100] =	vst v9  }
0x204: {  	v13 =	vld.idx.msk [tilespmem:v2+s9+$0x0], $0xffff;
	_ =	sdelay $0x4  }
0x205: {  	v9 =	vmax.f32 v9, v13  }
0x206: {  	[tilespmem:$0x100] =	vst v9  }
0x207: {  	v14 =	vld.idx.msk [tilespmem:v4+s9+$0x0], $0xffff;
	_ =	sdelay $0x4  }
0x208: {  	v9 =	vmax.f32 v9, v14  }
0x209: {  	v9 =	vsub.f32 $0.0e+00, v9;
	_ =	sdelay $0x1  }
0x20a: {  	vm8 =	veq.f32 v58, v9  }
0x20b: {  	vm13 =	veq.f32 v57, v9;
	v17 =	vnsel vm8, $0x100, v5  }
0x20c: {  	vm8 =	veq.f32 v56, v9;
	v10 =	vsel vm13, v6, v17  }
0x20d: {  	vm14 =	veq.f32 v55, v9;
	v18 =	vsel vm8, v7, v10  }
0x20e: {  	v9 =	vsel vm14, v3, v18  }
0x20f: {  	[tilespmem:$0x180] =	vst v9  }
0x210: {  	v19 =	vld.idx.msk [tilespmem:v0+s10+$0x0], $0xffff;
	_ =	sdelay $0x4  }
0x211: {  	vm8 =	vlt.s32 v9, v19  }
0x212: {  	v9 =	vsel vm8, v9, v19  }
0x213: {  	[tilespmem:$0x180] =	vst v9  }
0x214: {  	v20 =	vld.idx.msk [tilespmem:v1+s10+$0x0], $0xffff;
	_ =	sdelay $0x4  }
0x215: {  	vm8 =	vlt.s32 v9, v20  }
0x216: {  	v9 =	vsel vm8, v9, v20  }
0x217: {  	[tilespmem:$0x180] =	vst v9  }
0x218: {  	v21 =	vld.idx.msk [tilespmem:v2+s10+$0x0], $0xffff;
	_ =	sdelay $0x4  }
0x219: {  	vm8 =	vlt.s32 v9, v21  }
0x21a: {  	v9 =	vsel vm8, v9, v21  }
0x21b: {  	[tilespmem:$0x180] =	vst v9  }
0x21c: {  	v22 =	vld.idx.msk [tilespmem:v4+s10+$0x0], $0xffff;
	_ =	sdelay $0x4  }
0x21d: {  	vm8 =	vlt.s32 v9, v22  }
0x21e: {  	v9 =	vsel vm8, v9, v22  }
0x21f: {  	vm8 =	veq.s32 v9, v3;
	vm15 =	veq.s32 v9, v6  }
0x220: {  	vm12 =	veq.s32 v9, v5;
	v23 =	vsel vm8, $0x7F800000, v55;
	vm8 =	veq.s32 v9, v7  }
0x221: {  	v25 =	vsel vm15, $0x7F800000, v57;
	v26 =	vsel vm12, $0x7F800000, v58;
	v24 =	vsel vm8, $0x7F800000, v56  }
0x222: {  	v15 =	vmin.f32 v25, v26;
	v27 =	vmin.f32 v23, v24  }
0x223: {  	v14 =	vmin.f32 v27, v15  }
0x224: {  	v14 =	vsub.f32 $0.0e+00, v14;
	_ =	sdelay $0x1  }
0x225: {  	[tilespmem:$0x100] =	vst v14  }
0x226: {  	v28 =	vld.idx.msk [tilespmem:v0+s9+$0x0], $0xffff;
	_ =	sdelay $0x4  }
0x227: {  	v14 =	vmax.f32 v14, v28  }
0x228: {  	[tilespmem:$0x100] =	vst v14  }
0x229: {  	v29 =	vld.idx.msk [tilespmem:v1+s9+$0x0], $0xffff;
	_ =	sdelay $0x4  }
0x22a: {  	v14 =	vmax.f32 v14, v29  }
0x22b: {  	[tilespmem:$0x100] =	vst v14  }
0x22c: {  	v30 =	vld.idx.msk [tilespmem:v2+s9+$0x0], $0xffff;
	_ =	sdelay $0x4  }
0x22d: {  	v14 =	vmax.f32 v14, v30  }
0x22e: {  	[tilespmem:$0x100] =	vst v14  }
0x22f: {  	v31 =	vld.idx.msk [tilespmem:v4+s9+$0x0], $0xffff;
	_ =	sdelay $0x4  }
0x230: {  	v14 =	vmax.f32 v14, v31  }
0x231: {  	v14 =	vsub.f32 $0.0e+00, v14;
	_ =	sdelay $0x1  }
0x232: {  	vm8 =	veq.f32 v26, v14  }
0x233: {  	vm9 =	veq.f32 v25, v14;
	v32 =	vnsel vm8, $0x100, v5  }
0x234: {  	vm8 =	veq.f32 v24, v14;
	v15 =	vsel vm9, v6, v32  }
0x235: {  	vm13 =	veq.f32 v23, v14;
	v33 =	vsel vm8, v7, v15  }
0x236: {  	v14 =	vsel vm13, v3, v33  }
0x237: {  	[tilespmem:$0x180] =	vst v14  }
0x238: {  	v34 =	vld.idx.msk [tilespmem:v0+s10+$0x0], $0xffff;
	_ =	sdelay $0x4  }
0x239: {  	vm8 =	vlt.s32 v14, v34  }
0x23a: {  	v14 =	vsel vm8, v14, v34  }
0x23b: {  	[tilespmem:$0x180] =	vst v14  }
0x23c: {  	v35 =	vld.idx.msk [tilespmem:v1+s10+$0x0], $0xffff;
	_ =	sdelay $0x4  }
0x23d: {  	vm8 =	vlt.s32 v14, v35  }
0x23e: {  	v14 =	vsel vm8, v14, v35  }
0x23f: {  	[tilespmem:$0x180] =	vst v14  }
0x240: {  	v36 =	vld.idx.msk [tilespmem:v2+s10+$0x0], $0xffff;
	_ =	sdelay $0x4  }
0x241: {  	vm8 =	vlt.s32 v14, v36  }
0x242: {  	v14 =	vsel vm8, v14, v36  }
0x243: {  	[tilespmem:$0x180] =	vst v14  }
0x244: {  	v37 =	vld.idx.msk [tilespmem:v4+s10+$0x0], $0xffff;
	_ =	sdelay $0x4  }
0x245: {  	vm8 =	vlt.s32 v14, v37  }
0x246: {  	v14 =	vsel vm8, v14, v37  }
0x247: {  	vm8 =	veq.s32 v14, v3;
	vm14 =	veq.s32 v14, v6  }
0x248: {  	vm15 =	veq.s32 v14, v5;
	v10 =	vsel vm8, $0x7F800000, v23;
	vm8 =	veq.s32 v14, v7  }
0x249: {  	v12 =	vsel vm14, $0x7F800000, v25;
	v13 =	vsel vm15, $0x7F800000, v26;
	v11 =	vsel vm8, $0x7F800000, v24  }
0x24a: {  	v39 =	vmin.f32 v12, v13;
	v38 =	vmin.f32 v10, v11  }
0x24b: {  	v15 =	vmin.f32 v38, v39  }
0x24c: {  	v15 =	vsub.f32 $0.0e+00, v15;
	_ =	sdelay $0x1  }
0x24d: {  	[tilespmem:$0x100] =	vst v15  }
0x24e: {  	v40 =	vld.idx.msk [tilespmem:v0+s9+$0x0], $0xffff;
	_ =	sdelay $0x4  }
0x24f: {  	v15 =	vmax.f32 v15, v40  }
0x250: {  	[tilespmem:$0x100] =	vst v15  }
0x251: {  	v41 =	vld.idx.msk [tilespmem:v1+s9+$0x0], $0xffff;
	_ =	sdelay $0x4  }
0x252: {  	v15 =	vmax.f32 v15, v41  }
0x253: {  	[tilespmem:$0x100] =	vst v15  }
0x254: {  	v42 =	vld.idx.msk [tilespmem:v2+s9+$0x0], $0xffff;
	_ =	sdelay $0x4  }
0x255: {  	v15 =	vmax.f32 v15, v42  }
0x256: {  	[tilespmem:$0x100] =	vst v15  }
0x257: {  	v43 =	vld.idx.msk [tilespmem:v4+s9+$0x0], $0xffff;
	_ =	sdelay $0x4  }
0x258: {  	v15 =	vmax.f32 v15, v43  }
0x259: {  	v15 =	vsub.f32 $0.0e+00, v15;
	_ =	sdelay $0x1  }
0x25a: {  	vm8 =	veq.f32 v13, v15  }
0x25b: {  	vm9 =	veq.f32 v12, v15;
	v44 =	vnsel vm8, $0x100, v5  }
0x25c: {  	vm8 =	veq.f32 v11, v15;
	v16 =	vsel vm9, v6, v44  }
0x25d: {  	vm12 =	veq.f32 v10, v15;
	v45 =	vsel vm8, v7, v16  }
0x25e: {  	v15 =	vsel vm12, v3, v45  }
0x25f: {  	[tilespmem:$0x180] =	vst v15  }
0x260: {  	v46 =	vld.idx.msk [tilespmem:v0+s10+$0x0], $0xffff;
	_ =	sdelay $0x4  }
0x261: {  	vm8 =	vlt.s32 v15, v46  }
0x262: {  	v15 =	vsel vm8, v15, v46  }
0x263: {  	[tilespmem:$0x180] =	vst v15  }
0x264: {  	v47 =	vld.idx.msk [tilespmem:v1+s10+$0x0], $0xffff;
	_ =	sdelay $0x4  }
0x265: {  	vm8 =	vlt.s32 v15, v47  }
0x266: {  	v15 =	vsel vm8, v15, v47  }
0x267: {  	[tilespmem:$0x180] =	vst v15  }
0x268: {  	v48 =	vld.idx.msk [tilespmem:v2+s10+$0x0], $0xffff;
	_ =	sdelay $0x4  }
0x269: {  	vm8 =	vlt.s32 v15, v48  }
0x26a: {  	v15 =	vsel vm8, v15, v48  }
0x26b: {  	[tilespmem:$0x180] =	vst v15  }
0x26c: {  	v49 =	vld.idx.msk [tilespmem:v4+s10+$0x0], $0xffff;
	_ =	sdelay $0x4  }
0x26d: {  	vm8 =	vlt.s32 v15, v49  }
0x26e: {  	v15 =	vsel vm8, v15, v49  }
0x26f: {  	vm8 =	veq.s32 v15, v3;
	vm13 =	veq.s32 v15, v6  }
0x270: {  	vm14 =	veq.s32 v15, v5;
	v10 =	vsel vm8, $0x7F800000, v10;
	vm8 =	veq.s32 v15, v7  }
0x271: {  	v12 =	vsel vm13, $0x7F800000, v12;
	v13 =	vsel vm14, $0x7F800000, v13;
	v11 =	vsel vm8, $0x7F800000, v11  }
0x272: {  	v51 =	vmin.f32 v12, v13;
	v50 =	vmin.f32 v10, v11  }
0x273: {  	v16 =	vmin.f32 v50, v51  }
0x274: {  	v16 =	vsub.f32 $0.0e+00, v16;
	_ =	sdelay $0x1  }
0x275: {  	[tilespmem:$0x100] =	vst v16  }
0x276: {  	v52 =	vld.idx.msk [tilespmem:v0+s9+$0x0], $0xffff;
	_ =	sdelay $0x4  }
0x277: {  	v16 =	vmax.f32 v16, v52  }
0x278: {  	[tilespmem:$0x100] =	vst v16  }
0x279: {  	v53 =	vld.idx.msk [tilespmem:v1+s9+$0x0], $0xffff;
	_ =	sdelay $0x4  }
0x27a: {  	v16 =	vmax.f32 v16, v53  }
0x27b: {  	[tilespmem:$0x100] =	vst v16  }
0x27c: {  	v54 =	vld.idx.msk [tilespmem:v2+s9+$0x0], $0xffff;
	_ =	sdelay $0x4  }
0x27d: {  	v16 =	vmax.f32 v16, v54  }
0x27e: {  	[tilespmem:$0x100] =	vst v16  }
0x27f: {  	v55 =	vld.idx.msk [tilespmem:v4+s9+$0x0], $0xffff;
	_ =	sdelay $0x4  }
0x280: {  	v16 =	vmax.f32 v16, v55  }
0x281: {  	v16 =	vsub.f32 $0.0e+00, v16;
	_ =	sdelay $0x1  }
0x282: {  	vm8 =	veq.f32 v13, v16  }
0x283: {  	vm9 =	veq.f32 v12, v16;
	v56 =	vnsel vm8, $0x100, v5  }
0x284: {  	vm8 =	veq.f32 v11, v16;
	v57 =	vsel vm9, v6, v56  }
0x285: {  	vm15 =	veq.f32 v10, v16;
	v58 =	vsel vm8, v7, v57  }
0x286: {  	v10 =	vsel vm15, v3, v58  }
0x287: {  	[tilespmem:$0x180] =	vst v10  }
0x288: {  	v59 =	vld.idx.msk [tilespmem:v0+s10+$0x0], $0xffff;
	_ =	sdelay $0x4  }
0x289: {  	vm8 =	vlt.s32 v10, v59  }
0x28a: {  	v10 =	vsel vm8, v10, v59  }
0x28b: {  	[tilespmem:$0x180] =	vst v10  }
0x28c: {  	v60 =	vld.idx.msk [tilespmem:v1+s10+$0x0], $0xffff;
	_ =	sdelay $0x4  }
0x28d: {  	vm8 =	vlt.s32 v10, v60  }
0x28e: {  	v10 =	vsel vm8, v10, v60  }
0x28f: {  	[tilespmem:$0x180] =	vst v10  }
0x290: {  	v61 =	vld.idx.msk [tilespmem:v2+s10+$0x0], $0xffff;
	_ =	sdelay $0x4  }
0x291: {  	vm8 =	vlt.s32 v10, v61  }
0x292: {  	v10 =	vsel vm8, v10, v61  }
0x293: {  	[tilespmem:$0x180] =	vst v10  }
0x294: {  	v62 =	vld.idx.msk [tilespmem:v4+s10+$0x0], $0xffff;
	_ =	sdelay $0x3  }
0x295: {  	v8 =	vsel vm4, v8, v9  }
0x296: {  	v8 =	vsel vm5, v8, v14;
	vm8 =	vlt.s32 v10, v62  }
0x297: {  	v8 =	vsel vm6, v8, v15;
	v63 =	vsel vm8, v10, v62  }
0x298: {  	v8 =	vsel vm7, v8, v63  }
.Ltmp4:
0x299: {  	[tilespmem:$0x80] =	vst v8;
	(pc) =	sbr.rel .LBB2_5-.Ltmp4, $4  }
0x29a: {  	[hbm4b:s6+s2] =	stream.linear.scatter [tilespmem:s11], [sflag:$0x1], $0x80, $0x38;
	[tilespmem:$0x200] =	vst v63  }
0x29b: {  	_ =	swait.ge [sflag:s8], $0x80  }
0x29c: {  	[sflag:s8] =	ssyncset.done $0x0  }
0x29d: {  	[sflag:s8] =	ssyncadd.s32 $0xFFFFFF80  }
.LBB2_6:
0x29e: {  	_ =	sfence.sel $0x180000  }
0x29f: {  	[bflag:$0x0] =	sbarrier.arrive $0xFFFF  }
0x2a0: {  	p0 =	sne.s32 s4, $0x0;
	_ =	strace $0x90000047  }
0x2a1: {  	s0 =	sadd.s32 @!p0 $0x100000, s1;
	[bflag:$0x2] =	sbarrier.arrive $0xFFFF  }
0x2a2: {  	[sflag:s0] =	ssyncadd.tile.s32 @!p0 $0x1;
	_ =	shalt  }
.Lfunc_end2:
_tile_overlayer_lowered:
.L_overlay_start_2:
0x2a3: {  	(tag) =	ssettag $0x2  }
0x2a4: {  	s0 =	rddreg [dreg:$0x0];
	s2 =	stileid.u32  }
0x2a5: {  	s1 =	rddreg [dreg:$0x1];
	p0 =	sne.s32 s2, $0x0  }
0x2a6: {  	s3 =	rddreg [dreg:$0x2];
	[bflag:$0x3] =	sbarrier.arrive $0xFFFF;
	s2 =	simm.s32 @!p0 $0x1C01  }
0x2a7: {  	[timem:s3], [sflag:s2] =	dma.local @!p0 [hbm:s0], s1  }
0x2a8: {  	s0 =	simm.s32 @!p0 $0x1  }
0x2a9: {  	_ =	swait.ge @!p0 [sflag:s0], s1  }
0x2aa: {  	s1 =	ssub.s32 @!p0 $0x0, s1;
	[sflag:s0] =	ssyncset.done @!p0 $0x0  }
0x2ab: {  	[sflag:s0] =	ssyncadd.s32 @!p0 s1  }
0x2ac: {  	[bflag:$0x3] =	sbarrier.arrive $0xFFFF  }
0x2ad: {  	_ =	shalt  }

</sc_bundles>
